<compile_context>
chip_gen: v7x
topology: tpu7x:2x2x1
jax: 0.10.2.dev20260603
libtpu: 0.0.44.dev20260713+nightly
codegen_flags: <defaults>
</compile_context>

<pallas_src>
import functools

import jax
import jax.numpy as jnp
from jax import lax
from jax.experimental import pallas as pl
from jax.experimental.pallas import tpu as pltpu
from jax.experimental.pallas import tpu_sc as plsc

B = 8
N = 20000
C = 8
MAXD = 100
PAD = 128
L = 16
NEG = float("-inf")
UNROLL = 5
OUTER = N // L // UNROLL
BIG = 2 ** 30
SCORE_T = 0.01
IOU_T = 0.5


def _spf(x):
    return jnp.full((L,), x, jnp.float32)


def _spi(x):
    return jnp.full((L,), x, jnp.int32)


def _max_splat(x):
    return plsc.cummax(lax.rev(plsc.cummax(x), (0,)))


def _imin_splat(x):
    return -_max_splat(-x)


NCH = N // L
NCHP = 1280
NG = NCHP // L


def _sc_body(xT, sT, ftab,
             ocomb, osc, olab,
             sx1, sy1, sx2, sy2, sar, ssc, skidx, sksc,
             chmax, chmax2, kx1, ky1, kx2, ky2, ka,
             m_sc, m_idx, g_idx, g_val, g_sc, g_lab,
             rows, sh_sc, sh_idx, sem):
    core = lax.axis_index("c")
    sub = lax.axis_index("s")
    b = core * 4 + sub // 4
    pair = sub % 4
    c0 = pair * 2
    iota = lax.iota(jnp.int32, L)

    pltpu.sync_copy(xT.at[b, 0], sx1)
    pltpu.sync_copy(xT.at[b, 1], sy1)
    pltpu.sync_copy(xT.at[b, 2], sx2)
    pltpu.sync_copy(xT.at[b, 3], sy2)

    def area_body(j, _):
        for u in range(UNROLL):
            o = (j * UNROLL + u) * L
            w = jnp.maximum(sx2[pl.ds(o, L)] - sx1[pl.ds(o, L)], 0.0)
            h = jnp.maximum(sy2[pl.ds(o, L)] - sy1[pl.ds(o, L)], 0.0)
            sar[pl.ds(o, L)] = w * h
        return 0

    lax.fori_loop(0, OUTER, area_body, 0)

    m0 = _spf(NEG)
    b0 = _spi(0)

    lane0 = iota == 0

    for k in range(2):
        c = c0 + k
        pltpu.sync_copy(sT.at[b, c], ssc)
        chmax[pl.ds(NCH - 2, L)] = m0
        chmax[pl.ds(NCHP - L, L)] = m0
        for q in range(PAD // L):
            kx1[pl.ds(q * L, L)] = _spf(4e9)
            ky1[pl.ds(q * L, L)] = _spf(4e9)
            kx2[pl.ds(q * L, L)] = _spf(-4e9)
            ky2[pl.ds(q * L, L)] = _spf(-4e9)
            ka[pl.ds(q * L, L)] = _spf(0.0)

        def thr_body(j, _):
            for u in range(UNROLL):
                cid = j * UNROLL + u
                o = cid * L
                s = ssc[pl.ds(o, L)]
                s = jnp.where(s > SCORE_T, s, NEG)
                ssc[pl.ds(o, L)] = s
                plsc.store_scatter(chmax, [_spi(cid)], _max_splat(s),
                                   mask=lane0)
            return 0

        lax.fori_loop(0, OUTER, thr_body, 0)

        def grp_body(g, _):
            v = chmax[pl.ds(g * L, L)]
            plsc.store_scatter(chmax2, [_spi(g)], _max_splat(v), mask=lane0)
            return 0

        lax.fori_loop(0, NG, grp_body, 0)

        mm0 = m0
        for g5 in range(NG // L):
            mm0 = jnp.maximum(mm0, chmax2[pl.ds(g5 * L, L)])
        M0 = jnp.max(mm0)

        def cond(st):
            kc, M = st
            return (kc < MAXD) & (M > NEG)

        def body(st):
            kc, M = st
            Mv = _spf(M)
            vs = []
            m = m0
            bi = b0
            for g5 in range(NG // L):
                v = chmax2[pl.ds(g5 * L, L)]
                vs.append(v)
                upd = v > m
                m = jnp.where(upd, v, m)
                bi = jnp.where(upd, g5 * L + iota, bi)
            giv = _imin_splat(jnp.where(m == Mv, bi, BIG))
            cg = plsc.load_gather(chmax, [giv * L + iota])
            civ = _imin_splat(jnp.where(cg == Mv, giv * L + iota, BIG))
            sv = plsc.load_gather(ssc, [civ * L + iota])
            jv = _imin_splat(jnp.where(sv == Mv, civ * L + iota, BIG))
            xj1 = plsc.load_gather(sx1, [jv])
            yj1 = plsc.load_gather(sy1, [jv])
            xj2 = plsc.load_gather(sx2, [jv])
            yj2 = plsc.load_gather(sy2, [jv])
            aj = plsc.load_gather(sar, [jv])

            accf = jnp.zeros((L,), jnp.float32)
            for q in range(7):
                o = q * L
                x1k = kx1[pl.ds(o, L)]
                y1k = ky1[pl.ds(o, L)]
                x2k = kx2[pl.ds(o, L)]
                y2k = ky2[pl.ds(o, L)]
                ak = ka[pl.ds(o, L)]
                xx1 = jnp.maximum(x1k, xj1)
                yy1 = jnp.maximum(y1k, yj1)
                xx2 = jnp.minimum(x2k, xj2)
                yy2 = jnp.minimum(y2k, yj2)
                inter = jnp.maximum(xx2 - xx1, 0.0) * jnp.maximum(yy2 - yy1, 0.0)
                iou = inter / (ak + aj - inter + 1e-8)
                accf = jnp.maximum(accf, iou)
            sup = jnp.max(accf) > IOU_T

            keepm = lane0 & jnp.logical_not(sup)
            kv = _spi(kc)
            plsc.store_scatter(skidx, [_spi(k), kv], jv, mask=keepm)
            plsc.store_scatter(sksc, [_spi(k), kv], Mv, mask=keepm)
            plsc.store_scatter(kx1, [kv], xj1, mask=keepm)
            plsc.store_scatter(ky1, [kv], yj1, mask=keepm)
            plsc.store_scatter(kx2, [kv], xj2, mask=keepm)
            plsc.store_scatter(ky2, [kv], yj2, mask=keepm)
            plsc.store_scatter(ka, [kv], aj, mask=keepm)

            plsc.store_scatter(ssc, [jv], _spf(NEG), mask=lane0)
            sv2 = jnp.where(civ * L + iota == jv, NEG, sv)
            newcm = _max_splat(sv2)
            plsc.store_scatter(chmax, [civ], newcm, mask=lane0)
            cg2 = jnp.where(giv * L + iota == civ, newcm, cg)
            newgm = _max_splat(cg2)
            plsc.store_scatter(chmax2, [giv], newgm, mask=lane0)
            mm = m0
            for g5 in range(NG // L):
                vg = jnp.where(g5 * L + iota == giv, newgm, vs[g5])
                mm = jnp.maximum(mm, vg)
            M2 = jnp.max(mm)
            kc2 = kc + jnp.where(sup, 0, 1)
            return (kc2, M2)

        kcF, _ = lax.while_loop(cond, body, (jnp.int32(0), M0))

        def fill(t, _):
            plsc.store_scatter(skidx, [_spi(k), _spi(t)], _spi(-1), mask=lane0)
            plsc.store_scatter(sksc, [_spi(k), _spi(t)], _spf(NEG), mask=lane0)
            return 0

        lax.fori_loop(kcF, MAXD, fill, 0)

    pltpu.sync_copy(sksc, sh_sc.at[b, pl.ds(c0, 2)])
    pltpu.sync_copy(skidx, sh_idx.at[b, pl.ds(c0, 2)])
    plsc.subcore_barrier()

    @pl.when(pair == 0)
    def _merge():
        pltpu.sync_copy(sh_sc.at[b], m_sc)
        pltpu.sync_copy(sh_idx.at[b], m_idx)
        zero = _spi(0)
        for j in range(PAD // L):
            g_idx[pl.ds(j * L, L)] = zero
            g_val[pl.ds(j * L, L)] = zero
        lane_lt = iota < C
        lane_c = jnp.minimum(iota, C - 1)

        def step(t, heads):
            hp = jnp.minimum(heads, PAD - 1)
            hs = plsc.load_gather(m_sc, [lane_c, hp])
            hs = jnp.where(lane_lt & (heads < MAXD), hs, NEG)
            M = jnp.max(hs)
            eq = hs == M
            lane = plsc.all_reduce_ffs(eq)
            lane_v = zero + lane
            is_sel = iota == lane_v
            selt = jnp.min(jnp.where(is_sel, heads, BIG))
            si = plsc.load_gather(m_idx, [lane_v, _spi(selt)])
            sidx = jnp.max(si)
            lane_s = jnp.min(jnp.where(is_sel, iota, BIG))
            ok = M > NEG
            lane0 = iota == 0
            tt = _spi(t)
            plsc.store_scatter(g_sc, [tt], _spf(jnp.where(ok, M, -1.0)), mask=lane0)
            plsc.store_scatter(g_lab, [tt], _spi(jnp.where(ok, lane_s, -1)), mask=lane0)
            plsc.store_scatter(g_idx, [tt],
                               _spi(b * N + jnp.where(ok, sidx, 0)), mask=lane0)
            plsc.store_scatter(g_val, [tt], _spi(jnp.where(ok, 1, 0)), mask=lane0)
            return heads + jnp.where(is_sel & ok, 1, 0)

        lax.fori_loop(0, MAXD, step, _spi(0))

        pltpu.async_copy(ftab.at[g_idx], rows, sem).wait()

        def fix(j, _):
            fo = j * L + iota
            r0 = fo >> 4
            c1 = fo & 15
            v = plsc.load_gather(g_val, [r0]) > 0
            x = plsc.load_gather(rows, [r0, c1])
            plsc.store_scatter(rows, [r0, c1], jnp.where(v, x, -1.0))
            return 0

        lax.fori_loop(0, PAD, fix, 0)

        pltpu.sync_copy(rows, ocomb.at[b])
        pltpu.sync_copy(g_sc, osc.at[b])
        pltpu.sync_copy(g_lab, olab.at[b])


_run = functools.partial(
    pl.kernel,
    out_type=(
        jax.ShapeDtypeStruct((B, PAD, 16), jnp.float32),
        jax.ShapeDtypeStruct((B, PAD), jnp.float32),
        jax.ShapeDtypeStruct((B, PAD), jnp.int32),
    ),
    mesh=plsc.VectorSubcoreMesh(core_axis_name="c", subcore_axis_name="s",
                                num_cores=2, num_subcores=16),
    compiler_params=pltpu.CompilerParams(
        needs_layout_passes=False, use_tc_tiling_on_sc=False,
        disable_bounds_checks=True, disable_semaphore_checks=True,
        skip_device_barrier=True),
    scratch_types=[
        pltpu.VMEM((N,), jnp.float32),
        pltpu.VMEM((N,), jnp.float32),
        pltpu.VMEM((N,), jnp.float32),
        pltpu.VMEM((N,), jnp.float32),
        pltpu.VMEM((N,), jnp.float32),
        pltpu.VMEM((N,), jnp.float32),
        pltpu.VMEM((2, PAD), jnp.int32),
        pltpu.VMEM((2, PAD), jnp.float32),
        pltpu.VMEM((NCHP,), jnp.float32),
        pltpu.VMEM((NG,), jnp.float32),
        pltpu.VMEM((PAD,), jnp.float32),
        pltpu.VMEM((PAD,), jnp.float32),
        pltpu.VMEM((PAD,), jnp.float32),
        pltpu.VMEM((PAD,), jnp.float32),
        pltpu.VMEM((PAD,), jnp.float32),
        pltpu.VMEM((C, PAD), jnp.float32),
        pltpu.VMEM((C, PAD), jnp.int32),
        pltpu.VMEM((PAD,), jnp.int32),
        pltpu.VMEM((PAD,), jnp.int32),
        pltpu.VMEM((PAD,), jnp.float32),
        pltpu.VMEM((PAD,), jnp.int32),
        pltpu.VMEM((PAD, 16), jnp.float32),
        pltpu.VMEM_SHARED((B, C, PAD), jnp.float32),
        pltpu.VMEM_SHARED((B, C, PAD), jnp.int32),
        pltpu.SemaphoreType.DMA,
    ],
)(_sc_body)


def kernel(boxes, classification, rotation, translation):
    xT = jnp.transpose(boxes, (0, 2, 1))
    sT = jnp.transpose(classification, (0, 2, 1))
    zero1 = jnp.zeros((B, N, 1), jnp.float32)
    ftab = jnp.concatenate(
        [boxes, rotation, zero1, translation, zero1, zero1, zero1, zero1,
         zero1], axis=-1).reshape(B * N, 16)
    comb, sc, lab = _run(xT, sT, ftab)
    return (comb[:, :MAXD, 0:4], sc[:, :MAXD], lab[:, :MAXD],
            comb[:, :MAXD, 4:7], comb[:, :MAXD, 8:11])

# --- scband reference (transcript-rebuilt; emitter-appended) ---
"""Pipeline reference for scband-filter-detections-42709154791983 (READ-ONLY COPY).

The authoritative reference and input builder live on the scoring server;
editing this copy changes nothing except your own understanding.
"""

import jax, jax.numpy as jnp
import numpy as np

B = 8
N = 20000
NUM_CLASSES = 8
NUM_ROT = 3
NUM_TRANS = 3
NMS_THR = 0.5
SCORE_THR = 0.01
MAX_DET = 100


def setup_inputs(seed: int = 0) -> dict:
    key = jax.random.key(seed)
    k1, k2, k3, k4, k5 = jax.random.split(key, 5)
    # valid (x1, y1, x2, y2) boxes in a 512x512 image
    xy = jax.random.uniform(k1, (B, N, 2), dtype=jnp.float32) * 512.0
    wh = jax.random.uniform(k2, (B, N, 2), dtype=jnp.float32) * 96.0 + 4.0
    boxes = jnp.concatenate([xy, xy + wh], axis=-1)
    classification = jax.random.uniform(k3, (B, N, NUM_CLASSES), dtype=jnp.float32)
    rotation = jax.random.normal(k4, (B, N, NUM_ROT), dtype=jnp.float32)
    translation = jax.random.normal(k5, (B, N, NUM_TRANS), dtype=jnp.float32)
    return {"boxes": boxes, "classification": classification,
            "rotation": rotation, "translation": translation}


def _nms_np(boxes, scores, iou_threshold, max_output):
    # greedy NMS (same semantics as torchvision.ops.nms with max_output cap)
    x1, y1, x2, y2 = boxes[:, 0], boxes[:, 1], boxes[:, 2], boxes[:, 3]
    areas = np.clip(x2 - x1, 0, None) * np.clip(y2 - y1, 0, None)
    order = np.argsort(-scores, kind="stable")
    suppressed = np.zeros(scores.shape[0], dtype=bool)
    keep = []
    for i in order:
        if suppressed[i]:
            continue
        keep.append(i)
        if len(keep) >= max_output:
            break
        xx1 = np.maximum(x1[i], x1)
        yy1 = np.maximum(y1[i], y1)
        xx2 = np.minimum(x2[i], x2)
        yy2 = np.minimum(y2[i], y2)
        inter = np.clip(xx2 - xx1, 0, None) * np.clip(yy2 - yy1, 0, None)
        iou = inter / (areas[i] + areas - inter + 1e-8)
        suppressed |= iou > iou_threshold
    return np.asarray(keep, dtype=np.int64)


def _select_indices(boxes_np, cls_np):
    # class-specific filter: per-class threshold + NMS, then global top-k
    all_idx, all_lab = [], []
    for c in range(cls_np.shape[1]):
        scores = cls_np[:, c]
        cand = np.nonzero(scores > SCORE_THR)[0]
        if cand.size == 0:
            continue
        keep = _nms_np(boxes_np[cand], scores[cand], NMS_THR, MAX_DET)
        idx = cand[keep]
        all_idx.append(idx)
        all_lab.append(np.full(idx.shape, c, dtype=np.int64))
    if all_idx:
        idx = np.concatenate(all_idx)
        lab = np.concatenate(all_lab)
    else:
        idx = np.zeros((0,), dtype=np.int64)
        lab = np.zeros((0,), dtype=np.int64)
    scores = cls_np[idx, lab]
    k = min(MAX_DET, scores.shape[0])
    top = np.argsort(-scores, kind="stable")[:k]
    return idx[top], lab[top]


def _nms_jax(boxes, scores):
    valid = scores > SCORE_THR
    order = jnp.argsort(-jnp.where(valid, scores, -jnp.inf), stable=True)
    bs = boxes[order]
    x1, y1, x2, y2 = bs[:, 0], bs[:, 1], bs[:, 2], bs[:, 3]
    areas = jnp.clip(x2 - x1, 0, None) * jnp.clip(y2 - y1, 0, None)
    suppressed0 = ~valid[order]
    keep0 = jnp.full((MAX_DET,), -1, dtype=jnp.int32)

    def body(t, carry):
        suppressed, keep = carry
        avail = ~suppressed
        any_av = jnp.any(avail)
        i = jnp.argmax(avail)
        keep = keep.at[t].set(jnp.where(any_av, i.astype(jnp.int32), -1))
        xx1 = jnp.maximum(x1[i], x1)
        yy1 = jnp.maximum(y1[i], y1)
        xx2 = jnp.minimum(x2[i], x2)
        yy2 = jnp.minimum(y2[i], y2)
        inter = jnp.clip(xx2 - xx1, 0, None) * jnp.clip(yy2 - yy1, 0, None)
        iou = inter / (areas[i] + areas - inter + 1e-8)
        suppressed = jnp.where(any_av, suppressed | (iou > NMS_THR), suppressed)
        return suppressed, keep

    _, keep = jax.lax.fori_loop(0, MAX_DET, body, (suppressed0, keep0))
    return jnp.where(keep >= 0, order[jnp.clip(keep, 0, None)].astype(jnp.int32), -1)


def reference(boxes, classification, rotation, translation):
    out_b, out_s, out_l, out_r, out_t = [], [], [], [], []
    for bi in range(boxes.shape[0]):
        boxes_b = boxes[bi]
        cls_b = classification[bi]
        idx_parts, lab_parts = [], []
        for c in range(NUM_CLASSES):
            keep_idx = _nms_jax(boxes_b, cls_b[:, c])
            idx_parts.append(keep_idx)
            lab_parts.append(jnp.full((MAX_DET,), c, dtype=jnp.int32))
        idx_all = jnp.concatenate(idx_parts)
        lab_all = jnp.concatenate(lab_parts)
        valid_all = idx_all >= 0
        g = jnp.clip(idx_all, 0, None)
        score_all = jnp.where(valid_all, cls_b[g, lab_all], -jnp.inf)
        top = jnp.argsort(-score_all, stable=True)[:MAX_DET]
        sel_valid = valid_all[top]
        sel_idx = jnp.clip(idx_all[top], 0, None)
        sel_lab = lab_all[top]
        b = jnp.where(sel_valid[:, None], boxes_b[sel_idx], -1.0)
        s = jnp.where(sel_valid, cls_b[sel_idx, sel_lab], -1.0)
        l = jnp.where(sel_valid, sel_lab, -1).astype(jnp.int32)
        r = jnp.where(sel_valid[:, None], rotation[bi][sel_idx], -1.0)
        t = jnp.where(sel_valid[:, None], translation[bi][sel_idx], -1.0)
        out_b.append(b); out_s.append(s); out_l.append(l); out_r.append(r); out_t.append(t)
    return (jnp.stack(out_b), jnp.stack(out_s), jnp.stack(out_l),
            jnp.stack(out_r), jnp.stack(out_t))

if __name__ == "__main__":
    import jax
    _d = setup_inputs()
    print(jax.jit(kernel)(*tuple(_d.values())))

</pallas_src>

<mosaic_0001>
#map = affine_map<(d0, d1) -> (0, 0, 0)>
#map1 = affine_map<(d0, d1) -> (0, 0)>
module attributes {stable_mosaic.version = 14 : i64} {
  func.func @_sc_body(%arg0: i32, %arg1: i32, %arg2: memref<8x4x20000xf32, #tpu.memory_space<hbm>>, %arg3: memref<8x8x20000xf32, #tpu.memory_space<hbm>>, %arg4: memref<160000x16xf32, #tpu.memory_space<hbm>>, %arg5: memref<8x128x16xf32, #tpu.memory_space<hbm>>, %arg6: memref<8x128xf32, #tpu.memory_space<hbm>>, %arg7: memref<8x128xi32, #tpu.memory_space<hbm>>, %arg8: memref<20000xf32, #tpu.memory_space<vmem>>, %arg9: memref<20000xf32, #tpu.memory_space<vmem>>, %arg10: memref<20000xf32, #tpu.memory_space<vmem>>, %arg11: memref<20000xf32, #tpu.memory_space<vmem>>, %arg12: memref<20000xf32, #tpu.memory_space<vmem>>, %arg13: memref<20000xf32, #tpu.memory_space<vmem>>, %arg14: memref<2x128xi32, #tpu.memory_space<vmem>>, %arg15: memref<2x128xf32, #tpu.memory_space<vmem>>, %arg16: memref<1280xf32, #tpu.memory_space<vmem>>, %arg17: memref<80xf32, #tpu.memory_space<vmem>>, %arg18: memref<128xf32, #tpu.memory_space<vmem>>, %arg19: memref<128xf32, #tpu.memory_space<vmem>>, %arg20: memref<128xf32, #tpu.memory_space<vmem>>, %arg21: memref<128xf32, #tpu.memory_space<vmem>>, %arg22: memref<128xf32, #tpu.memory_space<vmem>>, %arg23: memref<8x128xf32, #tpu.memory_space<vmem>>, %arg24: memref<8x128xi32, #tpu.memory_space<vmem>>, %arg25: memref<128xi32, #tpu.memory_space<vmem>>, %arg26: memref<128xi32, #tpu.memory_space<vmem>>, %arg27: memref<128xf32, #tpu.memory_space<vmem>>, %arg28: memref<128xi32, #tpu.memory_space<vmem>>, %arg29: memref<128x16xf32, #tpu.memory_space<vmem>>, %arg30: memref<8x8x128xf32, #tpu.memory_space<vmem_shared>>, %arg31: memref<8x8x128xi32, #tpu.memory_space<vmem_shared>>, %arg32: memref<!tpu.dma_semaphore, #tpu.memory_space<semaphore_mem>>) attributes {dimension_semantics = [#tpu.dimension_semantics<core_parallel>, #tpu.dimension_semantics<subcore_parallel>], iteration_bounds = array<i64: 2, 16>, scalar_prefetch = 0 : i64, scratch_operands = 25 : i64, tpu.core_type = #tpu.core_type<sc_vector_subcore>, window_params = [{transform_indices = #map}, {transform_indices = #map}, {transform_indices = #map1}, {transform_indices = #map}, {transform_indices = #map1}, {transform_indices = #map1}]} {
    %mul3A = arith.constant 4 : i32
    %mul3A_0 = arith.muli %arg0, %mul3A : i32
    %jit3A = arith.constant 4 : i32
    %div3A = arith.divsi %arg1, %jit3A : i32
    %sign3A = arith.constant 0 : i32
    %sign3A_1 = arith.cmpi sgt, %arg1, %sign3A : i32
    %sign3A_2 = arith.extui %sign3A_1 : i1 to i32
    %sign3A_3 = arith.constant 0 : i32
    %sign3A_4 = arith.cmpi slt, %arg1, %sign3A_3 : i32
    %sign3A_5 = arith.extui %sign3A_4 : i1 to i32
    %sign3A_6 = arith.subi %sign3A_2, %sign3A_5 : i32
    %sign3A_7 = arith.constant 0 : i32
    %sign3A_8 = arith.cmpi sgt, %jit3A, %sign3A_7 : i32
    %sign3A_9 = arith.extui %sign3A_8 : i1 to i32
    %sign3A_10 = arith.constant 0 : i32
    %sign3A_11 = arith.cmpi slt, %jit3A, %sign3A_10 : i32
    %sign3A_12 = arith.extui %sign3A_11 : i1 to i32
    %sign3A_13 = arith.subi %sign3A_9, %sign3A_12 : i32
    %ne3A = arith.cmpi ne, %sign3A_6, %sign3A_13 : i32
    %rem3A = arith.remsi %arg1, %jit3A : i32
    %ne3A_14 = arith.constant 0 : i32
    %ne3A_15 = arith.cmpi ne, %rem3A, %ne3A_14 : i32
    %and3A = arith.andi %ne3A, %ne3A_15 : i1
    %sub3A = arith.constant 1 : i32
    %sub3A_16 = arith.subi %div3A, %sub3A : i32
    %select_n3A = arith.select %and3A, %sub3A_16, %div3A : i32
    %add3A = arith.addi %mul3A_0, %select_n3A : i32
    %jit3A_17 = arith.constant 4 : i32
    %eq3A = arith.constant 0 : i32
    %eq3A_18 = arith.cmpi eq, %jit3A_17, %eq3A : i32
    %jit3A_19 = arith.constant 1 : i32
    %select_n3A_20 = arith.select %eq3A_18, %jit3A_19, %jit3A_17 : i32
    %rem3A_21 = arith.remsi %arg1, %select_n3A_20 : i32
    %ne3A_22 = arith.constant 0 : i32
    %ne3A_23 = arith.cmpi ne, %rem3A_21, %ne3A_22 : i32
    %lt3A = arith.constant 0 : i32
    %lt3A_24 = arith.cmpi slt, %rem3A_21, %lt3A : i32
    %lt3A_25 = arith.constant 0 : i32
    %lt3A_26 = arith.cmpi slt, %select_n3A_20, %lt3A_25 : i32
    %ne3A_27 = arith.xori %lt3A_24, %lt3A_26 : i1
    %and3A_28 = arith.andi %ne3A_27, %ne3A_23 : i1
    %add3A_29 = arith.addi %rem3A_21, %select_n3A_20 : i32
    %select_n3A_30 = arith.select %and3A_28, %add3A_29, %rem3A_21 : i32
    %mul3A_31 = arith.constant 2 : i32
    %mul3A_32 = arith.muli %select_n3A_30, %mul3A_31 : i32
    %iota3A = tpu.iota {dimensions = array<i32: 0>} : vector<16xi32>
    %run_scoped3A = arith.constant 0 : i32
    "tpu.region"() ({
      %run_scoped3A_472 = tpu.sem_alloc : memref<!tpu.dma_semaphore, #tpu.memory_space<semaphore_mem>>
      %dma_start3A = arith.constant 0 : i32
      %dma_start3A_473 = tpu.memref_slice %arg2[%add3A, %run_scoped3A, %dma_start3A] : memref<8x4x20000xf32, #tpu.memory_space<hbm>> -> memref<1x1x20000xf32, #tpu.memory_space<hbm>>
      %dma_start3A_474 = tpu.memref_squeeze %dma_start3A_473 : memref<1x1x20000xf32, #tpu.memory_space<hbm>> -> memref<20000xf32, #tpu.memory_space<hbm>>
      %dma_start3A_475 = arith.constant 0 : i32
      %dma_start3A_476 = tpu.memref_slice %arg2[%add3A, %run_scoped3A, %dma_start3A_475] : memref<8x4x20000xf32, #tpu.memory_space<hbm>> -> memref<1x1x20000xf32, #tpu.memory_space<hbm>>
      %dma_start3A_477 = tpu.memref_squeeze %dma_start3A_476 : memref<1x1x20000xf32, #tpu.memory_space<hbm>> -> memref<20000xf32, #tpu.memory_space<hbm>>
      tpu.enqueue_dma source(%dma_start3A_477 : memref<20000xf32, #tpu.memory_space<hbm>>) target(%arg8 : memref<20000xf32, #tpu.memory_space<vmem>>) target_semaphore(%run_scoped3A_472 : memref<!tpu.dma_semaphore, #tpu.memory_space<semaphore_mem>>)
      %dma_wait3A = arith.constant 0 : i32
      %dma_wait3A_478 = tpu.memref_slice %arg2[%add3A, %run_scoped3A, %dma_wait3A] : memref<8x4x20000xf32, #tpu.memory_space<hbm>> -> memref<1x1x20000xf32, #tpu.memory_space<hbm>>
      %dma_wait3A_479 = tpu.memref_squeeze %dma_wait3A_478 : memref<1x1x20000xf32, #tpu.memory_space<hbm>> -> memref<20000xf32, #tpu.memory_space<hbm>>
      %dma_wait3A_480 = arith.constant 0 : i32
      %dma_wait3A_481 = tpu.memref_slice %arg2[%add3A, %run_scoped3A, %dma_wait3A_480] : memref<8x4x20000xf32, #tpu.memory_space<hbm>> -> memref<1x1x20000xf32, #tpu.memory_space<hbm>>
      %dma_wait3A_482 = tpu.memref_squeeze %dma_wait3A_481 : memref<1x1x20000xf32, #tpu.memory_space<hbm>> -> memref<20000xf32, #tpu.memory_space<hbm>>
      tpu.wait_dma2 semaphore(%run_scoped3A_472 : memref<!tpu.dma_semaphore, #tpu.memory_space<semaphore_mem>>) src(%dma_wait3A_482 : memref<20000xf32, #tpu.memory_space<hbm>>) dst(%arg8 : memref<20000xf32, #tpu.memory_space<vmem>>)
      tpu.yield
    }) : () -> ()
    %run_scoped3A_33 = arith.constant 1 : i32
    "tpu.region"() ({
      %run_scoped3A_472 = tpu.sem_alloc : memref<!tpu.dma_semaphore, #tpu.memory_space<semaphore_mem>>
      %dma_start3A = arith.constant 0 : i32
      %dma_start3A_473 = tpu.memref_slice %arg2[%add3A, %run_scoped3A_33, %dma_start3A] : memref<8x4x20000xf32, #tpu.memory_space<hbm>> -> memref<1x1x20000xf32, #tpu.memory_space<hbm>>
      %dma_start3A_474 = tpu.memref_squeeze %dma_start3A_473 : memref<1x1x20000xf32, #tpu.memory_space<hbm>> -> memref<20000xf32, #tpu.memory_space<hbm>>
      %dma_start3A_475 = arith.constant 0 : i32
      %dma_start3A_476 = tpu.memref_slice %arg2[%add3A, %run_scoped3A_33, %dma_start3A_475] : memref<8x4x20000xf32, #tpu.memory_space<hbm>> -> memref<1x1x20000xf32, #tpu.memory_space<hbm>>
      %dma_start3A_477 = tpu.memref_squeeze %dma_start3A_476 : memref<1x1x20000xf32, #tpu.memory_space<hbm>> -> memref<20000xf32, #tpu.memory_space<hbm>>
      tpu.enqueue_dma source(%dma_start3A_477 : memref<20000xf32, #tpu.memory_space<hbm>>) target(%arg9 : memref<20000xf32, #tpu.memory_space<vmem>>) target_semaphore(%run_scoped3A_472 : memref<!tpu.dma_semaphore, #tpu.memory_space<semaphore_mem>>)
      %dma_wait3A = arith.constant 0 : i32
      %dma_wait3A_478 = tpu.memref_slice %arg2[%add3A, %run_scoped3A_33, %dma_wait3A] : memref<8x4x20000xf32, #tpu.memory_space<hbm>> -> memref<1x1x20000xf32, #tpu.memory_space<hbm>>
      %dma_wait3A_479 = tpu.memref_squeeze %dma_wait3A_478 : memref<1x1x20000xf32, #tpu.memory_space<hbm>> -> memref<20000xf32, #tpu.memory_space<hbm>>
      %dma_wait3A_480 = arith.constant 0 : i32
      %dma_wait3A_481 = tpu.memref_slice %arg2[%add3A, %run_scoped3A_33, %dma_wait3A_480] : memref<8x4x20000xf32, #tpu.memory_space<hbm>> -> memref<1x1x20000xf32, #tpu.memory_space<hbm>>
      %dma_wait3A_482 = tpu.memref_squeeze %dma_wait3A_481 : memref<1x1x20000xf32, #tpu.memory_space<hbm>> -> memref<20000xf32, #tpu.memory_space<hbm>>
      tpu.wait_dma2 semaphore(%run_scoped3A_472 : memref<!tpu.dma_semaphore, #tpu.memory_space<semaphore_mem>>) src(%dma_wait3A_482 : memref<20000xf32, #tpu.memory_space<hbm>>) dst(%arg9 : memref<20000xf32, #tpu.memory_space<vmem>>)
      tpu.yield
    }) : () -> ()
    %run_scoped3A_34 = arith.constant 2 : i32
    "tpu.region"() ({
      %run_scoped3A_472 = tpu.sem_alloc : memref<!tpu.dma_semaphore, #tpu.memory_space<semaphore_mem>>
      %dma_start3A = arith.constant 0 : i32
      %dma_start3A_473 = tpu.memref_slice %arg2[%add3A, %run_scoped3A_34, %dma_start3A] : memref<8x4x20000xf32, #tpu.memory_space<hbm>> -> memref<1x1x20000xf32, #tpu.memory_space<hbm>>
      %dma_start3A_474 = tpu.memref_squeeze %dma_start3A_473 : memref<1x1x20000xf32, #tpu.memory_space<hbm>> -> memref<20000xf32, #tpu.memory_space<hbm>>
      %dma_start3A_475 = arith.constant 0 : i32
      %dma_start3A_476 = tpu.memref_slice %arg2[%add3A, %run_scoped3A_34, %dma_start3A_475] : memref<8x4x20000xf32, #tpu.memory_space<hbm>> -> memref<1x1x20000xf32, #tpu.memory_space<hbm>>
      %dma_start3A_477 = tpu.memref_squeeze %dma_start3A_476 : memref<1x1x20000xf32, #tpu.memory_space<hbm>> -> memref<20000xf32, #tpu.memory_space<hbm>>
      tpu.enqueue_dma source(%dma_start3A_477 : memref<20000xf32, #tpu.memory_space<hbm>>) target(%arg10 : memref<20000xf32, #tpu.memory_space<vmem>>) target_semaphore(%run_scoped3A_472 : memref<!tpu.dma_semaphore, #tpu.memory_space<semaphore_mem>>)
      %dma_wait3A = arith.constant 0 : i32
      %dma_wait3A_478 = tpu.memref_slice %arg2[%add3A, %run_scoped3A_34, %dma_wait3A] : memref<8x4x20000xf32, #tpu.memory_space<hbm>> -> memref<1x1x20000xf32, #tpu.memory_space<hbm>>
      %dma_wait3A_479 = tpu.memref_squeeze %dma_wait3A_478 : memref<1x1x20000xf32, #tpu.memory_space<hbm>> -> memref<20000xf32, #tpu.memory_space<hbm>>
      %dma_wait3A_480 = arith.constant 0 : i32
      %dma_wait3A_481 = tpu.memref_slice %arg2[%add3A, %run_scoped3A_34, %dma_wait3A_480] : memref<8x4x20000xf32, #tpu.memory_space<hbm>> -> memref<1x1x20000xf32, #tpu.memory_space<hbm>>
      %dma_wait3A_482 = tpu.memref_squeeze %dma_wait3A_481 : memref<1x1x20000xf32, #tpu.memory_space<hbm>> -> memref<20000xf32, #tpu.memory_space<hbm>>
      tpu.wait_dma2 semaphore(%run_scoped3A_472 : memref<!tpu.dma_semaphore, #tpu.memory_space<semaphore_mem>>) src(%dma_wait3A_482 : memref<20000xf32, #tpu.memory_space<hbm>>) dst(%arg10 : memref<20000xf32, #tpu.memory_space<vmem>>)
      tpu.yield
    }) : () -> ()
    %run_scoped3A_35 = arith.constant 3 : i32
    "tpu.region"() ({
      %run_scoped3A_472 = tpu.sem_alloc : memref<!tpu.dma_semaphore, #tpu.memory_space<semaphore_mem>>
      %dma_start3A = arith.constant 0 : i32
      %dma_start3A_473 = tpu.memref_slice %arg2[%add3A, %run_scoped3A_35, %dma_start3A] : memref<8x4x20000xf32, #tpu.memory_space<hbm>> -> memref<1x1x20000xf32, #tpu.memory_space<hbm>>
      %dma_start3A_474 = tpu.memref_squeeze %dma_start3A_473 : memref<1x1x20000xf32, #tpu.memory_space<hbm>> -> memref<20000xf32, #tpu.memory_space<hbm>>
      %dma_start3A_475 = arith.constant 0 : i32
      %dma_start3A_476 = tpu.memref_slice %arg2[%add3A, %run_scoped3A_35, %dma_start3A_475] : memref<8x4x20000xf32, #tpu.memory_space<hbm>> -> memref<1x1x20000xf32, #tpu.memory_space<hbm>>
      %dma_start3A_477 = tpu.memref_squeeze %dma_start3A_476 : memref<1x1x20000xf32, #tpu.memory_space<hbm>> -> memref<20000xf32, #tpu.memory_space<hbm>>
      tpu.enqueue_dma source(%dma_start3A_477 : memref<20000xf32, #tpu.memory_space<hbm>>) target(%arg11 : memref<20000xf32, #tpu.memory_space<vmem>>) target_semaphore(%run_scoped3A_472 : memref<!tpu.dma_semaphore, #tpu.memory_space<semaphore_mem>>)
      %dma_wait3A = arith.constant 0 : i32
      %dma_wait3A_478 = tpu.memref_slice %arg2[%add3A, %run_scoped3A_35, %dma_wait3A] : memref<8x4x20000xf32, #tpu.memory_space<hbm>> -> memref<1x1x20000xf32, #tpu.memory_space<hbm>>
      %dma_wait3A_479 = tpu.memref_squeeze %dma_wait3A_478 : memref<1x1x20000xf32, #tpu.memory_space<hbm>> -> memref<20000xf32, #tpu.memory_space<hbm>>
      %dma_wait3A_480 = arith.constant 0 : i32
      %dma_wait3A_481 = tpu.memref_slice %arg2[%add3A, %run_scoped3A_35, %dma_wait3A_480] : memref<8x4x20000xf32, #tpu.memory_space<hbm>> -> memref<1x1x20000xf32, #tpu.memory_space<hbm>>
      %dma_wait3A_482 = tpu.memref_squeeze %dma_wait3A_481 : memref<1x1x20000xf32, #tpu.memory_space<hbm>> -> memref<20000xf32, #tpu.memory_space<hbm>>
      tpu.wait_dma2 semaphore(%run_scoped3A_472 : memref<!tpu.dma_semaphore, #tpu.memory_space<semaphore_mem>>) src(%dma_wait3A_482 : memref<20000xf32, #tpu.memory_space<hbm>>) dst(%arg11 : memref<20000xf32, #tpu.memory_space<vmem>>)
      tpu.yield
    }) : () -> ()
    %scan3A = arith.constant 0 : i32
    %scan3A_36 = arith.constant 0 : i32
    %scan3A_37 = arith.constant 250 : i32
    %scan3A_38 = arith.addi %scan3A_36, %scan3A_37 : i32
    %scan3A_39 = arith.constant 1 : i32
    %scan3A_40 = scf.for %scan3A_472 = %scan3A_36 to %scan3A_38 step %scan3A_39 iter_args(%scan3A_473 = %scan3A) -> (i32)  : i32 {
      %mul3A_474 = arith.constant 5 : i32
      %mul3A_475 = arith.muli %scan3A_472, %mul3A_474 : i32
      %add3A_476 = arith.constant 0 : i32
      %add3A_477 = arith.addi %mul3A_475, %add3A_476 : i32
      %mul3A_478 = arith.constant 16 : i32
      %mul3A_479 = arith.muli %add3A_477, %mul3A_478 : i32
      %get3A_480 = arith.index_cast %mul3A_479 : i32 to index
      %get3A_481 = tpu.vector_load %arg10[%get3A_480] {strides = array<i32>} : memref<20000xf32, #tpu.memory_space<vmem>>, vector<16xf32>,
      %get3A_482 = arith.index_cast %mul3A_479 : i32 to index
      %get3A_483 = tpu.vector_load %arg8[%get3A_482] {strides = array<i32>} : memref<20000xf32, #tpu.memory_space<vmem>>, vector<16xf32>,
      %sub3A_484 = arith.subf %get3A_481, %get3A_483 : vector<16xf32>
      %max3A_485 = arith.constant 0.000000e+00 : f32
      %max3A_486 = vector.broadcast %max3A_485 : f32 to vector<16xf32>
      %max3A_487 = arith.maximumf %sub3A_484, %max3A_486 : vector<16xf32>
      %get3A_488 = arith.index_cast %mul3A_479 : i32 to index
      %get3A_489 = tpu.vector_load %arg11[%get3A_488] {strides = array<i32>} : memref<20000xf32, #tpu.memory_space<vmem>>, vector<16xf32>,
      %get3A_490 = arith.index_cast %mul3A_479 : i32 to index
      %get3A_491 = tpu.vector_load %arg9[%get3A_490] {strides = array<i32>} : memref<20000xf32, #tpu.memory_space<vmem>>, vector<16xf32>,
      %sub3A_492 = arith.subf %get3A_489, %get3A_491 : vector<16xf32>
      %max3A_493 = arith.constant 0.000000e+00 : f32
      %max3A_494 = vector.broadcast %max3A_493 : f32 to vector<16xf32>
      %max3A_495 = arith.maximumf %sub3A_492, %max3A_494 : vector<16xf32>
      %mul3A_496 = arith.mulf %max3A_487, %max3A_495 : vector<16xf32>
      %swap3A_497 = arith.index_cast %mul3A_479 : i32 to index
      %swap3A_498 = tpu.vector_load %arg12[%swap3A_497] {strides = array<i32>} : memref<20000xf32, #tpu.memory_space<vmem>>, vector<16xf32>,
      tpu.vector_store %arg12[%swap3A_497], %mul3A_496 {strides = array<i32>} : memref<20000xf32, #tpu.memory_space<vmem>>, vector<16xf32>,
      %mul3A_499 = arith.constant 5 : i32
      %mul3A_500 = arith.muli %scan3A_472, %mul3A_499 : i32
      %add3A_501 = arith.constant 1 : i32
      %add3A_502 = arith.addi %mul3A_500, %add3A_501 : i32
      %mul3A_503 = arith.constant 16 : i32
      %mul3A_504 = arith.muli %add3A_502, %mul3A_503 : i32
      %get3A_505 = arith.index_cast %mul3A_504 : i32 to index
      %get3A_506 = tpu.vector_load %arg10[%get3A_505] {strides = array<i32>} : memref<20000xf32, #tpu.memory_space<vmem>>, vector<16xf32>,
      %get3A_507 = arith.index_cast %mul3A_504 : i32 to index
      %get3A_508 = tpu.vector_load %arg8[%get3A_507] {strides = array<i32>} : memref<20000xf32, #tpu.memory_space<vmem>>, vector<16xf32>,
      %sub3A_509 = arith.subf %get3A_506, %get3A_508 : vector<16xf32>
      %max3A_510 = arith.constant 0.000000e+00 : f32
      %max3A_511 = vector.broadcast %max3A_510 : f32 to vector<16xf32>
      %max3A_512 = arith.maximumf %sub3A_509, %max3A_511 : vector<16xf32>
      %get3A_513 = arith.index_cast %mul3A_504 : i32 to index
      %get3A_514 = tpu.vector_load %arg11[%get3A_513] {strides = array<i32>} : memref<20000xf32, #tpu.memory_space<vmem>>, vector<16xf32>,
      %get3A_515 = arith.index_cast %mul3A_504 : i32 to index
      %get3A_516 = tpu.vector_load %arg9[%get3A_515] {strides = array<i32>} : memref<20000xf32, #tpu.memory_space<vmem>>, vector<16xf32>,
      %sub3A_517 = arith.subf %get3A_514, %get3A_516 : vector<16xf32>
      %max3A_518 = arith.constant 0.000000e+00 : f32
      %max3A_519 = vector.broadcast %max3A_518 : f32 to vector<16xf32>
      %max3A_520 = arith.maximumf %sub3A_517, %max3A_519 : vector<16xf32>
      %mul3A_521 = arith.mulf %max3A_512, %max3A_520 : vector<16xf32>
      %swap3A_522 = arith.index_cast %mul3A_504 : i32 to index
      %swap3A_523 = tpu.vector_load %arg12[%swap3A_522] {strides = array<i32>} : memref<20000xf32, #tpu.memory_space<vmem>>, vector<16xf32>,
      tpu.vector_store %arg12[%swap3A_522], %mul3A_521 {strides = array<i32>} : memref<20000xf32, #tpu.memory_space<vmem>>, vector<16xf32>,
      %mul3A_524 = arith.constant 5 : i32
      %mul3A_525 = arith.muli %scan3A_472, %mul3A_524 : i32
      %add3A_526 = arith.constant 2 : i32
      %add3A_527 = arith.addi %mul3A_525, %add3A_526 : i32
      %mul3A_528 = arith.constant 16 : i32
      %mul3A_529 = arith.muli %add3A_527, %mul3A_528 : i32
      %get3A_530 = arith.index_cast %mul3A_529 : i32 to index
      %get3A_531 = tpu.vector_load %arg10[%get3A_530] {strides = array<i32>} : memref<20000xf32, #tpu.memory_space<vmem>>, vector<16xf32>,
      %get3A_532 = arith.index_cast %mul3A_529 : i32 to index
      %get3A_533 = tpu.vector_load %arg8[%get3A_532] {strides = array<i32>} : memref<20000xf32, #tpu.memory_space<vmem>>, vector<16xf32>,
      %sub3A_534 = arith.subf %get3A_531, %get3A_533 : vector<16xf32>
      %max3A_535 = arith.constant 0.000000e+00 : f32
      %max3A_536 = vector.broadcast %max3A_535 : f32 to vector<16xf32>
      %max3A_537 = arith.maximumf %sub3A_534, %max3A_536 : vector<16xf32>
      %get3A_538 = arith.index_cast %mul3A_529 : i32 to index
      %get3A_539 = tpu.vector_load %arg11[%get3A_538] {strides = array<i32>} : memref<20000xf32, #tpu.memory_space<vmem>>, vector<16xf32>,
      %get3A_540 = arith.index_cast %mul3A_529 : i32 to index
      %get3A_541 = tpu.vector_load %arg9[%get3A_540] {strides = array<i32>} : memref<20000xf32, #tpu.memory_space<vmem>>, vector<16xf32>,
      %sub3A_542 = arith.subf %get3A_539, %get3A_541 : vector<16xf32>
      %max3A_543 = arith.constant 0.000000e+00 : f32
      %max3A_544 = vector.broadcast %max3A_543 : f32 to vector<16xf32>
      %max3A_545 = arith.maximumf %sub3A_542, %max3A_544 : vector<16xf32>
      %mul3A_546 = arith.mulf %max3A_537, %max3A_545 : vector<16xf32>
      %swap3A_547 = arith.index_cast %mul3A_529 : i32 to index
      %swap3A_548 = tpu.vector_load %arg12[%swap3A_547] {strides = array<i32>} : memref<20000xf32, #tpu.memory_space<vmem>>, vector<16xf32>,
      tpu.vector_store %arg12[%swap3A_547], %mul3A_546 {strides = array<i32>} : memref<20000xf32, #tpu.memory_space<vmem>>, vector<16xf32>,
      %mul3A_549 = arith.constant 5 : i32
      %mul3A_550 = arith.muli %scan3A_472, %mul3A_549 : i32
      %add3A_551 = arith.constant 3 : i32
      %add3A_552 = arith.addi %mul3A_550, %add3A_551 : i32
      %mul3A_553 = arith.constant 16 : i32
      %mul3A_554 = arith.muli %add3A_552, %mul3A_553 : i32
      %get3A_555 = arith.index_cast %mul3A_554 : i32 to index
      %get3A_556 = tpu.vector_load %arg10[%get3A_555] {strides = array<i32>} : memref<20000xf32, #tpu.memory_space<vmem>>, vector<16xf32>,
      %get3A_557 = arith.index_cast %mul3A_554 : i32 to index
      %get3A_558 = tpu.vector_load %arg8[%get3A_557] {strides = array<i32>} : memref<20000xf32, #tpu.memory_space<vmem>>, vector<16xf32>,
      %sub3A_559 = arith.subf %get3A_556, %get3A_558 : vector<16xf32>
      %max3A_560 = arith.constant 0.000000e+00 : f32
      %max3A_561 = vector.broadcast %max3A_560 : f32 to vector<16xf32>
      %max3A_562 = arith.maximumf %sub3A_559, %max3A_561 : vector<16xf32>
      %get3A_563 = arith.index_cast %mul3A_554 : i32 to index
      %get3A_564 = tpu.vector_load %arg11[%get3A_563] {strides = array<i32>} : memref<20000xf32, #tpu.memory_space<vmem>>, vector<16xf32>,
      %get3A_565 = arith.index_cast %mul3A_554 : i32 to index
      %get3A_566 = tpu.vector_load %arg9[%get3A_565] {strides = array<i32>} : memref<20000xf32, #tpu.memory_space<vmem>>, vector<16xf32>,
      %sub3A_567 = arith.subf %get3A_564, %get3A_566 : vector<16xf32>
      %max3A_568 = arith.constant 0.000000e+00 : f32
      %max3A_569 = vector.broadcast %max3A_568 : f32 to vector<16xf32>
      %max3A_570 = arith.maximumf %sub3A_567, %max3A_569 : vector<16xf32>
      %mul3A_571 = arith.mulf %max3A_562, %max3A_570 : vector<16xf32>
      %swap3A_572 = arith.index_cast %mul3A_554 : i32 to index
      %swap3A_573 = tpu.vector_load %arg12[%swap3A_572] {strides = array<i32>} : memref<20000xf32, #tpu.memory_space<vmem>>, vector<16xf32>,
      tpu.vector_store %arg12[%swap3A_572], %mul3A_571 {strides = array<i32>} : memref<20000xf32, #tpu.memory_space<vmem>>, vector<16xf32>,
      %mul3A_574 = arith.constant 5 : i32
      %mul3A_575 = arith.muli %scan3A_472, %mul3A_574 : i32
      %add3A_576 = arith.constant 4 : i32
      %add3A_577 = arith.addi %mul3A_575, %add3A_576 : i32
      %mul3A_578 = arith.constant 16 : i32
      %mul3A_579 = arith.muli %add3A_577, %mul3A_578 : i32
      %get3A_580 = arith.index_cast %mul3A_579 : i32 to index
      %get3A_581 = tpu.vector_load %arg10[%get3A_580] {strides = array<i32>} : memref<20000xf32, #tpu.memory_space<vmem>>, vector<16xf32>,
      %get3A_582 = arith.index_cast %mul3A_579 : i32 to index
      %get3A_583 = tpu.vector_load %arg8[%get3A_582] {strides = array<i32>} : memref<20000xf32, #tpu.memory_space<vmem>>, vector<16xf32>,
      %sub3A_584 = arith.subf %get3A_581, %get3A_583 : vector<16xf32>
      %max3A_585 = arith.constant 0.000000e+00 : f32
      %max3A_586 = vector.broadcast %max3A_585 : f32 to vector<16xf32>
      %max3A_587 = arith.maximumf %sub3A_584, %max3A_586 : vector<16xf32>
      %get3A_588 = arith.index_cast %mul3A_579 : i32 to index
      %get3A_589 = tpu.vector_load %arg11[%get3A_588] {strides = array<i32>} : memref<20000xf32, #tpu.memory_space<vmem>>, vector<16xf32>,
      %get3A_590 = arith.index_cast %mul3A_579 : i32 to index
      %get3A_591 = tpu.vector_load %arg9[%get3A_590] {strides = array<i32>} : memref<20000xf32, #tpu.memory_space<vmem>>, vector<16xf32>,
      %sub3A_592 = arith.subf %get3A_589, %get3A_591 : vector<16xf32>
      %max3A_593 = arith.constant 0.000000e+00 : f32
      %max3A_594 = vector.broadcast %max3A_593 : f32 to vector<16xf32>
      %max3A_595 = arith.maximumf %sub3A_592, %max3A_594 : vector<16xf32>
      %mul3A_596 = arith.mulf %max3A_587, %max3A_595 : vector<16xf32>
      %swap3A_597 = arith.index_cast %mul3A_579 : i32 to index
      %swap3A_598 = tpu.vector_load %arg12[%swap3A_597] {strides = array<i32>} : memref<20000xf32, #tpu.memory_space<vmem>>, vector<16xf32>,
      tpu.vector_store %arg12[%swap3A_597], %mul3A_596 {strides = array<i32>} : memref<20000xf32, #tpu.memory_space<vmem>>, vector<16xf32>,
      %scan3A_599 = arith.constant 0 : i32
      scf.yield %scan3A_599 : i32
    }
    %scan3A_41 = arith.constant 250 : i32
    %broadcast_in_dim3A = arith.constant 0xFF800000 : f32
    %broadcast_in_dim3A_42 = vector.broadcast %broadcast_in_dim3A : f32 to vector<16xf32>
    %broadcast_in_dim3A_43 = arith.constant 0 : i32
    %broadcast_in_dim3A_44 = vector.broadcast %broadcast_in_dim3A_43 : i32 to vector<16xi32>
    %eq3A_45 = arith.constant 0 : i32
    %eq3A_46 = vector.broadcast %eq3A_45 : i32 to vector<16xi32>
    %eq3A_47 = arith.cmpi eq, %iota3A, %eq3A_46 : vector<16xi32>
    %add3A_48 = arith.constant 0 : i32
    %add3A_49 = arith.addi %mul3A_32, %add3A_48 : i32
    "tpu.region"() ({
      %run_scoped3A_472 = tpu.sem_alloc : memref<!tpu.dma_semaphore, #tpu.memory_space<semaphore_mem>>
      %dma_start3A = arith.constant 0 : i32
      %dma_start3A_473 = tpu.memref_slice %arg3[%add3A, %add3A_49, %dma_start3A] : memref<8x8x20000xf32, #tpu.memory_space<hbm>> -> memref<1x1x20000xf32, #tpu.memory_space<hbm>>
      %dma_start3A_474 = tpu.memref_squeeze %dma_start3A_473 : memref<1x1x20000xf32, #tpu.memory_space<hbm>> -> memref<20000xf32, #tpu.memory_space<hbm>>
      %dma_start3A_475 = arith.constant 0 : i32
      %dma_start3A_476 = tpu.memref_slice %arg3[%add3A, %add3A_49, %dma_start3A_475] : memref<8x8x20000xf32, #tpu.memory_space<hbm>> -> memref<1x1x20000xf32, #tpu.memory_space<hbm>>
      %dma_start3A_477 = tpu.memref_squeeze %dma_start3A_476 : memref<1x1x20000xf32, #tpu.memory_space<hbm>> -> memref<20000xf32, #tpu.memory_space<hbm>>
      tpu.enqueue_dma source(%dma_start3A_477 : memref<20000xf32, #tpu.memory_space<hbm>>) target(%arg13 : memref<20000xf32, #tpu.memory_space<vmem>>) target_semaphore(%run_scoped3A_472 : memref<!tpu.dma_semaphore, #tpu.memory_space<semaphore_mem>>)
      %dma_wait3A = arith.constant 0 : i32
      %dma_wait3A_478 = tpu.memref_slice %arg3[%add3A, %add3A_49, %dma_wait3A] : memref<8x8x20000xf32, #tpu.memory_space<hbm>> -> memref<1x1x20000xf32, #tpu.memory_space<hbm>>
      %dma_wait3A_479 = tpu.memref_squeeze %dma_wait3A_478 : memref<1x1x20000xf32, #tpu.memory_space<hbm>> -> memref<20000xf32, #tpu.memory_space<hbm>>
      %dma_wait3A_480 = arith.constant 0 : i32
      %dma_wait3A_481 = tpu.memref_slice %arg3[%add3A, %add3A_49, %dma_wait3A_480] : memref<8x8x20000xf32, #tpu.memory_space<hbm>> -> memref<1x1x20000xf32, #tpu.memory_space<hbm>>
      %dma_wait3A_482 = tpu.memref_squeeze %dma_wait3A_481 : memref<1x1x20000xf32, #tpu.memory_space<hbm>> -> memref<20000xf32, #tpu.memory_space<hbm>>
      tpu.wait_dma2 semaphore(%run_scoped3A_472 : memref<!tpu.dma_semaphore, #tpu.memory_space<semaphore_mem>>) src(%dma_wait3A_482 : memref<20000xf32, #tpu.memory_space<hbm>>) dst(%arg13 : memref<20000xf32, #tpu.memory_space<vmem>>)
      tpu.yield
    }) : () -> ()
    %swap3A = arith.constant 1248 : index
    %swap3A_50 = tpu.vector_load %arg16[%swap3A] {strides = array<i32>} : memref<1280xf32, #tpu.memory_space<vmem>>, vector<16xf32>,
    tpu.vector_store %arg16[%swap3A], %broadcast_in_dim3A_42 {strides = array<i32>} : memref<1280xf32, #tpu.memory_space<vmem>>, vector<16xf32>,
    %swap3A_51 = arith.constant 1264 : index
    %swap3A_52 = tpu.vector_load %arg16[%swap3A_51] {strides = array<i32>} : memref<1280xf32, #tpu.memory_space<vmem>>, vector<16xf32>,
    tpu.vector_store %arg16[%swap3A_51], %broadcast_in_dim3A_42 {strides = array<i32>} : memref<1280xf32, #tpu.memory_space<vmem>>, vector<16xf32>,
    %broadcast_in_dim3A_53 = arith.constant 4.000000e+09 : f32
    %broadcast_in_dim3A_54 = vector.broadcast %broadcast_in_dim3A_53 : f32 to vector<16xf32>
    %swap3A_55 = arith.constant 0 : index
    %swap3A_56 = tpu.vector_load %arg18[%swap3A_55] {strides = array<i32>} : memref<128xf32, #tpu.memory_space<vmem>>, vector<16xf32>,
    tpu.vector_store %arg18[%swap3A_55], %broadcast_in_dim3A_54 {strides = array<i32>} : memref<128xf32, #tpu.memory_space<vmem>>, vector<16xf32>,
    %broadcast_in_dim3A_57 = arith.constant 4.000000e+09 : f32
    %broadcast_in_dim3A_58 = vector.broadcast %broadcast_in_dim3A_57 : f32 to vector<16xf32>
    %swap3A_59 = arith.constant 0 : index
    %swap3A_60 = tpu.vector_load %arg19[%swap3A_59] {strides = array<i32>} : memref<128xf32, #tpu.memory_space<vmem>>, vector<16xf32>,
    tpu.vector_store %arg19[%swap3A_59], %broadcast_in_dim3A_58 {strides = array<i32>} : memref<128xf32, #tpu.memory_space<vmem>>, vector<16xf32>,
    %broadcast_in_dim3A_61 = arith.constant -4.000000e+09 : f32
    %broadcast_in_dim3A_62 = vector.broadcast %broadcast_in_dim3A_61 : f32 to vector<16xf32>
    %swap3A_63 = arith.constant 0 : index
    %swap3A_64 = tpu.vector_load %arg20[%swap3A_63] {strides = array<i32>} : memref<128xf32, #tpu.memory_space<vmem>>, vector<16xf32>,
    tpu.vector_store %arg20[%swap3A_63], %broadcast_in_dim3A_62 {strides = array<i32>} : memref<128xf32, #tpu.memory_space<vmem>>, vector<16xf32>,
    %broadcast_in_dim3A_65 = arith.constant -4.000000e+09 : f32
    %broadcast_in_dim3A_66 = vector.broadcast %broadcast_in_dim3A_65 : f32 to vector<16xf32>
    %swap3A_67 = arith.constant 0 : index
    %swap3A_68 = tpu.vector_load %arg21[%swap3A_67] {strides = array<i32>} : memref<128xf32, #tpu.memory_space<vmem>>, vector<16xf32>,
    tpu.vector_store %arg21[%swap3A_67], %broadcast_in_dim3A_66 {strides = array<i32>} : memref<128xf32, #tpu.memory_space<vmem>>, vector<16xf32>,
    %broadcast_in_dim3A_69 = arith.constant 0.000000e+00 : f32
    %broadcast_in_dim3A_70 = vector.broadcast %broadcast_in_dim3A_69 : f32 to vector<16xf32>
    %swap3A_71 = arith.constant 0 : index
    %swap3A_72 = tpu.vector_load %arg22[%swap3A_71] {strides = array<i32>} : memref<128xf32, #tpu.memory_space<vmem>>, vector<16xf32>,
    tpu.vector_store %arg22[%swap3A_71], %broadcast_in_dim3A_70 {strides = array<i32>} : memref<128xf32, #tpu.memory_space<vmem>>, vector<16xf32>,
    %broadcast_in_dim3A_73 = arith.constant 4.000000e+09 : f32
    %broadcast_in_dim3A_74 = vector.broadcast %broadcast_in_dim3A_73 : f32 to vector<16xf32>
    %swap3A_75 = arith.constant 16 : index
    %swap3A_76 = tpu.vector_load %arg18[%swap3A_75] {strides = array<i32>} : memref<128xf32, #tpu.memory_space<vmem>>, vector<16xf32>,
    tpu.vector_store %arg18[%swap3A_75], %broadcast_in_dim3A_74 {strides = array<i32>} : memref<128xf32, #tpu.memory_space<vmem>>, vector<16xf32>,
    %broadcast_in_dim3A_77 = arith.constant 4.000000e+09 : f32
    %broadcast_in_dim3A_78 = vector.broadcast %broadcast_in_dim3A_77 : f32 to vector<16xf32>
    %swap3A_79 = arith.constant 16 : index
    %swap3A_80 = tpu.vector_load %arg19[%swap3A_79] {strides = array<i32>} : memref<128xf32, #tpu.memory_space<vmem>>, vector<16xf32>,
    tpu.vector_store %arg19[%swap3A_79], %broadcast_in_dim3A_78 {strides = array<i32>} : memref<128xf32, #tpu.memory_space<vmem>>, vector<16xf32>,
    %broadcast_in_dim3A_81 = arith.constant -4.000000e+09 : f32
    %broadcast_in_dim3A_82 = vector.broadcast %broadcast_in_dim3A_81 : f32 to vector<16xf32>
    %swap3A_83 = arith.constant 16 : index
    %swap3A_84 = tpu.vector_load %arg20[%swap3A_83] {strides = array<i32>} : memref<128xf32, #tpu.memory_space<vmem>>, vector<16xf32>,
    tpu.vector_store %arg20[%swap3A_83], %broadcast_in_dim3A_82 {strides = array<i32>} : memref<128xf32, #tpu.memory_space<vmem>>, vector<16xf32>,
    %broadcast_in_dim3A_85 = arith.constant -4.000000e+09 : f32
    %broadcast_in_dim3A_86 = vector.broadcast %broadcast_in_dim3A_85 : f32 to vector<16xf32>
    %swap3A_87 = arith.constant 16 : index
    %swap3A_88 = tpu.vector_load %arg21[%swap3A_87] {strides = array<i32>} : memref<128xf32, #tpu.memory_space<vmem>>, vector<16xf32>,
    tpu.vector_store %arg21[%swap3A_87], %broadcast_in_dim3A_86 {strides = array<i32>} : memref<128xf32, #tpu.memory_space<vmem>>, vector<16xf32>,
    %broadcast_in_dim3A_89 = arith.constant 0.000000e+00 : f32
    %broadcast_in_dim3A_90 = vector.broadcast %broadcast_in_dim3A_89 : f32 to vector<16xf32>
    %swap3A_91 = arith.constant 16 : index
    %swap3A_92 = tpu.vector_load %arg22[%swap3A_91] {strides = array<i32>} : memref<128xf32, #tpu.memory_space<vmem>>, vector<16xf32>,
    tpu.vector_store %arg22[%swap3A_91], %broadcast_in_dim3A_90 {strides = array<i32>} : memref<128xf32, #tpu.memory_space<vmem>>, vector<16xf32>,
    %broadcast_in_dim3A_93 = arith.constant 4.000000e+09 : f32
    %broadcast_in_dim3A_94 = vector.broadcast %broadcast_in_dim3A_93 : f32 to vector<16xf32>
    %swap3A_95 = arith.constant 32 : index
    %swap3A_96 = tpu.vector_load %arg18[%swap3A_95] {strides = array<i32>} : memref<128xf32, #tpu.memory_space<vmem>>, vector<16xf32>,
    tpu.vector_store %arg18[%swap3A_95], %broadcast_in_dim3A_94 {strides = array<i32>} : memref<128xf32, #tpu.memory_space<vmem>>, vector<16xf32>,
    %broadcast_in_dim3A_97 = arith.constant 4.000000e+09 : f32
    %broadcast_in_dim3A_98 = vector.broadcast %broadcast_in_dim3A_97 : f32 to vector<16xf32>
    %swap3A_99 = arith.constant 32 : index
    %swap3A_100 = tpu.vector_load %arg19[%swap3A_99] {strides = array<i32>} : memref<128xf32, #tpu.memory_space<vmem>>, vector<16xf32>,
    tpu.vector_store %arg19[%swap3A_99], %broadcast_in_dim3A_98 {strides = array<i32>} : memref<128xf32, #tpu.memory_space<vmem>>, vector<16xf32>,
    %broadcast_in_dim3A_101 = arith.constant -4.000000e+09 : f32
    %broadcast_in_dim3A_102 = vector.broadcast %broadcast_in_dim3A_101 : f32 to vector<16xf32>
    %swap3A_103 = arith.constant 32 : index
    %swap3A_104 = tpu.vector_load %arg20[%swap3A_103] {strides = array<i32>} : memref<128xf32, #tpu.memory_space<vmem>>, vector<16xf32>,
    tpu.vector_store %arg20[%swap3A_103], %broadcast_in_dim3A_102 {strides = array<i32>} : memref<128xf32, #tpu.memory_space<vmem>>, vector<16xf32>,
    %broadcast_in_dim3A_105 = arith.constant -4.000000e+09 : f32
    %broadcast_in_dim3A_106 = vector.broadcast %broadcast_in_dim3A_105 : f32 to vector<16xf32>
    %swap3A_107 = arith.constant 32 : index
    %swap3A_108 = tpu.vector_load %arg21[%swap3A_107] {strides = array<i32>} : memref<128xf32, #tpu.memory_space<vmem>>, vector<16xf32>,
    tpu.vector_store %arg21[%swap3A_107], %broadcast_in_dim3A_106 {strides = array<i32>} : memref<128xf32, #tpu.memory_space<vmem>>, vector<16xf32>,
    %broadcast_in_dim3A_109 = arith.constant 0.000000e+00 : f32
    %broadcast_in_dim3A_110 = vector.broadcast %broadcast_in_dim3A_109 : f32 to vector<16xf32>
    %swap3A_111 = arith.constant 32 : index
    %swap3A_112 = tpu.vector_load %arg22[%swap3A_111] {strides = array<i32>} : memref<128xf32, #tpu.memory_space<vmem>>, vector<16xf32>,
    tpu.vector_store %arg22[%swap3A_111], %broadcast_in_dim3A_110 {strides = array<i32>} : memref<128xf32, #tpu.memory_space<vmem>>, vector<16xf32>,
    %broadcast_in_dim3A_113 = arith.constant 4.000000e+09 : f32
    %broadcast_in_dim3A_114 = vector.broadcast %broadcast_in_dim3A_113 : f32 to vector<16xf32>
    %swap3A_115 = arith.constant 48 : index
    %swap3A_116 = tpu.vector_load %arg18[%swap3A_115] {strides = array<i32>} : memref<128xf32, #tpu.memory_space<vmem>>, vector<16xf32>,
    tpu.vector_store %arg18[%swap3A_115], %broadcast_in_dim3A_114 {strides = array<i32>} : memref<128xf32, #tpu.memory_space<vmem>>, vector<16xf32>,
    %broadcast_in_dim3A_117 = arith.constant 4.000000e+09 : f32
    %broadcast_in_dim3A_118 = vector.broadcast %broadcast_in_dim3A_117 : f32 to vector<16xf32>
    %swap3A_119 = arith.constant 48 : index
    %swap3A_120 = tpu.vector_load %arg19[%swap3A_119] {strides = array<i32>} : memref<128xf32, #tpu.memory_space<vmem>>, vector<16xf32>,
    tpu.vector_store %arg19[%swap3A_119], %broadcast_in_dim3A_118 {strides = array<i32>} : memref<128xf32, #tpu.memory_space<vmem>>, vector<16xf32>,
    %broadcast_in_dim3A_121 = arith.constant -4.000000e+09 : f32
    %broadcast_in_dim3A_122 = vector.broadcast %broadcast_in_dim3A_121 : f32 to vector<16xf32>
    %swap3A_123 = arith.constant 48 : index
    %swap3A_124 = tpu.vector_load %arg20[%swap3A_123] {strides = array<i32>} : memref<128xf32, #tpu.memory_space<vmem>>, vector<16xf32>,
    tpu.vector_store %arg20[%swap3A_123], %broadcast_in_dim3A_122 {strides = array<i32>} : memref<128xf32, #tpu.memory_space<vmem>>, vector<16xf32>,
    %broadcast_in_dim3A_125 = arith.constant -4.000000e+09 : f32
    %broadcast_in_dim3A_126 = vector.broadcast %broadcast_in_dim3A_125 : f32 to vector<16xf32>
    %swap3A_127 = arith.constant 48 : index
    %swap3A_128 = tpu.vector_load %arg21[%swap3A_127] {strides = array<i32>} : memref<128xf32, #tpu.memory_space<vmem>>, vector<16xf32>,
    tpu.vector_store %arg21[%swap3A_127], %broadcast_in_dim3A_126 {strides = array<i32>} : memref<128xf32, #tpu.memory_space<vmem>>, vector<16xf32>,
    %broadcast_in_dim3A_129 = arith.constant 0.000000e+00 : f32
    %broadcast_in_dim3A_130 = vector.broadcast %broadcast_in_dim3A_129 : f32 to vector<16xf32>
    %swap3A_131 = arith.constant 48 : index
    %swap3A_132 = tpu.vector_load %arg22[%swap3A_131] {strides = array<i32>} : memref<128xf32, #tpu.memory_space<vmem>>, vector<16xf32>,
    tpu.vector_store %arg22[%swap3A_131], %broadcast_in_dim3A_130 {strides = array<i32>} : memref<128xf32, #tpu.memory_space<vmem>>, vector<16xf32>,
    %broadcast_in_dim3A_133 = arith.constant 4.000000e+09 : f32
    %broadcast_in_dim3A_134 = vector.broadcast %broadcast_in_dim3A_133 : f32 to vector<16xf32>
    %swap3A_135 = arith.constant 64 : index
    %swap3A_136 = tpu.vector_load %arg18[%swap3A_135] {strides = array<i32>} : memref<128xf32, #tpu.memory_space<vmem>>, vector<16xf32>,
    tpu.vector_store %arg18[%swap3A_135], %broadcast_in_dim3A_134 {strides = array<i32>} : memref<128xf32, #tpu.memory_space<vmem>>, vector<16xf32>,
    %broadcast_in_dim3A_137 = arith.constant 4.000000e+09 : f32
    %broadcast_in_dim3A_138 = vector.broadcast %broadcast_in_dim3A_137 : f32 to vector<16xf32>
    %swap3A_139 = arith.constant 64 : index
    %swap3A_140 = tpu.vector_load %arg19[%swap3A_139] {strides = array<i32>} : memref<128xf32, #tpu.memory_space<vmem>>, vector<16xf32>,
    tpu.vector_store %arg19[%swap3A_139], %broadcast_in_dim3A_138 {strides = array<i32>} : memref<128xf32, #tpu.memory_space<vmem>>, vector<16xf32>,
    %broadcast_in_dim3A_141 = arith.constant -4.000000e+09 : f32
    %broadcast_in_dim3A_142 = vector.broadcast %broadcast_in_dim3A_141 : f32 to vector<16xf32>
    %swap3A_143 = arith.constant 64 : index
    %swap3A_144 = tpu.vector_load %arg20[%swap3A_143] {strides = array<i32>} : memref<128xf32, #tpu.memory_space<vmem>>, vector<16xf32>,
    tpu.vector_store %arg20[%swap3A_143], %broadcast_in_dim3A_142 {strides = array<i32>} : memref<128xf32, #tpu.memory_space<vmem>>, vector<16xf32>,
    %broadcast_in_dim3A_145 = arith.constant -4.000000e+09 : f32
    %broadcast_in_dim3A_146 = vector.broadcast %broadcast_in_dim3A_145 : f32 to vector<16xf32>
    %swap3A_147 = arith.constant 64 : index
    %swap3A_148 = tpu.vector_load %arg21[%swap3A_147] {strides = array<i32>} : memref<128xf32, #tpu.memory_space<vmem>>, vector<16xf32>,
    tpu.vector_store %arg21[%swap3A_147], %broadcast_in_dim3A_146 {strides = array<i32>} : memref<128xf32, #tpu.memory_space<vmem>>, vector<16xf32>,
    %broadcast_in_dim3A_149 = arith.constant 0.000000e+00 : f32
    %broadcast_in_dim3A_150 = vector.broadcast %broadcast_in_dim3A_149 : f32 to vector<16xf32>
    %swap3A_151 = arith.constant 64 : index
    %swap3A_152 = tpu.vector_load %arg22[%swap3A_151] {strides = array<i32>} : memref<128xf32, #tpu.memory_space<vmem>>, vector<16xf32>,
    tpu.vector_store %arg22[%swap3A_151], %broadcast_in_dim3A_150 {strides = array<i32>} : memref<128xf32, #tpu.memory_space<vmem>>, vector<16xf32>,
    %broadcast_in_dim3A_153 = arith.constant 4.000000e+09 : f32
    %broadcast_in_dim3A_154 = vector.broadcast %broadcast_in_dim3A_153 : f32 to vector<16xf32>
    %swap3A_155 = arith.constant 80 : index
    %swap3A_156 = tpu.vector_load %arg18[%swap3A_155] {strides = array<i32>} : memref<128xf32, #tpu.memory_space<vmem>>, vector<16xf32>,
    tpu.vector_store %arg18[%swap3A_155], %broadcast_in_dim3A_154 {strides = array<i32>} : memref<128xf32, #tpu.memory_space<vmem>>, vector<16xf32>,
    %broadcast_in_dim3A_157 = arith.constant 4.000000e+09 : f32
    %broadcast_in_dim3A_158 = vector.broadcast %broadcast_in_dim3A_157 : f32 to vector<16xf32>
    %swap3A_159 = arith.constant 80 : index
    %swap3A_160 = tpu.vector_load %arg19[%swap3A_159] {strides = array<i32>} : memref<128xf32, #tpu.memory_space<vmem>>, vector<16xf32>,
    tpu.vector_store %arg19[%swap3A_159], %broadcast_in_dim3A_158 {strides = array<i32>} : memref<128xf32, #tpu.memory_space<vmem>>, vector<16xf32>,
    %broadcast_in_dim3A_161 = arith.constant -4.000000e+09 : f32
    %broadcast_in_dim3A_162 = vector.broadcast %broadcast_in_dim3A_161 : f32 to vector<16xf32>
    %swap3A_163 = arith.constant 80 : index
    %swap3A_164 = tpu.vector_load %arg20[%swap3A_163] {strides = array<i32>} : memref<128xf32, #tpu.memory_space<vmem>>, vector<16xf32>,
    tpu.vector_store %arg20[%swap3A_163], %broadcast_in_dim3A_162 {strides = array<i32>} : memref<128xf32, #tpu.memory_space<vmem>>, vector<16xf32>,
    %broadcast_in_dim3A_165 = arith.constant -4.000000e+09 : f32
    %broadcast_in_dim3A_166 = vector.broadcast %broadcast_in_dim3A_165 : f32 to vector<16xf32>
    %swap3A_167 = arith.constant 80 : index
    %swap3A_168 = tpu.vector_load %arg21[%swap3A_167] {strides = array<i32>} : memref<128xf32, #tpu.memory_space<vmem>>, vector<16xf32>,
    tpu.vector_store %arg21[%swap3A_167], %broadcast_in_dim3A_166 {strides = array<i32>} : memref<128xf32, #tpu.memory_space<vmem>>, vector<16xf32>,
    %broadcast_in_dim3A_169 = arith.constant 0.000000e+00 : f32
    %broadcast_in_dim3A_170 = vector.broadcast %broadcast_in_dim3A_169 : f32 to vector<16xf32>
    %swap3A_171 = arith.constant 80 : index
    %swap3A_172 = tpu.vector_load %arg22[%swap3A_171] {strides = array<i32>} : memref<128xf32, #tpu.memory_space<vmem>>, vector<16xf32>,
    tpu.vector_store %arg22[%swap3A_171], %broadcast_in_dim3A_170 {strides = array<i32>} : memref<128xf32, #tpu.memory_space<vmem>>, vector<16xf32>,
    %broadcast_in_dim3A_173 = arith.constant 4.000000e+09 : f32
    %broadcast_in_dim3A_174 = vector.broadcast %broadcast_in_dim3A_173 : f32 to vector<16xf32>
    %swap3A_175 = arith.constant 96 : index
    %swap3A_176 = tpu.vector_load %arg18[%swap3A_175] {strides = array<i32>} : memref<128xf32, #tpu.memory_space<vmem>>, vector<16xf32>,
    tpu.vector_store %arg18[%swap3A_175], %broadcast_in_dim3A_174 {strides = array<i32>} : memref<128xf32, #tpu.memory_space<vmem>>, vector<16xf32>,
    %broadcast_in_dim3A_177 = arith.constant 4.000000e+09 : f32
    %broadcast_in_dim3A_178 = vector.broadcast %broadcast_in_dim3A_177 : f32 to vector<16xf32>
    %swap3A_179 = arith.constant 96 : index
    %swap3A_180 = tpu.vector_load %arg19[%swap3A_179] {strides = array<i32>} : memref<128xf32, #tpu.memory_space<vmem>>, vector<16xf32>,
    tpu.vector_store %arg19[%swap3A_179], %broadcast_in_dim3A_178 {strides = array<i32>} : memref<128xf32, #tpu.memory_space<vmem>>, vector<16xf32>,
    %broadcast_in_dim3A_181 = arith.constant -4.000000e+09 : f32
    %broadcast_in_dim3A_182 = vector.broadcast %broadcast_in_dim3A_181 : f32 to vector<16xf32>
    %swap3A_183 = arith.constant 96 : index
    %swap3A_184 = tpu.vector_load %arg20[%swap3A_183] {strides = array<i32>} : memref<128xf32, #tpu.memory_space<vmem>>, vector<16xf32>,
    tpu.vector_store %arg20[%swap3A_183], %broadcast_in_dim3A_182 {strides = array<i32>} : memref<128xf32, #tpu.memory_space<vmem>>, vector<16xf32>,
    %broadcast_in_dim3A_185 = arith.constant -4.000000e+09 : f32
    %broadcast_in_dim3A_186 = vector.broadcast %broadcast_in_dim3A_185 : f32 to vector<16xf32>
    %swap3A_187 = arith.constant 96 : index
    %swap3A_188 = tpu.vector_load %arg21[%swap3A_187] {strides = array<i32>} : memref<128xf32, #tpu.memory_space<vmem>>, vector<16xf32>,
    tpu.vector_store %arg21[%swap3A_187], %broadcast_in_dim3A_186 {strides = array<i32>} : memref<128xf32, #tpu.memory_space<vmem>>, vector<16xf32>,
    %broadcast_in_dim3A_189 = arith.constant 0.000000e+00 : f32
    %broadcast_in_dim3A_190 = vector.broadcast %broadcast_in_dim3A_189 : f32 to vector<16xf32>
    %swap3A_191 = arith.constant 96 : index
    %swap3A_192 = tpu.vector_load %arg22[%swap3A_191] {strides = array<i32>} : memref<128xf32, #tpu.memory_space<vmem>>, vector<16xf32>,
    tpu.vector_store %arg22[%swap3A_191], %broadcast_in_dim3A_190 {strides = array<i32>} : memref<128xf32, #tpu.memory_space<vmem>>, vector<16xf32>,
    %broadcast_in_dim3A_193 = arith.constant 4.000000e+09 : f32
    %broadcast_in_dim3A_194 = vector.broadcast %broadcast_in_dim3A_193 : f32 to vector<16xf32>
    %swap3A_195 = arith.constant 112 : index
    %swap3A_196 = tpu.vector_load %arg18[%swap3A_195] {strides = array<i32>} : memref<128xf32, #tpu.memory_space<vmem>>, vector<16xf32>,
    tpu.vector_store %arg18[%swap3A_195], %broadcast_in_dim3A_194 {strides = array<i32>} : memref<128xf32, #tpu.memory_space<vmem>>, vector<16xf32>,
    %broadcast_in_dim3A_197 = arith.constant 4.000000e+09 : f32
    %broadcast_in_dim3A_198 = vector.broadcast %broadcast_in_dim3A_197 : f32 to vector<16xf32>
    %swap3A_199 = arith.constant 112 : index
    %swap3A_200 = tpu.vector_load %arg19[%swap3A_199] {strides = array<i32>} : memref<128xf32, #tpu.memory_space<vmem>>, vector<16xf32>,
    tpu.vector_store %arg19[%swap3A_199], %broadcast_in_dim3A_198 {strides = array<i32>} : memref<128xf32, #tpu.memory_space<vmem>>, vector<16xf32>,
    %broadcast_in_dim3A_201 = arith.constant -4.000000e+09 : f32
    %broadcast_in_dim3A_202 = vector.broadcast %broadcast_in_dim3A_201 : f32 to vector<16xf32>
    %swap3A_203 = arith.constant 112 : index
    %swap3A_204 = tpu.vector_load %arg20[%swap3A_203] {strides = array<i32>} : memref<128xf32, #tpu.memory_space<vmem>>, vector<16xf32>,
    tpu.vector_store %arg20[%swap3A_203], %broadcast_in_dim3A_202 {strides = array<i32>} : memref<128xf32, #tpu.memory_space<vmem>>, vector<16xf32>,
    %broadcast_in_dim3A_205 = arith.constant -4.000000e+09 : f32
    %broadcast_in_dim3A_206 = vector.broadcast %broadcast_in_dim3A_205 : f32 to vector<16xf32>
    %swap3A_207 = arith.constant 112 : index
    %swap3A_208 = tpu.vector_load %arg21[%swap3A_207] {strides = array<i32>} : memref<128xf32, #tpu.memory_space<vmem>>, vector<16xf32>,
    tpu.vector_store %arg21[%swap3A_207], %broadcast_in_dim3A_206 {strides = array<i32>} : memref<128xf32, #tpu.memory_space<vmem>>, vector<16xf32>,
    %broadcast_in_dim3A_209 = arith.constant 0.000000e+00 : f32
    %broadcast_in_dim3A_210 = vector.broadcast %broadcast_in_dim3A_209 : f32 to vector<16xf32>
    %swap3A_211 = arith.constant 112 : index
    %swap3A_212 = tpu.vector_load %arg22[%swap3A_211] {strides = array<i32>} : memref<128xf32, #tpu.memory_space<vmem>>, vector<16xf32>,
    tpu.vector_store %arg22[%swap3A_211], %broadcast_in_dim3A_210 {strides = array<i32>} : memref<128xf32, #tpu.memory_space<vmem>>, vector<16xf32>,
    %scan3A_213 = arith.constant 0 : i32
    %scan3A_214 = arith.constant 0 : i32
    %scan3A_215 = arith.constant 250 : i32
    %scan3A_216 = arith.addi %scan3A_214, %scan3A_215 : i32
    %scan3A_217 = arith.constant 1 : i32
    %scan3A_218 = scf.for %scan3A_472 = %scan3A_214 to %scan3A_216 step %scan3A_217 iter_args(%scan3A_473 = %scan3A_213) -> (i32)  : i32 {
      %mul3A_474 = arith.constant 5 : i32
      %mul3A_475 = arith.muli %scan3A_472, %mul3A_474 : i32
      %add3A_476 = arith.constant 0 : i32
      %add3A_477 = arith.addi %mul3A_475, %add3A_476 : i32
      %mul3A_478 = arith.constant 16 : i32
      %mul3A_479 = arith.muli %add3A_477, %mul3A_478 : i32
      %get3A_480 = arith.index_cast %mul3A_479 : i32 to index
      %get3A_481 = tpu.vector_load %arg13[%get3A_480] {strides = array<i32>} : memref<20000xf32, #tpu.memory_space<vmem>>, vector<16xf32>,
      %gt3A = arith.constant 0.00999999977 : f32
      %gt3A_482 = vector.broadcast %gt3A : f32 to vector<16xf32>
      %gt3A_483 = arith.cmpf ogt, %get3A_481, %gt3A_482 : vector<16xf32>
      %jit3A_484 = arith.constant 0xFF800000 : f32
      %broadcast_in_dim3A_485 = vector.broadcast %jit3A_484 : f32 to vector<16xf32>
      %select_n3A_486 = arith.select %gt3A_483, %get3A_481, %broadcast_in_dim3A_485 : vector<16xi1>, vector<16xf32>
      %swap3A_487 = arith.index_cast %mul3A_479 : i32 to index
      %swap3A_488 = tpu.vector_load %arg13[%swap3A_487] {strides = array<i32>} : memref<20000xf32, #tpu.memory_space<vmem>>, vector<16xf32>,
      tpu.vector_store %arg13[%swap3A_487], %select_n3A_486 {strides = array<i32>} : memref<20000xf32, #tpu.memory_space<vmem>>, vector<16xf32>,
      %broadcast_in_dim3A_489 = vector.broadcast %add3A_477 : i32 to vector<16xi32>
      %broadcast_in_dim3A_490 = arith.constant true
      %broadcast_in_dim3A_491 = vector.broadcast %broadcast_in_dim3A_490 : i1 to vector<16xi1>
      %masked_cummax3A = tpu.scan <max>, %select_n3A_486 masked %broadcast_in_dim3A_491 : vector<16xf32>, vector<16xi1> -> vector<16xf32>
      %rev3A = arith.constant 15 : i32
      %rev3A_492 = vector.broadcast %rev3A : i32 to vector<16xi32>
      %rev3A_493 = tpu.iota {dimensions = array<i32: 0>} : vector<16xi32>
      %rev3A_494 = arith.subi %rev3A_492, %rev3A_493 : vector<16xi32>
      %rev3A_495 = tpu.dynamic_gather %masked_cummax3A[%rev3A_494] in [0] : vector<16xf32>, vector<16xi32> -> vector<16xf32>
      %broadcast_in_dim3A_496 = arith.constant true
      %broadcast_in_dim3A_497 = vector.broadcast %broadcast_in_dim3A_496 : i1 to vector<16xi1>
      %masked_cummax3A_498 = tpu.scan <max>, %rev3A_495 masked %broadcast_in_dim3A_497 : vector<16xf32>, vector<16xi1> -> vector<16xf32>
      tpu.vector_store_idx %arg16[%broadcast_in_dim3A_489], %masked_cummax3A_498 masked %eq3A_47 : memref<1280xf32, #tpu.memory_space<vmem>>[vector<16xi32>], vector<16xf32>, vector<16xi1>
      %mul3A_499 = arith.constant 5 : i32
      %mul3A_500 = arith.muli %scan3A_472, %mul3A_499 : i32
      %add3A_501 = arith.constant 1 : i32
      %add3A_502 = arith.addi %mul3A_500, %add3A_501 : i32
      %mul3A_503 = arith.constant 16 : i32
      %mul3A_504 = arith.muli %add3A_502, %mul3A_503 : i32
      %get3A_505 = arith.index_cast %mul3A_504 : i32 to index
      %get3A_506 = tpu.vector_load %arg13[%get3A_505] {strides = array<i32>} : memref<20000xf32, #tpu.memory_space<vmem>>, vector<16xf32>,
      %gt3A_507 = arith.constant 0.00999999977 : f32
      %gt3A_508 = vector.broadcast %gt3A_507 : f32 to vector<16xf32>
      %gt3A_509 = arith.cmpf ogt, %get3A_506, %gt3A_508 : vector<16xf32>
      %jit3A_510 = arith.constant 0xFF800000 : f32
      %broadcast_in_dim3A_511 = vector.broadcast %jit3A_510 : f32 to vector<16xf32>
      %select_n3A_512 = arith.select %gt3A_509, %get3A_506, %broadcast_in_dim3A_511 : vector<16xi1>, vector<16xf32>
      %swap3A_513 = arith.index_cast %mul3A_504 : i32 to index
      %swap3A_514 = tpu.vector_load %arg13[%swap3A_513] {strides = array<i32>} : memref<20000xf32, #tpu.memory_space<vmem>>, vector<16xf32>,
      tpu.vector_store %arg13[%swap3A_513], %select_n3A_512 {strides = array<i32>} : memref<20000xf32, #tpu.memory_space<vmem>>, vector<16xf32>,
      %broadcast_in_dim3A_515 = vector.broadcast %add3A_502 : i32 to vector<16xi32>
      %broadcast_in_dim3A_516 = arith.constant true
      %broadcast_in_dim3A_517 = vector.broadcast %broadcast_in_dim3A_516 : i1 to vector<16xi1>
      %masked_cummax3A_518 = tpu.scan <max>, %select_n3A_512 masked %broadcast_in_dim3A_517 : vector<16xf32>, vector<16xi1> -> vector<16xf32>
      %rev3A_519 = arith.constant 15 : i32
      %rev3A_520 = vector.broadcast %rev3A_519 : i32 to vector<16xi32>
      %rev3A_521 = tpu.iota {dimensions = array<i32: 0>} : vector<16xi32>
      %rev3A_522 = arith.subi %rev3A_520, %rev3A_521 : vector<16xi32>
      %rev3A_523 = tpu.dynamic_gather %masked_cummax3A_518[%rev3A_522] in [0] : vector<16xf32>, vector<16xi32> -> vector<16xf32>
      %broadcast_in_dim3A_524 = arith.constant true
      %broadcast_in_dim3A_525 = vector.broadcast %broadcast_in_dim3A_524 : i1 to vector<16xi1>
      %masked_cummax3A_526 = tpu.scan <max>, %rev3A_523 masked %broadcast_in_dim3A_525 : vector<16xf32>, vector<16xi1> -> vector<16xf32>
      tpu.vector_store_idx %arg16[%broadcast_in_dim3A_515], %masked_cummax3A_526 masked %eq3A_47 : memref<1280xf32, #tpu.memory_space<vmem>>[vector<16xi32>], vector<16xf32>, vector<16xi1>
      %mul3A_527 = arith.constant 5 : i32
      %mul3A_528 = arith.muli %scan3A_472, %mul3A_527 : i32
      %add3A_529 = arith.constant 2 : i32
      %add3A_530 = arith.addi %mul3A_528, %add3A_529 : i32
      %mul3A_531 = arith.constant 16 : i32
      %mul3A_532 = arith.muli %add3A_530, %mul3A_531 : i32
      %get3A_533 = arith.index_cast %mul3A_532 : i32 to index
      %get3A_534 = tpu.vector_load %arg13[%get3A_533] {strides = array<i32>} : memref<20000xf32, #tpu.memory_space<vmem>>, vector<16xf32>,
      %gt3A_535 = arith.constant 0.00999999977 : f32
      %gt3A_536 = vector.broadcast %gt3A_535 : f32 to vector<16xf32>
      %gt3A_537 = arith.cmpf ogt, %get3A_534, %gt3A_536 : vector<16xf32>
      %jit3A_538 = arith.constant 0xFF800000 : f32
      %broadcast_in_dim3A_539 = vector.broadcast %jit3A_538 : f32 to vector<16xf32>
      %select_n3A_540 = arith.select %gt3A_537, %get3A_534, %broadcast_in_dim3A_539 : vector<16xi1>, vector<16xf32>
      %swap3A_541 = arith.index_cast %mul3A_532 : i32 to index
      %swap3A_542 = tpu.vector_load %arg13[%swap3A_541] {strides = array<i32>} : memref<20000xf32, #tpu.memory_space<vmem>>, vector<16xf32>,
      tpu.vector_store %arg13[%swap3A_541], %select_n3A_540 {strides = array<i32>} : memref<20000xf32, #tpu.memory_space<vmem>>, vector<16xf32>,
      %broadcast_in_dim3A_543 = vector.broadcast %add3A_530 : i32 to vector<16xi32>
      %broadcast_in_dim3A_544 = arith.constant true
      %broadcast_in_dim3A_545 = vector.broadcast %broadcast_in_dim3A_544 : i1 to vector<16xi1>
      %masked_cummax3A_546 = tpu.scan <max>, %select_n3A_540 masked %broadcast_in_dim3A_545 : vector<16xf32>, vector<16xi1> -> vector<16xf32>
      %rev3A_547 = arith.constant 15 : i32
      %rev3A_548 = vector.broadcast %rev3A_547 : i32 to vector<16xi32>
      %rev3A_549 = tpu.iota {dimensions = array<i32: 0>} : vector<16xi32>
      %rev3A_550 = arith.subi %rev3A_548, %rev3A_549 : vector<16xi32>
      %rev3A_551 = tpu.dynamic_gather %masked_cummax3A_546[%rev3A_550] in [0] : vector<16xf32>, vector<16xi32> -> vector<16xf32>
      %broadcast_in_dim3A_552 = arith.constant true
      %broadcast_in_dim3A_553 = vector.broadcast %broadcast_in_dim3A_552 : i1 to vector<16xi1>
      %masked_cummax3A_554 = tpu.scan <max>, %rev3A_551 masked %broadcast_in_dim3A_553 : vector<16xf32>, vector<16xi1> -> vector<16xf32>
      tpu.vector_store_idx %arg16[%broadcast_in_dim3A_543], %masked_cummax3A_554 masked %eq3A_47 : memref<1280xf32, #tpu.memory_space<vmem>>[vector<16xi32>], vector<16xf32>, vector<16xi1>
      %mul3A_555 = arith.constant 5 : i32
      %mul3A_556 = arith.muli %scan3A_472, %mul3A_555 : i32
      %add3A_557 = arith.constant 3 : i32
      %add3A_558 = arith.addi %mul3A_556, %add3A_557 : i32
      %mul3A_559 = arith.constant 16 : i32
      %mul3A_560 = arith.muli %add3A_558, %mul3A_559 : i32
      %get3A_561 = arith.index_cast %mul3A_560 : i32 to index
      %get3A_562 = tpu.vector_load %arg13[%get3A_561] {strides = array<i32>} : memref<20000xf32, #tpu.memory_space<vmem>>, vector<16xf32>,
      %gt3A_563 = arith.constant 0.00999999977 : f32
      %gt3A_564 = vector.broadcast %gt3A_563 : f32 to vector<16xf32>
      %gt3A_565 = arith.cmpf ogt, %get3A_562, %gt3A_564 : vector<16xf32>
      %jit3A_566 = arith.constant 0xFF800000 : f32
      %broadcast_in_dim3A_567 = vector.broadcast %jit3A_566 : f32 to vector<16xf32>
      %select_n3A_568 = arith.select %gt3A_565, %get3A_562, %broadcast_in_dim3A_567 : vector<16xi1>, vector<16xf32>
      %swap3A_569 = arith.index_cast %mul3A_560 : i32 to index
      %swap3A_570 = tpu.vector_load %arg13[%swap3A_569] {strides = array<i32>} : memref<20000xf32, #tpu.memory_space<vmem>>, vector<16xf32>,
      tpu.vector_store %arg13[%swap3A_569], %select_n3A_568 {strides = array<i32>} : memref<20000xf32, #tpu.memory_space<vmem>>, vector<16xf32>,
      %broadcast_in_dim3A_571 = vector.broadcast %add3A_558 : i32 to vector<16xi32>
      %broadcast_in_dim3A_572 = arith.constant true
      %broadcast_in_dim3A_573 = vector.broadcast %broadcast_in_dim3A_572 : i1 to vector<16xi1>
      %masked_cummax3A_574 = tpu.scan <max>, %select_n3A_568 masked %broadcast_in_dim3A_573 : vector<16xf32>, vector<16xi1> -> vector<16xf32>
      %rev3A_575 = arith.constant 15 : i32
      %rev3A_576 = vector.broadcast %rev3A_575 : i32 to vector<16xi32>
      %rev3A_577 = tpu.iota {dimensions = array<i32: 0>} : vector<16xi32>
      %rev3A_578 = arith.subi %rev3A_576, %rev3A_577 : vector<16xi32>
      %rev3A_579 = tpu.dynamic_gather %masked_cummax3A_574[%rev3A_578] in [0] : vector<16xf32>, vector<16xi32> -> vector<16xf32>
      %broadcast_in_dim3A_580 = arith.constant true
      %broadcast_in_dim3A_581 = vector.broadcast %broadcast_in_dim3A_580 : i1 to vector<16xi1>
      %masked_cummax3A_582 = tpu.scan <max>, %rev3A_579 masked %broadcast_in_dim3A_581 : vector<16xf32>, vector<16xi1> -> vector<16xf32>
      tpu.vector_store_idx %arg16[%broadcast_in_dim3A_571], %masked_cummax3A_582 masked %eq3A_47 : memref<1280xf32, #tpu.memory_space<vmem>>[vector<16xi32>], vector<16xf32>, vector<16xi1>
      %mul3A_583 = arith.constant 5 : i32
      %mul3A_584 = arith.muli %scan3A_472, %mul3A_583 : i32
      %add3A_585 = arith.constant 4 : i32
      %add3A_586 = arith.addi %mul3A_584, %add3A_585 : i32
      %mul3A_587 = arith.constant 16 : i32
      %mul3A_588 = arith.muli %add3A_586, %mul3A_587 : i32
      %get3A_589 = arith.index_cast %mul3A_588 : i32 to index
      %get3A_590 = tpu.vector_load %arg13[%get3A_589] {strides = array<i32>} : memref<20000xf32, #tpu.memory_space<vmem>>, vector<16xf32>,
      %gt3A_591 = arith.constant 0.00999999977 : f32
      %gt3A_592 = vector.broadcast %gt3A_591 : f32 to vector<16xf32>
      %gt3A_593 = arith.cmpf ogt, %get3A_590, %gt3A_592 : vector<16xf32>
      %jit3A_594 = arith.constant 0xFF800000 : f32
      %broadcast_in_dim3A_595 = vector.broadcast %jit3A_594 : f32 to vector<16xf32>
      %select_n3A_596 = arith.select %gt3A_593, %get3A_590, %broadcast_in_dim3A_595 : vector<16xi1>, vector<16xf32>
      %swap3A_597 = arith.index_cast %mul3A_588 : i32 to index
      %swap3A_598 = tpu.vector_load %arg13[%swap3A_597] {strides = array<i32>} : memref<20000xf32, #tpu.memory_space<vmem>>, vector<16xf32>,
      tpu.vector_store %arg13[%swap3A_597], %select_n3A_596 {strides = array<i32>} : memref<20000xf32, #tpu.memory_space<vmem>>, vector<16xf32>,
      %broadcast_in_dim3A_599 = vector.broadcast %add3A_586 : i32 to vector<16xi32>
      %broadcast_in_dim3A_600 = arith.constant true
      %broadcast_in_dim3A_601 = vector.broadcast %broadcast_in_dim3A_600 : i1 to vector<16xi1>
      %masked_cummax3A_602 = tpu.scan <max>, %select_n3A_596 masked %broadcast_in_dim3A_601 : vector<16xf32>, vector<16xi1> -> vector<16xf32>
      %rev3A_603 = arith.constant 15 : i32
      %rev3A_604 = vector.broadcast %rev3A_603 : i32 to vector<16xi32>
      %rev3A_605 = tpu.iota {dimensions = array<i32: 0>} : vector<16xi32>
      %rev3A_606 = arith.subi %rev3A_604, %rev3A_605 : vector<16xi32>
      %rev3A_607 = tpu.dynamic_gather %masked_cummax3A_602[%rev3A_606] in [0] : vector<16xf32>, vector<16xi32> -> vector<16xf32>
      %broadcast_in_dim3A_608 = arith.constant true
      %broadcast_in_dim3A_609 = vector.broadcast %broadcast_in_dim3A_608 : i1 to vector<16xi1>
      %masked_cummax3A_610 = tpu.scan <max>, %rev3A_607 masked %broadcast_in_dim3A_609 : vector<16xf32>, vector<16xi1> -> vector<16xf32>
      tpu.vector_store_idx %arg16[%broadcast_in_dim3A_599], %masked_cummax3A_610 masked %eq3A_47 : memref<1280xf32, #tpu.memory_space<vmem>>[vector<16xi32>], vector<16xf32>, vector<16xi1>
      %scan3A_611 = arith.constant 0 : i32
      scf.yield %scan3A_611 : i32
    }
    %scan3A_219 = arith.constant 250 : i32
    %scan3A_220 = arith.constant 0 : i32
    %scan3A_221 = arith.constant 0 : i32
    %scan3A_222 = arith.constant 80 : i32
    %scan3A_223 = arith.addi %scan3A_221, %scan3A_222 : i32
    %scan3A_224 = arith.constant 1 : i32
    %scan3A_225 = scf.for %scan3A_472 = %scan3A_221 to %scan3A_223 step %scan3A_224 iter_args(%scan3A_473 = %scan3A_220) -> (i32)  : i32 {
      %mul3A_474 = arith.constant 16 : i32
      %mul3A_475 = arith.muli %scan3A_472, %mul3A_474 : i32
      %get3A_476 = arith.index_cast %mul3A_475 : i32 to index
      %get3A_477 = tpu.vector_load %arg16[%get3A_476] {strides = array<i32>} : memref<1280xf32, #tpu.memory_space<vmem>>, vector<16xf32>,
      %broadcast_in_dim3A_478 = vector.broadcast %scan3A_472 : i32 to vector<16xi32>
      %broadcast_in_dim3A_479 = arith.constant true
      %broadcast_in_dim3A_480 = vector.broadcast %broadcast_in_dim3A_479 : i1 to vector<16xi1>
      %masked_cummax3A = tpu.scan <max>, %get3A_477 masked %broadcast_in_dim3A_480 : vector<16xf32>, vector<16xi1> -> vector<16xf32>
      %rev3A = arith.constant 15 : i32
      %rev3A_481 = vector.broadcast %rev3A : i32 to vector<16xi32>
      %rev3A_482 = tpu.iota {dimensions = array<i32: 0>} : vector<16xi32>
      %rev3A_483 = arith.subi %rev3A_481, %rev3A_482 : vector<16xi32>
      %rev3A_484 = tpu.dynamic_gather %masked_cummax3A[%rev3A_483] in [0] : vector<16xf32>, vector<16xi32> -> vector<16xf32>
      %broadcast_in_dim3A_485 = arith.constant true
      %broadcast_in_dim3A_486 = vector.broadcast %broadcast_in_dim3A_485 : i1 to vector<16xi1>
      %masked_cummax3A_487 = tpu.scan <max>, %rev3A_484 masked %broadcast_in_dim3A_486 : vector<16xf32>, vector<16xi1> -> vector<16xf32>
      tpu.vector_store_idx %arg17[%broadcast_in_dim3A_478], %masked_cummax3A_487 masked %eq3A_47 : memref<80xf32, #tpu.memory_space<vmem>>[vector<16xi32>], vector<16xf32>, vector<16xi1>
      %scan3A_488 = arith.constant 0 : i32
      scf.yield %scan3A_488 : i32
    }
    %scan3A_226 = arith.constant 80 : i32
    %get3A = arith.constant 0 : index
    %get3A_227 = tpu.vector_load %arg17[%get3A] {strides = array<i32>} : memref<80xf32, #tpu.memory_space<vmem>>, vector<16xf32>,
    %max3A = arith.maximumf %broadcast_in_dim3A_42, %get3A_227 : vector<16xf32>
    %get3A_228 = arith.constant 16 : index
    %get3A_229 = tpu.vector_load %arg17[%get3A_228] {strides = array<i32>} : memref<80xf32, #tpu.memory_space<vmem>>, vector<16xf32>,
    %max3A_230 = arith.maximumf %max3A, %get3A_229 : vector<16xf32>
    %get3A_231 = arith.constant 32 : index
    %get3A_232 = tpu.vector_load %arg17[%get3A_231] {strides = array<i32>} : memref<80xf32, #tpu.memory_space<vmem>>, vector<16xf32>,
    %max3A_233 = arith.maximumf %max3A_230, %get3A_232 : vector<16xf32>
    %get3A_234 = arith.constant 48 : index
    %get3A_235 = tpu.vector_load %arg17[%get3A_234] {strides = array<i32>} : memref<80xf32, #tpu.memory_space<vmem>>, vector<16xf32>,
    %max3A_236 = arith.maximumf %max3A_233, %get3A_235 : vector<16xf32>
    %get3A_237 = arith.constant 64 : index
    %get3A_238 = tpu.vector_load %arg17[%get3A_237] {strides = array<i32>} : memref<80xf32, #tpu.memory_space<vmem>>, vector<16xf32>,
    %max3A_239 = arith.maximumf %max3A_236, %get3A_238 : vector<16xf32>
    %reduce_max3A = arith.constant true
    %reduce_max3A_240 = vector.broadcast %reduce_max3A : i1 to vector<16xi1>
    %reduce_max3A_241 = tpu.scan <max>, %max3A_239 masked %reduce_max3A_240 : vector<16xf32>, vector<16xi1> -> vector<16xf32>
    %reduce_max3A_242 = vector.extract %reduce_max3A_241[15] : f32 from vector<16xf32>
    %while3A = arith.constant 0 : i32
    %while3A_243:2 = scf.while (%while3A_472 = %while3A, %while3A_473 = %reduce_max3A_242) : (i32, f32) -> (i32, f32) {
      %lt3A_474 = arith.constant 100 : i32
      %lt3A_475 = arith.cmpi slt, %while3A_472, %lt3A_474 : i32
      %gt3A = arith.constant 0xFF800000 : f32
      %gt3A_476 = arith.cmpf ogt, %while3A_473, %gt3A : f32
      %and3A_477 = arith.andi %lt3A_475, %gt3A_476 : i1
      scf.condition(%and3A_477) %while3A_472, %while3A_473 : i32, f32
    } do {
    ^bb0(%while3A_472: i32, %while3A_473: f32):
      %broadcast_in_dim3A_474 = vector.broadcast %while3A_473 : f32 to vector<16xf32>
      %get3A_475 = arith.constant 0 : index
      %get3A_476 = tpu.vector_load %arg17[%get3A_475] {strides = array<i32>} : memref<80xf32, #tpu.memory_space<vmem>>, vector<16xf32>,
      %gt3A = arith.cmpf ogt, %get3A_476, %broadcast_in_dim3A_42 : vector<16xf32>
      %select_n3A_477 = arith.select %gt3A, %get3A_476, %broadcast_in_dim3A_42 : vector<16xi1>, vector<16xf32>
      %add3A_478 = arith.constant 0 : i32
      %add3A_479 = vector.broadcast %add3A_478 : i32 to vector<16xi32>
      %add3A_480 = arith.addi %add3A_479, %iota3A : vector<16xi32>
      %select_n3A_481 = arith.select %gt3A, %add3A_480, %broadcast_in_dim3A_44 : vector<16xi1>, vector<16xi32>
      %get3A_482 = arith.constant 16 : index
      %get3A_483 = tpu.vector_load %arg17[%get3A_482] {strides = array<i32>} : memref<80xf32, #tpu.memory_space<vmem>>, vector<16xf32>,
      %gt3A_484 = arith.cmpf ogt, %get3A_483, %select_n3A_477 : vector<16xf32>
      %select_n3A_485 = arith.select %gt3A_484, %get3A_483, %select_n3A_477 : vector<16xi1>, vector<16xf32>
      %add3A_486 = arith.constant 16 : i32
      %add3A_487 = vector.broadcast %add3A_486 : i32 to vector<16xi32>
      %add3A_488 = arith.addi %add3A_487, %iota3A : vector<16xi32>
      %select_n3A_489 = arith.select %gt3A_484, %add3A_488, %select_n3A_481 : vector<16xi1>, vector<16xi32>
      %get3A_490 = arith.constant 32 : index
      %get3A_491 = tpu.vector_load %arg17[%get3A_490] {strides = array<i32>} : memref<80xf32, #tpu.memory_space<vmem>>, vector<16xf32>,
      %gt3A_492 = arith.cmpf ogt, %get3A_491, %select_n3A_485 : vector<16xf32>
      %select_n3A_493 = arith.select %gt3A_492, %get3A_491, %select_n3A_485 : vector<16xi1>, vector<16xf32>
      %add3A_494 = arith.constant 32 : i32
      %add3A_495 = vector.broadcast %add3A_494 : i32 to vector<16xi32>
      %add3A_496 = arith.addi %add3A_495, %iota3A : vector<16xi32>
      %select_n3A_497 = arith.select %gt3A_492, %add3A_496, %select_n3A_489 : vector<16xi1>, vector<16xi32>
      %get3A_498 = arith.constant 48 : index
      %get3A_499 = tpu.vector_load %arg17[%get3A_498] {strides = array<i32>} : memref<80xf32, #tpu.memory_space<vmem>>, vector<16xf32>,
      %gt3A_500 = arith.cmpf ogt, %get3A_499, %select_n3A_493 : vector<16xf32>
      %select_n3A_501 = arith.select %gt3A_500, %get3A_499, %select_n3A_493 : vector<16xi1>, vector<16xf32>
      %add3A_502 = arith.constant 48 : i32
      %add3A_503 = vector.broadcast %add3A_502 : i32 to vector<16xi32>
      %add3A_504 = arith.addi %add3A_503, %iota3A : vector<16xi32>
      %select_n3A_505 = arith.select %gt3A_500, %add3A_504, %select_n3A_497 : vector<16xi1>, vector<16xi32>
      %get3A_506 = arith.constant 64 : index
      %get3A_507 = tpu.vector_load %arg17[%get3A_506] {strides = array<i32>} : memref<80xf32, #tpu.memory_space<vmem>>, vector<16xf32>,
      %gt3A_508 = arith.cmpf ogt, %get3A_507, %select_n3A_501 : vector<16xf32>
      %select_n3A_509 = arith.select %gt3A_508, %get3A_507, %select_n3A_501 : vector<16xi1>, vector<16xf32>
      %add3A_510 = arith.constant 64 : i32
      %add3A_511 = vector.broadcast %add3A_510 : i32 to vector<16xi32>
      %add3A_512 = arith.addi %add3A_511, %iota3A : vector<16xi32>
      %select_n3A_513 = arith.select %gt3A_508, %add3A_512, %select_n3A_505 : vector<16xi1>, vector<16xi32>
      %eq3A_514 = arith.cmpf oeq, %select_n3A_509, %broadcast_in_dim3A_474 : vector<16xf32>
      %jit3A_515 = arith.constant 1073741824 : i32
      %broadcast_in_dim3A_516 = vector.broadcast %jit3A_515 : i32 to vector<16xi32>
      %select_n3A_517 = arith.select %eq3A_514, %select_n3A_513, %broadcast_in_dim3A_516 : vector<16xi1>, vector<16xi32>
      %neg3A = arith.constant 0 : i32
      %neg3A_518 = vector.broadcast %neg3A : i32 to vector<16xi32>
      %neg3A_519 = arith.subi %neg3A_518, %select_n3A_517 : vector<16xi32>
      %broadcast_in_dim3A_520 = arith.constant true
      %broadcast_in_dim3A_521 = vector.broadcast %broadcast_in_dim3A_520 : i1 to vector<16xi1>
      %masked_cummax3A = arith.constant -2147483648 : i32
      %masked_cummax3A_522 = vector.broadcast %masked_cummax3A : i32 to vector<16xi32>
      %masked_cummax3A_523 = arith.xori %neg3A_519, %masked_cummax3A_522 : vector<16xi32>
      %masked_cummax3A_524 = tpu.scan <max>, %masked_cummax3A_523 masked %broadcast_in_dim3A_521 : vector<16xi32>, vector<16xi1> -> vector<16xi32>
      %masked_cummax3A_525 = arith.xori %masked_cummax3A_524, %masked_cummax3A_522 : vector<16xi32>
      %rev3A = arith.constant 15 : i32
      %rev3A_526 = vector.broadcast %rev3A : i32 to vector<16xi32>
      %rev3A_527 = tpu.iota {dimensions = array<i32: 0>} : vector<16xi32>
      %rev3A_528 = arith.subi %rev3A_526, %rev3A_527 : vector<16xi32>
      %rev3A_529 = tpu.dynamic_gather %masked_cummax3A_525[%rev3A_528] in [0] : vector<16xi32>, vector<16xi32> -> vector<16xi32>
      %broadcast_in_dim3A_530 = arith.constant true
      %broadcast_in_dim3A_531 = vector.broadcast %broadcast_in_dim3A_530 : i1 to vector<16xi1>
      %masked_cummax3A_532 = arith.constant -2147483648 : i32
      %masked_cummax3A_533 = vector.broadcast %masked_cummax3A_532 : i32 to vector<16xi32>
      %masked_cummax3A_534 = arith.xori %rev3A_529, %masked_cummax3A_533 : vector<16xi32>
      %masked_cummax3A_535 = tpu.scan <max>, %masked_cummax3A_534 masked %broadcast_in_dim3A_531 : vector<16xi32>, vector<16xi1> -> vector<16xi32>
      %masked_cummax3A_536 = arith.xori %masked_cummax3A_535, %masked_cummax3A_533 : vector<16xi32>
      %neg3A_537 = arith.constant 0 : i32
      %neg3A_538 = vector.broadcast %neg3A_537 : i32 to vector<16xi32>
      %neg3A_539 = arith.subi %neg3A_538, %masked_cummax3A_536 : vector<16xi32>
      %mul3A_540 = arith.constant 16 : i32
      %mul3A_541 = vector.broadcast %mul3A_540 : i32 to vector<16xi32>
      %mul3A_542 = arith.muli %neg3A_539, %mul3A_541 : vector<16xi32>
      %add3A_543 = arith.addi %mul3A_542, %iota3A : vector<16xi32>
      %gather3A = tpu.vector_load_idx %arg16[%add3A_543] : memref<1280xf32, #tpu.memory_space<vmem>>[vector<16xi32>], vector<16xf32>,
      %eq3A_544 = arith.cmpf oeq, %gather3A, %broadcast_in_dim3A_474 : vector<16xf32>
      %mul3A_545 = arith.constant 16 : i32
      %mul3A_546 = vector.broadcast %mul3A_545 : i32 to vector<16xi32>
      %mul3A_547 = arith.muli %neg3A_539, %mul3A_546 : vector<16xi32>
      %add3A_548 = arith.addi %mul3A_547, %iota3A : vector<16xi32>
      %jit3A_549 = arith.constant 1073741824 : i32
      %broadcast_in_dim3A_550 = vector.broadcast %jit3A_549 : i32 to vector<16xi32>
      %select_n3A_551 = arith.select %eq3A_544, %add3A_548, %broadcast_in_dim3A_550 : vector<16xi1>, vector<16xi32>
      %neg3A_552 = arith.constant 0 : i32
      %neg3A_553 = vector.broadcast %neg3A_552 : i32 to vector<16xi32>
      %neg3A_554 = arith.subi %neg3A_553, %select_n3A_551 : vector<16xi32>
      %broadcast_in_dim3A_555 = arith.constant true
      %broadcast_in_dim3A_556 = vector.broadcast %broadcast_in_dim3A_555 : i1 to vector<16xi1>
      %masked_cummax3A_557 = arith.constant -2147483648 : i32
      %masked_cummax3A_558 = vector.broadcast %masked_cummax3A_557 : i32 to vector<16xi32>
      %masked_cummax3A_559 = arith.xori %neg3A_554, %masked_cummax3A_558 : vector<16xi32>
      %masked_cummax3A_560 = tpu.scan <max>, %masked_cummax3A_559 masked %broadcast_in_dim3A_556 : vector<16xi32>, vector<16xi1> -> vector<16xi32>
      %masked_cummax3A_561 = arith.xori %masked_cummax3A_560, %masked_cummax3A_558 : vector<16xi32>
      %rev3A_562 = arith.constant 15 : i32
      %rev3A_563 = vector.broadcast %rev3A_562 : i32 to vector<16xi32>
      %rev3A_564 = tpu.iota {dimensions = array<i32: 0>} : vector<16xi32>
      %rev3A_565 = arith.subi %rev3A_563, %rev3A_564 : vector<16xi32>
      %rev3A_566 = tpu.dynamic_gather %masked_cummax3A_561[%rev3A_565] in [0] : vector<16xi32>, vector<16xi32> -> vector<16xi32>
      %broadcast_in_dim3A_567 = arith.constant true
      %broadcast_in_dim3A_568 = vector.broadcast %broadcast_in_dim3A_567 : i1 to vector<16xi1>
      %masked_cummax3A_569 = arith.constant -2147483648 : i32
      %masked_cummax3A_570 = vector.broadcast %masked_cummax3A_569 : i32 to vector<16xi32>
      %masked_cummax3A_571 = arith.xori %rev3A_566, %masked_cummax3A_570 : vector<16xi32>
      %masked_cummax3A_572 = tpu.scan <max>, %masked_cummax3A_571 masked %broadcast_in_dim3A_568 : vector<16xi32>, vector<16xi1> -> vector<16xi32>
      %masked_cummax3A_573 = arith.xori %masked_cummax3A_572, %masked_cummax3A_570 : vector<16xi32>
      %neg3A_574 = arith.constant 0 : i32
      %neg3A_575 = vector.broadcast %neg3A_574 : i32 to vector<16xi32>
      %neg3A_576 = arith.subi %neg3A_575, %masked_cummax3A_573 : vector<16xi32>
      %mul3A_577 = arith.constant 16 : i32
      %mul3A_578 = vector.broadcast %mul3A_577 : i32 to vector<16xi32>
      %mul3A_579 = arith.muli %neg3A_576, %mul3A_578 : vector<16xi32>
      %add3A_580 = arith.addi %mul3A_579, %iota3A : vector<16xi32>
      %gather3A_581 = tpu.vector_load_idx %arg13[%add3A_580] : memref<20000xf32, #tpu.memory_space<vmem>>[vector<16xi32>], vector<16xf32>,
      %eq3A_582 = arith.cmpf oeq, %gather3A_581, %broadcast_in_dim3A_474 : vector<16xf32>
      %mul3A_583 = arith.constant 16 : i32
      %mul3A_584 = vector.broadcast %mul3A_583 : i32 to vector<16xi32>
      %mul3A_585 = arith.muli %neg3A_576, %mul3A_584 : vector<16xi32>
      %add3A_586 = arith.addi %mul3A_585, %iota3A : vector<16xi32>
      %jit3A_587 = arith.constant 1073741824 : i32
      %broadcast_in_dim3A_588 = vector.broadcast %jit3A_587 : i32 to vector<16xi32>
      %select_n3A_589 = arith.select %eq3A_582, %add3A_586, %broadcast_in_dim3A_588 : vector<16xi1>, vector<16xi32>
      %neg3A_590 = arith.constant 0 : i32
      %neg3A_591 = vector.broadcast %neg3A_590 : i32 to vector<16xi32>
      %neg3A_592 = arith.subi %neg3A_591, %select_n3A_589 : vector<16xi32>
      %broadcast_in_dim3A_593 = arith.constant true
      %broadcast_in_dim3A_594 = vector.broadcast %broadcast_in_dim3A_593 : i1 to vector<16xi1>
      %masked_cummax3A_595 = arith.constant -2147483648 : i32
      %masked_cummax3A_596 = vector.broadcast %masked_cummax3A_595 : i32 to vector<16xi32>
      %masked_cummax3A_597 = arith.xori %neg3A_592, %masked_cummax3A_596 : vector<16xi32>
      %masked_cummax3A_598 = tpu.scan <max>, %masked_cummax3A_597 masked %broadcast_in_dim3A_594 : vector<16xi32>, vector<16xi1> -> vector<16xi32>
      %masked_cummax3A_599 = arith.xori %masked_cummax3A_598, %masked_cummax3A_596 : vector<16xi32>
      %rev3A_600 = arith.constant 15 : i32
      %rev3A_601 = vector.broadcast %rev3A_600 : i32 to vector<16xi32>
      %rev3A_602 = tpu.iota {dimensions = array<i32: 0>} : vector<16xi32>
      %rev3A_603 = arith.subi %rev3A_601, %rev3A_602 : vector<16xi32>
      %rev3A_604 = tpu.dynamic_gather %masked_cummax3A_599[%rev3A_603] in [0] : vector<16xi32>, vector<16xi32> -> vector<16xi32>
      %broadcast_in_dim3A_605 = arith.constant true
      %broadcast_in_dim3A_606 = vector.broadcast %broadcast_in_dim3A_605 : i1 to vector<16xi1>
      %masked_cummax3A_607 = arith.constant -2147483648 : i32
      %masked_cummax3A_608 = vector.broadcast %masked_cummax3A_607 : i32 to vector<16xi32>
      %masked_cummax3A_609 = arith.xori %rev3A_604, %masked_cummax3A_608 : vector<16xi32>
      %masked_cummax3A_610 = tpu.scan <max>, %masked_cummax3A_609 masked %broadcast_in_dim3A_606 : vector<16xi32>, vector<16xi1> -> vector<16xi32>
      %masked_cummax3A_611 = arith.xori %masked_cummax3A_610, %masked_cummax3A_608 : vector<16xi32>
      %neg3A_612 = arith.constant 0 : i32
      %neg3A_613 = vector.broadcast %neg3A_612 : i32 to vector<16xi32>
      %neg3A_614 = arith.subi %neg3A_613, %masked_cummax3A_611 : vector<16xi32>
      %gather3A_615 = tpu.vector_load_idx %arg8[%neg3A_614] : memref<20000xf32, #tpu.memory_space<vmem>>[vector<16xi32>], vector<16xf32>,
      %gather3A_616 = tpu.vector_load_idx %arg9[%neg3A_614] : memref<20000xf32, #tpu.memory_space<vmem>>[vector<16xi32>], vector<16xf32>,
      %gather3A_617 = tpu.vector_load_idx %arg10[%neg3A_614] : memref<20000xf32, #tpu.memory_space<vmem>>[vector<16xi32>], vector<16xf32>,
      %gather3A_618 = tpu.vector_load_idx %arg11[%neg3A_614] : memref<20000xf32, #tpu.memory_space<vmem>>[vector<16xi32>], vector<16xf32>,
      %gather3A_619 = tpu.vector_load_idx %arg12[%neg3A_614] : memref<20000xf32, #tpu.memory_space<vmem>>[vector<16xi32>], vector<16xf32>,
      %broadcast_in_dim3A_620 = arith.constant 0.000000e+00 : f32
      %broadcast_in_dim3A_621 = vector.broadcast %broadcast_in_dim3A_620 : f32 to vector<16xf32>
      %get3A_622 = arith.constant 0 : index
      %get3A_623 = tpu.vector_load %arg18[%get3A_622] {strides = array<i32>} : memref<128xf32, #tpu.memory_space<vmem>>, vector<16xf32>,
      %get3A_624 = arith.constant 0 : index
      %get3A_625 = tpu.vector_load %arg19[%get3A_624] {strides = array<i32>} : memref<128xf32, #tpu.memory_space<vmem>>, vector<16xf32>,
      %get3A_626 = arith.constant 0 : index
      %get3A_627 = tpu.vector_load %arg20[%get3A_626] {strides = array<i32>} : memref<128xf32, #tpu.memory_space<vmem>>, vector<16xf32>,
      %get3A_628 = arith.constant 0 : index
      %get3A_629 = tpu.vector_load %arg21[%get3A_628] {strides = array<i32>} : memref<128xf32, #tpu.memory_space<vmem>>, vector<16xf32>,
      %get3A_630 = arith.constant 0 : index
      %get3A_631 = tpu.vector_load %arg22[%get3A_630] {strides = array<i32>} : memref<128xf32, #tpu.memory_space<vmem>>, vector<16xf32>,
      %max3A_632 = arith.maximumf %get3A_623, %gather3A_615 : vector<16xf32>
      %max3A_633 = arith.maximumf %get3A_625, %gather3A_616 : vector<16xf32>
      %min3A = arith.minimumf %get3A_627, %gather3A_617 : vector<16xf32>
      %min3A_634 = arith.minimumf %get3A_629, %gather3A_618 : vector<16xf32>
      %sub3A_635 = arith.subf %min3A, %max3A_632 : vector<16xf32>
      %max3A_636 = arith.constant 0.000000e+00 : f32
      %max3A_637 = vector.broadcast %max3A_636 : f32 to vector<16xf32>
      %max3A_638 = arith.maximumf %sub3A_635, %max3A_637 : vector<16xf32>
      %sub3A_639 = arith.subf %min3A_634, %max3A_633 : vector<16xf32>
      %max3A_640 = arith.constant 0.000000e+00 : f32
      %max3A_641 = vector.broadcast %max3A_640 : f32 to vector<16xf32>
      %max3A_642 = arith.maximumf %sub3A_639, %max3A_641 : vector<16xf32>
      %mul3A_643 = arith.mulf %max3A_638, %max3A_642 : vector<16xf32>
      %add3A_644 = arith.addf %get3A_631, %gather3A_619 : vector<16xf32>
      %sub3A_645 = arith.subf %add3A_644, %mul3A_643 : vector<16xf32>
      %add3A_646 = arith.constant 9.99999993E-9 : f32
      %add3A_647 = vector.broadcast %add3A_646 : f32 to vector<16xf32>
      %add3A_648 = arith.addf %sub3A_645, %add3A_647 : vector<16xf32>
      %div3A_649 = arith.divf %mul3A_643, %add3A_648 : vector<16xf32>
      %max3A_650 = arith.maximumf %broadcast_in_dim3A_621, %div3A_649 : vector<16xf32>
      %get3A_651 = arith.constant 16 : index
      %get3A_652 = tpu.vector_load %arg18[%get3A_651] {strides = array<i32>} : memref<128xf32, #tpu.memory_space<vmem>>, vector<16xf32>,
      %get3A_653 = arith.constant 16 : index
      %get3A_654 = tpu.vector_load %arg19[%get3A_653] {strides = array<i32>} : memref<128xf32, #tpu.memory_space<vmem>>, vector<16xf32>,
      %get3A_655 = arith.constant 16 : index
      %get3A_656 = tpu.vector_load %arg20[%get3A_655] {strides = array<i32>} : memref<128xf32, #tpu.memory_space<vmem>>, vector<16xf32>,
      %get3A_657 = arith.constant 16 : index
      %get3A_658 = tpu.vector_load %arg21[%get3A_657] {strides = array<i32>} : memref<128xf32, #tpu.memory_space<vmem>>, vector<16xf32>,
      %get3A_659 = arith.constant 16 : index
      %get3A_660 = tpu.vector_load %arg22[%get3A_659] {strides = array<i32>} : memref<128xf32, #tpu.memory_space<vmem>>, vector<16xf32>,
      %max3A_661 = arith.maximumf %get3A_652, %gather3A_615 : vector<16xf32>
      %max3A_662 = arith.maximumf %get3A_654, %gather3A_616 : vector<16xf32>
      %min3A_663 = arith.minimumf %get3A_656, %gather3A_617 : vector<16xf32>
      %min3A_664 = arith.minimumf %get3A_658, %gather3A_618 : vector<16xf32>
      %sub3A_665 = arith.subf %min3A_663, %max3A_661 : vector<16xf32>
      %max3A_666 = arith.constant 0.000000e+00 : f32
      %max3A_667 = vector.broadcast %max3A_666 : f32 to vector<16xf32>
      %max3A_668 = arith.maximumf %sub3A_665, %max3A_667 : vector<16xf32>
      %sub3A_669 = arith.subf %min3A_664, %max3A_662 : vector<16xf32>
      %max3A_670 = arith.constant 0.000000e+00 : f32
      %max3A_671 = vector.broadcast %max3A_670 : f32 to vector<16xf32>
      %max3A_672 = arith.maximumf %sub3A_669, %max3A_671 : vector<16xf32>
      %mul3A_673 = arith.mulf %max3A_668, %max3A_672 : vector<16xf32>
      %add3A_674 = arith.addf %get3A_660, %gather3A_619 : vector<16xf32>
      %sub3A_675 = arith.subf %add3A_674, %mul3A_673 : vector<16xf32>
      %add3A_676 = arith.constant 9.99999993E-9 : f32
      %add3A_677 = vector.broadcast %add3A_676 : f32 to vector<16xf32>
      %add3A_678 = arith.addf %sub3A_675, %add3A_677 : vector<16xf32>
      %div3A_679 = arith.divf %mul3A_673, %add3A_678 : vector<16xf32>
      %max3A_680 = arith.maximumf %max3A_650, %div3A_679 : vector<16xf32>
      %get3A_681 = arith.constant 32 : index
      %get3A_682 = tpu.vector_load %arg18[%get3A_681] {strides = array<i32>} : memref<128xf32, #tpu.memory_space<vmem>>, vector<16xf32>,
      %get3A_683 = arith.constant 32 : index
      %get3A_684 = tpu.vector_load %arg19[%get3A_683] {strides = array<i32>} : memref<128xf32, #tpu.memory_space<vmem>>, vector<16xf32>,
      %get3A_685 = arith.constant 32 : index
      %get3A_686 = tpu.vector_load %arg20[%get3A_685] {strides = array<i32>} : memref<128xf32, #tpu.memory_space<vmem>>, vector<16xf32>,
      %get3A_687 = arith.constant 32 : index
      %get3A_688 = tpu.vector_load %arg21[%get3A_687] {strides = array<i32>} : memref<128xf32, #tpu.memory_space<vmem>>, vector<16xf32>,
      %get3A_689 = arith.constant 32 : index
      %get3A_690 = tpu.vector_load %arg22[%get3A_689] {strides = array<i32>} : memref<128xf32, #tpu.memory_space<vmem>>, vector<16xf32>,
      %max3A_691 = arith.maximumf %get3A_682, %gather3A_615 : vector<16xf32>
      %max3A_692 = arith.maximumf %get3A_684, %gather3A_616 : vector<16xf32>
      %min3A_693 = arith.minimumf %get3A_686, %gather3A_617 : vector<16xf32>
      %min3A_694 = arith.minimumf %get3A_688, %gather3A_618 : vector<16xf32>
      %sub3A_695 = arith.subf %min3A_693, %max3A_691 : vector<16xf32>
      %max3A_696 = arith.constant 0.000000e+00 : f32
      %max3A_697 = vector.broadcast %max3A_696 : f32 to vector<16xf32>
      %max3A_698 = arith.maximumf %sub3A_695, %max3A_697 : vector<16xf32>
      %sub3A_699 = arith.subf %min3A_694, %max3A_692 : vector<16xf32>
      %max3A_700 = arith.constant 0.000000e+00 : f32
      %max3A_701 = vector.broadcast %max3A_700 : f32 to vector<16xf32>
      %max3A_702 = arith.maximumf %sub3A_699, %max3A_701 : vector<16xf32>
      %mul3A_703 = arith.mulf %max3A_698, %max3A_702 : vector<16xf32>
      %add3A_704 = arith.addf %get3A_690, %gather3A_619 : vector<16xf32>
      %sub3A_705 = arith.subf %add3A_704, %mul3A_703 : vector<16xf32>
      %add3A_706 = arith.constant 9.99999993E-9 : f32
      %add3A_707 = vector.broadcast %add3A_706 : f32 to vector<16xf32>
      %add3A_708 = arith.addf %sub3A_705, %add3A_707 : vector<16xf32>
      %div3A_709 = arith.divf %mul3A_703, %add3A_708 : vector<16xf32>
      %max3A_710 = arith.maximumf %max3A_680, %div3A_709 : vector<16xf32>
      %get3A_711 = arith.constant 48 : index
      %get3A_712 = tpu.vector_load %arg18[%get3A_711] {strides = array<i32>} : memref<128xf32, #tpu.memory_space<vmem>>, vector<16xf32>,
      %get3A_713 = arith.constant 48 : index
      %get3A_714 = tpu.vector_load %arg19[%get3A_713] {strides = array<i32>} : memref<128xf32, #tpu.memory_space<vmem>>, vector<16xf32>,
      %get3A_715 = arith.constant 48 : index
      %get3A_716 = tpu.vector_load %arg20[%get3A_715] {strides = array<i32>} : memref<128xf32, #tpu.memory_space<vmem>>, vector<16xf32>,
      %get3A_717 = arith.constant 48 : index
      %get3A_718 = tpu.vector_load %arg21[%get3A_717] {strides = array<i32>} : memref<128xf32, #tpu.memory_space<vmem>>, vector<16xf32>,
      %get3A_719 = arith.constant 48 : index
      %get3A_720 = tpu.vector_load %arg22[%get3A_719] {strides = array<i32>} : memref<128xf32, #tpu.memory_space<vmem>>, vector<16xf32>,
      %max3A_721 = arith.maximumf %get3A_712, %gather3A_615 : vector<16xf32>
      %max3A_722 = arith.maximumf %get3A_714, %gather3A_616 : vector<16xf32>
      %min3A_723 = arith.minimumf %get3A_716, %gather3A_617 : vector<16xf32>
      %min3A_724 = arith.minimumf %get3A_718, %gather3A_618 : vector<16xf32>
      %sub3A_725 = arith.subf %min3A_723, %max3A_721 : vector<16xf32>
      %max3A_726 = arith.constant 0.000000e+00 : f32
      %max3A_727 = vector.broadcast %max3A_726 : f32 to vector<16xf32>
      %max3A_728 = arith.maximumf %sub3A_725, %max3A_727 : vector<16xf32>
      %sub3A_729 = arith.subf %min3A_724, %max3A_722 : vector<16xf32>
      %max3A_730 = arith.constant 0.000000e+00 : f32
      %max3A_731 = vector.broadcast %max3A_730 : f32 to vector<16xf32>
      %max3A_732 = arith.maximumf %sub3A_729, %max3A_731 : vector<16xf32>
      %mul3A_733 = arith.mulf %max3A_728, %max3A_732 : vector<16xf32>
      %add3A_734 = arith.addf %get3A_720, %gather3A_619 : vector<16xf32>
      %sub3A_735 = arith.subf %add3A_734, %mul3A_733 : vector<16xf32>
      %add3A_736 = arith.constant 9.99999993E-9 : f32
      %add3A_737 = vector.broadcast %add3A_736 : f32 to vector<16xf32>
      %add3A_738 = arith.addf %sub3A_735, %add3A_737 : vector<16xf32>
      %div3A_739 = arith.divf %mul3A_733, %add3A_738 : vector<16xf32>
      %max3A_740 = arith.maximumf %max3A_710, %div3A_739 : vector<16xf32>
      %get3A_741 = arith.constant 64 : index
      %get3A_742 = tpu.vector_load %arg18[%get3A_741] {strides = array<i32>} : memref<128xf32, #tpu.memory_space<vmem>>, vector<16xf32>,
      %get3A_743 = arith.constant 64 : index
      %get3A_744 = tpu.vector_load %arg19[%get3A_743] {strides = array<i32>} : memref<128xf32, #tpu.memory_space<vmem>>, vector<16xf32>,
      %get3A_745 = arith.constant 64 : index
      %get3A_746 = tpu.vector_load %arg20[%get3A_745] {strides = array<i32>} : memref<128xf32, #tpu.memory_space<vmem>>, vector<16xf32>,
      %get3A_747 = arith.constant 64 : index
      %get3A_748 = tpu.vector_load %arg21[%get3A_747] {strides = array<i32>} : memref<128xf32, #tpu.memory_space<vmem>>, vector<16xf32>,
      %get3A_749 = arith.constant 64 : index
      %get3A_750 = tpu.vector_load %arg22[%get3A_749] {strides = array<i32>} : memref<128xf32, #tpu.memory_space<vmem>>, vector<16xf32>,
      %max3A_751 = arith.maximumf %get3A_742, %gather3A_615 : vector<16xf32>
      %max3A_752 = arith.maximumf %get3A_744, %gather3A_616 : vector<16xf32>
      %min3A_753 = arith.minimumf %get3A_746, %gather3A_617 : vector<16xf32>
      %min3A_754 = arith.minimumf %get3A_748, %gather3A_618 : vector<16xf32>
      %sub3A_755 = arith.subf %min3A_753, %max3A_751 : vector<16xf32>
      %max3A_756 = arith.constant 0.000000e+00 : f32
      %max3A_757 = vector.broadcast %max3A_756 : f32 to vector<16xf32>
      %max3A_758 = arith.maximumf %sub3A_755, %max3A_757 : vector<16xf32>
      %sub3A_759 = arith.subf %min3A_754, %max3A_752 : vector<16xf32>
      %max3A_760 = arith.constant 0.000000e+00 : f32
      %max3A_761 = vector.broadcast %max3A_760 : f32 to vector<16xf32>
      %max3A_762 = arith.maximumf %sub3A_759, %max3A_761 : vector<16xf32>
      %mul3A_763 = arith.mulf %max3A_758, %max3A_762 : vector<16xf32>
      %add3A_764 = arith.addf %get3A_750, %gather3A_619 : vector<16xf32>
      %sub3A_765 = arith.subf %add3A_764, %mul3A_763 : vector<16xf32>
      %add3A_766 = arith.constant 9.99999993E-9 : f32
      %add3A_767 = vector.broadcast %add3A_766 : f32 to vector<16xf32>
      %add3A_768 = arith.addf %sub3A_765, %add3A_767 : vector<16xf32>
      %div3A_769 = arith.divf %mul3A_763, %add3A_768 : vector<16xf32>
      %max3A_770 = arith.maximumf %max3A_740, %div3A_769 : vector<16xf32>
      %get3A_771 = arith.constant 80 : index
      %get3A_772 = tpu.vector_load %arg18[%get3A_771] {strides = array<i32>} : memref<128xf32, #tpu.memory_space<vmem>>, vector<16xf32>,
      %get3A_773 = arith.constant 80 : index
      %get3A_774 = tpu.vector_load %arg19[%get3A_773] {strides = array<i32>} : memref<128xf32, #tpu.memory_space<vmem>>, vector<16xf32>,
      %get3A_775 = arith.constant 80 : index
      %get3A_776 = tpu.vector_load %arg20[%get3A_775] {strides = array<i32>} : memref<128xf32, #tpu.memory_space<vmem>>, vector<16xf32>,
      %get3A_777 = arith.constant 80 : index
      %get3A_778 = tpu.vector_load %arg21[%get3A_777] {strides = array<i32>} : memref<128xf32, #tpu.memory_space<vmem>>, vector<16xf32>,
      %get3A_779 = arith.constant 80 : index
      %get3A_780 = tpu.vector_load %arg22[%get3A_779] {strides = array<i32>} : memref<128xf32, #tpu.memory_space<vmem>>, vector<16xf32>,
      %max3A_781 = arith.maximumf %get3A_772, %gather3A_615 : vector<16xf32>
      %max3A_782 = arith.maximumf %get3A_774, %gather3A_616 : vector<16xf32>
      %min3A_783 = arith.minimumf %get3A_776, %gather3A_617 : vector<16xf32>
      %min3A_784 = arith.minimumf %get3A_778, %gather3A_618 : vector<16xf32>
      %sub3A_785 = arith.subf %min3A_783, %max3A_781 : vector<16xf32>
      %max3A_786 = arith.constant 0.000000e+00 : f32
      %max3A_787 = vector.broadcast %max3A_786 : f32 to vector<16xf32>
      %max3A_788 = arith.maximumf %sub3A_785, %max3A_787 : vector<16xf32>
      %sub3A_789 = arith.subf %min3A_784, %max3A_782 : vector<16xf32>
      %max3A_790 = arith.constant 0.000000e+00 : f32
      %max3A_791 = vector.broadcast %max3A_790 : f32 to vector<16xf32>
      %max3A_792 = arith.maximumf %sub3A_789, %max3A_791 : vector<16xf32>
      %mul3A_793 = arith.mulf %max3A_788, %max3A_792 : vector<16xf32>
      %add3A_794 = arith.addf %get3A_780, %gather3A_619 : vector<16xf32>
      %sub3A_795 = arith.subf %add3A_794, %mul3A_793 : vector<16xf32>
      %add3A_796 = arith.constant 9.99999993E-9 : f32
      %add3A_797 = vector.broadcast %add3A_796 : f32 to vector<16xf32>
      %add3A_798 = arith.addf %sub3A_795, %add3A_797 : vector<16xf32>
      %div3A_799 = arith.divf %mul3A_793, %add3A_798 : vector<16xf32>
      %max3A_800 = arith.maximumf %max3A_770, %div3A_799 : vector<16xf32>
      %get3A_801 = arith.constant 96 : index
      %get3A_802 = tpu.vector_load %arg18[%get3A_801] {strides = array<i32>} : memref<128xf32, #tpu.memory_space<vmem>>, vector<16xf32>,
      %get3A_803 = arith.constant 96 : index
      %get3A_804 = tpu.vector_load %arg19[%get3A_803] {strides = array<i32>} : memref<128xf32, #tpu.memory_space<vmem>>, vector<16xf32>,
      %get3A_805 = arith.constant 96 : index
      %get3A_806 = tpu.vector_load %arg20[%get3A_805] {strides = array<i32>} : memref<128xf32, #tpu.memory_space<vmem>>, vector<16xf32>,
      %get3A_807 = arith.constant 96 : index
      %get3A_808 = tpu.vector_load %arg21[%get3A_807] {strides = array<i32>} : memref<128xf32, #tpu.memory_space<vmem>>, vector<16xf32>,
      %get3A_809 = arith.constant 96 : index
      %get3A_810 = tpu.vector_load %arg22[%get3A_809] {strides = array<i32>} : memref<128xf32, #tpu.memory_space<vmem>>, vector<16xf32>,
      %max3A_811 = arith.maximumf %get3A_802, %gather3A_615 : vector<16xf32>
      %max3A_812 = arith.maximumf %get3A_804, %gather3A_616 : vector<16xf32>
      %min3A_813 = arith.minimumf %get3A_806, %gather3A_617 : vector<16xf32>
      %min3A_814 = arith.minimumf %get3A_808, %gather3A_618 : vector<16xf32>
      %sub3A_815 = arith.subf %min3A_813, %max3A_811 : vector<16xf32>
      %max3A_816 = arith.constant 0.000000e+00 : f32
      %max3A_817 = vector.broadcast %max3A_816 : f32 to vector<16xf32>
      %max3A_818 = arith.maximumf %sub3A_815, %max3A_817 : vector<16xf32>
      %sub3A_819 = arith.subf %min3A_814, %max3A_812 : vector<16xf32>
      %max3A_820 = arith.constant 0.000000e+00 : f32
      %max3A_821 = vector.broadcast %max3A_820 : f32 to vector<16xf32>
      %max3A_822 = arith.maximumf %sub3A_819, %max3A_821 : vector<16xf32>
      %mul3A_823 = arith.mulf %max3A_818, %max3A_822 : vector<16xf32>
      %add3A_824 = arith.addf %get3A_810, %gather3A_619 : vector<16xf32>
      %sub3A_825 = arith.subf %add3A_824, %mul3A_823 : vector<16xf32>
      %add3A_826 = arith.constant 9.99999993E-9 : f32
      %add3A_827 = vector.broadcast %add3A_826 : f32 to vector<16xf32>
      %add3A_828 = arith.addf %sub3A_825, %add3A_827 : vector<16xf32>
      %div3A_829 = arith.divf %mul3A_823, %add3A_828 : vector<16xf32>
      %max3A_830 = arith.maximumf %max3A_800, %div3A_829 : vector<16xf32>
      %reduce_max3A_831 = arith.constant true
      %reduce_max3A_832 = vector.broadcast %reduce_max3A_831 : i1 to vector<16xi1>
      %reduce_max3A_833 = tpu.scan <max>, %max3A_830 masked %reduce_max3A_832 : vector<16xf32>, vector<16xi1> -> vector<16xf32>
      %reduce_max3A_834 = vector.extract %reduce_max3A_833[15] : f32 from vector<16xf32>
      %gt3A_835 = arith.constant 5.000000e-01 : f32
      %gt3A_836 = arith.cmpf ogt, %reduce_max3A_834, %gt3A_835 : f32
      %not3A = arith.constant true
      %not3A_837 = arith.xori %gt3A_836, %not3A : i1
      %and3A_838 = vector.broadcast %not3A_837 : i1 to vector<16xi1>
      %and3A_839 = arith.andi %eq3A_47, %and3A_838 : vector<16xi1>
      %broadcast_in_dim3A_840 = vector.broadcast %while3A_472 : i32 to vector<16xi32>
      %broadcast_in_dim3A_841 = arith.constant 0 : i32
      %broadcast_in_dim3A_842 = vector.broadcast %broadcast_in_dim3A_841 : i32 to vector<16xi32>
      tpu.vector_store_idx %arg14[%broadcast_in_dim3A_842, %broadcast_in_dim3A_840], %neg3A_614 masked %and3A_839 : memref<2x128xi32, #tpu.memory_space<vmem>>[vector<16xi32>, vector<16xi32>], vector<16xi32>, vector<16xi1>
      %broadcast_in_dim3A_843 = arith.constant 0 : i32
      %broadcast_in_dim3A_844 = vector.broadcast %broadcast_in_dim3A_843 : i32 to vector<16xi32>
      tpu.vector_store_idx %arg15[%broadcast_in_dim3A_844, %broadcast_in_dim3A_840], %broadcast_in_dim3A_474 masked %and3A_839 : memref<2x128xf32, #tpu.memory_space<vmem>>[vector<16xi32>, vector<16xi32>], vector<16xf32>, vector<16xi1>
      tpu.vector_store_idx %arg18[%broadcast_in_dim3A_840], %gather3A_615 masked %and3A_839 : memref<128xf32, #tpu.memory_space<vmem>>[vector<16xi32>], vector<16xf32>, vector<16xi1>
      tpu.vector_store_idx %arg19[%broadcast_in_dim3A_840], %gather3A_616 masked %and3A_839 : memref<128xf32, #tpu.memory_space<vmem>>[vector<16xi32>], vector<16xf32>, vector<16xi1>
      tpu.vector_store_idx %arg20[%broadcast_in_dim3A_840], %gather3A_617 masked %and3A_839 : memref<128xf32, #tpu.memory_space<vmem>>[vector<16xi32>], vector<16xf32>, vector<16xi1>
      tpu.vector_store_idx %arg21[%broadcast_in_dim3A_840], %gather3A_618 masked %and3A_839 : memref<128xf32, #tpu.memory_space<vmem>>[vector<16xi32>], vector<16xf32>, vector<16xi1>
      tpu.vector_store_idx %arg22[%broadcast_in_dim3A_840], %gather3A_619 masked %and3A_839 : memref<128xf32, #tpu.memory_space<vmem>>[vector<16xi32>], vector<16xf32>, vector<16xi1>
      %broadcast_in_dim3A_845 = arith.constant 0xFF800000 : f32
      %broadcast_in_dim3A_846 = vector.broadcast %broadcast_in_dim3A_845 : f32 to vector<16xf32>
      tpu.vector_store_idx %arg13[%neg3A_614], %broadcast_in_dim3A_846 masked %eq3A_47 : memref<20000xf32, #tpu.memory_space<vmem>>[vector<16xi32>], vector<16xf32>, vector<16xi1>
      %mul3A_847 = arith.constant 16 : i32
      %mul3A_848 = vector.broadcast %mul3A_847 : i32 to vector<16xi32>
      %mul3A_849 = arith.muli %neg3A_576, %mul3A_848 : vector<16xi32>
      %add3A_850 = arith.addi %mul3A_849, %iota3A : vector<16xi32>
      %eq3A_851 = arith.cmpi eq, %add3A_850, %neg3A_614 : vector<16xi32>
      %jit3A_852 = arith.constant 0xFF800000 : f32
      %broadcast_in_dim3A_853 = vector.broadcast %jit3A_852 : f32 to vector<16xf32>
      %select_n3A_854 = arith.select %eq3A_851, %broadcast_in_dim3A_853, %gather3A_581 : vector<16xi1>, vector<16xf32>
      %broadcast_in_dim3A_855 = arith.constant true
      %broadcast_in_dim3A_856 = vector.broadcast %broadcast_in_dim3A_855 : i1 to vector<16xi1>
      %masked_cummax3A_857 = tpu.scan <max>, %select_n3A_854 masked %broadcast_in_dim3A_856 : vector<16xf32>, vector<16xi1> -> vector<16xf32>
      %rev3A_858 = arith.constant 15 : i32
      %rev3A_859 = vector.broadcast %rev3A_858 : i32 to vector<16xi32>
      %rev3A_860 = tpu.iota {dimensions = array<i32: 0>} : vector<16xi32>
      %rev3A_861 = arith.subi %rev3A_859, %rev3A_860 : vector<16xi32>
      %rev3A_862 = tpu.dynamic_gather %masked_cummax3A_857[%rev3A_861] in [0] : vector<16xf32>, vector<16xi32> -> vector<16xf32>
      %broadcast_in_dim3A_863 = arith.constant true
      %broadcast_in_dim3A_864 = vector.broadcast %broadcast_in_dim3A_863 : i1 to vector<16xi1>
      %masked_cummax3A_865 = tpu.scan <max>, %rev3A_862 masked %broadcast_in_dim3A_864 : vector<16xf32>, vector<16xi1> -> vector<16xf32>
      tpu.vector_store_idx %arg16[%neg3A_576], %masked_cummax3A_865 masked %eq3A_47 : memref<1280xf32, #tpu.memory_space<vmem>>[vector<16xi32>], vector<16xf32>, vector<16xi1>
      %mul3A_866 = arith.constant 16 : i32
      %mul3A_867 = vector.broadcast %mul3A_866 : i32 to vector<16xi32>
      %mul3A_868 = arith.muli %neg3A_539, %mul3A_867 : vector<16xi32>
      %add3A_869 = arith.addi %mul3A_868, %iota3A : vector<16xi32>
      %eq3A_870 = arith.cmpi eq, %add3A_869, %neg3A_576 : vector<16xi32>
      %select_n3A_871 = arith.select %eq3A_870, %masked_cummax3A_865, %gather3A : vector<16xi1>, vector<16xf32>
      %broadcast_in_dim3A_872 = arith.constant true
      %broadcast_in_dim3A_873 = vector.broadcast %broadcast_in_dim3A_872 : i1 to vector<16xi1>
      %masked_cummax3A_874 = tpu.scan <max>, %select_n3A_871 masked %broadcast_in_dim3A_873 : vector<16xf32>, vector<16xi1> -> vector<16xf32>
      %rev3A_875 = arith.constant 15 : i32
      %rev3A_876 = vector.broadcast %rev3A_875 : i32 to vector<16xi32>
      %rev3A_877 = tpu.iota {dimensions = array<i32: 0>} : vector<16xi32>
      %rev3A_878 = arith.subi %rev3A_876, %rev3A_877 : vector<16xi32>
      %rev3A_879 = tpu.dynamic_gather %masked_cummax3A_874[%rev3A_878] in [0] : vector<16xf32>, vector<16xi32> -> vector<16xf32>
      %broadcast_in_dim3A_880 = arith.constant true
      %broadcast_in_dim3A_881 = vector.broadcast %broadcast_in_dim3A_880 : i1 to vector<16xi1>
      %masked_cummax3A_882 = tpu.scan <max>, %rev3A_879 masked %broadcast_in_dim3A_881 : vector<16xf32>, vector<16xi1> -> vector<16xf32>
      tpu.vector_store_idx %arg17[%neg3A_539], %masked_cummax3A_882 masked %eq3A_47 : memref<80xf32, #tpu.memory_space<vmem>>[vector<16xi32>], vector<16xf32>, vector<16xi1>
      %add3A_883 = arith.constant 0 : i32
      %add3A_884 = vector.broadcast %add3A_883 : i32 to vector<16xi32>
      %add3A_885 = arith.addi %add3A_884, %iota3A : vector<16xi32>
      %eq3A_886 = arith.cmpi eq, %add3A_885, %neg3A_539 : vector<16xi32>
      %select_n3A_887 = arith.select %eq3A_886, %masked_cummax3A_882, %get3A_476 : vector<16xi1>, vector<16xf32>
      %max3A_888 = arith.maximumf %broadcast_in_dim3A_42, %select_n3A_887 : vector<16xf32>
      %add3A_889 = arith.constant 16 : i32
      %add3A_890 = vector.broadcast %add3A_889 : i32 to vector<16xi32>
      %add3A_891 = arith.addi %add3A_890, %iota3A : vector<16xi32>
      %eq3A_892 = arith.cmpi eq, %add3A_891, %neg3A_539 : vector<16xi32>
      %select_n3A_893 = arith.select %eq3A_892, %masked_cummax3A_882, %get3A_483 : vector<16xi1>, vector<16xf32>
      %max3A_894 = arith.maximumf %max3A_888, %select_n3A_893 : vector<16xf32>
      %add3A_895 = arith.constant 32 : i32
      %add3A_896 = vector.broadcast %add3A_895 : i32 to vector<16xi32>
      %add3A_897 = arith.addi %add3A_896, %iota3A : vector<16xi32>
      %eq3A_898 = arith.cmpi eq, %add3A_897, %neg3A_539 : vector<16xi32>
      %select_n3A_899 = arith.select %eq3A_898, %masked_cummax3A_882, %get3A_491 : vector<16xi1>, vector<16xf32>
      %max3A_900 = arith.maximumf %max3A_894, %select_n3A_899 : vector<16xf32>
      %add3A_901 = arith.constant 48 : i32
      %add3A_902 = vector.broadcast %add3A_901 : i32 to vector<16xi32>
      %add3A_903 = arith.addi %add3A_902, %iota3A : vector<16xi32>
      %eq3A_904 = arith.cmpi eq, %add3A_903, %neg3A_539 : vector<16xi32>
      %select_n3A_905 = arith.select %eq3A_904, %masked_cummax3A_882, %get3A_499 : vector<16xi1>, vector<16xf32>
      %max3A_906 = arith.maximumf %max3A_900, %select_n3A_905 : vector<16xf32>
      %add3A_907 = arith.constant 64 : i32
      %add3A_908 = vector.broadcast %add3A_907 : i32 to vector<16xi32>
      %add3A_909 = arith.addi %add3A_908, %iota3A : vector<16xi32>
      %eq3A_910 = arith.cmpi eq, %add3A_909, %neg3A_539 : vector<16xi32>
      %select_n3A_911 = arith.select %eq3A_910, %masked_cummax3A_882, %get3A_507 : vector<16xi1>, vector<16xf32>
      %max3A_912 = arith.maximumf %max3A_906, %select_n3A_911 : vector<16xf32>
      %reduce_max3A_913 = arith.constant true
      %reduce_max3A_914 = vector.broadcast %reduce_max3A_913 : i1 to vector<16xi1>
      %reduce_max3A_915 = tpu.scan <max>, %max3A_912 masked %reduce_max3A_914 : vector<16xf32>, vector<16xi1> -> vector<16xf32>
      %reduce_max3A_916 = vector.extract %reduce_max3A_915[15] : f32 from vector<16xf32>
      %jit3A_917 = arith.constant 0 : i32
      %jit3A_918 = arith.constant 1 : i32
      %select_n3A_919 = arith.select %gt3A_836, %jit3A_917, %jit3A_918 : i32
      %add3A_920 = arith.addi %while3A_472, %select_n3A_919 : i32
      scf.yield %add3A_920, %reduce_max3A_916 : i32, f32
    }
    %while3A_244 = arith.constant 100 : i32
    %while3A_245 = arith.constant 0 : i32
    %while3A_246 = arith.subi %while3A_244, %while3A_243#0 : i32
    %while3A_247 = arith.addi %while3A_243#0, %while3A_246 : i32
    %while3A_248 = arith.constant 1 : i32
    %while3A_249 = arith.divsi %while3A_246, %while3A_248 : i32
    %while3A_250 = arith.muli %while3A_249, %while3A_248 : i32
    %while3A_251 = arith.addi %while3A_243#0, %while3A_250 : i32
    %while3A_252 = arith.constant 1 : i32
    %while3A_253 = scf.for %while3A_472 = %while3A_243#0 to %while3A_251 step %while3A_252 iter_args(%while3A_473 = %while3A_245) -> (i32)  : i32 {
      %broadcast_in_dim3A_474 = arith.constant 0 : i32
      %broadcast_in_dim3A_475 = vector.broadcast %broadcast_in_dim3A_474 : i32 to vector<16xi32>
      %broadcast_in_dim3A_476 = vector.broadcast %while3A_472 : i32 to vector<16xi32>
      %broadcast_in_dim3A_477 = arith.constant -1 : i32
      %broadcast_in_dim3A_478 = vector.broadcast %broadcast_in_dim3A_477 : i32 to vector<16xi32>
      tpu.vector_store_idx %arg14[%broadcast_in_dim3A_475, %broadcast_in_dim3A_476], %broadcast_in_dim3A_478 masked %eq3A_47 : memref<2x128xi32, #tpu.memory_space<vmem>>[vector<16xi32>, vector<16xi32>], vector<16xi32>, vector<16xi1>
      %broadcast_in_dim3A_479 = arith.constant 0 : i32
      %broadcast_in_dim3A_480 = vector.broadcast %broadcast_in_dim3A_479 : i32 to vector<16xi32>
      %broadcast_in_dim3A_481 = vector.broadcast %while3A_472 : i32 to vector<16xi32>
      %broadcast_in_dim3A_482 = arith.constant 0xFF800000 : f32
      %broadcast_in_dim3A_483 = vector.broadcast %broadcast_in_dim3A_482 : f32 to vector<16xf32>
      tpu.vector_store_idx %arg15[%broadcast_in_dim3A_480, %broadcast_in_dim3A_481], %broadcast_in_dim3A_483 masked %eq3A_47 : memref<2x128xf32, #tpu.memory_space<vmem>>[vector<16xi32>, vector<16xi32>], vector<16xf32>, vector<16xi1>
      %while3A_484 = arith.constant 0 : i32
      scf.yield %while3A_484 : i32
    }
    %while3A_254 = arith.constant 1 : i32
    %while3A_255 = scf.for %while3A_472 = %while3A_251 to %while3A_247 step %while3A_254 iter_args(%while3A_473 = %while3A_253) -> (i32)  : i32 {
      %broadcast_in_dim3A_474 = arith.constant 0 : i32
      %broadcast_in_dim3A_475 = vector.broadcast %broadcast_in_dim3A_474 : i32 to vector<16xi32>
      %broadcast_in_dim3A_476 = vector.broadcast %while3A_472 : i32 to vector<16xi32>
      %broadcast_in_dim3A_477 = arith.constant -1 : i32
      %broadcast_in_dim3A_478 = vector.broadcast %broadcast_in_dim3A_477 : i32 to vector<16xi32>
      tpu.vector_store_idx %arg14[%broadcast_in_dim3A_475, %broadcast_in_dim3A_476], %broadcast_in_dim3A_478 masked %eq3A_47 : memref<2x128xi32, #tpu.memory_space<vmem>>[vector<16xi32>, vector<16xi32>], vector<16xi32>, vector<16xi1>
      %broadcast_in_dim3A_479 = arith.constant 0 : i32
      %broadcast_in_dim3A_480 = vector.broadcast %broadcast_in_dim3A_479 : i32 to vector<16xi32>
      %broadcast_in_dim3A_481 = vector.broadcast %while3A_472 : i32 to vector<16xi32>
      %broadcast_in_dim3A_482 = arith.constant 0xFF800000 : f32
      %broadcast_in_dim3A_483 = vector.broadcast %broadcast_in_dim3A_482 : f32 to vector<16xf32>
      tpu.vector_store_idx %arg15[%broadcast_in_dim3A_480, %broadcast_in_dim3A_481], %broadcast_in_dim3A_483 masked %eq3A_47 : memref<2x128xf32, #tpu.memory_space<vmem>>[vector<16xi32>, vector<16xi32>], vector<16xf32>, vector<16xi1>
      %while3A_484 = arith.constant 0 : i32
      scf.yield %while3A_484 : i32
    }
    %add3A_256 = arith.constant 1 : i32
    %add3A_257 = arith.addi %mul3A_32, %add3A_256 : i32
    "tpu.region"() ({
      %run_scoped3A_472 = tpu.sem_alloc : memref<!tpu.dma_semaphore, #tpu.memory_space<semaphore_mem>>
      %dma_start3A = arith.constant 0 : i32
      %dma_start3A_473 = tpu.memref_slice %arg3[%add3A, %add3A_257, %dma_start3A] : memref<8x8x20000xf32, #tpu.memory_space<hbm>> -> memref<1x1x20000xf32, #tpu.memory_space<hbm>>
      %dma_start3A_474 = tpu.memref_squeeze %dma_start3A_473 : memref<1x1x20000xf32, #tpu.memory_space<hbm>> -> memref<20000xf32, #tpu.memory_space<hbm>>
      %dma_start3A_475 = arith.constant 0 : i32
      %dma_start3A_476 = tpu.memref_slice %arg3[%add3A, %add3A_257, %dma_start3A_475] : memref<8x8x20000xf32, #tpu.memory_space<hbm>> -> memref<1x1x20000xf32, #tpu.memory_space<hbm>>
      %dma_start3A_477 = tpu.memref_squeeze %dma_start3A_476 : memref<1x1x20000xf32, #tpu.memory_space<hbm>> -> memref<20000xf32, #tpu.memory_space<hbm>>
      tpu.enqueue_dma source(%dma_start3A_477 : memref<20000xf32, #tpu.memory_space<hbm>>) target(%arg13 : memref<20000xf32, #tpu.memory_space<vmem>>) target_semaphore(%run_scoped3A_472 : memref<!tpu.dma_semaphore, #tpu.memory_space<semaphore_mem>>)
      %dma_wait3A = arith.constant 0 : i32
      %dma_wait3A_478 = tpu.memref_slice %arg3[%add3A, %add3A_257, %dma_wait3A] : memref<8x8x20000xf32, #tpu.memory_space<hbm>> -> memref<1x1x20000xf32, #tpu.memory_space<hbm>>
      %dma_wait3A_479 = tpu.memref_squeeze %dma_wait3A_478 : memref<1x1x20000xf32, #tpu.memory_space<hbm>> -> memref<20000xf32, #tpu.memory_space<hbm>>
      %dma_wait3A_480 = arith.constant 0 : i32
      %dma_wait3A_481 = tpu.memref_slice %arg3[%add3A, %add3A_257, %dma_wait3A_480] : memref<8x8x20000xf32, #tpu.memory_space<hbm>> -> memref<1x1x20000xf32, #tpu.memory_space<hbm>>
      %dma_wait3A_482 = tpu.memref_squeeze %dma_wait3A_481 : memref<1x1x20000xf32, #tpu.memory_space<hbm>> -> memref<20000xf32, #tpu.memory_space<hbm>>
      tpu.wait_dma2 semaphore(%run_scoped3A_472 : memref<!tpu.dma_semaphore, #tpu.memory_space<semaphore_mem>>) src(%dma_wait3A_482 : memref<20000xf32, #tpu.memory_space<hbm>>) dst(%arg13 : memref<20000xf32, #tpu.memory_space<vmem>>)
      tpu.yield
    }) : () -> ()
    %swap3A_258 = arith.constant 1248 : index
    %swap3A_259 = tpu.vector_load %arg16[%swap3A_258] {strides = array<i32>} : memref<1280xf32, #tpu.memory_space<vmem>>, vector<16xf32>,
    tpu.vector_store %arg16[%swap3A_258], %broadcast_in_dim3A_42 {strides = array<i32>} : memref<1280xf32, #tpu.memory_space<vmem>>, vector<16xf32>,
    %swap3A_260 = arith.constant 1264 : index
    %swap3A_261 = tpu.vector_load %arg16[%swap3A_260] {strides = array<i32>} : memref<1280xf32, #tpu.memory_space<vmem>>, vector<16xf32>,
    tpu.vector_store %arg16[%swap3A_260], %broadcast_in_dim3A_42 {strides = array<i32>} : memref<1280xf32, #tpu.memory_space<vmem>>, vector<16xf32>,
    %broadcast_in_dim3A_262 = arith.constant 4.000000e+09 : f32
    %broadcast_in_dim3A_263 = vector.broadcast %broadcast_in_dim3A_262 : f32 to vector<16xf32>
    %swap3A_264 = arith.constant 0 : index
    %swap3A_265 = tpu.vector_load %arg18[%swap3A_264] {strides = array<i32>} : memref<128xf32, #tpu.memory_space<vmem>>, vector<16xf32>,
    tpu.vector_store %arg18[%swap3A_264], %broadcast_in_dim3A_263 {strides = array<i32>} : memref<128xf32, #tpu.memory_space<vmem>>, vector<16xf32>,
    %broadcast_in_dim3A_266 = arith.constant 4.000000e+09 : f32
    %broadcast_in_dim3A_267 = vector.broadcast %broadcast_in_dim3A_266 : f32 to vector<16xf32>
    %swap3A_268 = arith.constant 0 : index
    %swap3A_269 = tpu.vector_load %arg19[%swap3A_268] {strides = array<i32>} : memref<128xf32, #tpu.memory_space<vmem>>, vector<16xf32>,
    tpu.vector_store %arg19[%swap3A_268], %broadcast_in_dim3A_267 {strides = array<i32>} : memref<128xf32, #tpu.memory_space<vmem>>, vector<16xf32>,
    %broadcast_in_dim3A_270 = arith.constant -4.000000e+09 : f32
    %broadcast_in_dim3A_271 = vector.broadcast %broadcast_in_dim3A_270 : f32 to vector<16xf32>
    %swap3A_272 = arith.constant 0 : index
    %swap3A_273 = tpu.vector_load %arg20[%swap3A_272] {strides = array<i32>} : memref<128xf32, #tpu.memory_space<vmem>>, vector<16xf32>,
    tpu.vector_store %arg20[%swap3A_272], %broadcast_in_dim3A_271 {strides = array<i32>} : memref<128xf32, #tpu.memory_space<vmem>>, vector<16xf32>,
    %broadcast_in_dim3A_274 = arith.constant -4.000000e+09 : f32
    %broadcast_in_dim3A_275 = vector.broadcast %broadcast_in_dim3A_274 : f32 to vector<16xf32>
    %swap3A_276 = arith.constant 0 : index
    %swap3A_277 = tpu.vector_load %arg21[%swap3A_276] {strides = array<i32>} : memref<128xf32, #tpu.memory_space<vmem>>, vector<16xf32>,
    tpu.vector_store %arg21[%swap3A_276], %broadcast_in_dim3A_275 {strides = array<i32>} : memref<128xf32, #tpu.memory_space<vmem>>, vector<16xf32>,
    %broadcast_in_dim3A_278 = arith.constant 0.000000e+00 : f32
    %broadcast_in_dim3A_279 = vector.broadcast %broadcast_in_dim3A_278 : f32 to vector<16xf32>
    %swap3A_280 = arith.constant 0 : index
    %swap3A_281 = tpu.vector_load %arg22[%swap3A_280] {strides = array<i32>} : memref<128xf32, #tpu.memory_space<vmem>>, vector<16xf32>,
    tpu.vector_store %arg22[%swap3A_280], %broadcast_in_dim3A_279 {strides = array<i32>} : memref<128xf32, #tpu.memory_space<vmem>>, vector<16xf32>,
    %broadcast_in_dim3A_282 = arith.constant 4.000000e+09 : f32
    %broadcast_in_dim3A_283 = vector.broadcast %broadcast_in_dim3A_282 : f32 to vector<16xf32>
    %swap3A_284 = arith.constant 16 : index
    %swap3A_285 = tpu.vector_load %arg18[%swap3A_284] {strides = array<i32>} : memref<128xf32, #tpu.memory_space<vmem>>, vector<16xf32>,
    tpu.vector_store %arg18[%swap3A_284], %broadcast_in_dim3A_283 {strides = array<i32>} : memref<128xf32, #tpu.memory_space<vmem>>, vector<16xf32>,
    %broadcast_in_dim3A_286 = arith.constant 4.000000e+09 : f32
    %broadcast_in_dim3A_287 = vector.broadcast %broadcast_in_dim3A_286 : f32 to vector<16xf32>
    %swap3A_288 = arith.constant 16 : index
    %swap3A_289 = tpu.vector_load %arg19[%swap3A_288] {strides = array<i32>} : memref<128xf32, #tpu.memory_space<vmem>>, vector<16xf32>,
    tpu.vector_store %arg19[%swap3A_288], %broadcast_in_dim3A_287 {strides = array<i32>} : memref<128xf32, #tpu.memory_space<vmem>>, vector<16xf32>,
    %broadcast_in_dim3A_290 = arith.constant -4.000000e+09 : f32
    %broadcast_in_dim3A_291 = vector.broadcast %broadcast_in_dim3A_290 : f32 to vector<16xf32>
    %swap3A_292 = arith.constant 16 : index
    %swap3A_293 = tpu.vector_load %arg20[%swap3A_292] {strides = array<i32>} : memref<128xf32, #tpu.memory_space<vmem>>, vector<16xf32>,
    tpu.vector_store %arg20[%swap3A_292], %broadcast_in_dim3A_291 {strides = array<i32>} : memref<128xf32, #tpu.memory_space<vmem>>, vector<16xf32>,
    %broadcast_in_dim3A_294 = arith.constant -4.000000e+09 : f32
    %broadcast_in_dim3A_295 = vector.broadcast %broadcast_in_dim3A_294 : f32 to vector<16xf32>
    %swap3A_296 = arith.constant 16 : index
    %swap3A_297 = tpu.vector_load %arg21[%swap3A_296] {strides = array<i32>} : memref<128xf32, #tpu.memory_space<vmem>>, vector<16xf32>,
    tpu.vector_store %arg21[%swap3A_296], %broadcast_in_dim3A_295 {strides = array<i32>} : memref<128xf32, #tpu.memory_space<vmem>>, vector<16xf32>,
    %broadcast_in_dim3A_298 = arith.constant 0.000000e+00 : f32
    %broadcast_in_dim3A_299 = vector.broadcast %broadcast_in_dim3A_298 : f32 to vector<16xf32>
    %swap3A_300 = arith.constant 16 : index
    %swap3A_301 = tpu.vector_load %arg22[%swap3A_300] {strides = array<i32>} : memref<128xf32, #tpu.memory_space<vmem>>, vector<16xf32>,
    tpu.vector_store %arg22[%swap3A_300], %broadcast_in_dim3A_299 {strides = array<i32>} : memref<128xf32, #tpu.memory_space<vmem>>, vector<16xf32>,
    %broadcast_in_dim3A_302 = arith.constant 4.000000e+09 : f32
    %broadcast_in_dim3A_303 = vector.broadcast %broadcast_in_dim3A_302 : f32 to vector<16xf32>
    %swap3A_304 = arith.constant 32 : index
    %swap3A_305 = tpu.vector_load %arg18[%swap3A_304] {strides = array<i32>} : memref<128xf32, #tpu.memory_space<vmem>>, vector<16xf32>,
    tpu.vector_store %arg18[%swap3A_304], %broadcast_in_dim3A_303 {strides = array<i32>} : memref<128xf32, #tpu.memory_space<vmem>>, vector<16xf32>,
    %broadcast_in_dim3A_306 = arith.constant 4.000000e+09 : f32
    %broadcast_in_dim3A_307 = vector.broadcast %broadcast_in_dim3A_306 : f32 to vector<16xf32>
    %swap3A_308 = arith.constant 32 : index
    %swap3A_309 = tpu.vector_load %arg19[%swap3A_308] {strides = array<i32>} : memref<128xf32, #tpu.memory_space<vmem>>, vector<16xf32>,
    tpu.vector_store %arg19[%swap3A_308], %broadcast_in_dim3A_307 {strides = array<i32>} : memref<128xf32, #tpu.memory_space<vmem>>, vector<16xf32>,
    %broadcast_in_dim3A_310 = arith.constant -4.000000e+09 : f32
    %broadcast_in_dim3A_311 = vector.broadcast %broadcast_in_dim3A_310 : f32 to vector<16xf32>
    %swap3A_312 = arith.constant 32 : index
    %swap3A_313 = tpu.vector_load %arg20[%swap3A_312] {strides = array<i32>} : memref<128xf32, #tpu.memory_space<vmem>>, vector<16xf32>,
    tpu.vector_store %arg20[%swap3A_312], %broadcast_in_dim3A_311 {strides = array<i32>} : memref<128xf32, #tpu.memory_space<vmem>>, vector<16xf32>,
    %broadcast_in_dim3A_314 = arith.constant -4.000000e+09 : f32
    %broadcast_in_dim3A_315 = vector.broadcast %broadcast_in_dim3A_314 : f32 to vector<16xf32>
    %swap3A_316 = arith.constant 32 : index
    %swap3A_317 = tpu.vector_load %arg21[%swap3A_316] {strides = array<i32>} : memref<128xf32, #tpu.memory_space<vmem>>, vector<16xf32>,
    tpu.vector_store %arg21[%swap3A_316], %broadcast_in_dim3A_315 {strides = array<i32>} : memref<128xf32, #tpu.memory_space<vmem>>, vector<16xf32>,
    %broadcast_in_dim3A_318 = arith.constant 0.000000e+00 : f32
    %broadcast_in_dim3A_319 = vector.broadcast %broadcast_in_dim3A_318 : f32 to vector<16xf32>
    %swap3A_320 = arith.constant 32 : index
    %swap3A_321 = tpu.vector_load %arg22[%swap3A_320] {strides = array<i32>} : memref<128xf32, #tpu.memory_space<vmem>>, vector<16xf32>,
    tpu.vector_store %arg22[%swap3A_320], %broadcast_in_dim3A_319 {strides = array<i32>} : memref<128xf32, #tpu.memory_space<vmem>>, vector<16xf32>,
    %broadcast_in_dim3A_322 = arith.constant 4.000000e+09 : f32
    %broadcast_in_dim3A_323 = vector.broadcast %broadcast_in_dim3A_322 : f32 to vector<16xf32>
    %swap3A_324 = arith.constant 48 : index
    %swap3A_325 = tpu.vector_load %arg18[%swap3A_324] {strides = array<i32>} : memref<128xf32, #tpu.memory_space<vmem>>, vector<16xf32>,
    tpu.vector_store %arg18[%swap3A_324], %broadcast_in_dim3A_323 {strides = array<i32>} : memref<128xf32, #tpu.memory_space<vmem>>, vector<16xf32>,
    %broadcast_in_dim3A_326 = arith.constant 4.000000e+09 : f32
    %broadcast_in_dim3A_327 = vector.broadcast %broadcast_in_dim3A_326 : f32 to vector<16xf32>
    %swap3A_328 = arith.constant 48 : index
    %swap3A_329 = tpu.vector_load %arg19[%swap3A_328] {strides = array<i32>} : memref<128xf32, #tpu.memory_space<vmem>>, vector<16xf32>,
    tpu.vector_store %arg19[%swap3A_328], %broadcast_in_dim3A_327 {strides = array<i32>} : memref<128xf32, #tpu.memory_space<vmem>>, vector<16xf32>,
    %broadcast_in_dim3A_330 = arith.constant -4.000000e+09 : f32
    %broadcast_in_dim3A_331 = vector.broadcast %broadcast_in_dim3A_330 : f32 to vector<16xf32>
    %swap3A_332 = arith.constant 48 : index
    %swap3A_333 = tpu.vector_load %arg20[%swap3A_332] {strides = array<i32>} : memref<128xf32, #tpu.memory_space<vmem>>, vector<16xf32>,
    tpu.vector_store %arg20[%swap3A_332], %broadcast_in_dim3A_331 {strides = array<i32>} : memref<128xf32, #tpu.memory_space<vmem>>, vector<16xf32>,
    %broadcast_in_dim3A_334 = arith.constant -4.000000e+09 : f32
    %broadcast_in_dim3A_335 = vector.broadcast %broadcast_in_dim3A_334 : f32 to vector<16xf32>
    %swap3A_336 = arith.constant 48 : index
    %swap3A_337 = tpu.vector_load %arg21[%swap3A_336] {strides = array<i32>} : memref<128xf32, #tpu.memory_space<vmem>>, vector<16xf32>,
    tpu.vector_store %arg21[%swap3A_336], %broadcast_in_dim3A_335 {strides = array<i32>} : memref<128xf32, #tpu.memory_space<vmem>>, vector<16xf32>,
    %broadcast_in_dim3A_338 = arith.constant 0.000000e+00 : f32
    %broadcast_in_dim3A_339 = vector.broadcast %broadcast_in_dim3A_338 : f32 to vector<16xf32>
    %swap3A_340 = arith.constant 48 : index
    %swap3A_341 = tpu.vector_load %arg22[%swap3A_340] {strides = array<i32>} : memref<128xf32, #tpu.memory_space<vmem>>, vector<16xf32>,
    tpu.vector_store %arg22[%swap3A_340], %broadcast_in_dim3A_339 {strides = array<i32>} : memref<128xf32, #tpu.memory_space<vmem>>, vector<16xf32>,
    %broadcast_in_dim3A_342 = arith.constant 4.000000e+09 : f32
    %broadcast_in_dim3A_343 = vector.broadcast %broadcast_in_dim3A_342 : f32 to vector<16xf32>
    %swap3A_344 = arith.constant 64 : index
    %swap3A_345 = tpu.vector_load %arg18[%swap3A_344] {strides = array<i32>} : memref<128xf32, #tpu.memory_space<vmem>>, vector<16xf32>,
    tpu.vector_store %arg18[%swap3A_344], %broadcast_in_dim3A_343 {strides = array<i32>} : memref<128xf32, #tpu.memory_space<vmem>>, vector<16xf32>,
    %broadcast_in_dim3A_346 = arith.constant 4.000000e+09 : f32
    %broadcast_in_dim3A_347 = vector.broadcast %broadcast_in_dim3A_346 : f32 to vector<16xf32>
    %swap3A_348 = arith.constant 64 : index
    %swap3A_349 = tpu.vector_load %arg19[%swap3A_348] {strides = array<i32>} : memref<128xf32, #tpu.memory_space<vmem>>, vector<16xf32>,
    tpu.vector_store %arg19[%swap3A_348], %broadcast_in_dim3A_347 {strides = array<i32>} : memref<128xf32, #tpu.memory_space<vmem>>, vector<16xf32>,
    %broadcast_in_dim3A_350 = arith.constant -4.000000e+09 : f32
    %broadcast_in_dim3A_351 = vector.broadcast %broadcast_in_dim3A_350 : f32 to vector<16xf32>
    %swap3A_352 = arith.constant 64 : index
    %swap3A_353 = tpu.vector_load %arg20[%swap3A_352] {strides = array<i32>} : memref<128xf32, #tpu.memory_space<vmem>>, vector<16xf32>,
    tpu.vector_store %arg20[%swap3A_352], %broadcast_in_dim3A_351 {strides = array<i32>} : memref<128xf32, #tpu.memory_space<vmem>>, vector<16xf32>,
    %broadcast_in_dim3A_354 = arith.constant -4.000000e+09 : f32
    %broadcast_in_dim3A_355 = vector.broadcast %broadcast_in_dim3A_354 : f32 to vector<16xf32>
    %swap3A_356 = arith.constant 64 : index
    %swap3A_357 = tpu.vector_load %arg21[%swap3A_356] {strides = array<i32>} : memref<128xf32, #tpu.memory_space<vmem>>, vector<16xf32>,
    tpu.vector_store %arg21[%swap3A_356], %broadcast_in_dim3A_355 {strides = array<i32>} : memref<128xf32, #tpu.memory_space<vmem>>, vector<16xf32>,
    %broadcast_in_dim3A_358 = arith.constant 0.000000e+00 : f32
    %broadcast_in_dim3A_359 = vector.broadcast %broadcast_in_dim3A_358 : f32 to vector<16xf32>
    %swap3A_360 = arith.constant 64 : index
    %swap3A_361 = tpu.vector_load %arg22[%swap3A_360] {strides = array<i32>} : memref<128xf32, #tpu.memory_space<vmem>>, vector<16xf32>,
    tpu.vector_store %arg22[%swap3A_360], %broadcast_in_dim3A_359 {strides = array<i32>} : memref<128xf32, #tpu.memory_space<vmem>>, vector<16xf32>,
    %broadcast_in_dim3A_362 = arith.constant 4.000000e+09 : f32
    %broadcast_in_dim3A_363 = vector.broadcast %broadcast_in_dim3A_362 : f32 to vector<16xf32>
    %swap3A_364 = arith.constant 80 : index
    %swap3A_365 = tpu.vector_load %arg18[%swap3A_364] {strides = array<i32>} : memref<128xf32, #tpu.memory_space<vmem>>, vector<16xf32>,
    tpu.vector_store %arg18[%swap3A_364], %broadcast_in_dim3A_363 {strides = array<i32>} : memref<128xf32, #tpu.memory_space<vmem>>, vector<16xf32>,
    %broadcast_in_dim3A_366 = arith.constant 4.000000e+09 : f32
    %broadcast_in_dim3A_367 = vector.broadcast %broadcast_in_dim3A_366 : f32 to vector<16xf32>
    %swap3A_368 = arith.constant 80 : index
    %swap3A_369 = tpu.vector_load %arg19[%swap3A_368] {strides = array<i32>} : memref<128xf32, #tpu.memory_space<vmem>>, vector<16xf32>,
    tpu.vector_store %arg19[%swap3A_368], %broadcast_in_dim3A_367 {strides = array<i32>} : memref<128xf32, #tpu.memory_space<vmem>>, vector<16xf32>,
    %broadcast_in_dim3A_370 = arith.constant -4.000000e+09 : f32
    %broadcast_in_dim3A_371 = vector.broadcast %broadcast_in_dim3A_370 : f32 to vector<16xf32>
    %swap3A_372 = arith.constant 80 : index
    %swap3A_373 = tpu.vector_load %arg20[%swap3A_372] {strides = array<i32>} : memref<128xf32, #tpu.memory_space<vmem>>, vector<16xf32>,
    tpu.vector_store %arg20[%swap3A_372], %broadcast_in_dim3A_371 {strides = array<i32>} : memref<128xf32, #tpu.memory_space<vmem>>, vector<16xf32>,
    %broadcast_in_dim3A_374 = arith.constant -4.000000e+09 : f32
    %broadcast_in_dim3A_375 = vector.broadcast %broadcast_in_dim3A_374 : f32 to vector<16xf32>
    %swap3A_376 = arith.constant 80 : index
    %swap3A_377 = tpu.vector_load %arg21[%swap3A_376] {strides = array<i32>} : memref<128xf32, #tpu.memory_space<vmem>>, vector<16xf32>,
    tpu.vector_store %arg21[%swap3A_376], %broadcast_in_dim3A_375 {strides = array<i32>} : memref<128xf32, #tpu.memory_space<vmem>>, vector<16xf32>,
    %broadcast_in_dim3A_378 = arith.constant 0.000000e+00 : f32
    %broadcast_in_dim3A_379 = vector.broadcast %broadcast_in_dim3A_378 : f32 to vector<16xf32>
    %swap3A_380 = arith.constant 80 : index
    %swap3A_381 = tpu.vector_load %arg22[%swap3A_380] {strides = array<i32>} : memref<128xf32, #tpu.memory_space<vmem>>, vector<16xf32>,
    tpu.vector_store %arg22[%swap3A_380], %broadcast_in_dim3A_379 {strides = array<i32>} : memref<128xf32, #tpu.memory_space<vmem>>, vector<16xf32>,
    %broadcast_in_dim3A_382 = arith.constant 4.000000e+09 : f32
    %broadcast_in_dim3A_383 = vector.broadcast %broadcast_in_dim3A_382 : f32 to vector<16xf32>
    %swap3A_384 = arith.constant 96 : index
    %swap3A_385 = tpu.vector_load %arg18[%swap3A_384] {strides = array<i32>} : memref<128xf32, #tpu.memory_space<vmem>>, vector<16xf32>,
    tpu.vector_store %arg18[%swap3A_384], %broadcast_in_dim3A_383 {strides = array<i32>} : memref<128xf32, #tpu.memory_space<vmem>>, vector<16xf32>,
    %broadcast_in_dim3A_386 = arith.constant 4.000000e+09 : f32
    %broadcast_in_dim3A_387 = vector.broadcast %broadcast_in_dim3A_386 : f32 to vector<16xf32>
    %swap3A_388 = arith.constant 96 : index
    %swap3A_389 = tpu.vector_load %arg19[%swap3A_388] {strides = array<i32>} : memref<128xf32, #tpu.memory_space<vmem>>, vector<16xf32>,
    tpu.vector_store %arg19[%swap3A_388], %broadcast_in_dim3A_387 {strides = array<i32>} : memref<128xf32, #tpu.memory_space<vmem>>, vector<16xf32>,
    %broadcast_in_dim3A_390 = arith.constant -4.000000e+09 : f32
    %broadcast_in_dim3A_391 = vector.broadcast %broadcast_in_dim3A_390 : f32 to vector<16xf32>
    %swap3A_392 = arith.constant 96 : index
    %swap3A_393 = tpu.vector_load %arg20[%swap3A_392] {strides = array<i32>} : memref<128xf32, #tpu.memory_space<vmem>>, vector<16xf32>,
    tpu.vector_store %arg20[%swap3A_392], %broadcast_in_dim3A_391 {strides = array<i32>} : memref<128xf32, #tpu.memory_space<vmem>>, vector<16xf32>,
    %broadcast_in_dim3A_394 = arith.constant -4.000000e+09 : f32
    %broadcast_in_dim3A_395 = vector.broadcast %broadcast_in_dim3A_394 : f32 to vector<16xf32>
    %swap3A_396 = arith.constant 96 : index
    %swap3A_397 = tpu.vector_load %arg21[%swap3A_396] {strides = array<i32>} : memref<128xf32, #tpu.memory_space<vmem>>, vector<16xf32>,
    tpu.vector_store %arg21[%swap3A_396], %broadcast_in_dim3A_395 {strides = array<i32>} : memref<128xf32, #tpu.memory_space<vmem>>, vector<16xf32>,
    %broadcast_in_dim3A_398 = arith.constant 0.000000e+00 : f32
    %broadcast_in_dim3A_399 = vector.broadcast %broadcast_in_dim3A_398 : f32 to vector<16xf32>
    %swap3A_400 = arith.constant 96 : index
    %swap3A_401 = tpu.vector_load %arg22[%swap3A_400] {strides = array<i32>} : memref<128xf32, #tpu.memory_space<vmem>>, vector<16xf32>,
    tpu.vector_store %arg22[%swap3A_400], %broadcast_in_dim3A_399 {strides = array<i32>} : memref<128xf32, #tpu.memory_space<vmem>>, vector<16xf32>,
    %broadcast_in_dim3A_402 = arith.constant 4.000000e+09 : f32
    %broadcast_in_dim3A_403 = vector.broadcast %broadcast_in_dim3A_402 : f32 to vector<16xf32>
    %swap3A_404 = arith.constant 112 : index
    %swap3A_405 = tpu.vector_load %arg18[%swap3A_404] {strides = array<i32>} : memref<128xf32, #tpu.memory_space<vmem>>, vector<16xf32>,
    tpu.vector_store %arg18[%swap3A_404], %broadcast_in_dim3A_403 {strides = array<i32>} : memref<128xf32, #tpu.memory_space<vmem>>, vector<16xf32>,
    %broadcast_in_dim3A_406 = arith.constant 4.000000e+09 : f32
    %broadcast_in_dim3A_407 = vector.broadcast %broadcast_in_dim3A_406 : f32 to vector<16xf32>
    %swap3A_408 = arith.constant 112 : index
    %swap3A_409 = tpu.vector_load %arg19[%swap3A_408] {strides = array<i32>} : memref<128xf32, #tpu.memory_space<vmem>>, vector<16xf32>,
    tpu.vector_store %arg19[%swap3A_408], %broadcast_in_dim3A_407 {strides = array<i32>} : memref<128xf32, #tpu.memory_space<vmem>>, vector<16xf32>,
    %broadcast_in_dim3A_410 = arith.constant -4.000000e+09 : f32
    %broadcast_in_dim3A_411 = vector.broadcast %broadcast_in_dim3A_410 : f32 to vector<16xf32>
    %swap3A_412 = arith.constant 112 : index
    %swap3A_413 = tpu.vector_load %arg20[%swap3A_412] {strides = array<i32>} : memref<128xf32, #tpu.memory_space<vmem>>, vector<16xf32>,
    tpu.vector_store %arg20[%swap3A_412], %broadcast_in_dim3A_411 {strides = array<i32>} : memref<128xf32, #tpu.memory_space<vmem>>, vector<16xf32>,
    %broadcast_in_dim3A_414 = arith.constant -4.000000e+09 : f32
    %broadcast_in_dim3A_415 = vector.broadcast %broadcast_in_dim3A_414 : f32 to vector<16xf32>
    %swap3A_416 = arith.constant 112 : index
    %swap3A_417 = tpu.vector_load %arg21[%swap3A_416] {strides = array<i32>} : memref<128xf32, #tpu.memory_space<vmem>>, vector<16xf32>,
    tpu.vector_store %arg21[%swap3A_416], %broadcast_in_dim3A_415 {strides = array<i32>} : memref<128xf32, #tpu.memory_space<vmem>>, vector<16xf32>,
    %broadcast_in_dim3A_418 = arith.constant 0.000000e+00 : f32
    %broadcast_in_dim3A_419 = vector.broadcast %broadcast_in_dim3A_418 : f32 to vector<16xf32>
    %swap3A_420 = arith.constant 112 : index
    %swap3A_421 = tpu.vector_load %arg22[%swap3A_420] {strides = array<i32>} : memref<128xf32, #tpu.memory_space<vmem>>, vector<16xf32>,
    tpu.vector_store %arg22[%swap3A_420], %broadcast_in_dim3A_419 {strides = array<i32>} : memref<128xf32, #tpu.memory_space<vmem>>, vector<16xf32>,
    %scan3A_422 = arith.constant 0 : i32
    %scan3A_423 = arith.constant 0 : i32
    %scan3A_424 = arith.constant 250 : i32
    %scan3A_425 = arith.addi %scan3A_423, %scan3A_424 : i32
    %scan3A_426 = arith.constant 1 : i32
    %scan3A_427 = scf.for %scan3A_472 = %scan3A_423 to %scan3A_425 step %scan3A_426 iter_args(%scan3A_473 = %scan3A_422) -> (i32)  : i32 {
      %mul3A_474 = arith.constant 5 : i32
      %mul3A_475 = arith.muli %scan3A_472, %mul3A_474 : i32
      %add3A_476 = arith.constant 0 : i32
      %add3A_477 = arith.addi %mul3A_475, %add3A_476 : i32
      %mul3A_478 = arith.constant 16 : i32
      %mul3A_479 = arith.muli %add3A_477, %mul3A_478 : i32
      %get3A_480 = arith.index_cast %mul3A_479 : i32 to index
      %get3A_481 = tpu.vector_load %arg13[%get3A_480] {strides = array<i32>} : memref<20000xf32, #tpu.memory_space<vmem>>, vector<16xf32>,
      %gt3A = arith.constant 0.00999999977 : f32
      %gt3A_482 = vector.broadcast %gt3A : f32 to vector<16xf32>
      %gt3A_483 = arith.cmpf ogt, %get3A_481, %gt3A_482 : vector<16xf32>
      %jit3A_484 = arith.constant 0xFF800000 : f32
      %broadcast_in_dim3A_485 = vector.broadcast %jit3A_484 : f32 to vector<16xf32>
      %select_n3A_486 = arith.select %gt3A_483, %get3A_481, %broadcast_in_dim3A_485 : vector<16xi1>, vector<16xf32>
      %swap3A_487 = arith.index_cast %mul3A_479 : i32 to index
      %swap3A_488 = tpu.vector_load %arg13[%swap3A_487] {strides = array<i32>} : memref<20000xf32, #tpu.memory_space<vmem>>, vector<16xf32>,
      tpu.vector_store %arg13[%swap3A_487], %select_n3A_486 {strides = array<i32>} : memref<20000xf32, #tpu.memory_space<vmem>>, vector<16xf32>,
      %broadcast_in_dim3A_489 = vector.broadcast %add3A_477 : i32 to vector<16xi32>
      %broadcast_in_dim3A_490 = arith.constant true
      %broadcast_in_dim3A_491 = vector.broadcast %broadcast_in_dim3A_490 : i1 to vector<16xi1>
      %masked_cummax3A = tpu.scan <max>, %select_n3A_486 masked %broadcast_in_dim3A_491 : vector<16xf32>, vector<16xi1> -> vector<16xf32>
      %rev3A = arith.constant 15 : i32
      %rev3A_492 = vector.broadcast %rev3A : i32 to vector<16xi32>
      %rev3A_493 = tpu.iota {dimensions = array<i32: 0>} : vector<16xi32>
      %rev3A_494 = arith.subi %rev3A_492, %rev3A_493 : vector<16xi32>
      %rev3A_495 = tpu.dynamic_gather %masked_cummax3A[%rev3A_494] in [0] : vector<16xf32>, vector<16xi32> -> vector<16xf32>
      %broadcast_in_dim3A_496 = arith.constant true
      %broadcast_in_dim3A_497 = vector.broadcast %broadcast_in_dim3A_496 : i1 to vector<16xi1>
      %masked_cummax3A_498 = tpu.scan <max>, %rev3A_495 masked %broadcast_in_dim3A_497 : vector<16xf32>, vector<16xi1> -> vector<16xf32>
      tpu.vector_store_idx %arg16[%broadcast_in_dim3A_489], %masked_cummax3A_498 masked %eq3A_47 : memref<1280xf32, #tpu.memory_space<vmem>>[vector<16xi32>], vector<16xf32>, vector<16xi1>
      %mul3A_499 = arith.constant 5 : i32
      %mul3A_500 = arith.muli %scan3A_472, %mul3A_499 : i32
      %add3A_501 = arith.constant 1 : i32
      %add3A_502 = arith.addi %mul3A_500, %add3A_501 : i32
      %mul3A_503 = arith.constant 16 : i32
      %mul3A_504 = arith.muli %add3A_502, %mul3A_503 : i32
      %get3A_505 = arith.index_cast %mul3A_504 : i32 to index
      %get3A_506 = tpu.vector_load %arg13[%get3A_505] {strides = array<i32>} : memref<20000xf32, #tpu.memory_space<vmem>>, vector<16xf32>,
      %gt3A_507 = arith.constant 0.00999999977 : f32
      %gt3A_508 = vector.broadcast %gt3A_507 : f32 to vector<16xf32>
      %gt3A_509 = arith.cmpf ogt, %get3A_506, %gt3A_508 : vector<16xf32>
      %jit3A_510 = arith.constant 0xFF800000 : f32
      %broadcast_in_dim3A_511 = vector.broadcast %jit3A_510 : f32 to vector<16xf32>
      %select_n3A_512 = arith.select %gt3A_509, %get3A_506, %broadcast_in_dim3A_511 : vector<16xi1>, vector<16xf32>
      %swap3A_513 = arith.index_cast %mul3A_504 : i32 to index
      %swap3A_514 = tpu.vector_load %arg13[%swap3A_513] {strides = array<i32>} : memref<20000xf32, #tpu.memory_space<vmem>>, vector<16xf32>,
      tpu.vector_store %arg13[%swap3A_513], %select_n3A_512 {strides = array<i32>} : memref<20000xf32, #tpu.memory_space<vmem>>, vector<16xf32>,
      %broadcast_in_dim3A_515 = vector.broadcast %add3A_502 : i32 to vector<16xi32>
      %broadcast_in_dim3A_516 = arith.constant true
      %broadcast_in_dim3A_517 = vector.broadcast %broadcast_in_dim3A_516 : i1 to vector<16xi1>
      %masked_cummax3A_518 = tpu.scan <max>, %select_n3A_512 masked %broadcast_in_dim3A_517 : vector<16xf32>, vector<16xi1> -> vector<16xf32>
      %rev3A_519 = arith.constant 15 : i32
      %rev3A_520 = vector.broadcast %rev3A_519 : i32 to vector<16xi32>
      %rev3A_521 = tpu.iota {dimensions = array<i32: 0>} : vector<16xi32>
      %rev3A_522 = arith.subi %rev3A_520, %rev3A_521 : vector<16xi32>
      %rev3A_523 = tpu.dynamic_gather %masked_cummax3A_518[%rev3A_522] in [0] : vector<16xf32>, vector<16xi32> -> vector<16xf32>
      %broadcast_in_dim3A_524 = arith.constant true
      %broadcast_in_dim3A_525 = vector.broadcast %broadcast_in_dim3A_524 : i1 to vector<16xi1>
      %masked_cummax3A_526 = tpu.scan <max>, %rev3A_523 masked %broadcast_in_dim3A_525 : vector<16xf32>, vector<16xi1> -> vector<16xf32>
      tpu.vector_store_idx %arg16[%broadcast_in_dim3A_515], %masked_cummax3A_526 masked %eq3A_47 : memref<1280xf32, #tpu.memory_space<vmem>>[vector<16xi32>], vector<16xf32>, vector<16xi1>
      %mul3A_527 = arith.constant 5 : i32
      %mul3A_528 = arith.muli %scan3A_472, %mul3A_527 : i32
      %add3A_529 = arith.constant 2 : i32
      %add3A_530 = arith.addi %mul3A_528, %add3A_529 : i32
      %mul3A_531 = arith.constant 16 : i32
      %mul3A_532 = arith.muli %add3A_530, %mul3A_531 : i32
      %get3A_533 = arith.index_cast %mul3A_532 : i32 to index
      %get3A_534 = tpu.vector_load %arg13[%get3A_533] {strides = array<i32>} : memref<20000xf32, #tpu.memory_space<vmem>>, vector<16xf32>,
      %gt3A_535 = arith.constant 0.00999999977 : f32
      %gt3A_536 = vector.broadcast %gt3A_535 : f32 to vector<16xf32>
      %gt3A_537 = arith.cmpf ogt, %get3A_534, %gt3A_536 : vector<16xf32>
      %jit3A_538 = arith.constant 0xFF800000 : f32
      %broadcast_in_dim3A_539 = vector.broadcast %jit3A_538 : f32 to vector<16xf32>
      %select_n3A_540 = arith.select %gt3A_537, %get3A_534, %broadcast_in_dim3A_539 : vector<16xi1>, vector<16xf32>
      %swap3A_541 = arith.index_cast %mul3A_532 : i32 to index
      %swap3A_542 = tpu.vector_load %arg13[%swap3A_541] {strides = array<i32>} : memref<20000xf32, #tpu.memory_space<vmem>>, vector<16xf32>,
      tpu.vector_store %arg13[%swap3A_541], %select_n3A_540 {strides = array<i32>} : memref<20000xf32, #tpu.memory_space<vmem>>, vector<16xf32>,
      %broadcast_in_dim3A_543 = vector.broadcast %add3A_530 : i32 to vector<16xi32>
      %broadcast_in_dim3A_544 = arith.constant true
      %broadcast_in_dim3A_545 = vector.broadcast %broadcast_in_dim3A_544 : i1 to vector<16xi1>
      %masked_cummax3A_546 = tpu.scan <max>, %select_n3A_540 masked %broadcast_in_dim3A_545 : vector<16xf32>, vector<16xi1> -> vector<16xf32>
      %rev3A_547 = arith.constant 15 : i32
      %rev3A_548 = vector.broadcast %rev3A_547 : i32 to vector<16xi32>
      %rev3A_549 = tpu.iota {dimensions = array<i32: 0>} : vector<16xi32>
      %rev3A_550 = arith.subi %rev3A_548, %rev3A_549 : vector<16xi32>
      %rev3A_551 = tpu.dynamic_gather %masked_cummax3A_546[%rev3A_550] in [0] : vector<16xf32>, vector<16xi32> -> vector<16xf32>
      %broadcast_in_dim3A_552 = arith.constant true
      %broadcast_in_dim3A_553 = vector.broadcast %broadcast_in_dim3A_552 : i1 to vector<16xi1>
      %masked_cummax3A_554 = tpu.scan <max>, %rev3A_551 masked %broadcast_in_dim3A_553 : vector<16xf32>, vector<16xi1> -> vector<16xf32>
      tpu.vector_store_idx %arg16[%broadcast_in_dim3A_543], %masked_cummax3A_554 masked %eq3A_47 : memref<1280xf32, #tpu.memory_space<vmem>>[vector<16xi32>], vector<16xf32>, vector<16xi1>
      %mul3A_555 = arith.constant 5 : i32
      %mul3A_556 = arith.muli %scan3A_472, %mul3A_555 : i32
      %add3A_557 = arith.constant 3 : i32
      %add3A_558 = arith.addi %mul3A_556, %add3A_557 : i32
      %mul3A_559 = arith.constant 16 : i32
      %mul3A_560 = arith.muli %add3A_558, %mul3A_559 : i32
      %get3A_561 = arith.index_cast %mul3A_560 : i32 to index
      %get3A_562 = tpu.vector_load %arg13[%get3A_561] {strides = array<i32>} : memref<20000xf32, #tpu.memory_space<vmem>>, vector<16xf32>,
      %gt3A_563 = arith.constant 0.00999999977 : f32
      %gt3A_564 = vector.broadcast %gt3A_563 : f32 to vector<16xf32>
      %gt3A_565 = arith.cmpf ogt, %get3A_562, %gt3A_564 : vector<16xf32>
      %jit3A_566 = arith.constant 0xFF800000 : f32
      %broadcast_in_dim3A_567 = vector.broadcast %jit3A_566 : f32 to vector<16xf32>
      %select_n3A_568 = arith.select %gt3A_565, %get3A_562, %broadcast_in_dim3A_567 : vector<16xi1>, vector<16xf32>
      %swap3A_569 = arith.index_cast %mul3A_560 : i32 to index
      %swap3A_570 = tpu.vector_load %arg13[%swap3A_569] {strides = array<i32>} : memref<20000xf32, #tpu.memory_space<vmem>>, vector<16xf32>,
      tpu.vector_store %arg13[%swap3A_569], %select_n3A_568 {strides = array<i32>} : memref<20000xf32, #tpu.memory_space<vmem>>, vector<16xf32>,
      %broadcast_in_dim3A_571 = vector.broadcast %add3A_558 : i32 to vector<16xi32>
      %broadcast_in_dim3A_572 = arith.constant true
      %broadcast_in_dim3A_573 = vector.broadcast %broadcast_in_dim3A_572 : i1 to vector<16xi1>
      %masked_cummax3A_574 = tpu.scan <max>, %select_n3A_568 masked %broadcast_in_dim3A_573 : vector<16xf32>, vector<16xi1> -> vector<16xf32>
      %rev3A_575 = arith.constant 15 : i32
      %rev3A_576 = vector.broadcast %rev3A_575 : i32 to vector<16xi32>
      %rev3A_577 = tpu.iota {dimensions = array<i32: 0>} : vector<16xi32>
      %rev3A_578 = arith.subi %rev3A_576, %rev3A_577 : vector<16xi32>
      %rev3A_579 = tpu.dynamic_gather %masked_cummax3A_574[%rev3A_578] in [0] : vector<16xf32>, vector<16xi32> -> vector<16xf32>
      %broadcast_in_dim3A_580 = arith.constant true
      %broadcast_in_dim3A_581 = vector.broadcast %broadcast_in_dim3A_580 : i1 to vector<16xi1>
      %masked_cummax3A_582 = tpu.scan <max>, %rev3A_579 masked %broadcast_in_dim3A_581 : vector<16xf32>, vector<16xi1> -> vector<16xf32>
      tpu.vector_store_idx %arg16[%broadcast_in_dim3A_571], %masked_cummax3A_582 masked %eq3A_47 : memref<1280xf32, #tpu.memory_space<vmem>>[vector<16xi32>], vector<16xf32>, vector<16xi1>
      %mul3A_583 = arith.constant 5 : i32
      %mul3A_584 = arith.muli %scan3A_472, %mul3A_583 : i32
      %add3A_585 = arith.constant 4 : i32
      %add3A_586 = arith.addi %mul3A_584, %add3A_585 : i32
      %mul3A_587 = arith.constant 16 : i32
      %mul3A_588 = arith.muli %add3A_586, %mul3A_587 : i32
      %get3A_589 = arith.index_cast %mul3A_588 : i32 to index
      %get3A_590 = tpu.vector_load %arg13[%get3A_589] {strides = array<i32>} : memref<20000xf32, #tpu.memory_space<vmem>>, vector<16xf32>,
      %gt3A_591 = arith.constant 0.00999999977 : f32
      %gt3A_592 = vector.broadcast %gt3A_591 : f32 to vector<16xf32>
      %gt3A_593 = arith.cmpf ogt, %get3A_590, %gt3A_592 : vector<16xf32>
      %jit3A_594 = arith.constant 0xFF800000 : f32
      %broadcast_in_dim3A_595 = vector.broadcast %jit3A_594 : f32 to vector<16xf32>
      %select_n3A_596 = arith.select %gt3A_593, %get3A_590, %broadcast_in_dim3A_595 : vector<16xi1>, vector<16xf32>
      %swap3A_597 = arith.index_cast %mul3A_588 : i32 to index
      %swap3A_598 = tpu.vector_load %arg13[%swap3A_597] {strides = array<i32>} : memref<20000xf32, #tpu.memory_space<vmem>>, vector<16xf32>,
      tpu.vector_store %arg13[%swap3A_597], %select_n3A_596 {strides = array<i32>} : memref<20000xf32, #tpu.memory_space<vmem>>, vector<16xf32>,
      %broadcast_in_dim3A_599 = vector.broadcast %add3A_586 : i32 to vector<16xi32>
      %broadcast_in_dim3A_600 = arith.constant true
      %broadcast_in_dim3A_601 = vector.broadcast %broadcast_in_dim3A_600 : i1 to vector<16xi1>
      %masked_cummax3A_602 = tpu.scan <max>, %select_n3A_596 masked %broadcast_in_dim3A_601 : vector<16xf32>, vector<16xi1> -> vector<16xf32>
      %rev3A_603 = arith.constant 15 : i32
      %rev3A_604 = vector.broadcast %rev3A_603 : i32 to vector<16xi32>
      %rev3A_605 = tpu.iota {dimensions = array<i32: 0>} : vector<16xi32>
      %rev3A_606 = arith.subi %rev3A_604, %rev3A_605 : vector<16xi32>
      %rev3A_607 = tpu.dynamic_gather %masked_cummax3A_602[%rev3A_606] in [0] : vector<16xf32>, vector<16xi32> -> vector<16xf32>
      %broadcast_in_dim3A_608 = arith.constant true
      %broadcast_in_dim3A_609 = vector.broadcast %broadcast_in_dim3A_608 : i1 to vector<16xi1>
      %masked_cummax3A_610 = tpu.scan <max>, %rev3A_607 masked %broadcast_in_dim3A_609 : vector<16xf32>, vector<16xi1> -> vector<16xf32>
      tpu.vector_store_idx %arg16[%broadcast_in_dim3A_599], %masked_cummax3A_610 masked %eq3A_47 : memref<1280xf32, #tpu.memory_space<vmem>>[vector<16xi32>], vector<16xf32>, vector<16xi1>
      %scan3A_611 = arith.constant 0 : i32
      scf.yield %scan3A_611 : i32
    }
    %scan3A_428 = arith.constant 250 : i32
    %scan3A_429 = arith.constant 0 : i32
    %scan3A_430 = arith.constant 0 : i32
    %scan3A_431 = arith.constant 80 : i32
    %scan3A_432 = arith.addi %scan3A_430, %scan3A_431 : i32
    %scan3A_433 = arith.constant 1 : i32
    %scan3A_434 = scf.for %scan3A_472 = %scan3A_430 to %scan3A_432 step %scan3A_433 iter_args(%scan3A_473 = %scan3A_429) -> (i32)  : i32 {
      %mul3A_474 = arith.constant 16 : i32
      %mul3A_475 = arith.muli %scan3A_472, %mul3A_474 : i32
      %get3A_476 = arith.index_cast %mul3A_475 : i32 to index
      %get3A_477 = tpu.vector_load %arg16[%get3A_476] {strides = array<i32>} : memref<1280xf32, #tpu.memory_space<vmem>>, vector<16xf32>,
      %broadcast_in_dim3A_478 = vector.broadcast %scan3A_472 : i32 to vector<16xi32>
      %broadcast_in_dim3A_479 = arith.constant true
      %broadcast_in_dim3A_480 = vector.broadcast %broadcast_in_dim3A_479 : i1 to vector<16xi1>
      %masked_cummax3A = tpu.scan <max>, %get3A_477 masked %broadcast_in_dim3A_480 : vector<16xf32>, vector<16xi1> -> vector<16xf32>
      %rev3A = arith.constant 15 : i32
      %rev3A_481 = vector.broadcast %rev3A : i32 to vector<16xi32>
      %rev3A_482 = tpu.iota {dimensions = array<i32: 0>} : vector<16xi32>
      %rev3A_483 = arith.subi %rev3A_481, %rev3A_482 : vector<16xi32>
      %rev3A_484 = tpu.dynamic_gather %masked_cummax3A[%rev3A_483] in [0] : vector<16xf32>, vector<16xi32> -> vector<16xf32>
      %broadcast_in_dim3A_485 = arith.constant true
      %broadcast_in_dim3A_486 = vector.broadcast %broadcast_in_dim3A_485 : i1 to vector<16xi1>
      %masked_cummax3A_487 = tpu.scan <max>, %rev3A_484 masked %broadcast_in_dim3A_486 : vector<16xf32>, vector<16xi1> -> vector<16xf32>
      tpu.vector_store_idx %arg17[%broadcast_in_dim3A_478], %masked_cummax3A_487 masked %eq3A_47 : memref<80xf32, #tpu.memory_space<vmem>>[vector<16xi32>], vector<16xf32>, vector<16xi1>
      %scan3A_488 = arith.constant 0 : i32
      scf.yield %scan3A_488 : i32
    }
    %scan3A_435 = arith.constant 80 : i32
    %get3A_436 = arith.constant 0 : index
    %get3A_437 = tpu.vector_load %arg17[%get3A_436] {strides = array<i32>} : memref<80xf32, #tpu.memory_space<vmem>>, vector<16xf32>,
    %max3A_438 = arith.maximumf %broadcast_in_dim3A_42, %get3A_437 : vector<16xf32>
    %get3A_439 = arith.constant 16 : index
    %get3A_440 = tpu.vector_load %arg17[%get3A_439] {strides = array<i32>} : memref<80xf32, #tpu.memory_space<vmem>>, vector<16xf32>,
    %max3A_441 = arith.maximumf %max3A_438, %get3A_440 : vector<16xf32>
    %get3A_442 = arith.constant 32 : index
    %get3A_443 = tpu.vector_load %arg17[%get3A_442] {strides = array<i32>} : memref<80xf32, #tpu.memory_space<vmem>>, vector<16xf32>,
    %max3A_444 = arith.maximumf %max3A_441, %get3A_443 : vector<16xf32>
    %get3A_445 = arith.constant 48 : index
    %get3A_446 = tpu.vector_load %arg17[%get3A_445] {strides = array<i32>} : memref<80xf32, #tpu.memory_space<vmem>>, vector<16xf32>,
    %max3A_447 = arith.maximumf %max3A_444, %get3A_446 : vector<16xf32>
    %get3A_448 = arith.constant 64 : index
    %get3A_449 = tpu.vector_load %arg17[%get3A_448] {strides = array<i32>} : memref<80xf32, #tpu.memory_space<vmem>>, vector<16xf32>,
    %max3A_450 = arith.maximumf %max3A_447, %get3A_449 : vector<16xf32>
    %reduce_max3A_451 = arith.constant true
    %reduce_max3A_452 = vector.broadcast %reduce_max3A_451 : i1 to vector<16xi1>
    %reduce_max3A_453 = tpu.scan <max>, %max3A_450 masked %reduce_max3A_452 : vector<16xf32>, vector<16xi1> -> vector<16xf32>
    %reduce_max3A_454 = vector.extract %reduce_max3A_453[15] : f32 from vector<16xf32>
    %while3A_455 = arith.constant 0 : i32
    %while3A_456:2 = scf.while (%while3A_472 = %while3A_455, %while3A_473 = %reduce_max3A_454) : (i32, f32) -> (i32, f32) {
      %lt3A_474 = arith.constant 100 : i32
      %lt3A_475 = arith.cmpi slt, %while3A_472, %lt3A_474 : i32
      %gt3A = arith.constant 0xFF800000 : f32
      %gt3A_476 = arith.cmpf ogt, %while3A_473, %gt3A : f32
      %and3A_477 = arith.andi %lt3A_475, %gt3A_476 : i1
      scf.condition(%and3A_477) %while3A_472, %while3A_473 : i32, f32
    } do {
    ^bb0(%while3A_472: i32, %while3A_473: f32):
      %broadcast_in_dim3A_474 = vector.broadcast %while3A_473 : f32 to vector<16xf32>
      %get3A_475 = arith.constant 0 : index
      %get3A_476 = tpu.vector_load %arg17[%get3A_475] {strides = array<i32>} : memref<80xf32, #tpu.memory_space<vmem>>, vector<16xf32>,
      %gt3A = arith.cmpf ogt, %get3A_476, %broadcast_in_dim3A_42 : vector<16xf32>
      %select_n3A_477 = arith.select %gt3A, %get3A_476, %broadcast_in_dim3A_42 : vector<16xi1>, vector<16xf32>
      %add3A_478 = arith.constant 0 : i32
      %add3A_479 = vector.broadcast %add3A_478 : i32 to vector<16xi32>
      %add3A_480 = arith.addi %add3A_479, %iota3A : vector<16xi32>
      %select_n3A_481 = arith.select %gt3A, %add3A_480, %broadcast_in_dim3A_44 : vector<16xi1>, vector<16xi32>
      %get3A_482 = arith.constant 16 : index
      %get3A_483 = tpu.vector_load %arg17[%get3A_482] {strides = array<i32>} : memref<80xf32, #tpu.memory_space<vmem>>, vector<16xf32>,
      %gt3A_484 = arith.cmpf ogt, %get3A_483, %select_n3A_477 : vector<16xf32>
      %select_n3A_485 = arith.select %gt3A_484, %get3A_483, %select_n3A_477 : vector<16xi1>, vector<16xf32>
      %add3A_486 = arith.constant 16 : i32
      %add3A_487 = vector.broadcast %add3A_486 : i32 to vector<16xi32>
      %add3A_488 = arith.addi %add3A_487, %iota3A : vector<16xi32>
      %select_n3A_489 = arith.select %gt3A_484, %add3A_488, %select_n3A_481 : vector<16xi1>, vector<16xi32>
      %get3A_490 = arith.constant 32 : index
      %get3A_491 = tpu.vector_load %arg17[%get3A_490] {strides = array<i32>} : memref<80xf32, #tpu.memory_space<vmem>>, vector<16xf32>,
      %gt3A_492 = arith.cmpf ogt, %get3A_491, %select_n3A_485 : vector<16xf32>
      %select_n3A_493 = arith.select %gt3A_492, %get3A_491, %select_n3A_485 : vector<16xi1>, vector<16xf32>
      %add3A_494 = arith.constant 32 : i32
      %add3A_495 = vector.broadcast %add3A_494 : i32 to vector<16xi32>
      %add3A_496 = arith.addi %add3A_495, %iota3A : vector<16xi32>
      %select_n3A_497 = arith.select %gt3A_492, %add3A_496, %select_n3A_489 : vector<16xi1>, vector<16xi32>
      %get3A_498 = arith.constant 48 : index
      %get3A_499 = tpu.vector_load %arg17[%get3A_498] {strides = array<i32>} : memref<80xf32, #tpu.memory_space<vmem>>, vector<16xf32>,
      %gt3A_500 = arith.cmpf ogt, %get3A_499, %select_n3A_493 : vector<16xf32>
      %select_n3A_501 = arith.select %gt3A_500, %get3A_499, %select_n3A_493 : vector<16xi1>, vector<16xf32>
      %add3A_502 = arith.constant 48 : i32
      %add3A_503 = vector.broadcast %add3A_502 : i32 to vector<16xi32>
      %add3A_504 = arith.addi %add3A_503, %iota3A : vector<16xi32>
      %select_n3A_505 = arith.select %gt3A_500, %add3A_504, %select_n3A_497 : vector<16xi1>, vector<16xi32>
      %get3A_506 = arith.constant 64 : index
      %get3A_507 = tpu.vector_load %arg17[%get3A_506] {strides = array<i32>} : memref<80xf32, #tpu.memory_space<vmem>>, vector<16xf32>,
      %gt3A_508 = arith.cmpf ogt, %get3A_507, %select_n3A_501 : vector<16xf32>
      %select_n3A_509 = arith.select %gt3A_508, %get3A_507, %select_n3A_501 : vector<16xi1>, vector<16xf32>
      %add3A_510 = arith.constant 64 : i32
      %add3A_511 = vector.broadcast %add3A_510 : i32 to vector<16xi32>
      %add3A_512 = arith.addi %add3A_511, %iota3A : vector<16xi32>
      %select_n3A_513 = arith.select %gt3A_508, %add3A_512, %select_n3A_505 : vector<16xi1>, vector<16xi32>
      %eq3A_514 = arith.cmpf oeq, %select_n3A_509, %broadcast_in_dim3A_474 : vector<16xf32>
      %jit3A_515 = arith.constant 1073741824 : i32
      %broadcast_in_dim3A_516 = vector.broadcast %jit3A_515 : i32 to vector<16xi32>
      %select_n3A_517 = arith.select %eq3A_514, %select_n3A_513, %broadcast_in_dim3A_516 : vector<16xi1>, vector<16xi32>
      %neg3A = arith.constant 0 : i32
      %neg3A_518 = vector.broadcast %neg3A : i32 to vector<16xi32>
      %neg3A_519 = arith.subi %neg3A_518, %select_n3A_517 : vector<16xi32>
      %broadcast_in_dim3A_520 = arith.constant true
      %broadcast_in_dim3A_521 = vector.broadcast %broadcast_in_dim3A_520 : i1 to vector<16xi1>
      %masked_cummax3A = arith.constant -2147483648 : i32
      %masked_cummax3A_522 = vector.broadcast %masked_cummax3A : i32 to vector<16xi32>
      %masked_cummax3A_523 = arith.xori %neg3A_519, %masked_cummax3A_522 : vector<16xi32>
      %masked_cummax3A_524 = tpu.scan <max>, %masked_cummax3A_523 masked %broadcast_in_dim3A_521 : vector<16xi32>, vector<16xi1> -> vector<16xi32>
      %masked_cummax3A_525 = arith.xori %masked_cummax3A_524, %masked_cummax3A_522 : vector<16xi32>
      %rev3A = arith.constant 15 : i32
      %rev3A_526 = vector.broadcast %rev3A : i32 to vector<16xi32>
      %rev3A_527 = tpu.iota {dimensions = array<i32: 0>} : vector<16xi32>
      %rev3A_528 = arith.subi %rev3A_526, %rev3A_527 : vector<16xi32>
      %rev3A_529 = tpu.dynamic_gather %masked_cummax3A_525[%rev3A_528] in [0] : vector<16xi32>, vector<16xi32> -> vector<16xi32>
      %broadcast_in_dim3A_530 = arith.constant true
      %broadcast_in_dim3A_531 = vector.broadcast %broadcast_in_dim3A_530 : i1 to vector<16xi1>
      %masked_cummax3A_532 = arith.constant -2147483648 : i32
      %masked_cummax3A_533 = vector.broadcast %masked_cummax3A_532 : i32 to vector<16xi32>
      %masked_cummax3A_534 = arith.xori %rev3A_529, %masked_cummax3A_533 : vector<16xi32>
      %masked_cummax3A_535 = tpu.scan <max>, %masked_cummax3A_534 masked %broadcast_in_dim3A_531 : vector<16xi32>, vector<16xi1> -> vector<16xi32>
      %masked_cummax3A_536 = arith.xori %masked_cummax3A_535, %masked_cummax3A_533 : vector<16xi32>
      %neg3A_537 = arith.constant 0 : i32
      %neg3A_538 = vector.broadcast %neg3A_537 : i32 to vector<16xi32>
      %neg3A_539 = arith.subi %neg3A_538, %masked_cummax3A_536 : vector<16xi32>
      %mul3A_540 = arith.constant 16 : i32
      %mul3A_541 = vector.broadcast %mul3A_540 : i32 to vector<16xi32>
      %mul3A_542 = arith.muli %neg3A_539, %mul3A_541 : vector<16xi32>
      %add3A_543 = arith.addi %mul3A_542, %iota3A : vector<16xi32>
      %gather3A = tpu.vector_load_idx %arg16[%add3A_543] : memref<1280xf32, #tpu.memory_space<vmem>>[vector<16xi32>], vector<16xf32>,
      %eq3A_544 = arith.cmpf oeq, %gather3A, %broadcast_in_dim3A_474 : vector<16xf32>
      %mul3A_545 = arith.constant 16 : i32
      %mul3A_546 = vector.broadcast %mul3A_545 : i32 to vector<16xi32>
      %mul3A_547 = arith.muli %neg3A_539, %mul3A_546 : vector<16xi32>
      %add3A_548 = arith.addi %mul3A_547, %iota3A : vector<16xi32>
      %jit3A_549 = arith.constant 1073741824 : i32
      %broadcast_in_dim3A_550 = vector.broadcast %jit3A_549 : i32 to vector<16xi32>
      %select_n3A_551 = arith.select %eq3A_544, %add3A_548, %broadcast_in_dim3A_550 : vector<16xi1>, vector<16xi32>
      %neg3A_552 = arith.constant 0 : i32
      %neg3A_553 = vector.broadcast %neg3A_552 : i32 to vector<16xi32>
      %neg3A_554 = arith.subi %neg3A_553, %select_n3A_551 : vector<16xi32>
      %broadcast_in_dim3A_555 = arith.constant true
      %broadcast_in_dim3A_556 = vector.broadcast %broadcast_in_dim3A_555 : i1 to vector<16xi1>
      %masked_cummax3A_557 = arith.constant -2147483648 : i32
      %masked_cummax3A_558 = vector.broadcast %masked_cummax3A_557 : i32 to vector<16xi32>
      %masked_cummax3A_559 = arith.xori %neg3A_554, %masked_cummax3A_558 : vector<16xi32>
      %masked_cummax3A_560 = tpu.scan <max>, %masked_cummax3A_559 masked %broadcast_in_dim3A_556 : vector<16xi32>, vector<16xi1> -> vector<16xi32>
      %masked_cummax3A_561 = arith.xori %masked_cummax3A_560, %masked_cummax3A_558 : vector<16xi32>
      %rev3A_562 = arith.constant 15 : i32
      %rev3A_563 = vector.broadcast %rev3A_562 : i32 to vector<16xi32>
      %rev3A_564 = tpu.iota {dimensions = array<i32: 0>} : vector<16xi32>
      %rev3A_565 = arith.subi %rev3A_563, %rev3A_564 : vector<16xi32>
      %rev3A_566 = tpu.dynamic_gather %masked_cummax3A_561[%rev3A_565] in [0] : vector<16xi32>, vector<16xi32> -> vector<16xi32>
      %broadcast_in_dim3A_567 = arith.constant true
      %broadcast_in_dim3A_568 = vector.broadcast %broadcast_in_dim3A_567 : i1 to vector<16xi1>
      %masked_cummax3A_569 = arith.constant -2147483648 : i32
      %masked_cummax3A_570 = vector.broadcast %masked_cummax3A_569 : i32 to vector<16xi32>
      %masked_cummax3A_571 = arith.xori %rev3A_566, %masked_cummax3A_570 : vector<16xi32>
      %masked_cummax3A_572 = tpu.scan <max>, %masked_cummax3A_571 masked %broadcast_in_dim3A_568 : vector<16xi32>, vector<16xi1> -> vector<16xi32>
      %masked_cummax3A_573 = arith.xori %masked_cummax3A_572, %masked_cummax3A_570 : vector<16xi32>
      %neg3A_574 = arith.constant 0 : i32
      %neg3A_575 = vector.broadcast %neg3A_574 : i32 to vector<16xi32>
      %neg3A_576 = arith.subi %neg3A_575, %masked_cummax3A_573 : vector<16xi32>
      %mul3A_577 = arith.constant 16 : i32
      %mul3A_578 = vector.broadcast %mul3A_577 : i32 to vector<16xi32>
      %mul3A_579 = arith.muli %neg3A_576, %mul3A_578 : vector<16xi32>
      %add3A_580 = arith.addi %mul3A_579, %iota3A : vector<16xi32>
      %gather3A_581 = tpu.vector_load_idx %arg13[%add3A_580] : memref<20000xf32, #tpu.memory_space<vmem>>[vector<16xi32>], vector<16xf32>,
      %eq3A_582 = arith.cmpf oeq, %gather3A_581, %broadcast_in_dim3A_474 : vector<16xf32>
      %mul3A_583 = arith.constant 16 : i32
      %mul3A_584 = vector.broadcast %mul3A_583 : i32 to vector<16xi32>
      %mul3A_585 = arith.muli %neg3A_576, %mul3A_584 : vector<16xi32>
      %add3A_586 = arith.addi %mul3A_585, %iota3A : vector<16xi32>
      %jit3A_587 = arith.constant 1073741824 : i32
      %broadcast_in_dim3A_588 = vector.broadcast %jit3A_587 : i32 to vector<16xi32>
      %select_n3A_589 = arith.select %eq3A_582, %add3A_586, %broadcast_in_dim3A_588 : vector<16xi1>, vector<16xi32>
      %neg3A_590 = arith.constant 0 : i32
      %neg3A_591 = vector.broadcast %neg3A_590 : i32 to vector<16xi32>
      %neg3A_592 = arith.subi %neg3A_591, %select_n3A_589 : vector<16xi32>
      %broadcast_in_dim3A_593 = arith.constant true
      %broadcast_in_dim3A_594 = vector.broadcast %broadcast_in_dim3A_593 : i1 to vector<16xi1>
      %masked_cummax3A_595 = arith.constant -2147483648 : i32
      %masked_cummax3A_596 = vector.broadcast %masked_cummax3A_595 : i32 to vector<16xi32>
      %masked_cummax3A_597 = arith.xori %neg3A_592, %masked_cummax3A_596 : vector<16xi32>
      %masked_cummax3A_598 = tpu.scan <max>, %masked_cummax3A_597 masked %broadcast_in_dim3A_594 : vector<16xi32>, vector<16xi1> -> vector<16xi32>
      %masked_cummax3A_599 = arith.xori %masked_cummax3A_598, %masked_cummax3A_596 : vector<16xi32>
      %rev3A_600 = arith.constant 15 : i32
      %rev3A_601 = vector.broadcast %rev3A_600 : i32 to vector<16xi32>
      %rev3A_602 = tpu.iota {dimensions = array<i32: 0>} : vector<16xi32>
      %rev3A_603 = arith.subi %rev3A_601, %rev3A_602 : vector<16xi32>
      %rev3A_604 = tpu.dynamic_gather %masked_cummax3A_599[%rev3A_603] in [0] : vector<16xi32>, vector<16xi32> -> vector<16xi32>
      %broadcast_in_dim3A_605 = arith.constant true
      %broadcast_in_dim3A_606 = vector.broadcast %broadcast_in_dim3A_605 : i1 to vector<16xi1>
      %masked_cummax3A_607 = arith.constant -2147483648 : i32
      %masked_cummax3A_608 = vector.broadcast %masked_cummax3A_607 : i32 to vector<16xi32>
      %masked_cummax3A_609 = arith.xori %rev3A_604, %masked_cummax3A_608 : vector<16xi32>
      %masked_cummax3A_610 = tpu.scan <max>, %masked_cummax3A_609 masked %broadcast_in_dim3A_606 : vector<16xi32>, vector<16xi1> -> vector<16xi32>
      %masked_cummax3A_611 = arith.xori %masked_cummax3A_610, %masked_cummax3A_608 : vector<16xi32>
      %neg3A_612 = arith.constant 0 : i32
      %neg3A_613 = vector.broadcast %neg3A_612 : i32 to vector<16xi32>
      %neg3A_614 = arith.subi %neg3A_613, %masked_cummax3A_611 : vector<16xi32>
      %gather3A_615 = tpu.vector_load_idx %arg8[%neg3A_614] : memref<20000xf32, #tpu.memory_space<vmem>>[vector<16xi32>], vector<16xf32>,
      %gather3A_616 = tpu.vector_load_idx %arg9[%neg3A_614] : memref<20000xf32, #tpu.memory_space<vmem>>[vector<16xi32>], vector<16xf32>,
      %gather3A_617 = tpu.vector_load_idx %arg10[%neg3A_614] : memref<20000xf32, #tpu.memory_space<vmem>>[vector<16xi32>], vector<16xf32>,
      %gather3A_618 = tpu.vector_load_idx %arg11[%neg3A_614] : memref<20000xf32, #tpu.memory_space<vmem>>[vector<16xi32>], vector<16xf32>,
      %gather3A_619 = tpu.vector_load_idx %arg12[%neg3A_614] : memref<20000xf32, #tpu.memory_space<vmem>>[vector<16xi32>], vector<16xf32>,
      %broadcast_in_dim3A_620 = arith.constant 0.000000e+00 : f32
      %broadcast_in_dim3A_621 = vector.broadcast %broadcast_in_dim3A_620 : f32 to vector<16xf32>
      %get3A_622 = arith.constant 0 : index
      %get3A_623 = tpu.vector_load %arg18[%get3A_622] {strides = array<i32>} : memref<128xf32, #tpu.memory_space<vmem>>, vector<16xf32>,
      %get3A_624 = arith.constant 0 : index
      %get3A_625 = tpu.vector_load %arg19[%get3A_624] {strides = array<i32>} : memref<128xf32, #tpu.memory_space<vmem>>, vector<16xf32>,
      %get3A_626 = arith.constant 0 : index
      %get3A_627 = tpu.vector_load %arg20[%get3A_626] {strides = array<i32>} : memref<128xf32, #tpu.memory_space<vmem>>, vector<16xf32>,
      %get3A_628 = arith.constant 0 : index
      %get3A_629 = tpu.vector_load %arg21[%get3A_628] {strides = array<i32>} : memref<128xf32, #tpu.memory_space<vmem>>, vector<16xf32>,
      %get3A_630 = arith.constant 0 : index
      %get3A_631 = tpu.vector_load %arg22[%get3A_630] {strides = array<i32>} : memref<128xf32, #tpu.memory_space<vmem>>, vector<16xf32>,
      %max3A_632 = arith.maximumf %get3A_623, %gather3A_615 : vector<16xf32>
      %max3A_633 = arith.maximumf %get3A_625, %gather3A_616 : vector<16xf32>
      %min3A = arith.minimumf %get3A_627, %gather3A_617 : vector<16xf32>
      %min3A_634 = arith.minimumf %get3A_629, %gather3A_618 : vector<16xf32>
      %sub3A_635 = arith.subf %min3A, %max3A_632 : vector<16xf32>
      %max3A_636 = arith.constant 0.000000e+00 : f32
      %max3A_637 = vector.broadcast %max3A_636 : f32 to vector<16xf32>
      %max3A_638 = arith.maximumf %sub3A_635, %max3A_637 : vector<16xf32>
      %sub3A_639 = arith.subf %min3A_634, %max3A_633 : vector<16xf32>
      %max3A_640 = arith.constant 0.000000e+00 : f32
      %max3A_641 = vector.broadcast %max3A_640 : f32 to vector<16xf32>
      %max3A_642 = arith.maximumf %sub3A_639, %max3A_641 : vector<16xf32>
      %mul3A_643 = arith.mulf %max3A_638, %max3A_642 : vector<16xf32>
      %add3A_644 = arith.addf %get3A_631, %gather3A_619 : vector<16xf32>
      %sub3A_645 = arith.subf %add3A_644, %mul3A_643 : vector<16xf32>
      %add3A_646 = arith.constant 9.99999993E-9 : f32
      %add3A_647 = vector.broadcast %add3A_646 : f32 to vector<16xf32>
      %add3A_648 = arith.addf %sub3A_645, %add3A_647 : vector<16xf32>
      %div3A_649 = arith.divf %mul3A_643, %add3A_648 : vector<16xf32>
      %max3A_650 = arith.maximumf %broadcast_in_dim3A_621, %div3A_649 : vector<16xf32>
      %get3A_651 = arith.constant 16 : index
      %get3A_652 = tpu.vector_load %arg18[%get3A_651] {strides = array<i32>} : memref<128xf32, #tpu.memory_space<vmem>>, vector<16xf32>,
      %get3A_653 = arith.constant 16 : index
      %get3A_654 = tpu.vector_load %arg19[%get3A_653] {strides = array<i32>} : memref<128xf32, #tpu.memory_space<vmem>>, vector<16xf32>,
      %get3A_655 = arith.constant 16 : index
      %get3A_656 = tpu.vector_load %arg20[%get3A_655] {strides = array<i32>} : memref<128xf32, #tpu.memory_space<vmem>>, vector<16xf32>,
      %get3A_657 = arith.constant 16 : index
      %get3A_658 = tpu.vector_load %arg21[%get3A_657] {strides = array<i32>} : memref<128xf32, #tpu.memory_space<vmem>>, vector<16xf32>,
      %get3A_659 = arith.constant 16 : index
      %get3A_660 = tpu.vector_load %arg22[%get3A_659] {strides = array<i32>} : memref<128xf32, #tpu.memory_space<vmem>>, vector<16xf32>,
      %max3A_661 = arith.maximumf %get3A_652, %gather3A_615 : vector<16xf32>
      %max3A_662 = arith.maximumf %get3A_654, %gather3A_616 : vector<16xf32>
      %min3A_663 = arith.minimumf %get3A_656, %gather3A_617 : vector<16xf32>
      %min3A_664 = arith.minimumf %get3A_658, %gather3A_618 : vector<16xf32>
      %sub3A_665 = arith.subf %min3A_663, %max3A_661 : vector<16xf32>
      %max3A_666 = arith.constant 0.000000e+00 : f32
      %max3A_667 = vector.broadcast %max3A_666 : f32 to vector<16xf32>
      %max3A_668 = arith.maximumf %sub3A_665, %max3A_667 : vector<16xf32>
      %sub3A_669 = arith.subf %min3A_664, %max3A_662 : vector<16xf32>
      %max3A_670 = arith.constant 0.000000e+00 : f32
      %max3A_671 = vector.broadcast %max3A_670 : f32 to vector<16xf32>
      %max3A_672 = arith.maximumf %sub3A_669, %max3A_671 : vector<16xf32>
      %mul3A_673 = arith.mulf %max3A_668, %max3A_672 : vector<16xf32>
      %add3A_674 = arith.addf %get3A_660, %gather3A_619 : vector<16xf32>
      %sub3A_675 = arith.subf %add3A_674, %mul3A_673 : vector<16xf32>
      %add3A_676 = arith.constant 9.99999993E-9 : f32
      %add3A_677 = vector.broadcast %add3A_676 : f32 to vector<16xf32>
      %add3A_678 = arith.addf %sub3A_675, %add3A_677 : vector<16xf32>
      %div3A_679 = arith.divf %mul3A_673, %add3A_678 : vector<16xf32>
      %max3A_680 = arith.maximumf %max3A_650, %div3A_679 : vector<16xf32>
      %get3A_681 = arith.constant 32 : index
      %get3A_682 = tpu.vector_load %arg18[%get3A_681] {strides = array<i32>} : memref<128xf32, #tpu.memory_space<vmem>>, vector<16xf32>,
      %get3A_683 = arith.constant 32 : index
      %get3A_684 = tpu.vector_load %arg19[%get3A_683] {strides = array<i32>} : memref<128xf32, #tpu.memory_space<vmem>>, vector<16xf32>,
      %get3A_685 = arith.constant 32 : index
      %get3A_686 = tpu.vector_load %arg20[%get3A_685] {strides = array<i32>} : memref<128xf32, #tpu.memory_space<vmem>>, vector<16xf32>,
      %get3A_687 = arith.constant 32 : index
      %get3A_688 = tpu.vector_load %arg21[%get3A_687] {strides = array<i32>} : memref<128xf32, #tpu.memory_space<vmem>>, vector<16xf32>,
      %get3A_689 = arith.constant 32 : index
      %get3A_690 = tpu.vector_load %arg22[%get3A_689] {strides = array<i32>} : memref<128xf32, #tpu.memory_space<vmem>>, vector<16xf32>,
      %max3A_691 = arith.maximumf %get3A_682, %gather3A_615 : vector<16xf32>
      %max3A_692 = arith.maximumf %get3A_684, %gather3A_616 : vector<16xf32>
      %min3A_693 = arith.minimumf %get3A_686, %gather3A_617 : vector<16xf32>
      %min3A_694 = arith.minimumf %get3A_688, %gather3A_618 : vector<16xf32>
      %sub3A_695 = arith.subf %min3A_693, %max3A_691 : vector<16xf32>
      %max3A_696 = arith.constant 0.000000e+00 : f32
      %max3A_697 = vector.broadcast %max3A_696 : f32 to vector<16xf32>
      %max3A_698 = arith.maximumf %sub3A_695, %max3A_697 : vector<16xf32>
      %sub3A_699 = arith.subf %min3A_694, %max3A_692 : vector<16xf32>
      %max3A_700 = arith.constant 0.000000e+00 : f32
      %max3A_701 = vector.broadcast %max3A_700 : f32 to vector<16xf32>
      %max3A_702 = arith.maximumf %sub3A_699, %max3A_701 : vector<16xf32>
      %mul3A_703 = arith.mulf %max3A_698, %max3A_702 : vector<16xf32>
      %add3A_704 = arith.addf %get3A_690, %gather3A_619 : vector<16xf32>
      %sub3A_705 = arith.subf %add3A_704, %mul3A_703 : vector<16xf32>
      %add3A_706 = arith.constant 9.99999993E-9 : f32
      %add3A_707 = vector.broadcast %add3A_706 : f32 to vector<16xf32>
      %add3A_708 = arith.addf %sub3A_705, %add3A_707 : vector<16xf32>
      %div3A_709 = arith.divf %mul3A_703, %add3A_708 : vector<16xf32>
      %max3A_710 = arith.maximumf %max3A_680, %div3A_709 : vector<16xf32>
      %get3A_711 = arith.constant 48 : index
      %get3A_712 = tpu.vector_load %arg18[%get3A_711] {strides = array<i32>} : memref<128xf32, #tpu.memory_space<vmem>>, vector<16xf32>,
      %get3A_713 = arith.constant 48 : index
      %get3A_714 = tpu.vector_load %arg19[%get3A_713] {strides = array<i32>} : memref<128xf32, #tpu.memory_space<vmem>>, vector<16xf32>,
      %get3A_715 = arith.constant 48 : index
      %get3A_716 = tpu.vector_load %arg20[%get3A_715] {strides = array<i32>} : memref<128xf32, #tpu.memory_space<vmem>>, vector<16xf32>,
      %get3A_717 = arith.constant 48 : index
      %get3A_718 = tpu.vector_load %arg21[%get3A_717] {strides = array<i32>} : memref<128xf32, #tpu.memory_space<vmem>>, vector<16xf32>,
      %get3A_719 = arith.constant 48 : index
      %get3A_720 = tpu.vector_load %arg22[%get3A_719] {strides = array<i32>} : memref<128xf32, #tpu.memory_space<vmem>>, vector<16xf32>,
      %max3A_721 = arith.maximumf %get3A_712, %gather3A_615 : vector<16xf32>
      %max3A_722 = arith.maximumf %get3A_714, %gather3A_616 : vector<16xf32>
      %min3A_723 = arith.minimumf %get3A_716, %gather3A_617 : vector<16xf32>
      %min3A_724 = arith.minimumf %get3A_718, %gather3A_618 : vector<16xf32>
      %sub3A_725 = arith.subf %min3A_723, %max3A_721 : vector<16xf32>
      %max3A_726 = arith.constant 0.000000e+00 : f32
      %max3A_727 = vector.broadcast %max3A_726 : f32 to vector<16xf32>
      %max3A_728 = arith.maximumf %sub3A_725, %max3A_727 : vector<16xf32>
      %sub3A_729 = arith.subf %min3A_724, %max3A_722 : vector<16xf32>
      %max3A_730 = arith.constant 0.000000e+00 : f32
      %max3A_731 = vector.broadcast %max3A_730 : f32 to vector<16xf32>
      %max3A_732 = arith.maximumf %sub3A_729, %max3A_731 : vector<16xf32>
      %mul3A_733 = arith.mulf %max3A_728, %max3A_732 : vector<16xf32>
      %add3A_734 = arith.addf %get3A_720, %gather3A_619 : vector<16xf32>
      %sub3A_735 = arith.subf %add3A_734, %mul3A_733 : vector<16xf32>
      %add3A_736 = arith.constant 9.99999993E-9 : f32
      %add3A_737 = vector.broadcast %add3A_736 : f32 to vector<16xf32>
      %add3A_738 = arith.addf %sub3A_735, %add3A_737 : vector<16xf32>
      %div3A_739 = arith.divf %mul3A_733, %add3A_738 : vector<16xf32>
      %max3A_740 = arith.maximumf %max3A_710, %div3A_739 : vector<16xf32>
      %get3A_741 = arith.constant 64 : index
      %get3A_742 = tpu.vector_load %arg18[%get3A_741] {strides = array<i32>} : memref<128xf32, #tpu.memory_space<vmem>>, vector<16xf32>,
      %get3A_743 = arith.constant 64 : index
      %get3A_744 = tpu.vector_load %arg19[%get3A_743] {strides = array<i32>} : memref<128xf32, #tpu.memory_space<vmem>>, vector<16xf32>,
      %get3A_745 = arith.constant 64 : index
      %get3A_746 = tpu.vector_load %arg20[%get3A_745] {strides = array<i32>} : memref<128xf32, #tpu.memory_space<vmem>>, vector<16xf32>,
      %get3A_747 = arith.constant 64 : index
      %get3A_748 = tpu.vector_load %arg21[%get3A_747] {strides = array<i32>} : memref<128xf32, #tpu.memory_space<vmem>>, vector<16xf32>,
      %get3A_749 = arith.constant 64 : index
      %get3A_750 = tpu.vector_load %arg22[%get3A_749] {strides = array<i32>} : memref<128xf32, #tpu.memory_space<vmem>>, vector<16xf32>,
      %max3A_751 = arith.maximumf %get3A_742, %gather3A_615 : vector<16xf32>
      %max3A_752 = arith.maximumf %get3A_744, %gather3A_616 : vector<16xf32>
      %min3A_753 = arith.minimumf %get3A_746, %gather3A_617 : vector<16xf32>
      %min3A_754 = arith.minimumf %get3A_748, %gather3A_618 : vector<16xf32>
      %sub3A_755 = arith.subf %min3A_753, %max3A_751 : vector<16xf32>
      %max3A_756 = arith.constant 0.000000e+00 : f32
      %max3A_757 = vector.broadcast %max3A_756 : f32 to vector<16xf32>
      %max3A_758 = arith.maximumf %sub3A_755, %max3A_757 : vector<16xf32>
      %sub3A_759 = arith.subf %min3A_754, %max3A_752 : vector<16xf32>
      %max3A_760 = arith.constant 0.000000e+00 : f32
      %max3A_761 = vector.broadcast %max3A_760 : f32 to vector<16xf32>
      %max3A_762 = arith.maximumf %sub3A_759, %max3A_761 : vector<16xf32>
      %mul3A_763 = arith.mulf %max3A_758, %max3A_762 : vector<16xf32>
      %add3A_764 = arith.addf %get3A_750, %gather3A_619 : vector<16xf32>
      %sub3A_765 = arith.subf %add3A_764, %mul3A_763 : vector<16xf32>
      %add3A_766 = arith.constant 9.99999993E-9 : f32
      %add3A_767 = vector.broadcast %add3A_766 : f32 to vector<16xf32>
      %add3A_768 = arith.addf %sub3A_765, %add3A_767 : vector<16xf32>
      %div3A_769 = arith.divf %mul3A_763, %add3A_768 : vector<16xf32>
      %max3A_770 = arith.maximumf %max3A_740, %div3A_769 : vector<16xf32>
      %get3A_771 = arith.constant 80 : index
      %get3A_772 = tpu.vector_load %arg18[%get3A_771] {strides = array<i32>} : memref<128xf32, #tpu.memory_space<vmem>>, vector<16xf32>,
      %get3A_773 = arith.constant 80 : index
      %get3A_774 = tpu.vector_load %arg19[%get3A_773] {strides = array<i32>} : memref<128xf32, #tpu.memory_space<vmem>>, vector<16xf32>,
      %get3A_775 = arith.constant 80 : index
      %get3A_776 = tpu.vector_load %arg20[%get3A_775] {strides = array<i32>} : memref<128xf32, #tpu.memory_space<vmem>>, vector<16xf32>,
      %get3A_777 = arith.constant 80 : index
      %get3A_778 = tpu.vector_load %arg21[%get3A_777] {strides = array<i32>} : memref<128xf32, #tpu.memory_space<vmem>>, vector<16xf32>,
      %get3A_779 = arith.constant 80 : index
      %get3A_780 = tpu.vector_load %arg22[%get3A_779] {strides = array<i32>} : memref<128xf32, #tpu.memory_space<vmem>>, vector<16xf32>,
      %max3A_781 = arith.maximumf %get3A_772, %gather3A_615 : vector<16xf32>
      %max3A_782 = arith.maximumf %get3A_774, %gather3A_616 : vector<16xf32>
      %min3A_783 = arith.minimumf %get3A_776, %gather3A_617 : vector<16xf32>
      %min3A_784 = arith.minimumf %get3A_778, %gather3A_618 : vector<16xf32>
      %sub3A_785 = arith.subf %min3A_783, %max3A_781 : vector<16xf32>
      %max3A_786 = arith.constant 0.000000e+00 : f32
      %max3A_787 = vector.broadcast %max3A_786 : f32 to vector<16xf32>
      %max3A_788 = arith.maximumf %sub3A_785, %max3A_787 : vector<16xf32>
      %sub3A_789 = arith.subf %min3A_784, %max3A_782 : vector<16xf32>
      %max3A_790 = arith.constant 0.000000e+00 : f32
      %max3A_791 = vector.broadcast %max3A_790 : f32 to vector<16xf32>
      %max3A_792 = arith.maximumf %sub3A_789, %max3A_791 : vector<16xf32>
      %mul3A_793 = arith.mulf %max3A_788, %max3A_792 : vector<16xf32>
      %add3A_794 = arith.addf %get3A_780, %gather3A_619 : vector<16xf32>
      %sub3A_795 = arith.subf %add3A_794, %mul3A_793 : vector<16xf32>
      %add3A_796 = arith.constant 9.99999993E-9 : f32
      %add3A_797 = vector.broadcast %add3A_796 : f32 to vector<16xf32>
      %add3A_798 = arith.addf %sub3A_795, %add3A_797 : vector<16xf32>
      %div3A_799 = arith.divf %mul3A_793, %add3A_798 : vector<16xf32>
      %max3A_800 = arith.maximumf %max3A_770, %div3A_799 : vector<16xf32>
      %get3A_801 = arith.constant 96 : index
      %get3A_802 = tpu.vector_load %arg18[%get3A_801] {strides = array<i32>} : memref<128xf32, #tpu.memory_space<vmem>>, vector<16xf32>,
      %get3A_803 = arith.constant 96 : index
      %get3A_804 = tpu.vector_load %arg19[%get3A_803] {strides = array<i32>} : memref<128xf32, #tpu.memory_space<vmem>>, vector<16xf32>,
      %get3A_805 = arith.constant 96 : index
      %get3A_806 = tpu.vector_load %arg20[%get3A_805] {strides = array<i32>} : memref<128xf32, #tpu.memory_space<vmem>>, vector<16xf32>,
      %get3A_807 = arith.constant 96 : index
      %get3A_808 = tpu.vector_load %arg21[%get3A_807] {strides = array<i32>} : memref<128xf32, #tpu.memory_space<vmem>>, vector<16xf32>,
      %get3A_809 = arith.constant 96 : index
      %get3A_810 = tpu.vector_load %arg22[%get3A_809] {strides = array<i32>} : memref<128xf32, #tpu.memory_space<vmem>>, vector<16xf32>,
      %max3A_811 = arith.maximumf %get3A_802, %gather3A_615 : vector<16xf32>
      %max3A_812 = arith.maximumf %get3A_804, %gather3A_616 : vector<16xf32>
      %min3A_813 = arith.minimumf %get3A_806, %gather3A_617 : vector<16xf32>
      %min3A_814 = arith.minimumf %get3A_808, %gather3A_618 : vector<16xf32>
      %sub3A_815 = arith.subf %min3A_813, %max3A_811 : vector<16xf32>
      %max3A_816 = arith.constant 0.000000e+00 : f32
      %max3A_817 = vector.broadcast %max3A_816 : f32 to vector<16xf32>
      %max3A_818 = arith.maximumf %sub3A_815, %max3A_817 : vector<16xf32>
      %sub3A_819 = arith.subf %min3A_814, %max3A_812 : vector<16xf32>
      %max3A_820 = arith.constant 0.000000e+00 : f32
      %max3A_821 = vector.broadcast %max3A_820 : f32 to vector<16xf32>
      %max3A_822 = arith.maximumf %sub3A_819, %max3A_821 : vector<16xf32>
      %mul3A_823 = arith.mulf %max3A_818, %max3A_822 : vector<16xf32>
      %add3A_824 = arith.addf %get3A_810, %gather3A_619 : vector<16xf32>
      %sub3A_825 = arith.subf %add3A_824, %mul3A_823 : vector<16xf32>
      %add3A_826 = arith.constant 9.99999993E-9 : f32
      %add3A_827 = vector.broadcast %add3A_826 : f32 to vector<16xf32>
      %add3A_828 = arith.addf %sub3A_825, %add3A_827 : vector<16xf32>
      %div3A_829 = arith.divf %mul3A_823, %add3A_828 : vector<16xf32>
      %max3A_830 = arith.maximumf %max3A_800, %div3A_829 : vector<16xf32>
      %reduce_max3A_831 = arith.constant true
      %reduce_max3A_832 = vector.broadcast %reduce_max3A_831 : i1 to vector<16xi1>
      %reduce_max3A_833 = tpu.scan <max>, %max3A_830 masked %reduce_max3A_832 : vector<16xf32>, vector<16xi1> -> vector<16xf32>
      %reduce_max3A_834 = vector.extract %reduce_max3A_833[15] : f32 from vector<16xf32>
      %gt3A_835 = arith.constant 5.000000e-01 : f32
      %gt3A_836 = arith.cmpf ogt, %reduce_max3A_834, %gt3A_835 : f32
      %not3A = arith.constant true
      %not3A_837 = arith.xori %gt3A_836, %not3A : i1
      %and3A_838 = vector.broadcast %not3A_837 : i1 to vector<16xi1>
      %and3A_839 = arith.andi %eq3A_47, %and3A_838 : vector<16xi1>
      %broadcast_in_dim3A_840 = vector.broadcast %while3A_472 : i32 to vector<16xi32>
      %broadcast_in_dim3A_841 = arith.constant 1 : i32
      %broadcast_in_dim3A_842 = vector.broadcast %broadcast_in_dim3A_841 : i32 to vector<16xi32>
      tpu.vector_store_idx %arg14[%broadcast_in_dim3A_842, %broadcast_in_dim3A_840], %neg3A_614 masked %and3A_839 : memref<2x128xi32, #tpu.memory_space<vmem>>[vector<16xi32>, vector<16xi32>], vector<16xi32>, vector<16xi1>
      %broadcast_in_dim3A_843 = arith.constant 1 : i32
      %broadcast_in_dim3A_844 = vector.broadcast %broadcast_in_dim3A_843 : i32 to vector<16xi32>
      tpu.vector_store_idx %arg15[%broadcast_in_dim3A_844, %broadcast_in_dim3A_840], %broadcast_in_dim3A_474 masked %and3A_839 : memref<2x128xf32, #tpu.memory_space<vmem>>[vector<16xi32>, vector<16xi32>], vector<16xf32>, vector<16xi1>
      tpu.vector_store_idx %arg18[%broadcast_in_dim3A_840], %gather3A_615 masked %and3A_839 : memref<128xf32, #tpu.memory_space<vmem>>[vector<16xi32>], vector<16xf32>, vector<16xi1>
      tpu.vector_store_idx %arg19[%broadcast_in_dim3A_840], %gather3A_616 masked %and3A_839 : memref<128xf32, #tpu.memory_space<vmem>>[vector<16xi32>], vector<16xf32>, vector<16xi1>
      tpu.vector_store_idx %arg20[%broadcast_in_dim3A_840], %gather3A_617 masked %and3A_839 : memref<128xf32, #tpu.memory_space<vmem>>[vector<16xi32>], vector<16xf32>, vector<16xi1>
      tpu.vector_store_idx %arg21[%broadcast_in_dim3A_840], %gather3A_618 masked %and3A_839 : memref<128xf32, #tpu.memory_space<vmem>>[vector<16xi32>], vector<16xf32>, vector<16xi1>
      tpu.vector_store_idx %arg22[%broadcast_in_dim3A_840], %gather3A_619 masked %and3A_839 : memref<128xf32, #tpu.memory_space<vmem>>[vector<16xi32>], vector<16xf32>, vector<16xi1>
      %broadcast_in_dim3A_845 = arith.constant 0xFF800000 : f32
      %broadcast_in_dim3A_846 = vector.broadcast %broadcast_in_dim3A_845 : f32 to vector<16xf32>
      tpu.vector_store_idx %arg13[%neg3A_614], %broadcast_in_dim3A_846 masked %eq3A_47 : memref<20000xf32, #tpu.memory_space<vmem>>[vector<16xi32>], vector<16xf32>, vector<16xi1>
      %mul3A_847 = arith.constant 16 : i32
      %mul3A_848 = vector.broadcast %mul3A_847 : i32 to vector<16xi32>
      %mul3A_849 = arith.muli %neg3A_576, %mul3A_848 : vector<16xi32>
      %add3A_850 = arith.addi %mul3A_849, %iota3A : vector<16xi32>
      %eq3A_851 = arith.cmpi eq, %add3A_850, %neg3A_614 : vector<16xi32>
      %jit3A_852 = arith.constant 0xFF800000 : f32
      %broadcast_in_dim3A_853 = vector.broadcast %jit3A_852 : f32 to vector<16xf32>
      %select_n3A_854 = arith.select %eq3A_851, %broadcast_in_dim3A_853, %gather3A_581 : vector<16xi1>, vector<16xf32>
      %broadcast_in_dim3A_855 = arith.constant true
      %broadcast_in_dim3A_856 = vector.broadcast %broadcast_in_dim3A_855 : i1 to vector<16xi1>
      %masked_cummax3A_857 = tpu.scan <max>, %select_n3A_854 masked %broadcast_in_dim3A_856 : vector<16xf32>, vector<16xi1> -> vector<16xf32>
      %rev3A_858 = arith.constant 15 : i32
      %rev3A_859 = vector.broadcast %rev3A_858 : i32 to vector<16xi32>
      %rev3A_860 = tpu.iota {dimensions = array<i32: 0>} : vector<16xi32>
      %rev3A_861 = arith.subi %rev3A_859, %rev3A_860 : vector<16xi32>
      %rev3A_862 = tpu.dynamic_gather %masked_cummax3A_857[%rev3A_861] in [0] : vector<16xf32>, vector<16xi32> -> vector<16xf32>
      %broadcast_in_dim3A_863 = arith.constant true
      %broadcast_in_dim3A_864 = vector.broadcast %broadcast_in_dim3A_863 : i1 to vector<16xi1>
      %masked_cummax3A_865 = tpu.scan <max>, %rev3A_862 masked %broadcast_in_dim3A_864 : vector<16xf32>, vector<16xi1> -> vector<16xf32>
      tpu.vector_store_idx %arg16[%neg3A_576], %masked_cummax3A_865 masked %eq3A_47 : memref<1280xf32, #tpu.memory_space<vmem>>[vector<16xi32>], vector<16xf32>, vector<16xi1>
      %mul3A_866 = arith.constant 16 : i32
      %mul3A_867 = vector.broadcast %mul3A_866 : i32 to vector<16xi32>
      %mul3A_868 = arith.muli %neg3A_539, %mul3A_867 : vector<16xi32>
      %add3A_869 = arith.addi %mul3A_868, %iota3A : vector<16xi32>
      %eq3A_870 = arith.cmpi eq, %add3A_869, %neg3A_576 : vector<16xi32>
      %select_n3A_871 = arith.select %eq3A_870, %masked_cummax3A_865, %gather3A : vector<16xi1>, vector<16xf32>
      %broadcast_in_dim3A_872 = arith.constant true
      %broadcast_in_dim3A_873 = vector.broadcast %broadcast_in_dim3A_872 : i1 to vector<16xi1>
      %masked_cummax3A_874 = tpu.scan <max>, %select_n3A_871 masked %broadcast_in_dim3A_873 : vector<16xf32>, vector<16xi1> -> vector<16xf32>
      %rev3A_875 = arith.constant 15 : i32
      %rev3A_876 = vector.broadcast %rev3A_875 : i32 to vector<16xi32>
      %rev3A_877 = tpu.iota {dimensions = array<i32: 0>} : vector<16xi32>
      %rev3A_878 = arith.subi %rev3A_876, %rev3A_877 : vector<16xi32>
      %rev3A_879 = tpu.dynamic_gather %masked_cummax3A_874[%rev3A_878] in [0] : vector<16xf32>, vector<16xi32> -> vector<16xf32>
      %broadcast_in_dim3A_880 = arith.constant true
      %broadcast_in_dim3A_881 = vector.broadcast %broadcast_in_dim3A_880 : i1 to vector<16xi1>
      %masked_cummax3A_882 = tpu.scan <max>, %rev3A_879 masked %broadcast_in_dim3A_881 : vector<16xf32>, vector<16xi1> -> vector<16xf32>
      tpu.vector_store_idx %arg17[%neg3A_539], %masked_cummax3A_882 masked %eq3A_47 : memref<80xf32, #tpu.memory_space<vmem>>[vector<16xi32>], vector<16xf32>, vector<16xi1>
      %add3A_883 = arith.constant 0 : i32
      %add3A_884 = vector.broadcast %add3A_883 : i32 to vector<16xi32>
      %add3A_885 = arith.addi %add3A_884, %iota3A : vector<16xi32>
      %eq3A_886 = arith.cmpi eq, %add3A_885, %neg3A_539 : vector<16xi32>
      %select_n3A_887 = arith.select %eq3A_886, %masked_cummax3A_882, %get3A_476 : vector<16xi1>, vector<16xf32>
      %max3A_888 = arith.maximumf %broadcast_in_dim3A_42, %select_n3A_887 : vector<16xf32>
      %add3A_889 = arith.constant 16 : i32
      %add3A_890 = vector.broadcast %add3A_889 : i32 to vector<16xi32>
      %add3A_891 = arith.addi %add3A_890, %iota3A : vector<16xi32>
      %eq3A_892 = arith.cmpi eq, %add3A_891, %neg3A_539 : vector<16xi32>
      %select_n3A_893 = arith.select %eq3A_892, %masked_cummax3A_882, %get3A_483 : vector<16xi1>, vector<16xf32>
      %max3A_894 = arith.maximumf %max3A_888, %select_n3A_893 : vector<16xf32>
      %add3A_895 = arith.constant 32 : i32
      %add3A_896 = vector.broadcast %add3A_895 : i32 to vector<16xi32>
      %add3A_897 = arith.addi %add3A_896, %iota3A : vector<16xi32>
      %eq3A_898 = arith.cmpi eq, %add3A_897, %neg3A_539 : vector<16xi32>
      %select_n3A_899 = arith.select %eq3A_898, %masked_cummax3A_882, %get3A_491 : vector<16xi1>, vector<16xf32>
      %max3A_900 = arith.maximumf %max3A_894, %select_n3A_899 : vector<16xf32>
      %add3A_901 = arith.constant 48 : i32
      %add3A_902 = vector.broadcast %add3A_901 : i32 to vector<16xi32>
      %add3A_903 = arith.addi %add3A_902, %iota3A : vector<16xi32>
      %eq3A_904 = arith.cmpi eq, %add3A_903, %neg3A_539 : vector<16xi32>
      %select_n3A_905 = arith.select %eq3A_904, %masked_cummax3A_882, %get3A_499 : vector<16xi1>, vector<16xf32>
      %max3A_906 = arith.maximumf %max3A_900, %select_n3A_905 : vector<16xf32>
      %add3A_907 = arith.constant 64 : i32
      %add3A_908 = vector.broadcast %add3A_907 : i32 to vector<16xi32>
      %add3A_909 = arith.addi %add3A_908, %iota3A : vector<16xi32>
      %eq3A_910 = arith.cmpi eq, %add3A_909, %neg3A_539 : vector<16xi32>
      %select_n3A_911 = arith.select %eq3A_910, %masked_cummax3A_882, %get3A_507 : vector<16xi1>, vector<16xf32>
      %max3A_912 = arith.maximumf %max3A_906, %select_n3A_911 : vector<16xf32>
      %reduce_max3A_913 = arith.constant true
      %reduce_max3A_914 = vector.broadcast %reduce_max3A_913 : i1 to vector<16xi1>
      %reduce_max3A_915 = tpu.scan <max>, %max3A_912 masked %reduce_max3A_914 : vector<16xf32>, vector<16xi1> -> vector<16xf32>
      %reduce_max3A_916 = vector.extract %reduce_max3A_915[15] : f32 from vector<16xf32>
      %jit3A_917 = arith.constant 0 : i32
      %jit3A_918 = arith.constant 1 : i32
      %select_n3A_919 = arith.select %gt3A_836, %jit3A_917, %jit3A_918 : i32
      %add3A_920 = arith.addi %while3A_472, %select_n3A_919 : i32
      scf.yield %add3A_920, %reduce_max3A_916 : i32, f32
    }
    %while3A_457 = arith.constant 100 : i32
    %while3A_458 = arith.constant 0 : i32
    %while3A_459 = arith.subi %while3A_457, %while3A_456#0 : i32
    %while3A_460 = arith.addi %while3A_456#0, %while3A_459 : i32
    %while3A_461 = arith.constant 1 : i32
    %while3A_462 = arith.divsi %while3A_459, %while3A_461 : i32
    %while3A_463 = arith.muli %while3A_462, %while3A_461 : i32
    %while3A_464 = arith.addi %while3A_456#0, %while3A_463 : i32
    %while3A_465 = arith.constant 1 : i32
    %while3A_466 = scf.for %while3A_472 = %while3A_456#0 to %while3A_464 step %while3A_465 iter_args(%while3A_473 = %while3A_458) -> (i32)  : i32 {
      %broadcast_in_dim3A_474 = arith.constant 1 : i32
      %broadcast_in_dim3A_475 = vector.broadcast %broadcast_in_dim3A_474 : i32 to vector<16xi32>
      %broadcast_in_dim3A_476 = vector.broadcast %while3A_472 : i32 to vector<16xi32>
      %broadcast_in_dim3A_477 = arith.constant -1 : i32
      %broadcast_in_dim3A_478 = vector.broadcast %broadcast_in_dim3A_477 : i32 to vector<16xi32>
      tpu.vector_store_idx %arg14[%broadcast_in_dim3A_475, %broadcast_in_dim3A_476], %broadcast_in_dim3A_478 masked %eq3A_47 : memref<2x128xi32, #tpu.memory_space<vmem>>[vector<16xi32>, vector<16xi32>], vector<16xi32>, vector<16xi1>
      %broadcast_in_dim3A_479 = arith.constant 1 : i32
      %broadcast_in_dim3A_480 = vector.broadcast %broadcast_in_dim3A_479 : i32 to vector<16xi32>
      %broadcast_in_dim3A_481 = vector.broadcast %while3A_472 : i32 to vector<16xi32>
      %broadcast_in_dim3A_482 = arith.constant 0xFF800000 : f32
      %broadcast_in_dim3A_483 = vector.broadcast %broadcast_in_dim3A_482 : f32 to vector<16xf32>
      tpu.vector_store_idx %arg15[%broadcast_in_dim3A_480, %broadcast_in_dim3A_481], %broadcast_in_dim3A_483 masked %eq3A_47 : memref<2x128xf32, #tpu.memory_space<vmem>>[vector<16xi32>, vector<16xi32>], vector<16xf32>, vector<16xi1>
      %while3A_484 = arith.constant 0 : i32
      scf.yield %while3A_484 : i32
    }
    %while3A_467 = arith.constant 1 : i32
    %while3A_468 = scf.for %while3A_472 = %while3A_464 to %while3A_460 step %while3A_467 iter_args(%while3A_473 = %while3A_466) -> (i32)  : i32 {
      %broadcast_in_dim3A_474 = arith.constant 1 : i32
      %broadcast_in_dim3A_475 = vector.broadcast %broadcast_in_dim3A_474 : i32 to vector<16xi32>
      %broadcast_in_dim3A_476 = vector.broadcast %while3A_472 : i32 to vector<16xi32>
      %broadcast_in_dim3A_477 = arith.constant -1 : i32
      %broadcast_in_dim3A_478 = vector.broadcast %broadcast_in_dim3A_477 : i32 to vector<16xi32>
      tpu.vector_store_idx %arg14[%broadcast_in_dim3A_475, %broadcast_in_dim3A_476], %broadcast_in_dim3A_478 masked %eq3A_47 : memref<2x128xi32, #tpu.memory_space<vmem>>[vector<16xi32>, vector<16xi32>], vector<16xi32>, vector<16xi1>
      %broadcast_in_dim3A_479 = arith.constant 1 : i32
      %broadcast_in_dim3A_480 = vector.broadcast %broadcast_in_dim3A_479 : i32 to vector<16xi32>
      %broadcast_in_dim3A_481 = vector.broadcast %while3A_472 : i32 to vector<16xi32>
      %broadcast_in_dim3A_482 = arith.constant 0xFF800000 : f32
      %broadcast_in_dim3A_483 = vector.broadcast %broadcast_in_dim3A_482 : f32 to vector<16xf32>
      tpu.vector_store_idx %arg15[%broadcast_in_dim3A_480, %broadcast_in_dim3A_481], %broadcast_in_dim3A_483 masked %eq3A_47 : memref<2x128xf32, #tpu.memory_space<vmem>>[vector<16xi32>, vector<16xi32>], vector<16xf32>, vector<16xi1>
      %while3A_484 = arith.constant 0 : i32
      scf.yield %while3A_484 : i32
    }
    "tpu.region"() ({
      %run_scoped3A_472 = tpu.sem_alloc : memref<!tpu.dma_semaphore, #tpu.memory_space<semaphore_mem>>
      %dma_start3A = arith.constant 0 : i32
      %dma_start3A_473 = tpu.memref_slice %arg30[%add3A, %mul3A_32, %dma_start3A] : memref<8x8x128xf32, #tpu.memory_space<vmem_shared>> -> memref<1x2x128xf32, #tpu.memory_space<vmem_shared>>
      %dma_start3A_474 = tpu.memref_squeeze %dma_start3A_473 : memref<1x2x128xf32, #tpu.memory_space<vmem_shared>> -> memref<2x128xf32, #tpu.memory_space<vmem_shared>>
      %dma_start3A_475 = arith.constant 0 : i32
      %dma_start3A_476 = tpu.memref_slice %arg30[%add3A, %mul3A_32, %dma_start3A_475] : memref<8x8x128xf32, #tpu.memory_space<vmem_shared>> -> memref<1x2x128xf32, #tpu.memory_space<vmem_shared>>
      %dma_start3A_477 = tpu.memref_squeeze %dma_start3A_476 : memref<1x2x128xf32, #tpu.memory_space<vmem_shared>> -> memref<2x128xf32, #tpu.memory_space<vmem_shared>>
      tpu.enqueue_dma source(%arg15 : memref<2x128xf32, #tpu.memory_space<vmem>>) target(%dma_start3A_477 : memref<2x128xf32, #tpu.memory_space<vmem_shared>>) target_semaphore(%run_scoped3A_472 : memref<!tpu.dma_semaphore, #tpu.memory_space<semaphore_mem>>)
      %dma_wait3A = arith.constant 0 : i32
      %dma_wait3A_478 = tpu.memref_slice %arg30[%add3A, %mul3A_32, %dma_wait3A] : memref<8x8x128xf32, #tpu.memory_space<vmem_shared>> -> memref<1x2x128xf32, #tpu.memory_space<vmem_shared>>
      %dma_wait3A_479 = tpu.memref_squeeze %dma_wait3A_478 : memref<1x2x128xf32, #tpu.memory_space<vmem_shared>> -> memref<2x128xf32, #tpu.memory_space<vmem_shared>>
      %dma_wait3A_480 = arith.constant 0 : i32
      %dma_wait3A_481 = tpu.memref_slice %arg30[%add3A, %mul3A_32, %dma_wait3A_480] : memref<8x8x128xf32, #tpu.memory_space<vmem_shared>> -> memref<1x2x128xf32, #tpu.memory_space<vmem_shared>>
      %dma_wait3A_482 = tpu.memref_squeeze %dma_wait3A_481 : memref<1x2x128xf32, #tpu.memory_space<vmem_shared>> -> memref<2x128xf32, #tpu.memory_space<vmem_shared>>
      tpu.wait_dma2 semaphore(%run_scoped3A_472 : memref<!tpu.dma_semaphore, #tpu.memory_space<semaphore_mem>>) src(%arg15 : memref<2x128xf32, #tpu.memory_space<vmem>>) dst(%dma_wait3A_482 : memref<2x128xf32, #tpu.memory_space<vmem_shared>>)
      tpu.yield
    }) : () -> ()
    "tpu.region"() ({
      %run_scoped3A_472 = tpu.sem_alloc : memref<!tpu.dma_semaphore, #tpu.memory_space<semaphore_mem>>
      %dma_start3A = arith.constant 0 : i32
      %dma_start3A_473 = tpu.memref_slice %arg31[%add3A, %mul3A_32, %dma_start3A] : memref<8x8x128xi32, #tpu.memory_space<vmem_shared>> -> memref<1x2x128xi32, #tpu.memory_space<vmem_shared>>
      %dma_start3A_474 = tpu.memref_squeeze %dma_start3A_473 : memref<1x2x128xi32, #tpu.memory_space<vmem_shared>> -> memref<2x128xi32, #tpu.memory_space<vmem_shared>>
      %dma_start3A_475 = arith.constant 0 : i32
      %dma_start3A_476 = tpu.memref_slice %arg31[%add3A, %mul3A_32, %dma_start3A_475] : memref<8x8x128xi32, #tpu.memory_space<vmem_shared>> -> memref<1x2x128xi32, #tpu.memory_space<vmem_shared>>
      %dma_start3A_477 = tpu.memref_squeeze %dma_start3A_476 : memref<1x2x128xi32, #tpu.memory_space<vmem_shared>> -> memref<2x128xi32, #tpu.memory_space<vmem_shared>>
      tpu.enqueue_dma source(%arg14 : memref<2x128xi32, #tpu.memory_space<vmem>>) target(%dma_start3A_477 : memref<2x128xi32, #tpu.memory_space<vmem_shared>>) target_semaphore(%run_scoped3A_472 : memref<!tpu.dma_semaphore, #tpu.memory_space<semaphore_mem>>)
      %dma_wait3A = arith.constant 0 : i32
      %dma_wait3A_478 = tpu.memref_slice %arg31[%add3A, %mul3A_32, %dma_wait3A] : memref<8x8x128xi32, #tpu.memory_space<vmem_shared>> -> memref<1x2x128xi32, #tpu.memory_space<vmem_shared>>
      %dma_wait3A_479 = tpu.memref_squeeze %dma_wait3A_478 : memref<1x2x128xi32, #tpu.memory_space<vmem_shared>> -> memref<2x128xi32, #tpu.memory_space<vmem_shared>>
      %dma_wait3A_480 = arith.constant 0 : i32
      %dma_wait3A_481 = tpu.memref_slice %arg31[%add3A, %mul3A_32, %dma_wait3A_480] : memref<8x8x128xi32, #tpu.memory_space<vmem_shared>> -> memref<1x2x128xi32, #tpu.memory_space<vmem_shared>>
      %dma_wait3A_482 = tpu.memref_squeeze %dma_wait3A_481 : memref<1x2x128xi32, #tpu.memory_space<vmem_shared>> -> memref<2x128xi32, #tpu.memory_space<vmem_shared>>
      tpu.wait_dma2 semaphore(%run_scoped3A_472 : memref<!tpu.dma_semaphore, #tpu.memory_space<semaphore_mem>>) src(%arg14 : memref<2x128xi32, #tpu.memory_space<vmem>>) dst(%dma_wait3A_482 : memref<2x128xi32, #tpu.memory_space<vmem_shared>>)
      tpu.yield
    }) : () -> ()
    %barrier3A = arith.constant 0 : index
    tpu.barrier barrier_id(%barrier3A)
    %eq3A_469 = arith.constant 0 : i32
    %eq3A_470 = arith.cmpi eq, %select_n3A_30, %eq3A_469 : i32
    %convert_element_type3A = arith.extui %eq3A_470 : i1 to i32
    %cond3A = arith.constant 0 : i32
    %cond3A_471 = arith.cmpi ne, %convert_element_type3A, %cond3A : i32
    scf.if %cond3A_471 {
      "tpu.region"() ({
        %run_scoped3A_530 = tpu.sem_alloc : memref<!tpu.dma_semaphore, #tpu.memory_space<semaphore_mem>>
        %dma_start3A_531 = arith.constant 0 : i32
        %dma_start3A_532 = arith.constant 0 : i32
        %dma_start3A_533 = tpu.memref_slice %arg30[%add3A, %dma_start3A_531, %dma_start3A_532] : memref<8x8x128xf32, #tpu.memory_space<vmem_shared>> -> memref<1x8x128xf32, #tpu.memory_space<vmem_shared>>
        %dma_start3A_534 = tpu.memref_squeeze %dma_start3A_533 : memref<1x8x128xf32, #tpu.memory_space<vmem_shared>> -> memref<8x128xf32, #tpu.memory_space<vmem_shared>>
        %dma_start3A_535 = arith.constant 0 : i32
        %dma_start3A_536 = arith.constant 0 : i32
        %dma_start3A_537 = tpu.memref_slice %arg30[%add3A, %dma_start3A_535, %dma_start3A_536] : memref<8x8x128xf32, #tpu.memory_space<vmem_shared>> -> memref<1x8x128xf32, #tpu.memory_space<vmem_shared>>
        %dma_start3A_538 = tpu.memref_squeeze %dma_start3A_537 : memref<1x8x128xf32, #tpu.memory_space<vmem_shared>> -> memref<8x128xf32, #tpu.memory_space<vmem_shared>>
        tpu.enqueue_dma source(%dma_start3A_538 : memref<8x128xf32, #tpu.memory_space<vmem_shared>>) target(%arg23 : memref<8x128xf32, #tpu.memory_space<vmem>>) target_semaphore(%run_scoped3A_530 : memref<!tpu.dma_semaphore, #tpu.memory_space<semaphore_mem>>)
        %dma_wait3A_539 = arith.constant 0 : i32
        %dma_wait3A_540 = arith.constant 0 : i32
        %dma_wait3A_541 = tpu.memref_slice %arg30[%add3A, %dma_wait3A_539, %dma_wait3A_540] : memref<8x8x128xf32, #tpu.memory_space<vmem_shared>> -> memref<1x8x128xf32, #tpu.memory_space<vmem_shared>>
        %dma_wait3A_542 = tpu.memref_squeeze %dma_wait3A_541 : memref<1x8x128xf32, #tpu.memory_space<vmem_shared>> -> memref<8x128xf32, #tpu.memory_space<vmem_shared>>
        %dma_wait3A_543 = arith.constant 0 : i32
        %dma_wait3A_544 = arith.constant 0 : i32
        %dma_wait3A_545 = tpu.memref_slice %arg30[%add3A, %dma_wait3A_543, %dma_wait3A_544] : memref<8x8x128xf32, #tpu.memory_space<vmem_shared>> -> memref<1x8x128xf32, #tpu.memory_space<vmem_shared>>
        %dma_wait3A_546 = tpu.memref_squeeze %dma_wait3A_545 : memref<1x8x128xf32, #tpu.memory_space<vmem_shared>> -> memref<8x128xf32, #tpu.memory_space<vmem_shared>>
        tpu.wait_dma2 semaphore(%run_scoped3A_530 : memref<!tpu.dma_semaphore, #tpu.memory_space<semaphore_mem>>) src(%dma_wait3A_546 : memref<8x128xf32, #tpu.memory_space<vmem_shared>>) dst(%arg23 : memref<8x128xf32, #tpu.memory_space<vmem>>)
        tpu.yield
      }) : () -> ()
      "tpu.region"() ({
        %run_scoped3A_530 = tpu.sem_alloc : memref<!tpu.dma_semaphore, #tpu.memory_space<semaphore_mem>>
        %dma_start3A_531 = arith.constant 0 : i32
        %dma_start3A_532 = arith.constant 0 : i32
        %dma_start3A_533 = tpu.memref_slice %arg31[%add3A, %dma_start3A_531, %dma_start3A_532] : memref<8x8x128xi32, #tpu.memory_space<vmem_shared>> -> memref<1x8x128xi32, #tpu.memory_space<vmem_shared>>
        %dma_start3A_534 = tpu.memref_squeeze %dma_start3A_533 : memref<1x8x128xi32, #tpu.memory_space<vmem_shared>> -> memref<8x128xi32, #tpu.memory_space<vmem_shared>>
        %dma_start3A_535 = arith.constant 0 : i32
        %dma_start3A_536 = arith.constant 0 : i32
        %dma_start3A_537 = tpu.memref_slice %arg31[%add3A, %dma_start3A_535, %dma_start3A_536] : memref<8x8x128xi32, #tpu.memory_space<vmem_shared>> -> memref<1x8x128xi32, #tpu.memory_space<vmem_shared>>
        %dma_start3A_538 = tpu.memref_squeeze %dma_start3A_537 : memref<1x8x128xi32, #tpu.memory_space<vmem_shared>> -> memref<8x128xi32, #tpu.memory_space<vmem_shared>>
        tpu.enqueue_dma source(%dma_start3A_538 : memref<8x128xi32, #tpu.memory_space<vmem_shared>>) target(%arg24 : memref<8x128xi32, #tpu.memory_space<vmem>>) target_semaphore(%run_scoped3A_530 : memref<!tpu.dma_semaphore, #tpu.memory_space<semaphore_mem>>)
        %dma_wait3A_539 = arith.constant 0 : i32
        %dma_wait3A_540 = arith.constant 0 : i32
        %dma_wait3A_541 = tpu.memref_slice %arg31[%add3A, %dma_wait3A_539, %dma_wait3A_540] : memref<8x8x128xi32, #tpu.memory_space<vmem_shared>> -> memref<1x8x128xi32, #tpu.memory_space<vmem_shared>>
        %dma_wait3A_542 = tpu.memref_squeeze %dma_wait3A_541 : memref<1x8x128xi32, #tpu.memory_space<vmem_shared>> -> memref<8x128xi32, #tpu.memory_space<vmem_shared>>
        %dma_wait3A_543 = arith.constant 0 : i32
        %dma_wait3A_544 = arith.constant 0 : i32
        %dma_wait3A_545 = tpu.memref_slice %arg31[%add3A, %dma_wait3A_543, %dma_wait3A_544] : memref<8x8x128xi32, #tpu.memory_space<vmem_shared>> -> memref<1x8x128xi32, #tpu.memory_space<vmem_shared>>
        %dma_wait3A_546 = tpu.memref_squeeze %dma_wait3A_545 : memref<1x8x128xi32, #tpu.memory_space<vmem_shared>> -> memref<8x128xi32, #tpu.memory_space<vmem_shared>>
        tpu.wait_dma2 semaphore(%run_scoped3A_530 : memref<!tpu.dma_semaphore, #tpu.memory_space<semaphore_mem>>) src(%dma_wait3A_546 : memref<8x128xi32, #tpu.memory_space<vmem_shared>>) dst(%arg24 : memref<8x128xi32, #tpu.memory_space<vmem>>)
        tpu.yield
      }) : () -> ()
      %broadcast_in_dim3A_472 = arith.constant 0 : i32
      %broadcast_in_dim3A_473 = vector.broadcast %broadcast_in_dim3A_472 : i32 to vector<16xi32>
      %swap3A_474 = arith.constant 0 : index
      %swap3A_475 = tpu.vector_load %arg25[%swap3A_474] {strides = array<i32>} : memref<128xi32, #tpu.memory_space<vmem>>, vector<16xi32>,
      tpu.vector_store %arg25[%swap3A_474], %broadcast_in_dim3A_473 {strides = array<i32>} : memref<128xi32, #tpu.memory_space<vmem>>, vector<16xi32>,
      %swap3A_476 = arith.constant 0 : index
      %swap3A_477 = tpu.vector_load %arg26[%swap3A_476] {strides = array<i32>} : memref<128xi32, #tpu.memory_space<vmem>>, vector<16xi32>,
      tpu.vector_store %arg26[%swap3A_476], %broadcast_in_dim3A_473 {strides = array<i32>} : memref<128xi32, #tpu.memory_space<vmem>>, vector<16xi32>,
      %swap3A_478 = arith.constant 16 : index
      %swap3A_479 = tpu.vector_load %arg25[%swap3A_478] {strides = array<i32>} : memref<128xi32, #tpu.memory_space<vmem>>, vector<16xi32>,
      tpu.vector_store %arg25[%swap3A_478], %broadcast_in_dim3A_473 {strides = array<i32>} : memref<128xi32, #tpu.memory_space<vmem>>, vector<16xi32>,
      %swap3A_480 = arith.constant 16 : index
      %swap3A_481 = tpu.vector_load %arg26[%swap3A_480] {strides = array<i32>} : memref<128xi32, #tpu.memory_space<vmem>>, vector<16xi32>,
      tpu.vector_store %arg26[%swap3A_480], %broadcast_in_dim3A_473 {strides = array<i32>} : memref<128xi32, #tpu.memory_space<vmem>>, vector<16xi32>,
      %swap3A_482 = arith.constant 32 : index
      %swap3A_483 = tpu.vector_load %arg25[%swap3A_482] {strides = array<i32>} : memref<128xi32, #tpu.memory_space<vmem>>, vector<16xi32>,
      tpu.vector_store %arg25[%swap3A_482], %broadcast_in_dim3A_473 {strides = array<i32>} : memref<128xi32, #tpu.memory_space<vmem>>, vector<16xi32>,
      %swap3A_484 = arith.constant 32 : index
      %swap3A_485 = tpu.vector_load %arg26[%swap3A_484] {strides = array<i32>} : memref<128xi32, #tpu.memory_space<vmem>>, vector<16xi32>,
      tpu.vector_store %arg26[%swap3A_484], %broadcast_in_dim3A_473 {strides = array<i32>} : memref<128xi32, #tpu.memory_space<vmem>>, vector<16xi32>,
      %swap3A_486 = arith.constant 48 : index
      %swap3A_487 = tpu.vector_load %arg25[%swap3A_486] {strides = array<i32>} : memref<128xi32, #tpu.memory_space<vmem>>, vector<16xi32>,
      tpu.vector_store %arg25[%swap3A_486], %broadcast_in_dim3A_473 {strides = array<i32>} : memref<128xi32, #tpu.memory_space<vmem>>, vector<16xi32>,
      %swap3A_488 = arith.constant 48 : index
      %swap3A_489 = tpu.vector_load %arg26[%swap3A_488] {strides = array<i32>} : memref<128xi32, #tpu.memory_space<vmem>>, vector<16xi32>,
      tpu.vector_store %arg26[%swap3A_488], %broadcast_in_dim3A_473 {strides = array<i32>} : memref<128xi32, #tpu.memory_space<vmem>>, vector<16xi32>,
      %swap3A_490 = arith.constant 64 : index
      %swap3A_491 = tpu.vector_load %arg25[%swap3A_490] {strides = array<i32>} : memref<128xi32, #tpu.memory_space<vmem>>, vector<16xi32>,
      tpu.vector_store %arg25[%swap3A_490], %broadcast_in_dim3A_473 {strides = array<i32>} : memref<128xi32, #tpu.memory_space<vmem>>, vector<16xi32>,
      %swap3A_492 = arith.constant 64 : index
      %swap3A_493 = tpu.vector_load %arg26[%swap3A_492] {strides = array<i32>} : memref<128xi32, #tpu.memory_space<vmem>>, vector<16xi32>,
      tpu.vector_store %arg26[%swap3A_492], %broadcast_in_dim3A_473 {strides = array<i32>} : memref<128xi32, #tpu.memory_space<vmem>>, vector<16xi32>,
      %swap3A_494 = arith.constant 80 : index
      %swap3A_495 = tpu.vector_load %arg25[%swap3A_494] {strides = array<i32>} : memref<128xi32, #tpu.memory_space<vmem>>, vector<16xi32>,
      tpu.vector_store %arg25[%swap3A_494], %broadcast_in_dim3A_473 {strides = array<i32>} : memref<128xi32, #tpu.memory_space<vmem>>, vector<16xi32>,
      %swap3A_496 = arith.constant 80 : index
      %swap3A_497 = tpu.vector_load %arg26[%swap3A_496] {strides = array<i32>} : memref<128xi32, #tpu.memory_space<vmem>>, vector<16xi32>,
      tpu.vector_store %arg26[%swap3A_496], %broadcast_in_dim3A_473 {strides = array<i32>} : memref<128xi32, #tpu.memory_space<vmem>>, vector<16xi32>,
      %swap3A_498 = arith.constant 96 : index
      %swap3A_499 = tpu.vector_load %arg25[%swap3A_498] {strides = array<i32>} : memref<128xi32, #tpu.memory_space<vmem>>, vector<16xi32>,
      tpu.vector_store %arg25[%swap3A_498], %broadcast_in_dim3A_473 {strides = array<i32>} : memref<128xi32, #tpu.memory_space<vmem>>, vector<16xi32>,
      %swap3A_500 = arith.constant 96 : index
      %swap3A_501 = tpu.vector_load %arg26[%swap3A_500] {strides = array<i32>} : memref<128xi32, #tpu.memory_space<vmem>>, vector<16xi32>,
      tpu.vector_store %arg26[%swap3A_500], %broadcast_in_dim3A_473 {strides = array<i32>} : memref<128xi32, #tpu.memory_space<vmem>>, vector<16xi32>,
      %swap3A_502 = arith.constant 112 : index
      %swap3A_503 = tpu.vector_load %arg25[%swap3A_502] {strides = array<i32>} : memref<128xi32, #tpu.memory_space<vmem>>, vector<16xi32>,
      tpu.vector_store %arg25[%swap3A_502], %broadcast_in_dim3A_473 {strides = array<i32>} : memref<128xi32, #tpu.memory_space<vmem>>, vector<16xi32>,
      %swap3A_504 = arith.constant 112 : index
      %swap3A_505 = tpu.vector_load %arg26[%swap3A_504] {strides = array<i32>} : memref<128xi32, #tpu.memory_space<vmem>>, vector<16xi32>,
      tpu.vector_store %arg26[%swap3A_504], %broadcast_in_dim3A_473 {strides = array<i32>} : memref<128xi32, #tpu.memory_space<vmem>>, vector<16xi32>,
      %lt3A_506 = arith.constant 8 : i32
      %lt3A_507 = vector.broadcast %lt3A_506 : i32 to vector<16xi32>
      %lt3A_508 = arith.cmpi slt, %iota3A, %lt3A_507 : vector<16xi32>
      %min3A = arith.constant 7 : i32
      %min3A_509 = vector.broadcast %min3A : i32 to vector<16xi32>
      %min3A_510 = arith.minsi %iota3A, %min3A_509 : vector<16xi32>
      %broadcast_in_dim3A_511 = arith.constant 0 : i32
      %broadcast_in_dim3A_512 = vector.broadcast %broadcast_in_dim3A_511 : i32 to vector<16xi32>
      %scan3A_513 = arith.constant 0 : i32
      %scan3A_514 = arith.constant 100 : i32
      %scan3A_515 = arith.addi %scan3A_513, %scan3A_514 : i32
      %scan3A_516 = arith.constant 1 : i32
      %scan3A_517 = scf.for %scan3A_530 = %scan3A_513 to %scan3A_515 step %scan3A_516 iter_args(%scan3A_531 = %broadcast_in_dim3A_512) -> (vector<16xi32>)  : i32 {
        %min3A_532 = arith.constant 127 : i32
        %min3A_533 = vector.broadcast %min3A_532 : i32 to vector<16xi32>
        %min3A_534 = arith.minsi %scan3A_531, %min3A_533 : vector<16xi32>
        %gather3A = tpu.vector_load_idx %arg23[%min3A_510, %min3A_534] : memref<8x128xf32, #tpu.memory_space<vmem>>[vector<16xi32>, vector<16xi32>], vector<16xf32>,
        %lt3A_535 = arith.constant 100 : i32
        %lt3A_536 = vector.broadcast %lt3A_535 : i32 to vector<16xi32>
        %lt3A_537 = arith.cmpi slt, %scan3A_531, %lt3A_536 : vector<16xi32>
        %and3A_538 = arith.andi %lt3A_508, %lt3A_537 : vector<16xi1>
        %jit3A_539 = arith.constant 0xFF800000 : f32
        %broadcast_in_dim3A_540 = vector.broadcast %jit3A_539 : f32 to vector<16xf32>
        %select_n3A_541 = arith.select %and3A_538, %gather3A, %broadcast_in_dim3A_540 : vector<16xi1>, vector<16xf32>
        %reduce_max3A_542 = arith.constant true
        %reduce_max3A_543 = vector.broadcast %reduce_max3A_542 : i1 to vector<16xi1>
        %reduce_max3A_544 = tpu.scan <max>, %select_n3A_541 masked %reduce_max3A_543 : vector<16xf32>, vector<16xi1> -> vector<16xf32>
        %reduce_max3A_545 = vector.extract %reduce_max3A_544[15] : f32 from vector<16xf32>
        %eq3A_546 = vector.broadcast %reduce_max3A_545 : f32 to vector<16xf32>
        %eq3A_547 = arith.cmpf oeq, %select_n3A_541, %eq3A_546 : vector<16xf32>
        %all_reduce_ffs3A = tpu.all_reduce %eq3A_547 {dim = 0 : i64, kind = #tpu.reduction_kind<find_first_set>} : vector<16xi1> -> vector<16xi32>
        %add3A_548 = arith.addi %broadcast_in_dim3A_473, %all_reduce_ffs3A : vector<16xi32>
        %eq3A_549 = arith.cmpi eq, %iota3A, %add3A_548 : vector<16xi32>
        %jit3A_550 = arith.constant 1073741824 : i32
        %broadcast_in_dim3A_551 = vector.broadcast %jit3A_550 : i32 to vector<16xi32>
        %select_n3A_552 = arith.select %eq3A_549, %scan3A_531, %broadcast_in_dim3A_551 : vector<16xi1>, vector<16xi32>
        %reduce_min3A = arith.constant true
        %reduce_min3A_553 = vector.broadcast %reduce_min3A : i1 to vector<16xi1>
        %reduce_min3A_554 = arith.constant -2147483648 : i32
        %reduce_min3A_555 = vector.broadcast %reduce_min3A_554 : i32 to vector<16xi32>
        %reduce_min3A_556 = arith.xori %select_n3A_552, %reduce_min3A_555 : vector<16xi32>
        %reduce_min3A_557 = tpu.scan <min>, %reduce_min3A_556 masked %reduce_min3A_553 : vector<16xi32>, vector<16xi1> -> vector<16xi32>
        %reduce_min3A_558 = arith.xori %reduce_min3A_557, %reduce_min3A_555 : vector<16xi32>
        %reduce_min3A_559 = vector.extract %reduce_min3A_558[15] : i32 from vector<16xi32>
        %broadcast_in_dim3A_560 = vector.broadcast %reduce_min3A_559 : i32 to vector<16xi32>
        %gather3A_561 = tpu.vector_load_idx %arg24[%add3A_548, %broadcast_in_dim3A_560] : memref<8x128xi32, #tpu.memory_space<vmem>>[vector<16xi32>, vector<16xi32>], vector<16xi32>,
        %reduce_max3A_562 = arith.constant true
        %reduce_max3A_563 = vector.broadcast %reduce_max3A_562 : i1 to vector<16xi1>
        %reduce_max3A_564 = arith.constant -2147483648 : i32
        %reduce_max3A_565 = vector.broadcast %reduce_max3A_564 : i32 to vector<16xi32>
        %reduce_max3A_566 = arith.xori %gather3A_561, %reduce_max3A_565 : vector<16xi32>
        %reduce_max3A_567 = tpu.scan <max>, %reduce_max3A_566 masked %reduce_max3A_563 : vector<16xi32>, vector<16xi1> -> vector<16xi32>
        %reduce_max3A_568 = arith.xori %reduce_max3A_567, %reduce_max3A_565 : vector<16xi32>
        %reduce_max3A_569 = vector.extract %reduce_max3A_568[15] : i32 from vector<16xi32>
        %jit3A_570 = arith.constant 1073741824 : i32
        %broadcast_in_dim3A_571 = vector.broadcast %jit3A_570 : i32 to vector<16xi32>
        %select_n3A_572 = arith.select %eq3A_549, %iota3A, %broadcast_in_dim3A_571 : vector<16xi1>, vector<16xi32>
        %reduce_min3A_573 = arith.constant true
        %reduce_min3A_574 = vector.broadcast %reduce_min3A_573 : i1 to vector<16xi1>
        %reduce_min3A_575 = arith.constant -2147483648 : i32
        %reduce_min3A_576 = vector.broadcast %reduce_min3A_575 : i32 to vector<16xi32>
        %reduce_min3A_577 = arith.xori %select_n3A_572, %reduce_min3A_576 : vector<16xi32>
        %reduce_min3A_578 = tpu.scan <min>, %reduce_min3A_577 masked %reduce_min3A_574 : vector<16xi32>, vector<16xi1> -> vector<16xi32>
        %reduce_min3A_579 = arith.xori %reduce_min3A_578, %reduce_min3A_576 : vector<16xi32>
        %reduce_min3A_580 = vector.extract %reduce_min3A_579[15] : i32 from vector<16xi32>
        %gt3A = arith.constant 0xFF800000 : f32
        %gt3A_581 = arith.cmpf ogt, %reduce_max3A_545, %gt3A : f32
        %eq3A_582 = arith.constant 0 : i32
        %eq3A_583 = vector.broadcast %eq3A_582 : i32 to vector<16xi32>
        %eq3A_584 = arith.cmpi eq, %iota3A, %eq3A_583 : vector<16xi32>
        %broadcast_in_dim3A_585 = vector.broadcast %scan3A_530 : i32 to vector<16xi32>
        %jit3A_586 = arith.constant -1.000000e+00 : f32
        %select_n3A_587 = arith.select %gt3A_581, %reduce_max3A_545, %jit3A_586 : f32
        %broadcast_in_dim3A_588 = vector.broadcast %select_n3A_587 : f32 to vector<16xf32>
        tpu.vector_store_idx %arg27[%broadcast_in_dim3A_585], %broadcast_in_dim3A_588 masked %eq3A_584 : memref<128xf32, #tpu.memory_space<vmem>>[vector<16xi32>], vector<16xf32>, vector<16xi1>
        %jit3A_589 = arith.constant -1 : i32
        %select_n3A_590 = arith.select %gt3A_581, %reduce_min3A_580, %jit3A_589 : i32
        %broadcast_in_dim3A_591 = vector.broadcast %select_n3A_590 : i32 to vector<16xi32>
        tpu.vector_store_idx %arg28[%broadcast_in_dim3A_585], %broadcast_in_dim3A_591 masked %eq3A_584 : memref<128xi32, #tpu.memory_space<vmem>>[vector<16xi32>], vector<16xi32>, vector<16xi1>
        %mul3A_592 = arith.constant 20000 : i32
        %mul3A_593 = arith.muli %add3A, %mul3A_592 : i32
        %jit3A_594 = arith.constant 0 : i32
        %select_n3A_595 = arith.select %gt3A_581, %reduce_max3A_569, %jit3A_594 : i32
        %add3A_596 = arith.addi %mul3A_593, %select_n3A_595 : i32
        %broadcast_in_dim3A_597 = vector.broadcast %add3A_596 : i32 to vector<16xi32>
        tpu.vector_store_idx %arg25[%broadcast_in_dim3A_585], %broadcast_in_dim3A_597 masked %eq3A_584 : memref<128xi32, #tpu.memory_space<vmem>>[vector<16xi32>], vector<16xi32>, vector<16xi1>
        %jit3A_598 = arith.constant 1 : i32
        %jit3A_599 = arith.constant 0 : i32
        %select_n3A_600 = arith.select %gt3A_581, %jit3A_598, %jit3A_599 : i32
        %broadcast_in_dim3A_601 = vector.broadcast %select_n3A_600 : i32 to vector<16xi32>
        tpu.vector_store_idx %arg26[%broadcast_in_dim3A_585], %broadcast_in_dim3A_601 masked %eq3A_584 : memref<128xi32, #tpu.memory_space<vmem>>[vector<16xi32>], vector<16xi32>, vector<16xi1>
        %and3A_602 = vector.broadcast %gt3A_581 : i1 to vector<16xi1>
        %and3A_603 = arith.andi %eq3A_549, %and3A_602 : vector<16xi1>
        %jit3A_604 = arith.constant 1 : i32
        %jit3A_605 = arith.constant 0 : i32
        %broadcast_in_dim3A_606 = vector.broadcast %jit3A_604 : i32 to vector<16xi32>
        %broadcast_in_dim3A_607 = vector.broadcast %jit3A_605 : i32 to vector<16xi32>
        %select_n3A_608 = arith.select %and3A_603, %broadcast_in_dim3A_606, %broadcast_in_dim3A_607 : vector<16xi1>, vector<16xi32>
        %add3A_609 = arith.addi %scan3A_531, %select_n3A_608 : vector<16xi32>
        scf.yield %add3A_609 : vector<16xi32>
      }
      %scan3A_518 = arith.constant 100 : i32
      %dma_start3A = arith.constant 0 : i32
      %dma_start3A_519 = arith.constant 0 : i32
      %dma_start3A_520 = tpu.memref_slice %arg4[%dma_start3A, %dma_start3A_519] : memref<160000x16xf32, #tpu.memory_space<hbm>> -> memref<160000x16xf32, #tpu.memory_space<hbm>>
      tpu.enqueue_indirect_dma source(%dma_start3A_520 : memref<160000x16xf32, #tpu.memory_space<hbm>>) target(%arg29 : memref<128x16xf32, #tpu.memory_space<vmem>>) offsets(%arg25 : memref<128xi32, #tpu.memory_space<vmem>>) semaphore(%arg32 : memref<!tpu.dma_semaphore, #tpu.memory_space<semaphore_mem>>)
      %dma_wait3A = arith.constant 0 : i32
      %dma_wait3A_521 = arith.constant 0 : i32
      %dma_wait3A_522 = tpu.memref_slice %arg4[%dma_wait3A, %dma_wait3A_521] : memref<160000x16xf32, #tpu.memory_space<hbm>> -> memref<160000x16xf32, #tpu.memory_space<hbm>>
      tpu.wait_indirect_dma semaphore(%arg32 : memref<!tpu.dma_semaphore, #tpu.memory_space<semaphore_mem>>) src(%dma_wait3A_522 : memref<160000x16xf32, #tpu.memory_space<hbm>>) dst(%arg29 : memref<128x16xf32, #tpu.memory_space<vmem>>)
      %scan3A_523 = arith.constant 0 : i32
      %scan3A_524 = arith.constant 0 : i32
      %scan3A_525 = arith.constant 128 : i32
      %scan3A_526 = arith.addi %scan3A_524, %scan3A_525 : i32
      %scan3A_527 = arith.constant 1 : i32
      %scan3A_528 = scf.for %scan3A_530 = %scan3A_524 to %scan3A_526 step %scan3A_527 iter_args(%scan3A_531 = %scan3A_523) -> (i32)  : i32 {
        %mul3A_532 = arith.constant 16 : i32
        %mul3A_533 = arith.muli %scan3A_530, %mul3A_532 : i32
        %add3A_534 = vector.broadcast %mul3A_533 : i32 to vector<16xi32>
        %add3A_535 = arith.addi %add3A_534, %iota3A : vector<16xi32>
        %shift_right_arithmetic3A = arith.constant 4 : i32
        %shift_right_arithmetic3A_536 = vector.broadcast %shift_right_arithmetic3A : i32 to vector<16xi32>
        %shift_right_arithmetic3A_537 = arith.shrsi %add3A_535, %shift_right_arithmetic3A_536 : vector<16xi32>
        %and3A_538 = arith.constant 15 : i32
        %and3A_539 = vector.broadcast %and3A_538 : i32 to vector<16xi32>
        %and3A_540 = arith.andi %add3A_535, %and3A_539 : vector<16xi32>
        %gather3A = tpu.vector_load_idx %arg26[%shift_right_arithmetic3A_537] : memref<128xi32, #tpu.memory_space<vmem>>[vector<16xi32>], vector<16xi32>,
        %gt3A = arith.constant 0 : i32
        %gt3A_541 = vector.broadcast %gt3A : i32 to vector<16xi32>
        %gt3A_542 = arith.cmpi sgt, %gather3A, %gt3A_541 : vector<16xi32>
        %gather3A_543 = tpu.vector_load_idx %arg29[%shift_right_arithmetic3A_537, %and3A_540] : memref<128x16xf32, #tpu.memory_space<vmem>>[vector<16xi32>, vector<16xi32>], vector<16xf32>,
        %jit3A_544 = arith.constant -1.000000e+00 : f32
        %broadcast_in_dim3A_545 = vector.broadcast %jit3A_544 : f32 to vector<16xf32>
        %select_n3A_546 = arith.select %gt3A_542, %gather3A_543, %broadcast_in_dim3A_545 : vector<16xi1>, vector<16xf32>
        tpu.vector_store_idx %arg29[%shift_right_arithmetic3A_537, %and3A_540], %select_n3A_546 : memref<128x16xf32, #tpu.memory_space<vmem>>[vector<16xi32>, vector<16xi32>], vector<16xf32>,
        %scan3A_547 = arith.constant 0 : i32
        scf.yield %scan3A_547 : i32
      }
      %scan3A_529 = arith.constant 128 : i32
      "tpu.region"() ({
        %run_scoped3A_530 = tpu.sem_alloc : memref<!tpu.dma_semaphore, #tpu.memory_space<semaphore_mem>>
        %dma_start3A_531 = arith.constant 0 : i32
        %dma_start3A_532 = arith.constant 0 : i32
        %dma_start3A_533 = tpu.memref_slice %arg5[%add3A, %dma_start3A_531, %dma_start3A_532] : memref<8x128x16xf32, #tpu.memory_space<hbm>> -> memref<1x128x16xf32, #tpu.memory_space<hbm>>
        %dma_start3A_534 = tpu.memref_squeeze %dma_start3A_533 : memref<1x128x16xf32, #tpu.memory_space<hbm>> -> memref<128x16xf32, #tpu.memory_space<hbm>>
        %dma_start3A_535 = arith.constant 0 : i32
        %dma_start3A_536 = arith.constant 0 : i32
        %dma_start3A_537 = tpu.memref_slice %arg5[%add3A, %dma_start3A_535, %dma_start3A_536] : memref<8x128x16xf32, #tpu.memory_space<hbm>> -> memref<1x128x16xf32, #tpu.memory_space<hbm>>
        %dma_start3A_538 = tpu.memref_squeeze %dma_start3A_537 : memref<1x128x16xf32, #tpu.memory_space<hbm>> -> memref<128x16xf32, #tpu.memory_space<hbm>>
        tpu.enqueue_dma source(%arg29 : memref<128x16xf32, #tpu.memory_space<vmem>>) target(%dma_start3A_538 : memref<128x16xf32, #tpu.memory_space<hbm>>) target_semaphore(%run_scoped3A_530 : memref<!tpu.dma_semaphore, #tpu.memory_space<semaphore_mem>>)
        %dma_wait3A_539 = arith.constant 0 : i32
        %dma_wait3A_540 = arith.constant 0 : i32
        %dma_wait3A_541 = tpu.memref_slice %arg5[%add3A, %dma_wait3A_539, %dma_wait3A_540] : memref<8x128x16xf32, #tpu.memory_space<hbm>> -> memref<1x128x16xf32, #tpu.memory_space<hbm>>
        %dma_wait3A_542 = tpu.memref_squeeze %dma_wait3A_541 : memref<1x128x16xf32, #tpu.memory_space<hbm>> -> memref<128x16xf32, #tpu.memory_space<hbm>>
        %dma_wait3A_543 = arith.constant 0 : i32
        %dma_wait3A_544 = arith.constant 0 : i32
        %dma_wait3A_545 = tpu.memref_slice %arg5[%add3A, %dma_wait3A_543, %dma_wait3A_544] : memref<8x128x16xf32, #tpu.memory_space<hbm>> -> memref<1x128x16xf32, #tpu.memory_space<hbm>>
        %dma_wait3A_546 = tpu.memref_squeeze %dma_wait3A_545 : memref<1x128x16xf32, #tpu.memory_space<hbm>> -> memref<128x16xf32, #tpu.memory_space<hbm>>
        tpu.wait_dma2 semaphore(%run_scoped3A_530 : memref<!tpu.dma_semaphore, #tpu.memory_space<semaphore_mem>>) src(%arg29 : memref<128x16xf32, #tpu.memory_space<vmem>>) dst(%dma_wait3A_546 : memref<128x16xf32, #tpu.memory_space<hbm>>)
        tpu.yield
      }) : () -> ()
      "tpu.region"() ({
        %run_scoped3A_530 = tpu.sem_alloc : memref<!tpu.dma_semaphore, #tpu.memory_space<semaphore_mem>>
        %dma_start3A_531 = arith.constant 0 : i32
        %dma_start3A_532 = tpu.memref_slice %arg6[%add3A, %dma_start3A_531] : memref<8x128xf32, #tpu.memory_space<hbm>> -> memref<1x128xf32, #tpu.memory_space<hbm>>
        %dma_start3A_533 = tpu.memref_squeeze %dma_start3A_532 : memref<1x128xf32, #tpu.memory_space<hbm>> -> memref<128xf32, #tpu.memory_space<hbm>>
        %dma_start3A_534 = arith.constant 0 : i32
        %dma_start3A_535 = tpu.memref_slice %arg6[%add3A, %dma_start3A_534] : memref<8x128xf32, #tpu.memory_space<hbm>> -> memref<1x128xf32, #tpu.memory_space<hbm>>
        %dma_start3A_536 = tpu.memref_squeeze %dma_start3A_535 : memref<1x128xf32, #tpu.memory_space<hbm>> -> memref<128xf32, #tpu.memory_space<hbm>>
        tpu.enqueue_dma source(%arg27 : memref<128xf32, #tpu.memory_space<vmem>>) target(%dma_start3A_536 : memref<128xf32, #tpu.memory_space<hbm>>) target_semaphore(%run_scoped3A_530 : memref<!tpu.dma_semaphore, #tpu.memory_space<semaphore_mem>>)
        %dma_wait3A_537 = arith.constant 0 : i32
        %dma_wait3A_538 = tpu.memref_slice %arg6[%add3A, %dma_wait3A_537] : memref<8x128xf32, #tpu.memory_space<hbm>> -> memref<1x128xf32, #tpu.memory_space<hbm>>
        %dma_wait3A_539 = tpu.memref_squeeze %dma_wait3A_538 : memref<1x128xf32, #tpu.memory_space<hbm>> -> memref<128xf32, #tpu.memory_space<hbm>>
        %dma_wait3A_540 = arith.constant 0 : i32
        %dma_wait3A_541 = tpu.memref_slice %arg6[%add3A, %dma_wait3A_540] : memref<8x128xf32, #tpu.memory_space<hbm>> -> memref<1x128xf32, #tpu.memory_space<hbm>>
        %dma_wait3A_542 = tpu.memref_squeeze %dma_wait3A_541 : memref<1x128xf32, #tpu.memory_space<hbm>> -> memref<128xf32, #tpu.memory_space<hbm>>
        tpu.wait_dma2 semaphore(%run_scoped3A_530 : memref<!tpu.dma_semaphore, #tpu.memory_space<semaphore_mem>>) src(%arg27 : memref<128xf32, #tpu.memory_space<vmem>>) dst(%dma_wait3A_542 : memref<128xf32, #tpu.memory_space<hbm>>)
        tpu.yield
      }) : () -> ()
      "tpu.region"() ({
        %run_scoped3A_530 = tpu.sem_alloc : memref<!tpu.dma_semaphore, #tpu.memory_space<semaphore_mem>>
        %dma_start3A_531 = arith.constant 0 : i32
        %dma_start3A_532 = tpu.memref_slice %arg7[%add3A, %dma_start3A_531] : memref<8x128xi32, #tpu.memory_space<hbm>> -> memref<1x128xi32, #tpu.memory_space<hbm>>
        %dma_start3A_533 = tpu.memref_squeeze %dma_start3A_532 : memref<1x128xi32, #tpu.memory_space<hbm>> -> memref<128xi32, #tpu.memory_space<hbm>>
        %dma_start3A_534 = arith.constant 0 : i32
        %dma_start3A_535 = tpu.memref_slice %arg7[%add3A, %dma_start3A_534] : memref<8x128xi32, #tpu.memory_space<hbm>> -> memref<1x128xi32, #tpu.memory_space<hbm>>
        %dma_start3A_536 = tpu.memref_squeeze %dma_start3A_535 : memref<1x128xi32, #tpu.memory_space<hbm>> -> memref<128xi32, #tpu.memory_space<hbm>>
        tpu.enqueue_dma source(%arg28 : memref<128xi32, #tpu.memory_space<vmem>>) target(%dma_start3A_536 : memref<128xi32, #tpu.memory_space<hbm>>) target_semaphore(%run_scoped3A_530 : memref<!tpu.dma_semaphore, #tpu.memory_space<semaphore_mem>>)
        %dma_wait3A_537 = arith.constant 0 : i32
        %dma_wait3A_538 = tpu.memref_slice %arg7[%add3A, %dma_wait3A_537] : memref<8x128xi32, #tpu.memory_space<hbm>> -> memref<1x128xi32, #tpu.memory_space<hbm>>
        %dma_wait3A_539 = tpu.memref_squeeze %dma_wait3A_538 : memref<1x128xi32, #tpu.memory_space<hbm>> -> memref<128xi32, #tpu.memory_space<hbm>>
        %dma_wait3A_540 = arith.constant 0 : i32
        %dma_wait3A_541 = tpu.memref_slice %arg7[%add3A, %dma_wait3A_540] : memref<8x128xi32, #tpu.memory_space<hbm>> -> memref<1x128xi32, #tpu.memory_space<hbm>>
        %dma_wait3A_542 = tpu.memref_squeeze %dma_wait3A_541 : memref<1x128xi32, #tpu.memory_space<hbm>> -> memref<128xi32, #tpu.memory_space<hbm>>
        tpu.wait_dma2 semaphore(%run_scoped3A_530 : memref<!tpu.dma_semaphore, #tpu.memory_space<semaphore_mem>>) src(%arg28 : memref<128xi32, #tpu.memory_space<vmem>>) dst(%dma_wait3A_542 : memref<128xi32, #tpu.memory_space<hbm>>)
        tpu.yield
      }) : () -> ()
    } else {
    }
    return
  }
}

</mosaic_0001>

<sc_bundles>
// kernel: kernel.3.cloned.1.call-start
scs
__scs_entry_jumppad:
0x0: {  	(pc) =	sbr.rel $0x88, $3  }
0x1: {  	(tag) =	ssettag $0x0;
	lr =	simm.s32 $0x1  }
0x2: {  	[smem:$0x3F9D] =	sst lr;
	_ =	strace $0xD0000000  }
0x3: {  	_ = 	snop  }
0x4: {  	_ = 	snop  }
0x5: {  	_ = 	snop  }
0x6: {  	_ = 	snop  }
0x7: {  	_ = 	snop  }
__scs_overlays_trampoline_lowered:
0x8: {  	[smem:$0x3FAC] =	sst s0  }
0x9: {  	[smem:$0x3FAD] =	sst s1  }
0xa: {  	[smem:$0x3FAE] =	sst s2  }
0xb: {  	[smem:$0x3FAF] =	sst s3  }
0xc: {  	[smem:$0x3FB0] =	sst s4  }
0xd: {  	[smem:$0x3FB1] =	sst s5  }
0xe: {  	[smem:$0x3FB2] =	sst s6  }
0xf: {  	[smem:$0x3FB3] =	sst s7  }
0x10: {  	[smem:$0x3FB4] =	sst s8  }
0x11: {  	[smem:$0x3FB5] =	sst s9;
	s0 =	simm.s32 @!p0 $0x0  }
0x12: {  	s1 =	sld [smem:$0x3F9B];
	s0 =	simm.s32 @p0 $0x1  }
0x13: {  	[smem:$0x3FB6] =	sst s0;
	s0 =	simm.s32 @!p1 $0x0  }
0x14: {  	s2 =	sld [smem:$0x3F9A];
	s0 =	simm.s32 @p1 $0x1  }
0x15: {  	[smem:$0x3FB7] =	sst s0;
	s0 =	simm.s32 @!p2 $0x0  }
0x16: {  	s3 =	sld [smem:$0x3FDB];
	s0 =	simm.s32 @p2 $0x1  }
0x17: {  	s4 =	simm.s32 $0x1BF5;
	[smem:$0x3FB9] =	sst s0  }
0x18: {  	s0 =	sld [smem:$0x3F9C];
	_ =	swait.ge [sflag:s4], $0x0  }
0x19: {  	s7 =	sld [smem:$0x3F9D]  }
0x1a: {  	s8 =	sadd.s32 $0xFFFFE003, lr  }
0x1b: {  	s9 =	sadd.s32 $0xFFFFFEF7, lr;
	s5 =	simm.s32 $0xFFFFFFFF;
	p2 =	slt.u32 s8, $0xFFFFF086  }
0x1c: {  	p1 =	slt.u32 s9, $0xF7A;
	s5 =	simm.s32 @!p2 $0x0  }
0x1d: {  	s5 =	simm.s32 @p1 $0x1;
	p0 =	seq.s32 s7, s2  }
0x1e: {  	s7 =	smul.u32 @!p0 $0xF7A, s2;
	p2 =	seq.s32 @!p0 s5, $0x0  }
0x1f: {  	s9 =	smul.u32 $0xF7A, s1;
	s8 =	simm.s32 @!p0 $0x1BF5;
	p2 =	por !p2, p0  }
0x20: {  	[sflag:s8] =	ssyncset.s32 @!p0 $0xFFFFF086;
	s6 =	sadd.s32 @!p0 s3, s7;
	s7 =	simm.s32 @!p0 $0x108  }
0x21: {  	s3 =	sadd.s32 s3, s9;
	s6 =	sadd.s32 @!p0 $0x88, s6;
	s7 =	simm.s32 @p2 $0x1082  }
0x22: {  	[simem:s7], [sflag:s8] =	dma.local @!p0 [hbm:s6], $0xF7A  }
0x23: {  	s9 =	sor.u32 $0xD0000000, s2;
	s6 =	simm.s32 $0x108;
	_ =	swait.ge @!p0 [sflag:s8], $0x0  }
0x24: {  	s3 =	sadd.s32 $0x88, s3;
	s6 =	simm.s32 @!p1 $0x1082;
	[sflag:s4] =	ssyncset.s32 $0xFFFFF086  }
0x25: {  	[simem:s6], [sflag:s4] =	dma.local [hbm:s3], $0xF7A  }
0x26: {  	[smem:$0x3F9D] =	sst s1;
	(tag) =	ssettag s2;
	_ =	strace s9  }
0x27: {  	s1 =	sld [smem:$0x3FAD]  }
0x28: {  	s2 =	sld [smem:$0x3FAE]  }
0x29: {  	s4 =	sld [smem:$0x3FB0]  }
0x2a: {  	p0 =	seq.s32 s5, $0x0;
	s5 =	sld [smem:$0x3FB1]  }
0x2b: {  	s6 =	sld [smem:$0x3FB2]  }
0x2c: {  	s7 =	sld [smem:$0x3FB3]  }
0x2d: {  	s3 =	simm.s32 $0x108;
	s8 =	sld [smem:$0x3FB4]  }
0x2e: {  	s3 =	simm.s32 @!p0 $0x1082;
	s9 =	sld [smem:$0x3FB5]  }
0x2f: {  	lr =	sadd.s32 s0, s3;
	s0 =	sld [smem:$0x3FAC]  }
0x30: {  	s3 =	sld [smem:$0x3FAF]  }
0x31: {  	[smem:$0x3FB8] =	sst s10  }
0x32: {  	s10 =	sld [smem:$0x3FB6];
	_ =	sdelay $0x3  }
0x33: {  	p0 =	seq.s32 s10, $0x1;
	s10 =	sld [smem:$0x3FB8];
	_ =	sdelay $0x3  }
0x34: {  	[smem:$0x3FB8] =	sst s10  }
0x35: {  	s10 =	sld [smem:$0x3FB7];
	_ =	sdelay $0x3  }
0x36: {  	p1 =	seq.s32 s10, $0x1;
	s10 =	sld [smem:$0x3FB8];
	_ =	sdelay $0x3  }
0x37: {  	[smem:$0x3FB8] =	sst s10  }
0x38: {  	s10 =	sld [smem:$0x3FB9]  }
0x39: {  	_ = 	snop;
	(pc) =	sbr.ind lr, $3  }
0x3a: {  	_ = 	snop  }
0x3b: {  	_ = 	snop  }
0x3c: {  	p2 =	seq.s32 s10, $0x1;
	s10 =	sld [smem:$0x3FB8]  }
0x3d: {  	_ =	shalt  }
0x3e: {  	_ =	shalt  }
0x3f: {  	_ =	shalt  }
0x40: {  	_ =	shalt  }
0x41: {  	_ =	shalt  }
0x42: {  	_ =	shalt  }
0x43: {  	_ =	shalt  }
0x44: {  	_ =	shalt  }
0x45: {  	_ =	shalt  }
0x46: {  	_ =	shalt  }
0x47: {  	_ =	shalt  }
0x48: {  	_ =	shalt  }
0x49: {  	_ =	shalt  }
0x4a: {  	_ =	shalt  }
0x4b: {  	_ =	shalt  }
0x4c: {  	_ =	shalt  }
0x4d: {  	_ =	shalt  }
0x4e: {  	_ =	shalt  }
0x4f: {  	_ =	shalt  }
0x50: {  	_ =	shalt  }
0x51: {  	_ =	shalt  }
0x52: {  	_ =	shalt  }
0x53: {  	_ =	shalt  }
0x54: {  	_ =	shalt  }
0x55: {  	_ =	shalt  }
0x56: {  	_ =	shalt  }
0x57: {  	_ =	shalt  }
0x58: {  	_ =	shalt  }
0x59: {  	_ =	shalt  }
0x5a: {  	_ =	shalt  }
0x5b: {  	_ =	shalt  }
0x5c: {  	_ =	shalt  }
0x5d: {  	_ =	shalt  }
0x5e: {  	_ =	shalt  }
0x5f: {  	_ =	shalt  }
0x60: {  	_ =	shalt  }
0x61: {  	_ =	shalt  }
0x62: {  	_ =	shalt  }
0x63: {  	_ =	shalt  }
0x64: {  	_ =	shalt  }
0x65: {  	_ =	shalt  }
0x66: {  	_ =	shalt  }
0x67: {  	_ =	shalt  }
0x68: {  	_ =	shalt  }
0x69: {  	_ =	shalt  }
0x6a: {  	_ =	shalt  }
0x6b: {  	_ =	shalt  }
0x6c: {  	_ =	shalt  }
0x6d: {  	_ =	shalt  }
0x6e: {  	_ =	shalt  }
0x6f: {  	_ =	shalt  }
0x70: {  	_ =	shalt  }
0x71: {  	_ =	shalt  }
0x72: {  	_ =	shalt  }
0x73: {  	_ =	shalt  }
0x74: {  	_ =	shalt  }
0x75: {  	_ =	shalt  }
0x76: {  	_ =	shalt  }
0x77: {  	_ =	shalt  }
0x78: {  	_ =	shalt  }
0x79: {  	_ =	shalt  }
0x7a: {  	_ =	shalt  }
0x7b: {  	_ =	shalt  }
0x7c: {  	_ =	shalt  }
0x7d: {  	_ =	shalt  }
0x7e: {  	_ =	shalt  }
0x7f: {  	_ =	shalt  }
0x80: {  	_ =	shalt  }
0x81: {  	_ =	shalt  }
0x82: {  	_ =	shalt  }
0x83: {  	_ =	shalt  }
0x84: {  	_ =	shalt  }
0x85: {  	_ =	shalt  }
0x86: {  	_ =	shalt  }
0x87: {  	_ =	shalt  }
.Lfunc_end0:
.L_simem_size_0:
called_computation_lowered:
.L_overlay_start_0:
0x88: {  	s2 =	sld [smem:$0x3FD9]  }
0x89: {  	s3 =	sld [smem:$0x3FFE];
	_ =	sdelay $0x1  }
0x8a: {  	s1 =	srdreg.scid  }
0x8b: {  	s0 =	sand.u32 $0x1, s1  }
0x8c: {  	s14 =	sshll.u32 s0, $0xA;
	s2 =	sadd.s32 s3, s2  }
0x8d: {  	s2 =	sadd.s32 s2, s14  }
0x8e: {  	[smem:$0x3FC4] =	sst s2  }
0x8f: {  	_ = 	snop  }
0x90: {  	s2 =	sld [smem:$0x3FD0];
	_ =	sdelay $0x2  }
0x91: {  	s15 =	simm.s32 $0xA;
	s4 =	simm.s32 $0x10  }
0x92: {  	[smem:s4], [sflag:s15] =	dma.local [hbm:s2], $0x1  }
0x93: {  	_ =	swait.eq [sflag:s15], $0x1  }
0x94: {  	[sflag:s15] =	ssyncset.done $0x0  }
0x95: {  	s16 =	sld [smem:$0x11];
	[sflag:s15] =	ssyncadd.s32 $0xFFFFFFFF  }
0x96: {  	s17 =	sld [smem:$0x12];
	(tm) =	ssettm $0x1  }
0x97: {  	s18 =	sld [smem:$0x3FFB];
	_ =	sdelay $0x3  }
0x98: {  	_ =	strace s18  }
0x99: {  	s4 =	sld [smem:$0x3FFC];
	_ =	sdelay $0x3  }
0x9a: {  	_ =	strace s4  }
0x9b: {  	s4 =	sld [smem:$0x3FFD];
	_ =	sdelay $0x3  }
0x9c: {  	_ =	strace s4  }
0x9d: {  	_ =	strace $0x8FFFFFFF  }
0x9e: {  	s19 =	sld [smem:$0x3FDB];
	_ =	sdelay $0x1  }
0x9f: {  	s5 =	simm.s32 $_scs_section_size  }
0xa0: {  	s6 =	simm.s32 $_size__tile_overlayer_lowered;
	s7 =	simm.s32 $_tile_overlayer_lowered  }
0xa1: {  	s22 =	simm.s32 $0x1BFF;
	s21 =	sshll.u32 s7, $0x1;
	s4 =	sadd.s32 s5, s19  }
0xa2: {  	s8 =	simm.s32 $0x0;
	s20 =	sshll.u32 s6, $0x1;
	s6 =	sadd.s32 s21, s4  }
0xa3: {  	[timem:s8], [sflag:s22] =	dma.local [hbm:s6], s20  }
0xa4: {  	_ =	swait.ge [sflag:s22], s20  }
0xa5: {  	s5 =	ssub.s32 $0x0, s20;
	[sflag:s22] =	ssyncset.done $0x0  }
0xa6: {  	[sflag:s22] =	ssyncadd.s32 s5;
	_ =	sdelay $0x1  }
0xa7: {  	s23 =	simm.s32 $0x1B8B  }
0xa8: {  	_ =	swait.ge [sflag:s23], $0x1  }
0xa9: {  	[sflag:s23] =	ssyncset.done $0x0  }
0xaa: {  	s25 =	simm.s32 $0x1B8E;
	s24 =	sld [smem:$0x3FFE];
	[sflag:s23] =	ssyncadd.s32 $0xFFFFFFFF  }
0xab: {  	s26 =	simm.s32 $execute0_lowered;
	[smem:$0x3FD2] =	sst s25  }
0xac: {  	s6 =	sshll.u32 s26, $0x1;
	_ =	strace $0x80000046;
	[dreg:$0x1] =	wrdreg $0xFFFFFFFF  }
0xad: {  	s28 =	simm.s32 $_size_execute0_lowered;
	s4 =	sadd.s32 s4, s6;
	[dreg:$0x0] =	wrdreg $0x0  }
0xae: {  	s6 =	sshll.u32 s28, $0x1;
	[dreg:$0x2] =	wrdreg s4  }
0xaf: {  	[dreg:$0x3] =	wrdreg s6  }
0xb0: {  	[dreg:$0x4] =	wrdreg $0xC0  }
0xb1: {  	_ =	task [dreg:s8], $0x5FFFF  }
0xb2: {  	[dreg:$0x1] =	wrdreg $0xFFFFFFFF  }
0xb3: {  	[dreg:$0x0] =	wrdreg $0x60  }
0xb4: {  	[dreg:$0x2] =	wrdreg s24  }
0xb5: {  	[dreg:$0x3] =	wrdreg s16  }
0xb6: {  	[dreg:$0x4] =	wrdreg s17  }
0xb7: {  	[dreg:$0x5] =	wrdreg $0x1F0900  }
0xb8: {  	[dreg:$0x6] =	wrdreg $0x1F2900  }
0xb9: {  	[dreg:$0x7] =	wrdreg $0x9  }
0xba: {  	_ =	task.clear_ibuf [dreg:s8], $0x8FFFF;
	_ =	strace $0x90000046  }
0xbb: {  	s29 =	simm.s32 $0x9;
	_ =	strace $0x80000048  }
0xbc: {  	_ =	swait.ge [sflag:s29], $0x1  }
0xbd: {  	[sflag:s29] =	ssyncadd.s32 $0xFFFFFFFF  }
0xbe: {  	_ =	strace $0x90000048  }
0xbf: {  	_ =	sfence  }
0xc0: {  	s30 =	sld [smem:$0x0];
	_ =	sdelay $0x2  }
0xc1: {  	s31 =	sshll.u32 s1, $0xD;
	s1 =	sshrl.u32 s1, $0x2  }
0xc2: {  	s3 =	sand.u32 $0x4000, s31;
	s1 =	sadd.s32 s1, s30  }
0xc3: {  	s0 =	sor.u32 s3, s0;
	s1 =	sshll.u32 s1, $0x11  }
0xc4: {  	s0 =	sor.u32 s1, s0  }
0xc5: {  	s0 =	sadd.s32 $0x8F2B, s0  }
0xc6: {  	[sflag:s0] =	ssyncadd.remote.s32 $0x1  }
0xc7: {  	_ =	sfence.sel $0xFFFF  }
0xc8: {  	[dreg:$0x0] =	wrdreg $0xFFFFFFFF;
	(pc) =	sbr.abs _section_cstart, $3  }
0xc9: {  	[dreg:$0x1] =	wrdreg $0xFFFFFFFF  }
0xca: {  	_ =	task.clear_ibuf [dreg:s8], $0x2FFFF;
	_ =	strace $0x9FFFFFFF  }
0xcb: {  	(tm) =	ssettm $0x7FFFFFFF  }
tec
execute0_lowered:
.L_overlay_start_1:
0x0: {  	(tag) =	ssettag $0x1  }
0x1: {  	s1 =	rddreg [dreg:$0x0]  }
0x2: {  	s3 =	rddreg [dreg:$0x1]  }
0x3: {  	s5 =	rddreg [dreg:$0x2]  }
0x4: {  	s0 =	srdreg.scid;
	s6 =	rddreg [dreg:$0x3]  }
0x5: {  	s9 =	stileid.u32;
	s8 =	rddreg [dreg:$0x4]  }
0x6: {  	s28 =	simm.s32 $0x1DE90;
	s29 =	simm.s32 $0x1E290;
	s30 =	simm.s32 $0x1E790  }
0x7: {  	s31 =	simm.s32 $0x1E810;
	s15 =	simm.s32 $0x13880;
	s0 =	sand.u32 $0x1, s0  }
0x8: {  	s4 =	sshrl.u32 s9, $0x2;
	s9 =	sand.u32 $0x3, s9;
	s13 =	sadd.s32 $0x1200, s1  }
0x9: {  	s2 =	sshll.u32 s0, $0x2;
	s11 =	smul.u32 $0x9C40, s9;
	s0 =	ssub.s32 $0x2, s0  }
0xa: {  	s21 =	sshll.u32 s9, $0x8;
	p0 =	sne.s32 s9, $0x0;
	s4 =	sor.u32 s4, s2  }
0xb: {  	s2 =	simm.s32 $0x0;
	s12 =	sshrl.u32 s0, $0x1;
	s7 =	smul.u32 $0x13880, s4  }
0xc: {  	s10 =	smul.u32 $0x27100, s4;
	[smem:$0x7FF] =	sst s2;
	s16 =	sshll.u32 s4, $0x8  }
0xd: {  	s0 =	ssub.s32 s0, s12;
	s20 =	sshll.u32 s4, $0xA;
	s14 =	smul.u32 $0x4E20, s4  }
0xe: {  	s4 =	sshll.u32 s4, $0x4;
	s12 =	simm.s32 $0x1E890;
	_ =	strace $0x80000047  }
0xf: {  	[dreg:$0x6] =	wrdreg s13;
	s23 =	sor.u32 s21, s20;
	s24 =	sadd.s32 s20, s8  }
0x10: {  	s25 =	sadd.s32 s3, s4;
	s26 =	sadd.s32 s5, s4;
	s0 =	smax.u32 s0, $0x1  }
0x11: {  	s21 =	simm.s32 $0x2;
	s3 =	simm.s32 $0x1E710;
	s13 =	simm.s32 $0x1D6C0  }
0x12: {  	s4 =	simm.s32 $0x1DD90;
	s5 =	simm.s32 $0x1DE10;
	[dreg:$0x10] =	wrdreg s24  }
0x13: {  	s7 =	sshrl.u32 s7, $0x3;
	s10 =	sadd.s32 s11, s10;
	[dreg:$0x12] =	wrdreg s25  }
0x14: {  	s11 =	sadd.s32 s23, s6;
	s6 =	sadd.s32 s20, s6;
	[dreg:$0x13] =	wrdreg s26  }
0x15: {  	[dreg:$0x14] =	wrdreg s0;
	s20 =	simm.s32 $0x9C40;
	s24 =	simm.s32 $0x1DBC0  }
0x16: {  	s25 =	simm.s32 $0x1D4C0;
	s26 =	simm.s32 $0x1D5C0;
	s0 =	simm.s32 $0x1DD10  }
0x17: {  	s7 =	sadd.s32 s7, s1;
	s10 =	sshrl.u32 s10, $0x3;
	[dreg:$0xd] =	wrdreg s11  }
0x18: {  	v0 =	vimm.f32 $-Inf;
	v2 =	vimm.s32 $0x380;
	vm0 =	vcmask $0x300;
	[dreg:$0xf] =	wrdreg s6;
	s6 =	simm.s32 $0x0;
	s17 =	sadd.s32 $0x76FC4, s7  }
0x19: {  	v1 =	vimm.f32 $4.000000000e+09;
	vm1 =	vmxor vm1, vm1;
	v10 =	vimm.s32 $0x0;
	s10 =	sadd.s32 s10, s1;
	s19 =	sadd.s32 $0x77988, s7;
	[dreg:$0x8] =	wrdreg s17  }
0x1a: {  	v3 =	vsel vm0, $0x0, v2;
	vm0 =	vcmask $0x704;
	v2 =	vimm.f32 $-4.000000000e+09;
	s18 =	sadd.s32 $0x76600, s7;
	s7 =	sadd.s32 $0x7834C, s7;
	[dreg:$0x9] =	wrdreg s19  }
0x1b: {  	v4 =	vsel vm0, $0x80, v3;
	vm0 =	vcmask $0xB08;
	v3 =	vlaneseq.u32;
	s1 =	sadd.s32 s16, s1;
	s16 =	simm.s32 $0x1DC10;
	[dreg:$0xa] =	wrdreg s7  }
.Ltmp0:
0x1c: {  	v5 =	vsel vm0, $0x100, v4;
	vm0 =	vcmask $0xF0C;
	v4 =	vmul.u32 $0xFFFFFFFF, v3;
	s22 =	sadd.s32 $0x4F400, s10;
	[dreg:$0x7] =	wrdreg s18;
	(pc) =	sbr.rel .LBB2_1-.Ltmp0, $4  }
0x1d: {  	v9 =	vor.u32 $0x80000000, v3;
	v6 =	vsel vm0, $0x180, v5;
	vm0 =	vcmask $0x1310;
	s10 =	sadd.s32 $0x4FDC4, s10;
	s1 =	sadd.s32 $0x8A000, s1;
	[dreg:$0xb] =	wrdreg s22  }
0x1e: {  	v5 =	vimm.f32 $0.0e+00;
	v7 =	vsel vm0, $0x200, v6;
	vm0 =	vcmask $0x1714;
	s19 =	simm.s32 $0x4E20;
	s17 =	simm.s32 $0x1DC90;
	[dreg:$0xc] =	wrdreg s10  }
0x1f: {  	v6 =	vadd.s32 $0xF, v4;
	v8 =	vsel vm0, $0x280, v7;
	vm0 =	vcmask $0x1B18;
	s10 =	sadd.s32 s23, s8;
	[dreg:$0x11] =	wrdreg s1;
	s22 =	simm.s32 $0xEA60  }
0x20: {  	v7 =	vimm.s32 $0xFFFFFFFF;
	v8 =	vsel vm0, $0x300, v8;
	vm0 =	vmmov $0xff;
	s23 =	simm.s32 $0x186A0;
	s1 =	simm.s32 $0x1E690;
	[dreg:$0xe] =	wrdreg s10  }
.LBB2_28:
0x21: {  	_ =	sdelay $0x2  }
0x22: {  	v14 =	vshra.s32 v14, $0x4  }
0x23: {  	v12 =	vld.idx.msk [tilespmem:v12+s12+$0x0], $0xffff;
	v14 =	vbroadcast v14, $0x0;
	_ =	sdelay $0x1  }
0x24: {  	v15 =	vshll.u32 v14, $0x4  }
0x25: {  	v15 =	vor.u32 v3, v15  }
0x26: {  	vm2 =	vgt.s32 v13, $0x0  }
0x27: {  	v12 =	vnsel vm2, $0xBF800000, v12  }
0x28: {  	[tilespmem:v11+s12+$0x0] =	vst.idx.msk $0xffff, v12  }
0x29: {  	v11 =	vld.idx.msk [tilespmem:v14+s3+$0x0], $0xffff  }
0x2a: {  	v12 =	vld.idx.msk [tilespmem:v15+s12+$0x0], $0xffff;
	_ =	sdelay $0x3  }
0x2b: {  	vm2 =	vgt.s32 v11, $0x0  }
0x2c: {  	v11 =	vnsel vm2, $0xBF800000, v12  }
0x2d: {  	s7 =	rddreg [dreg:$0x11];
	[tilespmem:v15+s12+$0x0] =	vst.idx.msk $0xffff, v11  }
0x2e: {  	[hbm4b:s7+s2] =	stream.linear.scatter [tilespmem:s12], [sflag:$0x2], $0x800, $0x38;
	[tilespmem:$0x1F490] =	vst v63  }
0x2f: {  	_ =	swait.ge [sflag:s21], $0x800  }
0x30: {  	[sflag:s21] =	ssyncset.done $0x0  }
0x31: {  	s11 =	rddreg [dreg:$0x12];
	[sflag:s21] =	ssyncadd.s32 $0xFFFFF800  }
0x32: {  	[hbm4b:s11+s2] =	stream.linear.scatter [tilespmem:s30], [sflag:$0x2], $0x80, $0x38;
	[tilespmem:$0x1F490] =	vst v63  }
0x33: {  	_ =	swait.ge [sflag:s21], $0x80  }
0x34: {  	[sflag:s21] =	ssyncset.done $0x0  }
0x35: {  	s18 =	rddreg [dreg:$0x13];
	[sflag:s21] =	ssyncadd.s32 $0xFFFFFF80  }
0x36: {  	[hbm4b:s18+s2] =	stream.linear.scatter [tilespmem:s31], [sflag:$0x2], $0x80, $0x38;
	[tilespmem:$0x1F490] =	vst v63  }
0x37: {  	_ =	swait.ge [sflag:s21], $0x80  }
0x38: {  	[sflag:s21] =	ssyncset.done $0x0  }
0x39: {  	s18 =	rddreg [dreg:$0x7];
	[sflag:s21] =	ssyncadd.s32 $0xFFFFFF80  }
.LBB2_29:
0x3a: {  	s6 =	sadd.s32 $0x1, s6;
	s7 =	rddreg [dreg:$0x14]  }
0x3b: {  	p1 =	sne.s32 s6, s7  }
.Ltmp1:
0x3c: {  	_ = 	snop;
	(pc) =	sbr.rel @!p1 .LBB2_30-.Ltmp1, $1  }
0x3d: {  	_ =	sdelay $0x3  }
.LBB2_1:
0x3e: {  	[tilespmem:s2], [sflag:$0x2] =	stream.linear.gather [hbm4b:s18+s2], $0x4E20, $0x38;
	[tilespmem:$0x1F490] =	vst v63  }
0x3f: {  	_ =	swait.ge [sflag:s21], $0x4E20  }
0x40: {  	[sflag:s21] =	ssyncset.done $0x0  }
0x41: {  	s7 =	rddreg [dreg:$0x8];
	[sflag:s21] =	ssyncadd.s32 $0xFFFFB1E0  }
0x42: {  	[tilespmem:s19], [sflag:$0x2] =	stream.linear.gather [hbm4b:s7+s2], $0x4E20, $0x38;
	[tilespmem:$0x1F490] =	vst v63  }
0x43: {  	_ =	swait.ge [sflag:s21], $0x4E20  }
0x44: {  	[sflag:s21] =	ssyncset.done $0x0  }
0x45: {  	s10 =	rddreg [dreg:$0x9];
	[sflag:s21] =	ssyncadd.s32 $0xFFFFB1E0  }
0x46: {  	[tilespmem:s20], [sflag:$0x2] =	stream.linear.gather [hbm4b:s10+s2], $0x4E20, $0x38;
	[tilespmem:$0x1F490] =	vst v63  }
0x47: {  	_ =	swait.ge [sflag:s21], $0x4E20  }
0x48: {  	[sflag:s21] =	ssyncset.done $0x0  }
0x49: {  	s11 =	rddreg [dreg:$0xa];
	[sflag:s21] =	ssyncadd.s32 $0xFFFFB1E0  }
0x4a: {  	[tilespmem:s22], [sflag:$0x2] =	stream.linear.gather [hbm4b:s11+s2], $0x4E20, $0x38;
	[tilespmem:$0x1F490] =	vst v63  }
0x4b: {  	_ =	swait.ge [sflag:s21], $0x4E20  }
0x4c: {  	[sflag:s21] =	ssyncset.done $0x0  }
0x4d: {  	s7 =	simm.s32 $0x0;
	[sflag:s21] =	ssyncadd.s32 $0xFFFFB1E0  }
0x4e: {  	v11 =	vld [tilespmem:s7+$0x9C80]  }
0x4f: {  	v12 =	vld [tilespmem:s7+$0x40]  }
0x50: {  	v13 =	vld [tilespmem:s7+$0xEAA0]  }
0x51: {  	v14 =	vld [tilespmem:s7+$0x4E60]  }
0x52: {  	v15 =	vld [tilespmem:s7+$0x9C40]  }
0x53: {  	v16 =	vld [tilespmem:s7+$0x0]  }
0x54: {  	v17 =	vld [tilespmem:s7+$0xEA60]  }
0x55: {  	v18 =	vld [tilespmem:s7+$0x4E20];
	_ =	sdelay $0x1  }
0x56: {  	v19 =	vld [tilespmem:s7+$0x9C50];
	v11 =	vsub.f32 v11, v12;
	v12 =	vsub.f32 v13, v14  }
0x57: {  	v20 =	vld [tilespmem:s7+$0x4E30]  }
0x58: {  	v13 =	vld [tilespmem:s7+$0x10];
	v11 =	vmax.f32 v11, $0.0e+00;
	v12 =	vmax.f32 v12, $0.0e+00  }
0x59: {  	v14 =	vld [tilespmem:s7+$0xEA70];
	v15 =	vsub.f32 v15, v16;
	v16 =	vsub.f32 v17, v18;
	v11 =	vmul.f32 v12, v11  }
0x5a: {  	v17 =	vld [tilespmem:s7+$0x20]  }
0x5b: {  	v18 =	vld [tilespmem:s7+$0x4E40];
	[tilespmem:s7+$0x138C0] =	vst v11;
	v11 =	vmax.f32 v15, $0.0e+00;
	v15 =	vmax.f32 v16, $0.0e+00  }
0x5c: {  	v12 =	vld [tilespmem:s7+$0x9C60];
	v11 =	vmul.f32 v15, v11  }
0x5d: {  	v16 =	vld [tilespmem:s7+$0xEA80]  }
0x5e: {  	v21 =	vld [tilespmem:s7+$0x9C70];
	v14 =	vsub.f32 v14, v20;
	[tilespmem:s7+$0x13880] =	vst v11;
	v11 =	vsub.f32 v19, v13  }
0x5f: {  	v19 =	vld [tilespmem:s7+$0x30]  }
0x60: {  	v15 =	vld [tilespmem:s7+$0x4E50];
	v14 =	vmax.f32 v14, $0.0e+00;
	v11 =	vmax.f32 v11, $0.0e+00  }
0x61: {  	s8 =	simm.s32 $0x50;
	v13 =	vld [tilespmem:s7+$0xEA90];
	v14 =	vmul.f32 v14, v11  }
0x62: {  	v17 =	vsub.f32 v12, v17;
	v12 =	vld [tilespmem:s8+$0x40];
	v18 =	vsub.f32 v16, v18  }
0x63: {  	v11 =	vld [tilespmem:s8+$0x9C80];
	[tilespmem:s7+$0x13890] =	vst v14  }
0x64: {  	s9 =	simm.s32 $0x280;
	v16 =	vmax.f32 v17, $0.0e+00;
	v18 =	vmax.f32 v18, $0.0e+00;
	v17 =	vsub.f32 v21, v19;
	v14 =	vld [tilespmem:s8+$0xEAA0]  }
.LBB2_2:
0x65: {  	p1 =	sne.s32 s9, $0x13740;
	v19 =	vld [tilespmem:s8+$0x4E60];
	v16 =	vmul.f32 v18, v16  }
0x66: {  	v18 =	vld [tilespmem:s8+$0x9C40];
	v17 =	vmax.f32 v17, $0.0e+00;
	v13 =	vsub.f32 v13, v15  }
0x67: {  	v15 =	vld [tilespmem:s8+$0x0];
	[tilespmem:s7+$0x138A0] =	vst v16  }
0x68: {  	v16 =	vld [tilespmem:s8+$0xEA60];
	v13 =	vmax.f32 v13, $0.0e+00  }
0x69: {  	v20 =	vld [tilespmem:s8+$0x4E20];
	v13 =	vmul.f32 v13, v17  }
0x6a: {  	v11 =	vsub.f32 v11, v12;
	v17 =	vld [tilespmem:s8+$0x9C50];
	v12 =	vsub.f32 v14, v19  }
0x6b: {  	v14 =	vld [tilespmem:s8+$0x10];
	[tilespmem:s7+$0x138B0] =	vst v13;
	s7 =	smov.u32 s8  }
0x6c: {  	v11 =	vmax.f32 v11, $0.0e+00;
	v13 =	vsub.f32 v18, v15;
	v15 =	vld [tilespmem:s7+$0xEA70];
	v12 =	vmax.f32 v12, $0.0e+00  }
0x6d: {  	v18 =	vld [tilespmem:s7+$0x4E30];
	v11 =	vmul.f32 v12, v11  }
0x6e: {  	v12 =	vmax.f32 v13, $0.0e+00;
	v13 =	vsub.f32 v16, v20;
	v16 =	vld [tilespmem:s7+$0x9C60]  }
0x6f: {  	v19 =	vld [tilespmem:s7+$0x20];
	[tilespmem:s7+$0x138C0] =	vst v11  }
0x70: {  	v11 =	vmax.f32 v13, $0.0e+00;
	v13 =	vsub.f32 v17, v14;
	v14 =	vld [tilespmem:s7+$0xEA80]  }
0x71: {  	v11 =	vmul.f32 v11, v12;
	v12 =	vld [tilespmem:s7+$0x4E40]  }
0x72: {  	v17 =	vmax.f32 v13, $0.0e+00;
	v13 =	vsub.f32 v15, v18;
	v20 =	vld [tilespmem:s7+$0x9C70]  }
0x73: {  	[tilespmem:s7+$0x13880] =	vst v11;
	v21 =	vld [tilespmem:s7+$0x30]  }
.Ltmp2:
0x74: {  	v11 =	vmax.f32 v13, $0.0e+00;
	v16 =	vsub.f32 v16, v19;
	v13 =	vld [tilespmem:s7+$0xEA90];
	(pc) =	sbr.rel @p1 .LBB2_2-.Ltmp2, $4  }
0x75: {  	s8 =	sshra.s32 s9, $0x2;
	v17 =	vmul.f32 v11, v17;
	v15 =	vld [tilespmem:s7+$0x4E50]  }
0x76: {  	v11 =	vld [tilespmem:s8+$0x9C80];
	v16 =	vmax.f32 v16, $0.0e+00;
	v18 =	vsub.f32 v14, v12  }
0x77: {  	v12 =	vld [tilespmem:s8+$0x40];
	[tilespmem:s7+$0x13890] =	vst v17  }
0x78: {  	s9 =	sadd.s32 $0x140, s9;
	v14 =	vld [tilespmem:s8+$0xEAA0];
	v18 =	vmax.f32 v18, $0.0e+00;
	v17 =	vsub.f32 v20, v21  }
0x79: {  	v19 =	vld [tilespmem:s8+$0x4E60];
	v16 =	vmul.f32 v18, v16  }
0x7a: {  	v55 =	vld [tilespmem:s8+$0x9C40];
	v13 =	vsub.f32 v13, v15  }
0x7b: {  	v20 =	vld [tilespmem:s8+$0x0];
	[tilespmem:s7+$0x138A0] =	vst v16  }
0x7c: {  	v56 =	vmax.f32 v17, $0.0e+00;
	v15 =	vld [tilespmem:s8+$0xEA60];
	v13 =	vmax.f32 v13, $0.0e+00  }
0x7d: {  	v57 =	vld [tilespmem:s8+$0x4E20];
	v13 =	vmul.f32 v13, v56  }
0x7e: {  	v58 =	vld [tilespmem:s8+$0x9C50]  }
0x7f: {  	v21 =	vld [tilespmem:s8+$0x10];
	[tilespmem:s7+$0x138B0] =	vst v13  }
0x80: {  	v13 =	vld [tilespmem:s8+$0xEA70]  }
0x81: {  	v11 =	vsub.f32 v11, v12;
	v12 =	vsub.f32 v14, v19;
	v14 =	vld [tilespmem:s8+$0x4E30]  }
0x82: {  	v59 =	vld [tilespmem:s8+$0x20]  }
0x83: {  	v11 =	vmax.f32 v11, $0.0e+00;
	v12 =	vmax.f32 v12, $0.0e+00;
	v60 =	vld [tilespmem:s8+$0xEA80]  }
0x84: {  	v18 =	vsub.f32 v55, v20;
	v61 =	vld [tilespmem:s8+$0x9C70];
	v11 =	vmul.f32 v12, v11;
	v15 =	vsub.f32 v15, v57  }
0x85: {  	v62 =	vld [tilespmem:s8+$0xEA90]  }
0x86: {  	v22 =	vld [tilespmem:s8+$0x4E50];
	[tilespmem:s8+$0x138C0] =	vst v11;
	v11 =	vmax.f32 v18, $0.0e+00;
	v15 =	vmax.f32 v15, $0.0e+00  }
0x87: {  	v12 =	vld [tilespmem:s8+$0x9C60];
	v11 =	vmul.f32 v15, v11  }
0x88: {  	v15 =	vld [tilespmem:s8+$0x4E40]  }
0x89: {  	[tilespmem:s8+$0x13880] =	vst v11;
	v11 =	vld [tilespmem:s8+$0x30];
	_ =	sdelay $0x1  }
0x8a: {  	v16 =	vsub.f32 v58, v21  }
0x8b: {  	v13 =	vsub.f32 v13, v14  }
0x8c: {  	v14 =	vmax.f32 v16, $0.0e+00;
	v12 =	vsub.f32 v12, v59;
	v15 =	vsub.f32 v60, v15  }
0x8d: {  	v63 =	vsub.f32 v62, v22;
	v13 =	vmax.f32 v13, $0.0e+00;
	v11 =	vsub.f32 v61, v11  }
0x8e: {  	v13 =	vmul.f32 v13, v14;
	v12 =	vmax.f32 v12, $0.0e+00;
	v14 =	vmax.f32 v15, $0.0e+00  }
0x8f: {  	v12 =	vmul.f32 v14, v12;
	v14 =	vmax.f32 v63, $0.0e+00;
	v11 =	vmax.f32 v11, $0.0e+00  }
0x90: {  	[tilespmem:s8+$0x13890] =	vst v13;
	v11 =	vmul.f32 v14, v11  }
0x91: {  	[tilespmem:s8+$0x138A0] =	vst v12  }
0x92: {  	[tilespmem:s8+$0x138B0] =	vst v11;
	s8 =	rddreg [dreg:$0xb]  }
0x93: {  	[tilespmem:s23], [sflag:$0x2] =	stream.linear.gather [hbm4b:s8+s2], $0x4E20, $0x38;
	[tilespmem:$0x1F490] =	vst v63  }
0x94: {  	_ =	swait.ge [sflag:s21], $0x4E20  }
0x95: {  	[sflag:s21] =	ssyncset.done $0x0  }
0x96: {  	[sflag:s21] =	ssyncadd.s32 $0xFFFFB1E0  }
0x97: {  	[tilespmem:$0x1DBA0] =	vst v0  }
0x98: {  	[tilespmem:$0x1DBB0] =	vst v0  }
0x99: {  	[tilespmem:$0x1DC10] =	vst v1  }
0x9a: {  	[tilespmem:$0x1DC90] =	vst v1  }
0x9b: {  	[tilespmem:$0x1DD10] =	vst v2  }
0x9c: {  	[tilespmem:$0x1DD90] =	vst v2  }
0x9d: {  	[tilespmem:$0x1DE10] =	vst v5  }
0x9e: {  	[tilespmem:$0x1DC20] =	vst v1  }
0x9f: {  	[tilespmem:$0x1DCA0] =	vst v1  }
0xa0: {  	[tilespmem:$0x1DD20] =	vst v2  }
0xa1: {  	[tilespmem:$0x1DDA0] =	vst v2  }
0xa2: {  	[tilespmem:$0x1DE20] =	vst v5  }
0xa3: {  	[tilespmem:$0x1DC30] =	vst v1  }
0xa4: {  	[tilespmem:$0x1DCB0] =	vst v1  }
0xa5: {  	[tilespmem:$0x1DD30] =	vst v2  }
0xa6: {  	[tilespmem:$0x1DDB0] =	vst v2  }
0xa7: {  	[tilespmem:$0x1DE30] =	vst v5  }
0xa8: {  	[tilespmem:$0x1DC40] =	vst v1  }
0xa9: {  	[tilespmem:$0x1DCC0] =	vst v1  }
0xaa: {  	[tilespmem:$0x1DD40] =	vst v2  }
0xab: {  	[tilespmem:$0x1DDC0] =	vst v2  }
0xac: {  	[tilespmem:$0x1DE40] =	vst v5  }
0xad: {  	[tilespmem:$0x1DC50] =	vst v1  }
0xae: {  	[tilespmem:$0x1DCD0] =	vst v1  }
0xaf: {  	[tilespmem:$0x1DD50] =	vst v2  }
0xb0: {  	[tilespmem:$0x1DDD0] =	vst v2  }
0xb1: {  	[tilespmem:$0x1DE50] =	vst v5  }
0xb2: {  	[tilespmem:$0x1DC60] =	vst v1  }
0xb3: {  	[tilespmem:$0x1DCE0] =	vst v1  }
0xb4: {  	[tilespmem:$0x1DD60] =	vst v2  }
0xb5: {  	[tilespmem:$0x1DDE0] =	vst v2  }
0xb6: {  	[tilespmem:$0x1DE60] =	vst v5  }
0xb7: {  	[tilespmem:$0x1DC70] =	vst v1  }
0xb8: {  	[tilespmem:$0x1DCF0] =	vst v1  }
0xb9: {  	[tilespmem:$0x1DD70] =	vst v2  }
0xba: {  	[tilespmem:$0x1DDF0] =	vst v2  }
0xbb: {  	[tilespmem:$0x1DE70] =	vst v5  }
0xbc: {  	[tilespmem:$0x1DC80] =	vst v1  }
0xbd: {  	[tilespmem:$0x1DD00] =	vst v1  }
0xbe: {  	[tilespmem:$0x1DD80] =	vst v2  }
0xbf: {  	[tilespmem:$0x1DE00] =	vst v2  }
0xc0: {  	s8 =	simm.s32 $0x186C0;
	[tilespmem:$0x1DE80] =	vst v5  }
0xc1: {  	v11 =	vld [tilespmem:s8+$0xFFFFFFE0];
	_ =	sdelay $0x4  }
0xc2: {  	vm2 =	vgt.f32 v11, $9.999999770e-03  }
0xc3: {  	v11 =	vnsel vm2, $0xFF800000, v11  }
0xc4: {  	(xrf0) =	vmax.scan.msk.f32 $0xffff, v11;
	_ =	sdelay $0x5  }
0xc5: {  	v12, _, _ =	vpop (xrf0)  }
0xc6: {  	v12 =	vperm.xlane v12, v6;
	_ =	sdelay $0x1  }
0xc7: {  	(xrf0) =	vmax.scan.msk.f32 $0xffff, v12  }
0xc8: {  	s9 =	simm.s32 $0x0  }
0xc9: {  	v12 =	vmov s9;
	_ =	sdelay $0x3  }
0xca: {  	s7 =	simm.s32 $0x1D6C0;
	[tilespmem:s8+$0xFFFFFFE0] =	vst v11;
	v11, _, _ =	vpop (xrf0)  }
0xcb: {  	[tilespmem:v12+s7+$0x0] =	vst.idx.msk $0x1, v11  }
0xcc: {  	v11 =	vld [tilespmem:s8+$0xFFFFFFF0];
	_ =	sdelay $0x4  }
0xcd: {  	vm2 =	vgt.f32 v11, $9.999999770e-03  }
0xce: {  	v11 =	vnsel vm2, $0xFF800000, v11  }
0xcf: {  	(xrf0) =	vmax.scan.msk.f32 $0xffff, v11;
	_ =	sdelay $0x5  }
0xd0: {  	v12, _, _ =	vpop (xrf0)  }
0xd1: {  	v12 =	vperm.xlane v12, v6;
	_ =	sdelay $0x1  }
0xd2: {  	(xrf0) =	vmax.scan.msk.f32 $0xffff, v12  }
0xd3: {  	s9 =	simm.s32 $0x1  }
0xd4: {  	v12 =	vmov s9;
	_ =	sdelay $0x3  }
0xd5: {  	[tilespmem:s8+$0xFFFFFFF0] =	vst v11;
	v11, _, _ =	vpop (xrf0)  }
0xd6: {  	[tilespmem:v12+s7+$0x0] =	vst.idx.msk $0x1, v11  }
0xd7: {  	v11 =	vld [tilespmem:s8+$0x0];
	_ =	sdelay $0x4  }
0xd8: {  	vm2 =	vgt.f32 v11, $9.999999770e-03  }
0xd9: {  	v11 =	vnsel vm2, $0xFF800000, v11  }
0xda: {  	(xrf0) =	vmax.scan.msk.f32 $0xffff, v11;
	_ =	sdelay $0x5  }
0xdb: {  	v12, _, _ =	vpop (xrf0)  }
0xdc: {  	v12 =	vperm.xlane v12, v6;
	_ =	sdelay $0x1  }
0xdd: {  	(xrf0) =	vmax.scan.msk.f32 $0xffff, v12  }
0xde: {  	s10 =	simm.s32 $0x2  }
0xdf: {  	v12 =	vmov s10;
	_ =	sdelay $0x3  }
0xe0: {  	[tilespmem:s8+$0x0] =	vst v11;
	v11, _, _ =	vpop (xrf0)  }
0xe1: {  	[tilespmem:v12+s7+$0x0] =	vst.idx.msk $0x1, v11  }
0xe2: {  	v11 =	vld [tilespmem:s8+$0x10];
	_ =	sdelay $0x4  }
0xe3: {  	vm2 =	vgt.f32 v11, $9.999999770e-03  }
0xe4: {  	v11 =	vnsel vm2, $0xFF800000, v11  }
0xe5: {  	(xrf0) =	vmax.scan.msk.f32 $0xffff, v11;
	_ =	sdelay $0x5  }
0xe6: {  	v12, _, _ =	vpop (xrf0)  }
0xe7: {  	v12 =	vperm.xlane v12, v6;
	_ =	sdelay $0x1  }
0xe8: {  	(xrf0) =	vmax.scan.msk.f32 $0xffff, v12  }
0xe9: {  	s11 =	simm.s32 $0x3  }
0xea: {  	v12 =	vmov s11;
	_ =	sdelay $0x3  }
0xeb: {  	[tilespmem:s8+$0x10] =	vst v11;
	v11, _, _ =	vpop (xrf0)  }
0xec: {  	[tilespmem:v12+s7+$0x0] =	vst.idx.msk $0x1, v11  }
0xed: {  	v11 =	vld [tilespmem:s8+$0x20];
	_ =	sdelay $0x4  }
0xee: {  	vm2 =	vgt.f32 v11, $9.999999770e-03  }
0xef: {  	v11 =	vnsel vm2, $0xFF800000, v11  }
0xf0: {  	(xrf0) =	vmax.scan.msk.f32 $0xffff, v11;
	_ =	sdelay $0x5  }
0xf1: {  	v12, _, _ =	vpop (xrf0)  }
0xf2: {  	v12 =	vperm.xlane v12, v6;
	_ =	sdelay $0x1  }
0xf3: {  	(xrf0) =	vmax.scan.msk.f32 $0xffff, v12;
	_ =	sdelay $0x1  }
0xf4: {  	s10 =	simm.s32 $0x4  }
0xf5: {  	[tilespmem:s8+$0x20] =	vst v11;
	v11 =	vmov s10;
	_ =	sdelay $0x2  }
0xf6: {  	s9 =	simm.s32 $0x9;
	v12, _, _ =	vpop (xrf0)  }
.LBB2_4:
0xf7: {  	p1 =	sne.s32 s9, $0x4E1  }
0xf8: {  	[tilespmem:v11+s7+$0x0] =	vst.idx.msk $0x1, v12;
	s8 =	sadd.s32 $0x50, s8;
	s10 =	smov.u32 s9;
	s9 =	sadd.s32 $0x5, s9  }
0xf9: {  	v11 =	vld [tilespmem:s8+$0xFFFFFFE0];
	_ =	sdelay $0x4  }
0xfa: {  	vm2 =	vgt.f32 v11, $9.999999770e-03  }
0xfb: {  	v11 =	vnsel vm2, $0xFF800000, v11  }
0xfc: {  	(xrf0) =	vmax.scan.msk.f32 $0xffff, v11;
	_ =	sdelay $0x5  }
0xfd: {  	v12, _, _ =	vpop (xrf0)  }
0xfe: {  	v12 =	vperm.xlane v12, v6;
	_ =	sdelay $0x1  }
0xff: {  	(xrf0) =	vmax.scan.msk.f32 $0xffff, v12  }
0x100: {  	s11 =	sadd.s32 $0xFFFFFFFC, s10  }
0x101: {  	v12 =	vmov s11;
	_ =	sdelay $0x3  }
0x102: {  	[tilespmem:s8+$0xFFFFFFE0] =	vst v11;
	v11, _, _ =	vpop (xrf0)  }
0x103: {  	[tilespmem:v12+s7+$0x0] =	vst.idx.msk $0x1, v11  }
0x104: {  	v11 =	vld [tilespmem:s8+$0xFFFFFFF0];
	_ =	sdelay $0x4  }
0x105: {  	vm2 =	vgt.f32 v11, $9.999999770e-03  }
0x106: {  	v11 =	vnsel vm2, $0xFF800000, v11  }
0x107: {  	(xrf0) =	vmax.scan.msk.f32 $0xffff, v11;
	_ =	sdelay $0x5  }
0x108: {  	v12, _, _ =	vpop (xrf0)  }
0x109: {  	v12 =	vperm.xlane v12, v6;
	_ =	sdelay $0x1  }
0x10a: {  	(xrf0) =	vmax.scan.msk.f32 $0xffff, v12  }
0x10b: {  	s11 =	sadd.s32 $0xFFFFFFFD, s10  }
0x10c: {  	v12 =	vmov s11;
	_ =	sdelay $0x3  }
0x10d: {  	[tilespmem:s8+$0xFFFFFFF0] =	vst v11;
	v11, _, _ =	vpop (xrf0)  }
0x10e: {  	[tilespmem:v12+s7+$0x0] =	vst.idx.msk $0x1, v11  }
0x10f: {  	v11 =	vld [tilespmem:s8+$0x0];
	_ =	sdelay $0x4  }
0x110: {  	vm2 =	vgt.f32 v11, $9.999999770e-03  }
0x111: {  	v11 =	vnsel vm2, $0xFF800000, v11  }
0x112: {  	[tilespmem:s8+$0x0] =	vst v11;
	(xrf0) =	vmax.scan.msk.f32 $0xffff, v11;
	_ =	sdelay $0x5  }
0x113: {  	v11, _, _ =	vpop (xrf0)  }
0x114: {  	v11 =	vperm.xlane v11, v6;
	_ =	sdelay $0x1  }
0x115: {  	(xrf0) =	vmax.scan.msk.f32 $0xffff, v11  }
0x116: {  	s11 =	sadd.s32 $0xFFFFFFFE, s10  }
0x117: {  	v11 =	vmov s11;
	_ =	sdelay $0x3  }
0x118: {  	v12, _, _ =	vpop (xrf0)  }
0x119: {  	[tilespmem:v11+s7+$0x0] =	vst.idx.msk $0x1, v12  }
0x11a: {  	v11 =	vld [tilespmem:s8+$0x10];
	_ =	sdelay $0x4  }
0x11b: {  	vm2 =	vgt.f32 v11, $9.999999770e-03  }
0x11c: {  	v11 =	vnsel vm2, $0xFF800000, v11  }
0x11d: {  	[tilespmem:s8+$0x10] =	vst v11;
	(xrf0) =	vmax.scan.msk.f32 $0xffff, v11;
	_ =	sdelay $0x5  }
0x11e: {  	v11, _, _ =	vpop (xrf0)  }
0x11f: {  	v11 =	vperm.xlane v11, v6;
	_ =	sdelay $0x1  }
0x120: {  	(xrf0) =	vmax.scan.msk.f32 $0xffff, v11  }
0x121: {  	s11 =	sadd.s32 $0xFFFFFFFF, s10  }
0x122: {  	v11 =	vmov s11;
	_ =	sdelay $0x3  }
0x123: {  	v12, _, _ =	vpop (xrf0)  }
0x124: {  	[tilespmem:v11+s7+$0x0] =	vst.idx.msk $0x1, v12  }
0x125: {  	v11 =	vld [tilespmem:s8+$0x20];
	_ =	sdelay $0x4  }
0x126: {  	vm2 =	vgt.f32 v11, $9.999999770e-03  }
0x127: {  	v11 =	vnsel vm2, $0xFF800000, v11  }
0x128: {  	[tilespmem:s8+$0x20] =	vst v11;
	(xrf0) =	vmax.scan.msk.f32 $0xffff, v11;
	_ =	sdelay $0x5  }
0x129: {  	v11, _, _ =	vpop (xrf0)  }
0x12a: {  	v11 =	vperm.xlane v11, v6;
	_ =	sdelay $0x1  }
0x12b: {  	(xrf0) =	vmax.scan.msk.f32 $0xffff, v11;
	_ =	sdelay $0x1  }
.Ltmp3:
0x12c: {  	v11 =	vmov s10;
	(pc) =	sbr.rel @p1 .LBB2_4-.Ltmp3, $2  }
0x12d: {  	_ =	sdelay $0x2  }
0x12e: {  	v12, _, _ =	vpop (xrf0)  }
0x12f: {  	_ =	sdelay $0x3  }
0x130: {  	[tilespmem:v11+s7+$0x0] =	vst.idx.msk $0x1, v12  }
0x131: {  	s8 =	simm.s32 $0x0;
	s9 =	simm.s32 $0x1;
	v11 =	vld [tilespmem:s7+$0x0]  }
.LBB2_6:
0x132: {  	p1 =	sne.s32 s9, $0x4F;
	_ =	sdelay $0x3  }
0x133: {  	(xrf0) =	vmax.scan.msk.f32 $0xffff, v11;
	_ =	sdelay $0x5  }
0x134: {  	v11, _, _ =	vpop (xrf0)  }
0x135: {  	v11 =	vperm.xlane v11, v6;
	_ =	sdelay $0x1  }
0x136: {  	(xrf0) =	vmax.scan.msk.f32 $0xffff, v11;
	_ =	sdelay $0x1  }
0x137: {  	v11 =	vmov s8;
	s8 =	smov.u32 s9;
	_ =	sdelay $0x1  }
.Ltmp4:
0x138: {  	(pc) =	sbr.rel @p1 .LBB2_6-.Ltmp4, $4  }
0x139: {  	_ = 	snop  }
0x13a: {  	v12, _, _ =	vpop (xrf0)  }
0x13b: {  	s7 =	sadd.s32 $0x10, s7;
	[tilespmem:v11+s24+$0x0] =	vst.idx.msk $0x1, v12  }
0x13c: {  	s9 =	sadd.s32 $0x1, s9;
	v11 =	vld [tilespmem:s7+$0x0]  }
0x13d: {  	_ =	sdelay $0x3  }
0x13e: {  	(xrf0) =	vmax.scan.msk.f32 $0xffff, v11;
	_ =	sdelay $0x5  }
0x13f: {  	v11, _, _ =	vpop (xrf0)  }
0x140: {  	v11 =	vperm.xlane v11, v6;
	_ =	sdelay $0x1  }
0x141: {  	(xrf0) =	vmax.scan.msk.f32 $0xffff, v11;
	_ =	sdelay $0x1  }
0x142: {  	v11 =	vmov s8;
	_ =	sdelay $0x3  }
0x143: {  	v12, _, _ =	vpop (xrf0)  }
0x144: {  	[tilespmem:v11+s24+$0x0] =	vst.idx.msk $0x1, v12  }
0x145: {  	v11 =	vld [tilespmem:$0x1DBC0]  }
0x146: {  	v12 =	vld [tilespmem:$0x1DBD0]  }
0x147: {  	v13 =	vld [tilespmem:$0x1DBE0]  }
0x148: {  	v14 =	vld [tilespmem:$0x1DBF0]  }
0x149: {  	v15 =	vld [tilespmem:$0x1DC00];
	_ =	sdelay $0x1  }
0x14a: {  	v11 =	vmax.f32 v11, v12  }
0x14b: {  	v11 =	vmax.f32 v11, v13  }
0x14c: {  	v11 =	vmax.f32 v11, v14  }
0x14d: {  	v11 =	vmax.f32 v11, v15  }
0x14e: {  	(xrf0) =	vmax.scan.msk.f32 $0xffff, v11;
	_ =	sdelay $0x5  }
0x14f: {  	v11, _, _ =	vpop (xrf0)  }
0x150: {  	(v2sf) =	vpush v11, $0xF;
	_ =	sdelay $0xe  }
0x151: {  	s8 =	spop (v2sf)  }
0x152: {  	p1 =	slt.f32 s8, $-Inf;
	p2 =	sgt.f32 s8, $-Inf  }
0x153: {  	_ = 	snop  }
0x154: {  	p1 =	por p2, p1  }
0x155: {  	p1 =	por !p1, !p1  }
.Ltmp5:
0x156: {  	_ = 	snop;
	(pc) =	sbr.rel @p1 .LBB2_10-.Ltmp5, $2  }
0x157: {  	_ =	sdelay $0x2  }
0x158: {  	s7 =	simm.s32 $0x0  }
.LBB2_8:
0x159: {  	v15 =	vld [tilespmem:$0x1DBC0];
	_ =	sdelay $0x2  }
0x15a: {  	v16 =	vld [tilespmem:$0x1DBD0];
	_ =	sdelay $0x1  }
0x15b: {  	v14 =	vld [tilespmem:$0x1DBE0];
	vm2 =	vlt.f32 v15, $-Inf;
	vm3 =	vgt.f32 v15, $-Inf  }
0x15c: {  	vm2 =	vmor vm3, vm2  }
0x15d: {  	v12 =	vld [tilespmem:$0x1DBF0];
	v11 =	vnsel vm2, $0xFF800000, v15  }
0x15e: {  	vm3 =	vgt.f32 v16, v11  }
0x15f: {  	v13 =	vld [tilespmem:$0x1DC00];
	v11 =	vsel vm3, v16, v11  }
0x160: {  	vm4 =	vgt.f32 v14, v11  }
0x161: {  	v18 =	vadd.s32 $0x80000000, v4;
	v11 =	vsel vm4, v14, v11  }
0x162: {  	v19 =	vadd.s32 $0x7FFFFFF0, v4;
	v17 =	vnsel vm2, $0x80000000, v18;
	vm5 =	vgt.f32 v12, v11  }
0x163: {  	v54 =	vadd.s32 $0x7FFFFFE0, v4;
	v17 =	vsel vm3, v19, v17;
	v11 =	vsel vm5, v12, v11  }
0x164: {  	v55 =	vadd.s32 $0x7FFFFFD0, v4;
	v17 =	vsel vm4, v54, v17;
	vm2 =	vgt.f32 v13, v11  }
0x165: {  	v56 =	vadd.s32 $0x7FFFFFC0, v4;
	v17 =	vsel vm5, v55, v17;
	v11 =	vsel vm2, v13, v11  }
0x166: {  	vm3 =	veq.f32 v11, s8;
	v11 =	vsel vm2, v56, v17  }
0x167: {  	v11 =	vnsel vm3, $0x40000000, v11  }
0x168: {  	(xrf0) =	vmax.scan.msk.u32 $0xffff, v11;
	_ =	sdelay $0x5  }
0x169: {  	v11, _, _ =	vpop (xrf0)  }
0x16a: {  	v11 =	vxor.u32 $0x80000000, v11  }
0x16b: {  	v11 =	vperm.xlane v11, v6;
	_ =	sdelay $0x1  }
0x16c: {  	v11 =	vxor.u32 $0x80000000, v11  }
0x16d: {  	(xrf0) =	vmax.scan.msk.u32 $0xffff, v11;
	_ =	sdelay $0x5  }
0x16e: {  	v11, _, _ =	vpop (xrf0)  }
0x16f: {  	v11 =	vxor.u32 $0x7FFFFFFF, v11  }
0x170: {  	v11 =	vadd.s32 $0x1, v11  }
0x171: {  	v24 =	vshll.u32 v11, $0x4  }
0x172: {  	v57 =	vor.u32 v3, v24;
	_ =	sdelay $0x4  }
0x173: {  	v25 =	vld.idx.msk [tilespmem:v57+s13+$0x0], $0xffff;
	_ =	sdelay $0x4  }
0x174: {  	v58 =	vsub.s32 v18, v24;
	vm2 =	veq.f32 v25, s8  }
0x175: {  	v17 =	vnsel vm2, $0x40000000, v58  }
0x176: {  	(xrf0) =	vmax.scan.msk.u32 $0xffff, v17;
	_ =	sdelay $0x5  }
0x177: {  	v17, _, _ =	vpop (xrf0)  }
0x178: {  	v17 =	vxor.u32 $0x80000000, v17  }
0x179: {  	v17 =	vperm.xlane v17, v6;
	_ =	sdelay $0x1  }
0x17a: {  	v17 =	vxor.u32 $0x80000000, v17  }
0x17b: {  	(xrf0) =	vmax.scan.msk.u32 $0xffff, v17;
	_ =	sdelay $0x5  }
0x17c: {  	v17, _, _ =	vpop (xrf0)  }
0x17d: {  	v26 =	vxor.u32 $0x7FFFFFFF, v17  }
0x17e: {  	v17 =	vadd.s32 $0x1, v26  }
0x17f: {  	v27 =	vshll.u32 v17, $0x4  }
0x180: {  	v59 =	vor.u32 v3, v27;
	_ =	sdelay $0x4  }
0x181: {  	v28 =	vld.idx.msk [tilespmem:v59+s23+$0x0], $0xffff;
	_ =	sdelay $0x4  }
0x182: {  	v18 =	vsub.s32 v18, v27;
	vm2 =	veq.f32 v28, s8  }
0x183: {  	v18 =	vnsel vm2, $0x40000000, v18  }
0x184: {  	(xrf0) =	vmax.scan.msk.u32 $0xffff, v18;
	_ =	sdelay $0x5  }
0x185: {  	v18, _, _ =	vpop (xrf0)  }
0x186: {  	v18 =	vxor.u32 $0x80000000, v18  }
0x187: {  	v30 =	vld [tilespmem:$0x1DC10];
	v18 =	vperm.xlane v18, v6  }
0x188: {  	v31 =	vld [tilespmem:$0x1DC90]  }
0x189: {  	v32 =	vld [tilespmem:$0x1DD10];
	v18 =	vxor.u32 $0x80000000, v18  }
0x18a: {  	v33 =	vld [tilespmem:$0x1DD90];
	(xrf0) =	vmax.scan.msk.u32 $0xffff, v18  }
0x18b: {  	v34 =	vld [tilespmem:$0x1DE10]  }
0x18c: {  	v35 =	vld [tilespmem:$0x1DC20]  }
0x18d: {  	v36 =	vld [tilespmem:$0x1DCA0]  }
0x18e: {  	v37 =	vld [tilespmem:$0x1DD20]  }
0x18f: {  	v38 =	vld [tilespmem:$0x1DDA0]  }
0x190: {  	v39 =	vld [tilespmem:$0x1DE20];
	v18, _, _ =	vpop (xrf0)  }
0x191: {  	v40 =	vld [tilespmem:$0x1DC30];
	v29 =	vxor.u32 $0x7FFFFFFF, v18  }
0x192: {  	v41 =	vld [tilespmem:$0x1DCB0];
	v18 =	vadd.s32 $0x1, v29  }
0x193: {  	v60 =	vld [tilespmem:$0x1DD30]  }
0x194: {  	v61 =	vld [tilespmem:$0x1DDB0]  }
0x195: {  	v42 =	vld [tilespmem:$0x1DE30]  }
0x196: {  	v63 =	vld [tilespmem:$0x1DC40]  }
0x197: {  	v23 =	vld.idx.msk [tilespmem:v18+s2+$0x0], $0xffff  }
0x198: {  	v22 =	vld.idx.msk [tilespmem:v18+s19+$0x0], $0xffff  }
0x199: {  	v21 =	vld.idx.msk [tilespmem:v18+s20+$0x0], $0xffff  }
0x19a: {  	v20 =	vld.idx.msk [tilespmem:v18+s22+$0x0], $0xffff  }
0x19b: {  	v19 =	vld.idx.msk [tilespmem:v18+s15+$0x0], $0xffff  }
0x19c: {  	v43 =	vld [tilespmem:$0x1DCC0]  }
0x19d: {  	v44 =	vld [tilespmem:$0x1DD40]  }
0x19e: {  	v45 =	vld [tilespmem:$0x1DDC0];
	v30 =	vmax.f32 v30, v23  }
0x19f: {  	v50 =	vld [tilespmem:$0x1DD50];
	v31 =	vmax.f32 v31, v22;
	v32 =	vmin.f32 v32, v21;
	v33 =	vmin.f32 v33, v20  }
0x1a0: {  	v55 =	vld [tilespmem:$0x1DD60];
	v62 =	vadd.f32 v34, v19;
	v35 =	vmax.f32 v35, v23;
	v37 =	vmin.f32 v37, v21  }
0x1a1: {  	v46 =	vld [tilespmem:$0x1DC50];
	v36 =	vmax.f32 v36, v22;
	v38 =	vmin.f32 v38, v20;
	v49 =	vmax.f32 v40, v23  }
0x1a2: {  	v48 =	vld [tilespmem:$0x1DCD0];
	v41 =	vmax.f32 v41, v22;
	v54 =	vadd.f32 v39, v19;
	v56 =	vmax.f32 v63, v23  }
0x1a3: {  	v51 =	vld [tilespmem:$0x1DDD0];
	v57 =	vmin.f32 v44, v21;
	v43 =	vmax.f32 v43, v22;
	v45 =	vmin.f32 v45, v20  }
0x1a4: {  	v59 =	vld [tilespmem:$0x1DC70];
	v40 =	vmin.f32 v50, v21;
	v42 =	vadd.f32 v42, v19;
	v30 =	vsub.f32 v32, v30  }
0x1a5: {  	v52 =	vld [tilespmem:$0x1DC60];
	v39 =	vmin.f32 v55, v21;
	v31 =	vsub.f32 v33, v31;
	v35 =	vsub.f32 v37, v35  }
0x1a6: {  	v58 =	vld [tilespmem:$0x1DDE0];
	v36 =	vsub.f32 v38, v36;
	v32 =	vmin.f32 v60, v21;
	v33 =	vmin.f32 v61, v20  }
0x1a7: {  	v43 =	vsub.f32 v45, v43;
	v60 =	vmax.f32 v46, v23;
	v37 =	vmax.f32 v48, v22  }
0x1a8: {  	v38 =	vmin.f32 v51, v20;
	v32 =	vsub.f32 v32, v49;
	v33 =	vsub.f32 v33, v41  }
0x1a9: {  	v63 =	vld [tilespmem:$0x1DDF0];
	v34 =	vmax.f32 v59, v23;
	v40 =	vsub.f32 v40, v60;
	v37 =	vsub.f32 v38, v37  }
0x1aa: {  	v50 =	vld [tilespmem:$0x1DE50];
	v41 =	vmax.f32 v52, v23;
	v30 =	vmax.f32 v30, $0.0e+00;
	v31 =	vmax.f32 v31, $0.0e+00  }
0x1ab: {  	v48 =	vld [tilespmem:$0x1DE40];
	v49 =	vmin.f32 v58, v20;
	v35 =	vmax.f32 v35, $0.0e+00;
	v30 =	vmul.f32 v31, v30  }
0x1ac: {  	v53 =	vld [tilespmem:$0x1DCE0];
	v36 =	vmax.f32 v36, $0.0e+00;
	v43 =	vmax.f32 v43, $0.0e+00;
	v39 =	vsub.f32 v39, v41  }
0x1ad: {  	v52 =	vld [tilespmem:$0x1DE60];
	v32 =	vmax.f32 v32, $0.0e+00;
	v33 =	vmax.f32 v33, $0.0e+00;
	v31 =	vsub.f32 v62, v30  }
0x1ae: {  	v61 =	vld [tilespmem:$0x1DCF0];
	v40 =	vmax.f32 v40, $0.0e+00;
	v37 =	vmax.f32 v37, $0.0e+00;
	v32 =	vmul.f32 v33, v32  }
0x1af: {  	v33 =	vsub.f32 v57, v56;
	v38 =	vmin.f32 v63, v20;
	v62 =	vld [tilespmem:$0x1DD70];
	v31 =	vadd.f32 $9.999999930e-09, v31  }
0x1b0: {  	v37 =	vmul.f32 v37, v40;
	v58 =	vadd.f32 v50, v19;
	v55 =	vadd.f32 v48, v19  }
0x1b1: {  	v33 =	vmax.f32 v33, $0.0e+00;
	(erf) = vrcp.f32 v31;
	v31 =	vmul.f32 v36, v35  }
0x1b2: {  	v42 =	vsub.f32 v42, v32;
	v59 =	vadd.f32 v52, v19;
	v33 =	vmul.f32 v43, v33  }
0x1b3: {  	v35 =	vmax.f32 v53, v22;
	v53 =	vmax.f32 v61, v22;
	v36 =	vsub.f32 v54, v31;
	v54 =	vld [tilespmem:$0x1DE70]  }
0x1b4: {  	v35 =	vsub.f32 v49, v35;
	v51 =	vmin.f32 v62, v21;
	v38 =	vsub.f32 v38, v53  }
0x1b5: {  	v39 =	vmax.f32 v39, $0.0e+00;
	v60 =	vsub.f32 v58, v37;
	v34 =	vsub.f32 v51, v34  }
0x1b6: {  	v57 =	vsub.f32 v55, v33;
	v35 =	vmax.f32 v35, $0.0e+00;
	v38 =	vmax.f32 v38, $0.0e+00  }
0x1b7: {  	v36 =	vadd.f32 $9.999999930e-09, v36;
	v35 =	vmul.f32 v35, v39;
	v34 =	vmax.f32 v34, $0.0e+00  }
0x1b8: {  	v56 =	vadd.f32 $9.999999930e-09, v42;
	v34 =	vmul.f32 v38, v34;
	v61 =	vadd.f32 v54, v19  }
0x1b9: {  	v62 =	vadd.f32 $9.999999930e-09, v57;
	(erf) = vrcp.f32 v36;
	v63 =	vsub.f32 v59, v35  }
0x1ba: {  	v38 =	vadd.f32 $9.999999930e-09, v60;
	(erf) = vrcp.f32 v56;
	v40 =	vsub.f32 v61, v34  }
0x1bb: {  	(erf) = vrcp.f32 v62;
	v41 =	vadd.f32 $9.999999930e-09, v63  }
0x1bc: {  	(erf) = vrcp.f32 v38;
	v42 =	vadd.f32 $9.999999930e-09, v40  }
0x1bd: {  	(erf) = vrcp.f32 v41  }
0x1be: {  	(erf) = vrcp.f32 v42;
	_ =	sdelay $0x2  }
0x1bf: {  	v43 =	vpop (erf)  }
0x1c0: {  	v30 =	vmul.f32 v43, v30;
	v44 =	vpop (erf)  }
0x1c1: {  	v45 =	vpop (erf);
	v31 =	vmul.f32 v44, v31  }
0x1c2: {  	v30 =	vmax.f32 v30, $0.0e+00;
	v46 =	vpop (erf);
	v32 =	vmul.f32 v45, v32  }
0x1c3: {  	v47 =	vpop (erf);
	v30 =	vmax.f32 v30, v31;
	v48 =	vmul.f32 v46, v33  }
0x1c4: {  	v49 =	vpop (erf);
	v30 =	vmax.f32 v30, v32;
	v50 =	vmul.f32 v47, v37  }
0x1c5: {  	v30 =	vmax.f32 v30, v48;
	v51 =	vmul.f32 v49, v35;
	v52 =	vpop (erf)  }
0x1c6: {  	v54 =	vadd.s32 $0x1, v4;
	v30 =	vmax.f32 v30, v50;
	v53 =	vmul.f32 v52, v34  }
0x1c7: {  	v29 =	vadd.s32 v54, v29;
	v30 =	vmax.f32 v30, v51  }
0x1c8: {  	vm2 =	veq.s32 v27, v29;
	v30 =	vmax.f32 v30, v53  }
0x1c9: {  	v27 =	vsel vm2, $0xFF800000, v28;
	(xrf0) =	vmax.scan.msk.f32 $0xffff, v30  }
0x1ca: {  	(xrf0) =	vmax.scan.msk.f32 $0xffff, v27;
	_ =	sdelay $0x4  }
0x1cb: {  	v55, _, _ =	vpop (xrf0)  }
0x1cc: {  	v56, _, _ =	vpop (xrf0)  }
0x1cd: {  	v28 =	vperm.xlane v56, v6;
	_ =	sdelay $0x1  }
0x1ce: {  	(xrf0) =	vmax.scan.msk.f32 $0xffff, v28;
	_ =	sdelay $0x4  }
0x1cf: {  	v26 =	vadd.s32 v54, v26  }
0x1d0: {  	vm2 =	veq.s32 v24, v26;
	v28, _, _ =	vpop (xrf0)  }
0x1d1: {  	v24 =	vsel vm2, v28, v25  }
0x1d2: {  	(xrf0) =	vmax.scan.msk.f32 $0xffff, v24;
	_ =	sdelay $0x5  }
0x1d3: {  	v24, _, _ =	vpop (xrf0)  }
0x1d4: {  	v24 =	vperm.xlane v24, v6;
	_ =	sdelay $0x1  }
0x1d5: {  	(xrf0) =	vmax.scan.msk.f32 $0xffff, v24;
	_ =	sdelay $0x3  }
0x1d6: {  	v57 =	vor.u32 $0x10, v3;
	(v2sf) =	vpush v55, $0xF  }
0x1d7: {  	vm3 =	veq.s32 v11, v57;
	v60 =	vor.u32 $0x30, v3  }
0x1d8: {  	v59 =	vor.u32 $0x20, v3;
	v61 =	vor.u32 $0x40, v3;
	vm2 =	veq.s32 v11, v3;
	v58, _, _ =	vpop (xrf0)  }
0x1d9: {  	v15 =	vsel vm2, v58, v15;
	v16 =	vsel vm3, v58, v16;
	vm2 =	veq.s32 v11, v59  }
0x1da: {  	v15 =	vmax.f32 v15, v16;
	v14 =	vsel vm2, v58, v14;
	vm2 =	veq.s32 v11, v60  }
0x1db: {  	v14 =	vmax.f32 v15, v14;
	v12 =	vsel vm2, v58, v12;
	vm2 =	veq.s32 v11, v61  }
0x1dc: {  	v12 =	vmax.f32 v14, v12;
	v13 =	vsel vm2, v58, v13  }
0x1dd: {  	v12 =	vmax.f32 v12, v13  }
0x1de: {  	(xrf0) =	vmax.scan.msk.f32 $0xffff, v12;
	_ =	sdelay $0x5  }
0x1df: {  	v12, _, _ =	vpop (xrf0)  }
0x1e0: {  	s9 =	spop (v2sf);
	(v2sf) =	vpush v12, $0xF;
	_ =	sdelay $0x3  }
0x1e1: {  	p1 =	sgt.f32 s9, $5.000000000e-01;
	_ =	sdelay $0x1  }
0x1e2: {  	p1 =	por !p1, !p1;
	vm2 =	vmmov vm1  }
0x1e3: {  	vm3 =	vmmov $0x1;
	vm2 =	vmneg @p1 vm2  }
0x1e4: {  	vm2 =	vmand vm2, vm3  }
0x1e5: {  	v62 =	vmov s7;
	_ =	sdelay $0x2  }
0x1e6: {  	v63 =	vmov s8;
	s8 =	simm.s32 $0x1  }
0x1e7: {  	s8 =	simm.s32 @!p1 $0x0  }
0x1e8: {  	s7 =	sadd.s32 s8, s7;
	[tilespmem:v62+s25+$0x0] =	vst.idx.msk vm2, v18  }
0x1e9: {  	p1 =	sgt.u32 s7, $0x63;
	[tilespmem:v62+s26+$0x0] =	vst.idx.msk vm2, v63;
	s8 =	spop (v2sf)  }
0x1ea: {  	[tilespmem:v62+s16+$0x0] =	vst.idx.msk vm2, v23;
	p2 =	sgt.f32 @!p1 s8, $-Inf  }
0x1eb: {  	[tilespmem:v62+s17+$0x0] =	vst.idx.msk vm2, v22  }
0x1ec: {  	[tilespmem:v62+s0+$0x0] =	vst.idx.msk vm2, v21;
	p2 =	por p1, !p2  }
.Ltmp6:
0x1ed: {  	[tilespmem:v62+s4+$0x0] =	vst.idx.msk vm2, v20;
	(pc) =	sbr.rel @!p2 .LBB2_8-.Ltmp6, $4  }
0x1ee: {  	[tilespmem:v62+s5+$0x0] =	vst.idx.msk vm2, v19  }
0x1ef: {  	[tilespmem:v18+s23+$0x0] =	vst.idx.msk $0x1, v0  }
0x1f0: {  	[tilespmem:v17+s13+$0x0] =	vst.idx.msk $0x1, v28  }
0x1f1: {  	[tilespmem:v11+s24+$0x0] =	vst.idx.msk $0x1, v58  }
.Ltmp7:
0x1f2: {  	(pc) =	sbr.rel @p1 .LBB2_13-.Ltmp7, $1  }
0x1f3: {  	_ =	sdelay $0x3  }
.LBB2_10:
0x1f4: {  	v11 =	vmov s7;
	p1 =	sne.s32 s7, $0x63  }
.Ltmp8:
0x1f5: {  	_ = 	snop;
	(pc) =	sbr.rel @!p1 .LBB2_12-.Ltmp8, $2  }
0x1f6: {  	_ =	sdelay $0x2  }
0x1f7: {  	s7 =	sadd.s32 $0x1, s7;
	[tilespmem:v11+s25+$0x0] =	vst.idx.msk $0x1, v7  }
.LBB2_11:
0x1f8: {  	[tilespmem:v11+s26+$0x0] =	vst.idx.msk $0x1, v0;
	v11 =	vmov s7;
	p1 =	sne.s32 s7, $0x63  }
.Ltmp9:
0x1f9: {  	s7 =	sadd.s32 $0x1, s7;
	(pc) =	sbr.rel @p1 .LBB2_11-.Ltmp9, $2  }
0x1fa: {  	_ =	sdelay $0x2  }
0x1fb: {  	[tilespmem:v11+s25+$0x0] =	vst.idx.msk $0x1, v7  }
.LBB2_12:
0x1fc: {  	_ =	sdelay $0x3  }
0x1fd: {  	[tilespmem:v11+s26+$0x0] =	vst.idx.msk $0x1, v0  }
.LBB2_13:
0x1fe: {  	s7 =	rddreg [dreg:$0xc]  }
0x1ff: {  	[tilespmem:s23], [sflag:$0x2] =	stream.linear.gather [hbm4b:s7+s2], $0x4E20, $0x38;
	[tilespmem:$0x1F490] =	vst v63  }
0x200: {  	_ =	swait.ge [sflag:s21], $0x4E20  }
0x201: {  	[sflag:s21] =	ssyncset.done $0x0  }
0x202: {  	[sflag:s21] =	ssyncadd.s32 $0xFFFFB1E0  }
0x203: {  	[tilespmem:$0x1DBA0] =	vst v0  }
0x204: {  	[tilespmem:$0x1DBB0] =	vst v0  }
0x205: {  	[tilespmem:$0x1DC10] =	vst v1  }
0x206: {  	[tilespmem:$0x1DC90] =	vst v1  }
0x207: {  	[tilespmem:$0x1DD10] =	vst v2  }
0x208: {  	[tilespmem:$0x1DD90] =	vst v2  }
0x209: {  	[tilespmem:$0x1DE10] =	vst v5  }
0x20a: {  	[tilespmem:$0x1DC20] =	vst v1  }
0x20b: {  	[tilespmem:$0x1DCA0] =	vst v1  }
0x20c: {  	[tilespmem:$0x1DD20] =	vst v2  }
0x20d: {  	[tilespmem:$0x1DDA0] =	vst v2  }
0x20e: {  	[tilespmem:$0x1DE20] =	vst v5  }
0x20f: {  	[tilespmem:$0x1DC30] =	vst v1  }
0x210: {  	[tilespmem:$0x1DCB0] =	vst v1  }
0x211: {  	[tilespmem:$0x1DD30] =	vst v2  }
0x212: {  	[tilespmem:$0x1DDB0] =	vst v2  }
0x213: {  	[tilespmem:$0x1DE30] =	vst v5  }
0x214: {  	[tilespmem:$0x1DC40] =	vst v1  }
0x215: {  	[tilespmem:$0x1DCC0] =	vst v1  }
0x216: {  	[tilespmem:$0x1DD40] =	vst v2  }
0x217: {  	[tilespmem:$0x1DDC0] =	vst v2  }
0x218: {  	[tilespmem:$0x1DE40] =	vst v5  }
0x219: {  	[tilespmem:$0x1DC50] =	vst v1  }
0x21a: {  	[tilespmem:$0x1DCD0] =	vst v1  }
0x21b: {  	[tilespmem:$0x1DD50] =	vst v2  }
0x21c: {  	[tilespmem:$0x1DDD0] =	vst v2  }
0x21d: {  	[tilespmem:$0x1DE50] =	vst v5  }
0x21e: {  	[tilespmem:$0x1DC60] =	vst v1  }
0x21f: {  	[tilespmem:$0x1DCE0] =	vst v1  }
0x220: {  	[tilespmem:$0x1DD60] =	vst v2  }
0x221: {  	[tilespmem:$0x1DDE0] =	vst v2  }
0x222: {  	[tilespmem:$0x1DE60] =	vst v5  }
0x223: {  	[tilespmem:$0x1DC70] =	vst v1  }
0x224: {  	[tilespmem:$0x1DCF0] =	vst v1  }
0x225: {  	[tilespmem:$0x1DD70] =	vst v2  }
0x226: {  	[tilespmem:$0x1DDF0] =	vst v2  }
0x227: {  	[tilespmem:$0x1DE70] =	vst v5  }
0x228: {  	[tilespmem:$0x1DC80] =	vst v1  }
0x229: {  	[tilespmem:$0x1DD00] =	vst v1  }
0x22a: {  	[tilespmem:$0x1DD80] =	vst v2  }
0x22b: {  	[tilespmem:$0x1DE00] =	vst v2  }
0x22c: {  	s8 =	simm.s32 $0x186C0;
	[tilespmem:$0x1DE80] =	vst v5  }
0x22d: {  	v11 =	vld [tilespmem:s8+$0xFFFFFFE0];
	_ =	sdelay $0x4  }
0x22e: {  	vm2 =	vgt.f32 v11, $9.999999770e-03  }
0x22f: {  	v11 =	vnsel vm2, $0xFF800000, v11  }
0x230: {  	(xrf0) =	vmax.scan.msk.f32 $0xffff, v11;
	_ =	sdelay $0x5  }
0x231: {  	v12, _, _ =	vpop (xrf0)  }
0x232: {  	v12 =	vperm.xlane v12, v6;
	_ =	sdelay $0x1  }
0x233: {  	(xrf0) =	vmax.scan.msk.f32 $0xffff, v12  }
0x234: {  	s9 =	simm.s32 $0x0  }
0x235: {  	v12 =	vmov s9;
	_ =	sdelay $0x3  }
0x236: {  	s7 =	simm.s32 $0x1D6C0;
	[tilespmem:s8+$0xFFFFFFE0] =	vst v11;
	v11, _, _ =	vpop (xrf0)  }
0x237: {  	[tilespmem:v12+s7+$0x0] =	vst.idx.msk $0x1, v11  }
0x238: {  	v11 =	vld [tilespmem:s8+$0xFFFFFFF0];
	_ =	sdelay $0x4  }
0x239: {  	vm2 =	vgt.f32 v11, $9.999999770e-03  }
0x23a: {  	v11 =	vnsel vm2, $0xFF800000, v11  }
0x23b: {  	(xrf0) =	vmax.scan.msk.f32 $0xffff, v11;
	_ =	sdelay $0x5  }
0x23c: {  	v12, _, _ =	vpop (xrf0)  }
0x23d: {  	v12 =	vperm.xlane v12, v6;
	_ =	sdelay $0x1  }
0x23e: {  	(xrf0) =	vmax.scan.msk.f32 $0xffff, v12  }
0x23f: {  	s9 =	simm.s32 $0x1  }
0x240: {  	v12 =	vmov s9;
	_ =	sdelay $0x3  }
0x241: {  	[tilespmem:s8+$0xFFFFFFF0] =	vst v11;
	v11, _, _ =	vpop (xrf0)  }
0x242: {  	[tilespmem:v12+s7+$0x0] =	vst.idx.msk $0x1, v11  }
0x243: {  	v11 =	vld [tilespmem:s8+$0x0];
	_ =	sdelay $0x4  }
0x244: {  	vm2 =	vgt.f32 v11, $9.999999770e-03  }
0x245: {  	v11 =	vnsel vm2, $0xFF800000, v11  }
0x246: {  	(xrf0) =	vmax.scan.msk.f32 $0xffff, v11;
	_ =	sdelay $0x5  }
0x247: {  	v12, _, _ =	vpop (xrf0)  }
0x248: {  	v12 =	vperm.xlane v12, v6;
	_ =	sdelay $0x1  }
0x249: {  	(xrf0) =	vmax.scan.msk.f32 $0xffff, v12  }
0x24a: {  	s10 =	simm.s32 $0x2  }
0x24b: {  	v12 =	vmov s10;
	_ =	sdelay $0x3  }
0x24c: {  	[tilespmem:s8+$0x0] =	vst v11;
	v11, _, _ =	vpop (xrf0)  }
0x24d: {  	[tilespmem:v12+s7+$0x0] =	vst.idx.msk $0x1, v11  }
0x24e: {  	v11 =	vld [tilespmem:s8+$0x10];
	_ =	sdelay $0x4  }
0x24f: {  	vm2 =	vgt.f32 v11, $9.999999770e-03  }
0x250: {  	v11 =	vnsel vm2, $0xFF800000, v11  }
0x251: {  	(xrf0) =	vmax.scan.msk.f32 $0xffff, v11;
	_ =	sdelay $0x5  }
0x252: {  	v12, _, _ =	vpop (xrf0)  }
0x253: {  	v12 =	vperm.xlane v12, v6;
	_ =	sdelay $0x1  }
0x254: {  	(xrf0) =	vmax.scan.msk.f32 $0xffff, v12  }
0x255: {  	s11 =	simm.s32 $0x3  }
0x256: {  	v12 =	vmov s11;
	_ =	sdelay $0x3  }
0x257: {  	[tilespmem:s8+$0x10] =	vst v11;
	v11, _, _ =	vpop (xrf0)  }
0x258: {  	[tilespmem:v12+s7+$0x0] =	vst.idx.msk $0x1, v11  }
0x259: {  	v11 =	vld [tilespmem:s8+$0x20];
	_ =	sdelay $0x4  }
0x25a: {  	vm2 =	vgt.f32 v11, $9.999999770e-03  }
0x25b: {  	v11 =	vnsel vm2, $0xFF800000, v11  }
0x25c: {  	(xrf0) =	vmax.scan.msk.f32 $0xffff, v11;
	_ =	sdelay $0x5  }
0x25d: {  	v12, _, _ =	vpop (xrf0)  }
0x25e: {  	v12 =	vperm.xlane v12, v6;
	_ =	sdelay $0x1  }
0x25f: {  	(xrf0) =	vmax.scan.msk.f32 $0xffff, v12;
	_ =	sdelay $0x1  }
0x260: {  	s10 =	simm.s32 $0x4  }
0x261: {  	[tilespmem:s8+$0x20] =	vst v11;
	v11 =	vmov s10;
	_ =	sdelay $0x2  }
0x262: {  	s9 =	simm.s32 $0x9;
	v12, _, _ =	vpop (xrf0)  }
.LBB2_14:
0x263: {  	p1 =	sne.s32 s9, $0x4E1  }
0x264: {  	[tilespmem:v11+s7+$0x0] =	vst.idx.msk $0x1, v12;
	s8 =	sadd.s32 $0x50, s8;
	s10 =	smov.u32 s9;
	s9 =	sadd.s32 $0x5, s9  }
0x265: {  	v11 =	vld [tilespmem:s8+$0xFFFFFFE0];
	_ =	sdelay $0x4  }
0x266: {  	vm2 =	vgt.f32 v11, $9.999999770e-03  }
0x267: {  	v11 =	vnsel vm2, $0xFF800000, v11  }
0x268: {  	(xrf0) =	vmax.scan.msk.f32 $0xffff, v11;
	_ =	sdelay $0x5  }
0x269: {  	v12, _, _ =	vpop (xrf0)  }
0x26a: {  	v12 =	vperm.xlane v12, v6;
	_ =	sdelay $0x1  }
0x26b: {  	(xrf0) =	vmax.scan.msk.f32 $0xffff, v12  }
0x26c: {  	s11 =	sadd.s32 $0xFFFFFFFC, s10  }
0x26d: {  	v12 =	vmov s11;
	_ =	sdelay $0x3  }
0x26e: {  	[tilespmem:s8+$0xFFFFFFE0] =	vst v11;
	v11, _, _ =	vpop (xrf0)  }
0x26f: {  	[tilespmem:v12+s7+$0x0] =	vst.idx.msk $0x1, v11  }
0x270: {  	v11 =	vld [tilespmem:s8+$0xFFFFFFF0];
	_ =	sdelay $0x4  }
0x271: {  	vm2 =	vgt.f32 v11, $9.999999770e-03  }
0x272: {  	v11 =	vnsel vm2, $0xFF800000, v11  }
0x273: {  	(xrf0) =	vmax.scan.msk.f32 $0xffff, v11;
	_ =	sdelay $0x5  }
0x274: {  	v12, _, _ =	vpop (xrf0)  }
0x275: {  	v12 =	vperm.xlane v12, v6;
	_ =	sdelay $0x1  }
0x276: {  	(xrf0) =	vmax.scan.msk.f32 $0xffff, v12  }
0x277: {  	s11 =	sadd.s32 $0xFFFFFFFD, s10  }
0x278: {  	v12 =	vmov s11;
	_ =	sdelay $0x3  }
0x279: {  	[tilespmem:s8+$0xFFFFFFF0] =	vst v11;
	v11, _, _ =	vpop (xrf0)  }
0x27a: {  	[tilespmem:v12+s7+$0x0] =	vst.idx.msk $0x1, v11  }
0x27b: {  	v11 =	vld [tilespmem:s8+$0x0];
	_ =	sdelay $0x4  }
0x27c: {  	vm2 =	vgt.f32 v11, $9.999999770e-03  }
0x27d: {  	v11 =	vnsel vm2, $0xFF800000, v11  }
0x27e: {  	[tilespmem:s8+$0x0] =	vst v11;
	(xrf0) =	vmax.scan.msk.f32 $0xffff, v11;
	_ =	sdelay $0x5  }
0x27f: {  	v11, _, _ =	vpop (xrf0)  }
0x280: {  	v11 =	vperm.xlane v11, v6;
	_ =	sdelay $0x1  }
0x281: {  	(xrf0) =	vmax.scan.msk.f32 $0xffff, v11  }
0x282: {  	s11 =	sadd.s32 $0xFFFFFFFE, s10  }
0x283: {  	v11 =	vmov s11;
	_ =	sdelay $0x3  }
0x284: {  	v12, _, _ =	vpop (xrf0)  }
0x285: {  	[tilespmem:v11+s7+$0x0] =	vst.idx.msk $0x1, v12  }
0x286: {  	v11 =	vld [tilespmem:s8+$0x10];
	_ =	sdelay $0x4  }
0x287: {  	vm2 =	vgt.f32 v11, $9.999999770e-03  }
0x288: {  	v11 =	vnsel vm2, $0xFF800000, v11  }
0x289: {  	[tilespmem:s8+$0x10] =	vst v11;
	(xrf0) =	vmax.scan.msk.f32 $0xffff, v11;
	_ =	sdelay $0x5  }
0x28a: {  	v11, _, _ =	vpop (xrf0)  }
0x28b: {  	v11 =	vperm.xlane v11, v6;
	_ =	sdelay $0x1  }
0x28c: {  	(xrf0) =	vmax.scan.msk.f32 $0xffff, v11  }
0x28d: {  	s11 =	sadd.s32 $0xFFFFFFFF, s10  }
0x28e: {  	v11 =	vmov s11;
	_ =	sdelay $0x3  }
0x28f: {  	v12, _, _ =	vpop (xrf0)  }
0x290: {  	[tilespmem:v11+s7+$0x0] =	vst.idx.msk $0x1, v12  }
0x291: {  	v11 =	vld [tilespmem:s8+$0x20];
	_ =	sdelay $0x4  }
0x292: {  	vm2 =	vgt.f32 v11, $9.999999770e-03  }
0x293: {  	v11 =	vnsel vm2, $0xFF800000, v11  }
0x294: {  	[tilespmem:s8+$0x20] =	vst v11;
	(xrf0) =	vmax.scan.msk.f32 $0xffff, v11;
	_ =	sdelay $0x5  }
0x295: {  	v11, _, _ =	vpop (xrf0)  }
0x296: {  	v11 =	vperm.xlane v11, v6;
	_ =	sdelay $0x1  }
0x297: {  	(xrf0) =	vmax.scan.msk.f32 $0xffff, v11;
	_ =	sdelay $0x1  }
.Ltmp10:
0x298: {  	v11 =	vmov s10;
	(pc) =	sbr.rel @p1 .LBB2_14-.Ltmp10, $2  }
0x299: {  	_ =	sdelay $0x2  }
0x29a: {  	v12, _, _ =	vpop (xrf0)  }
0x29b: {  	_ =	sdelay $0x3  }
0x29c: {  	[tilespmem:v11+s7+$0x0] =	vst.idx.msk $0x1, v12  }
0x29d: {  	s8 =	simm.s32 $0x0;
	s9 =	simm.s32 $0x1;
	v11 =	vld [tilespmem:s7+$0x0]  }
.LBB2_16:
0x29e: {  	p1 =	sne.s32 s9, $0x4F;
	_ =	sdelay $0x3  }
0x29f: {  	(xrf0) =	vmax.scan.msk.f32 $0xffff, v11;
	_ =	sdelay $0x5  }
0x2a0: {  	v11, _, _ =	vpop (xrf0)  }
0x2a1: {  	v11 =	vperm.xlane v11, v6;
	_ =	sdelay $0x1  }
0x2a2: {  	(xrf0) =	vmax.scan.msk.f32 $0xffff, v11;
	_ =	sdelay $0x1  }
0x2a3: {  	v11 =	vmov s8;
	s8 =	smov.u32 s9;
	_ =	sdelay $0x1  }
.Ltmp11:
0x2a4: {  	(pc) =	sbr.rel @p1 .LBB2_16-.Ltmp11, $4  }
0x2a5: {  	_ = 	snop  }
0x2a6: {  	v12, _, _ =	vpop (xrf0)  }
0x2a7: {  	s7 =	sadd.s32 $0x10, s7;
	[tilespmem:v11+s24+$0x0] =	vst.idx.msk $0x1, v12  }
0x2a8: {  	s9 =	sadd.s32 $0x1, s9;
	v11 =	vld [tilespmem:s7+$0x0]  }
0x2a9: {  	_ =	sdelay $0x3  }
0x2aa: {  	(xrf0) =	vmax.scan.msk.f32 $0xffff, v11;
	_ =	sdelay $0x5  }
0x2ab: {  	v11, _, _ =	vpop (xrf0)  }
0x2ac: {  	v11 =	vperm.xlane v11, v6;
	_ =	sdelay $0x1  }
0x2ad: {  	(xrf0) =	vmax.scan.msk.f32 $0xffff, v11;
	_ =	sdelay $0x1  }
0x2ae: {  	v11 =	vmov s8;
	_ =	sdelay $0x3  }
0x2af: {  	v12, _, _ =	vpop (xrf0)  }
0x2b0: {  	[tilespmem:v11+s24+$0x0] =	vst.idx.msk $0x1, v12  }
0x2b1: {  	v11 =	vld [tilespmem:$0x1DBC0]  }
0x2b2: {  	v12 =	vld [tilespmem:$0x1DBD0]  }
0x2b3: {  	v13 =	vld [tilespmem:$0x1DBE0]  }
0x2b4: {  	v14 =	vld [tilespmem:$0x1DBF0]  }
0x2b5: {  	v15 =	vld [tilespmem:$0x1DC00];
	_ =	sdelay $0x1  }
0x2b6: {  	v11 =	vmax.f32 v11, v12  }
0x2b7: {  	v11 =	vmax.f32 v11, v13  }
0x2b8: {  	v11 =	vmax.f32 v11, v14  }
0x2b9: {  	v11 =	vmax.f32 v11, v15  }
0x2ba: {  	(xrf0) =	vmax.scan.msk.f32 $0xffff, v11;
	_ =	sdelay $0x5  }
0x2bb: {  	v11, _, _ =	vpop (xrf0)  }
0x2bc: {  	(v2sf) =	vpush v11, $0xF;
	_ =	sdelay $0xe  }
0x2bd: {  	s8 =	spop (v2sf)  }
0x2be: {  	p1 =	slt.f32 s8, $-Inf;
	p2 =	sgt.f32 s8, $-Inf  }
0x2bf: {  	_ = 	snop  }
0x2c0: {  	p1 =	por p2, p1  }
0x2c1: {  	p1 =	por !p1, !p1  }
.Ltmp12:
0x2c2: {  	_ = 	snop;
	(pc) =	sbr.rel @p1 .LBB2_20-.Ltmp12, $2  }
0x2c3: {  	_ =	sdelay $0x2  }
0x2c4: {  	s7 =	simm.s32 $0x0  }
.LBB2_18:
0x2c5: {  	v15 =	vld [tilespmem:$0x1DBC0];
	_ =	sdelay $0x2  }
0x2c6: {  	v16 =	vld [tilespmem:$0x1DBD0];
	_ =	sdelay $0x1  }
0x2c7: {  	v14 =	vld [tilespmem:$0x1DBE0];
	vm2 =	vlt.f32 v15, $-Inf;
	vm3 =	vgt.f32 v15, $-Inf  }
0x2c8: {  	vm2 =	vmor vm3, vm2  }
0x2c9: {  	v12 =	vld [tilespmem:$0x1DBF0];
	v11 =	vnsel vm2, $0xFF800000, v15  }
0x2ca: {  	vm3 =	vgt.f32 v16, v11  }
0x2cb: {  	v13 =	vld [tilespmem:$0x1DC00];
	v11 =	vsel vm3, v16, v11  }
0x2cc: {  	vm4 =	vgt.f32 v14, v11  }
0x2cd: {  	v18 =	vadd.s32 $0x80000000, v4;
	v11 =	vsel vm4, v14, v11  }
0x2ce: {  	v19 =	vadd.s32 $0x7FFFFFF0, v4;
	v17 =	vnsel vm2, $0x80000000, v18;
	vm5 =	vgt.f32 v12, v11  }
0x2cf: {  	v53 =	vadd.s32 $0x7FFFFFE0, v4;
	v17 =	vsel vm3, v19, v17;
	v11 =	vsel vm5, v12, v11  }
0x2d0: {  	v54 =	vadd.s32 $0x7FFFFFD0, v4;
	v17 =	vsel vm4, v53, v17;
	vm2 =	vgt.f32 v13, v11  }
0x2d1: {  	v55 =	vadd.s32 $0x7FFFFFC0, v4;
	v17 =	vsel vm5, v54, v17;
	v11 =	vsel vm2, v13, v11  }
0x2d2: {  	vm3 =	veq.f32 v11, s8;
	v11 =	vsel vm2, v55, v17  }
0x2d3: {  	v11 =	vnsel vm3, $0x40000000, v11  }
0x2d4: {  	(xrf0) =	vmax.scan.msk.u32 $0xffff, v11;
	_ =	sdelay $0x5  }
0x2d5: {  	v11, _, _ =	vpop (xrf0)  }
0x2d6: {  	v11 =	vxor.u32 $0x80000000, v11  }
0x2d7: {  	v11 =	vperm.xlane v11, v6;
	_ =	sdelay $0x1  }
0x2d8: {  	v11 =	vxor.u32 $0x80000000, v11  }
0x2d9: {  	(xrf0) =	vmax.scan.msk.u32 $0xffff, v11;
	_ =	sdelay $0x5  }
0x2da: {  	v11, _, _ =	vpop (xrf0)  }
0x2db: {  	v11 =	vxor.u32 $0x7FFFFFFF, v11  }
0x2dc: {  	v11 =	vadd.s32 $0x1, v11  }
0x2dd: {  	v24 =	vshll.u32 v11, $0x4  }
0x2de: {  	v56 =	vor.u32 v3, v24;
	_ =	sdelay $0x4  }
0x2df: {  	v25 =	vld.idx.msk [tilespmem:v56+s13+$0x0], $0xffff;
	_ =	sdelay $0x4  }
0x2e0: {  	v57 =	vsub.s32 v18, v24;
	vm2 =	veq.f32 v25, s8  }
0x2e1: {  	v17 =	vnsel vm2, $0x40000000, v57  }
0x2e2: {  	(xrf0) =	vmax.scan.msk.u32 $0xffff, v17;
	_ =	sdelay $0x5  }
0x2e3: {  	v17, _, _ =	vpop (xrf0)  }
0x2e4: {  	v17 =	vxor.u32 $0x80000000, v17  }
0x2e5: {  	v17 =	vperm.xlane v17, v6;
	_ =	sdelay $0x1  }
0x2e6: {  	v17 =	vxor.u32 $0x80000000, v17  }
0x2e7: {  	(xrf0) =	vmax.scan.msk.u32 $0xffff, v17;
	_ =	sdelay $0x5  }
0x2e8: {  	v17, _, _ =	vpop (xrf0)  }
0x2e9: {  	v26 =	vxor.u32 $0x7FFFFFFF, v17  }
0x2ea: {  	v17 =	vadd.s32 $0x1, v26  }
0x2eb: {  	v27 =	vshll.u32 v17, $0x4  }
0x2ec: {  	v58 =	vor.u32 v3, v27;
	_ =	sdelay $0x4  }
0x2ed: {  	v28 =	vld.idx.msk [tilespmem:v58+s23+$0x0], $0xffff;
	_ =	sdelay $0x4  }
0x2ee: {  	v18 =	vsub.s32 v18, v27;
	vm2 =	veq.f32 v28, s8  }
0x2ef: {  	v18 =	vnsel vm2, $0x40000000, v18  }
0x2f0: {  	(xrf0) =	vmax.scan.msk.u32 $0xffff, v18;
	_ =	sdelay $0x5  }
0x2f1: {  	v18, _, _ =	vpop (xrf0)  }
0x2f2: {  	v18 =	vxor.u32 $0x80000000, v18  }
0x2f3: {  	v30 =	vld [tilespmem:$0x1DC10];
	v18 =	vperm.xlane v18, v6  }
0x2f4: {  	v31 =	vld [tilespmem:$0x1DC90]  }
0x2f5: {  	v32 =	vld [tilespmem:$0x1DD10];
	v18 =	vxor.u32 $0x80000000, v18  }
0x2f6: {  	v33 =	vld [tilespmem:$0x1DD90];
	(xrf0) =	vmax.scan.msk.u32 $0xffff, v18  }
0x2f7: {  	v34 =	vld [tilespmem:$0x1DE10]  }
0x2f8: {  	v35 =	vld [tilespmem:$0x1DC20]  }
0x2f9: {  	v36 =	vld [tilespmem:$0x1DCA0]  }
0x2fa: {  	v37 =	vld [tilespmem:$0x1DD20]  }
0x2fb: {  	v38 =	vld [tilespmem:$0x1DDA0]  }
0x2fc: {  	v39 =	vld [tilespmem:$0x1DE20];
	v18, _, _ =	vpop (xrf0)  }
0x2fd: {  	v40 =	vld [tilespmem:$0x1DC30];
	v29 =	vxor.u32 $0x7FFFFFFF, v18  }
0x2fe: {  	v41 =	vld [tilespmem:$0x1DCB0];
	v18 =	vadd.s32 $0x1, v29  }
0x2ff: {  	v59 =	vld [tilespmem:$0x1DD30]  }
0x300: {  	v60 =	vld [tilespmem:$0x1DDB0]  }
0x301: {  	v42 =	vld [tilespmem:$0x1DE30]  }
0x302: {  	v62 =	vld [tilespmem:$0x1DC40]  }
0x303: {  	v23 =	vld.idx.msk [tilespmem:v18+s2+$0x0], $0xffff  }
0x304: {  	v22 =	vld.idx.msk [tilespmem:v18+s19+$0x0], $0xffff  }
0x305: {  	v21 =	vld.idx.msk [tilespmem:v18+s20+$0x0], $0xffff  }
0x306: {  	v20 =	vld.idx.msk [tilespmem:v18+s22+$0x0], $0xffff  }
0x307: {  	v19 =	vld.idx.msk [tilespmem:v18+s15+$0x0], $0xffff  }
0x308: {  	v43 =	vld [tilespmem:$0x1DCC0]  }
0x309: {  	v44 =	vld [tilespmem:$0x1DD40]  }
0x30a: {  	v45 =	vld [tilespmem:$0x1DDC0];
	v30 =	vmax.f32 v30, v23  }
0x30b: {  	v49 =	vld [tilespmem:$0x1DD50];
	v31 =	vmax.f32 v31, v22;
	v32 =	vmin.f32 v32, v21;
	v33 =	vmin.f32 v33, v20  }
0x30c: {  	v54 =	vld [tilespmem:$0x1DD60];
	v61 =	vadd.f32 v34, v19;
	v35 =	vmax.f32 v35, v23;
	v37 =	vmin.f32 v37, v21  }
0x30d: {  	v46 =	vld [tilespmem:$0x1DC50];
	v36 =	vmax.f32 v36, v22;
	v38 =	vmin.f32 v38, v20;
	v48 =	vmax.f32 v40, v23  }
0x30e: {  	v63 =	vld [tilespmem:$0x1DCD0];
	v41 =	vmax.f32 v41, v22;
	v53 =	vadd.f32 v39, v19;
	v55 =	vmax.f32 v62, v23  }
0x30f: {  	v50 =	vld [tilespmem:$0x1DDD0];
	v56 =	vmin.f32 v44, v21;
	v43 =	vmax.f32 v43, v22;
	v45 =	vmin.f32 v45, v20  }
0x310: {  	v58 =	vld [tilespmem:$0x1DC70];
	v40 =	vmin.f32 v49, v21;
	v42 =	vadd.f32 v42, v19;
	v30 =	vsub.f32 v32, v30  }
0x311: {  	v51 =	vld [tilespmem:$0x1DC60];
	v39 =	vmin.f32 v54, v21;
	v31 =	vsub.f32 v33, v31;
	v35 =	vsub.f32 v37, v35  }
0x312: {  	v57 =	vld [tilespmem:$0x1DDE0];
	v36 =	vsub.f32 v38, v36;
	v32 =	vmin.f32 v59, v21;
	v33 =	vmin.f32 v60, v20  }
0x313: {  	v43 =	vsub.f32 v45, v43;
	v59 =	vmax.f32 v46, v23;
	v37 =	vmax.f32 v63, v22  }
0x314: {  	v38 =	vmin.f32 v50, v20;
	v32 =	vsub.f32 v32, v48;
	v33 =	vsub.f32 v33, v41  }
0x315: {  	v62 =	vld [tilespmem:$0x1DDF0];
	v34 =	vmax.f32 v58, v23;
	v40 =	vsub.f32 v40, v59;
	v37 =	vsub.f32 v38, v37  }
0x316: {  	v49 =	vld [tilespmem:$0x1DE50];
	v41 =	vmax.f32 v51, v23;
	v30 =	vmax.f32 v30, $0.0e+00;
	v31 =	vmax.f32 v31, $0.0e+00  }
0x317: {  	v63 =	vld [tilespmem:$0x1DE40];
	v48 =	vmin.f32 v57, v20;
	v35 =	vmax.f32 v35, $0.0e+00;
	v30 =	vmul.f32 v31, v30  }
0x318: {  	v52 =	vld [tilespmem:$0x1DCE0];
	v36 =	vmax.f32 v36, $0.0e+00;
	v43 =	vmax.f32 v43, $0.0e+00;
	v39 =	vsub.f32 v39, v41  }
0x319: {  	v51 =	vld [tilespmem:$0x1DE60];
	v32 =	vmax.f32 v32, $0.0e+00;
	v33 =	vmax.f32 v33, $0.0e+00;
	v31 =	vsub.f32 v61, v30  }
0x31a: {  	v60 =	vld [tilespmem:$0x1DCF0];
	v40 =	vmax.f32 v40, $0.0e+00;
	v37 =	vmax.f32 v37, $0.0e+00;
	v32 =	vmul.f32 v33, v32  }
0x31b: {  	v33 =	vsub.f32 v56, v55;
	v38 =	vmin.f32 v62, v20;
	v61 =	vld [tilespmem:$0x1DD70];
	v31 =	vadd.f32 $9.999999930e-09, v31  }
0x31c: {  	v37 =	vmul.f32 v37, v40;
	v57 =	vadd.f32 v49, v19;
	v54 =	vadd.f32 v63, v19  }
0x31d: {  	v33 =	vmax.f32 v33, $0.0e+00;
	(erf) = vrcp.f32 v31;
	v31 =	vmul.f32 v36, v35  }
0x31e: {  	v42 =	vsub.f32 v42, v32;
	v58 =	vadd.f32 v51, v19;
	v33 =	vmul.f32 v43, v33  }
0x31f: {  	v35 =	vmax.f32 v52, v22;
	v52 =	vmax.f32 v60, v22;
	v36 =	vsub.f32 v53, v31;
	v53 =	vld [tilespmem:$0x1DE70]  }
0x320: {  	v35 =	vsub.f32 v48, v35;
	v50 =	vmin.f32 v61, v21;
	v38 =	vsub.f32 v38, v52  }
0x321: {  	v39 =	vmax.f32 v39, $0.0e+00;
	v59 =	vsub.f32 v57, v37;
	v34 =	vsub.f32 v50, v34  }
0x322: {  	v56 =	vsub.f32 v54, v33;
	v35 =	vmax.f32 v35, $0.0e+00;
	v38 =	vmax.f32 v38, $0.0e+00  }
0x323: {  	v36 =	vadd.f32 $9.999999930e-09, v36;
	v35 =	vmul.f32 v35, v39;
	v34 =	vmax.f32 v34, $0.0e+00  }
0x324: {  	v55 =	vadd.f32 $9.999999930e-09, v42;
	v34 =	vmul.f32 v38, v34;
	v60 =	vadd.f32 v53, v19  }
0x325: {  	v61 =	vadd.f32 $9.999999930e-09, v56;
	(erf) = vrcp.f32 v36;
	v62 =	vsub.f32 v58, v35  }
0x326: {  	v38 =	vadd.f32 $9.999999930e-09, v59;
	(erf) = vrcp.f32 v55;
	v40 =	vsub.f32 v60, v34  }
0x327: {  	(erf) = vrcp.f32 v61;
	v63 =	vadd.f32 $9.999999930e-09, v62  }
0x328: {  	(erf) = vrcp.f32 v38;
	v41 =	vadd.f32 $9.999999930e-09, v40  }
0x329: {  	(erf) = vrcp.f32 v63  }
0x32a: {  	(erf) = vrcp.f32 v41;
	_ =	sdelay $0x2  }
0x32b: {  	v42 =	vpop (erf)  }
0x32c: {  	v30 =	vmul.f32 v42, v30;
	v43 =	vpop (erf)  }
0x32d: {  	v44 =	vpop (erf);
	v31 =	vmul.f32 v43, v31  }
0x32e: {  	v30 =	vmax.f32 v30, $0.0e+00;
	v45 =	vpop (erf);
	v32 =	vmul.f32 v44, v32  }
0x32f: {  	v46 =	vpop (erf);
	v30 =	vmax.f32 v30, v31;
	v47 =	vmul.f32 v45, v33  }
0x330: {  	v48 =	vpop (erf);
	v30 =	vmax.f32 v30, v32;
	v49 =	vmul.f32 v46, v37  }
0x331: {  	v30 =	vmax.f32 v30, v47;
	v50 =	vmul.f32 v48, v35;
	v51 =	vpop (erf)  }
0x332: {  	v53 =	vadd.s32 $0x1, v4;
	v30 =	vmax.f32 v30, v49;
	v52 =	vmul.f32 v51, v34  }
0x333: {  	v29 =	vadd.s32 v53, v29;
	v30 =	vmax.f32 v30, v50  }
0x334: {  	vm2 =	veq.s32 v27, v29;
	v30 =	vmax.f32 v30, v52  }
0x335: {  	v27 =	vsel vm2, $0xFF800000, v28;
	(xrf0) =	vmax.scan.msk.f32 $0xffff, v30  }
0x336: {  	(xrf0) =	vmax.scan.msk.f32 $0xffff, v27;
	_ =	sdelay $0x4  }
0x337: {  	v54, _, _ =	vpop (xrf0)  }
0x338: {  	v55, _, _ =	vpop (xrf0)  }
0x339: {  	v28 =	vperm.xlane v55, v6;
	_ =	sdelay $0x1  }
0x33a: {  	(xrf0) =	vmax.scan.msk.f32 $0xffff, v28;
	_ =	sdelay $0x4  }
0x33b: {  	v26 =	vadd.s32 v53, v26  }
0x33c: {  	vm2 =	veq.s32 v24, v26;
	v28, _, _ =	vpop (xrf0)  }
0x33d: {  	v24 =	vsel vm2, v28, v25  }
0x33e: {  	(xrf0) =	vmax.scan.msk.f32 $0xffff, v24;
	_ =	sdelay $0x5  }
0x33f: {  	v24, _, _ =	vpop (xrf0)  }
0x340: {  	v24 =	vperm.xlane v24, v6;
	_ =	sdelay $0x1  }
0x341: {  	(xrf0) =	vmax.scan.msk.f32 $0xffff, v24;
	_ =	sdelay $0x3  }
0x342: {  	v56 =	vor.u32 $0x10, v3;
	(v2sf) =	vpush v54, $0xF  }
0x343: {  	vm3 =	veq.s32 v11, v56;
	v59 =	vor.u32 $0x30, v3  }
0x344: {  	v58 =	vor.u32 $0x20, v3;
	v60 =	vor.u32 $0x40, v3;
	vm2 =	veq.s32 v11, v3;
	v57, _, _ =	vpop (xrf0)  }
0x345: {  	v15 =	vsel vm2, v57, v15;
	v16 =	vsel vm3, v57, v16;
	vm2 =	veq.s32 v11, v58  }
0x346: {  	v15 =	vmax.f32 v15, v16;
	v14 =	vsel vm2, v57, v14;
	vm2 =	veq.s32 v11, v59  }
0x347: {  	v14 =	vmax.f32 v15, v14;
	v12 =	vsel vm2, v57, v12;
	vm2 =	veq.s32 v11, v60  }
0x348: {  	v12 =	vmax.f32 v14, v12;
	v13 =	vsel vm2, v57, v13  }
0x349: {  	v12 =	vmax.f32 v12, v13  }
0x34a: {  	(xrf0) =	vmax.scan.msk.f32 $0xffff, v12;
	_ =	sdelay $0x5  }
0x34b: {  	v12, _, _ =	vpop (xrf0)  }
0x34c: {  	s9 =	spop (v2sf);
	(v2sf) =	vpush v12, $0xF;
	_ =	sdelay $0x3  }
0x34d: {  	p1 =	sgt.f32 s9, $5.000000000e-01;
	_ =	sdelay $0x1  }
0x34e: {  	p1 =	por !p1, !p1;
	vm2 =	vmmov vm1  }
0x34f: {  	vm3 =	vmmov $0x1;
	vm2 =	vmneg @p1 vm2  }
0x350: {  	v61 =	vmov s7;
	vm2 =	vmand vm2, vm3  }
0x351: {  	v62 =	vor.u32 $0x80, v61;
	_ =	sdelay $0x2  }
0x352: {  	v63 =	vmov s8;
	s8 =	simm.s32 $0x1  }
0x353: {  	s8 =	simm.s32 @!p1 $0x0  }
0x354: {  	s7 =	sadd.s32 s8, s7;
	[tilespmem:v62+s25+$0x0] =	vst.idx.msk vm2, v18  }
0x355: {  	p1 =	sgt.u32 s7, $0x63;
	[tilespmem:v62+s26+$0x0] =	vst.idx.msk vm2, v63;
	s8 =	spop (v2sf)  }
0x356: {  	[tilespmem:v61+s16+$0x0] =	vst.idx.msk vm2, v23;
	p2 =	sgt.f32 @!p1 s8, $-Inf  }
0x357: {  	[tilespmem:v61+s17+$0x0] =	vst.idx.msk vm2, v22  }
0x358: {  	[tilespmem:v61+s0+$0x0] =	vst.idx.msk vm2, v21;
	p2 =	por p1, !p2  }
.Ltmp13:
0x359: {  	[tilespmem:v61+s4+$0x0] =	vst.idx.msk vm2, v20;
	(pc) =	sbr.rel @!p2 .LBB2_18-.Ltmp13, $4  }
0x35a: {  	[tilespmem:v61+s5+$0x0] =	vst.idx.msk vm2, v19  }
0x35b: {  	[tilespmem:v18+s23+$0x0] =	vst.idx.msk $0x1, v0  }
0x35c: {  	[tilespmem:v17+s13+$0x0] =	vst.idx.msk $0x1, v28  }
0x35d: {  	[tilespmem:v11+s24+$0x0] =	vst.idx.msk $0x1, v57  }
.Ltmp14:
0x35e: {  	(pc) =	sbr.rel @p1 .LBB2_23-.Ltmp14, $1  }
0x35f: {  	_ =	sdelay $0x3  }
.LBB2_20:
0x360: {  	v11 =	vmov s7;
	p1 =	sne.s32 s7, $0x63  }
.Ltmp15:
0x361: {  	v11 =	vand.u32 $0x7F, v11;
	(pc) =	sbr.rel @!p1 .LBB2_22-.Ltmp15, $3  }
0x362: {  	v11 =	vor.u32 $0x80, v11  }
0x363: {  	v11 =	vbroadcast v11, $0x0;
	_ =	sdelay $0x1  }
0x364: {  	s7 =	sadd.s32 $0x1, s7;
	v12 =	vmov v11  }
.LBB2_21:
0x365: {  	v13 =	vmov s7;
	p1 =	sne.s32 s7, $0x63  }
.Ltmp16:
0x366: {  	s7 =	sadd.s32 $0x1, s7;
	v13 =	vand.u32 $0x7F, v13;
	(pc) =	sbr.rel @p1 .LBB2_21-.Ltmp16, $4  }
0x367: {  	v13 =	vor.u32 $0x80, v13  }
0x368: {  	[tilespmem:v11+s25+$0x0] =	vst.idx.msk $0x1, v7;
	v11 =	vbroadcast v13, $0x0  }
0x369: {  	[tilespmem:v12+s26+$0x0] =	vst.idx.msk $0x1, v0  }
0x36a: {  	v12 =	vmov v11  }
.LBB2_22:
0x36b: {  	_ =	sdelay $0x3  }
0x36c: {  	[tilespmem:v11+s25+$0x0] =	vst.idx.msk $0x1, v7  }
0x36d: {  	[tilespmem:v12+s26+$0x0] =	vst.idx.msk $0x1, v0  }
.LBB2_23:
0x36e: {  	s7 =	rddreg [dreg:$0xd]  }
0x36f: {  	[spmem:s7] =	stream.linear.scatter [tilespmem:s26], [sflag:$0x2], $0x100, $0x38;
	[tilespmem:$0x1F490] =	vst v63  }
0x370: {  	_ =	swait.ge [sflag:s21], $0x100  }
0x371: {  	[sflag:s21] =	ssyncset.done $0x0  }
0x372: {  	s11 =	rddreg [dreg:$0xe];
	[sflag:s21] =	ssyncadd.s32 $0xFFFFFF00  }
0x373: {  	[spmem:s11] =	stream.linear.scatter [tilespmem:s25], [sflag:$0x2], $0x100, $0x38;
	[tilespmem:$0x1F490] =	vst v63  }
.Ltmp17:
0x374: {  	_ =	swait.ge [sflag:s21], $0x100;
	(pc) =	sbr.rel @p0 .LBB2_29-.Ltmp17, $3  }
0x375: {  	[sflag:s21] =	ssyncset.done $0x0  }
0x376: {  	[sflag:s21] =	ssyncadd.s32 $0xFFFFFF00  }
0x377: {  	[bflag:$0x0] =	sbarrier.arrive $0xFFFF;
	_ =	sdelay $0x1  }
0x378: {  	s7 =	rddreg [dreg:$0xf]  }
0x379: {  	[tilespmem:s28], [sflag:$0x2] =	stream.linear.gather [spmem:s7], $0x400, $0x38;
	[tilespmem:$0x1F490] =	vst v63  }
0x37a: {  	_ =	swait.ge [sflag:s21], $0x400  }
0x37b: {  	[sflag:s21] =	ssyncset.done $0x0  }
0x37c: {  	s9 =	rddreg [dreg:$0x10];
	[sflag:s21] =	ssyncadd.s32 $0xFFFFFC00  }
0x37d: {  	[tilespmem:s29], [sflag:$0x2] =	stream.linear.gather [spmem:s9], $0x400, $0x38;
	[tilespmem:$0x1F490] =	vst v63  }
0x37e: {  	_ =	swait.ge [sflag:s21], $0x400  }
0x37f: {  	[sflag:s21] =	ssyncset.done $0x0  }
0x380: {  	v11 =	vimm.s32 $0x0;
	[sflag:s21] =	ssyncadd.s32 $0xFFFFFC00  }
0x381: {  	[tilespmem:$0x1E690] =	vst v11  }
0x382: {  	[tilespmem:$0x1E710] =	vst v11  }
0x383: {  	[tilespmem:$0x1E6A0] =	vst v11  }
0x384: {  	[tilespmem:$0x1E720] =	vst v11  }
0x385: {  	[tilespmem:$0x1E6B0] =	vst v11  }
0x386: {  	[tilespmem:$0x1E730] =	vst v11  }
0x387: {  	[tilespmem:$0x1E6C0] =	vst v11  }
0x388: {  	[tilespmem:$0x1E740] =	vst v11  }
0x389: {  	[tilespmem:$0x1E6D0] =	vst v11  }
0x38a: {  	vm2 =	vlt.s32 v11, $0x7F;
	[tilespmem:$0x1E750] =	vst v11  }
0x38b: {  	v12 =	vnsel vm2, $0x7F, v11;
	[tilespmem:$0x1E6E0] =	vst v11  }
0x38c: {  	v12 =	vadd.s32 v8, v12;
	[tilespmem:$0x1E760] =	vst v11  }
0x38d: {  	[tilespmem:$0x1E6F0] =	vst v11  }
0x38e: {  	[tilespmem:$0x1E770] =	vst v11  }
0x38f: {  	[tilespmem:$0x1E700] =	vst v11  }
0x390: {  	[tilespmem:$0x1E780] =	vst v11  }
0x391: {  	v12 =	vld.idx.msk [tilespmem:v12+s28+$0x0], $0xffff;
	_ =	sdelay $0x2  }
0x392: {  	vm2 =	vlt.s32 v11, $0x64  }
0x393: {  	vm2 =	vmand vm2, vm0  }
0x394: {  	v12 =	vnsel vm2, $0xFF800000, v12  }
0x395: {  	(xrf0) =	vmax.scan.msk.f32 $0xffff, v12;
	_ =	sdelay $0x5  }
0x396: {  	v13, _, _ =	vpop (xrf0)  }
0x397: {  	v14 =	vbroadcast v13, $0xF;
	_ =	sdelay $0x1  }
0x398: {  	vm2 =	veq.f32 v12, v14  }
0x399: {  	v12 =	vmctz.xlane vm2;
	_ =	sdelay $0x1  }
0x39a: {  	v14 =	vxor.u32 $0x80000000, v11;
	vm2 =	veq.s32 v12, v3  }
0x39b: {  	v14 =	vnsel vm2, $0xC0000000, v14  }
0x39c: {  	(xrf0) =	vmin.scan.msk.u32 $0xffff, v14;
	_ =	sdelay $0x5  }
0x39d: {  	(v2sf) =	vpush v13, $0xF;
	v13, _, _ =	vpop (xrf0)  }
0x39e: {  	(v2sf) =	vpush v13, $0xF;
	_ =	sdelay $0xd  }
0x39f: {  	s7 =	spop (v2sf)  }
0x3a0: {  	s8 =	spop (v2sf)  }
0x3a1: {  	s8 =	sxor.u32 $0x80000000, s8  }
0x3a2: {  	v13 =	vmov s8  }
0x3a3: {  	v12 =	vshll.u32 v12, $0x7;
	v14 =	vand.u32 $0xFFFFFFF8, v13  }
0x3a4: {  	v13 =	vand.u32 $0x7, v13;
	v12 =	vadd.s32 v12, v14  }
0x3a5: {  	v12 =	vor.u32 v13, v12;
	_ =	sdelay $0x4  }
0x3a6: {  	v12 =	vld.idx.msk [tilespmem:v12+s29+$0x0], $0xffff;
	_ =	sdelay $0x2  }
0x3a7: {  	v13 =	vnsel vm2, $0xC0000000, v9  }
0x3a8: {  	(xrf0) =	vmin.scan.msk.u32 $0xffff, v13  }
0x3a9: {  	v12 =	vxor.u32 $0x80000000, v12  }
0x3aa: {  	(xrf0) =	vmax.scan.msk.u32 $0xffff, v12;
	_ =	sdelay $0x3  }
0x3ab: {  	v12, _, _ =	vpop (xrf0)  }
0x3ac: {  	(v2sf) =	vpush v12, $0xF  }
0x3ad: {  	v12, _, _ =	vpop (xrf0)  }
0x3ae: {  	(v2sf) =	vpush v12, $0xF;
	_ =	sdelay $0x8  }
0x3af: {  	p1 =	sgt.f32 s7, $-Inf  }
0x3b0: {  	s10 =	simm.s32 $0x0;
	vm3 =	vmmov vm1  }
0x3b1: {  	vm3 =	vmneg @p1 vm3;
	v12 =	vmov s10  }
0x3b2: {  	vm2 =	vmand vm2, vm3  }
0x3b3: {  	v13 =	vsel vm2, $0x1, v10;
	s11 =	spop (v2sf)  }
0x3b4: {  	s7 =	simm.s32 @!p1 $0xBF800000;
	v11 =	vadd.s32 v13, v11;
	s8 =	sxor.u32 $0x80000000, s11  }
0x3b5: {  	v13 =	vmov s7;
	vm2 =	vlt.s32 v11, $0x7F;
	s8 =	simm.s32 @!p1 $0xFFFFFFFF;
	s9 =	spop (v2sf)  }
0x3b6: {  	v14 =	vnsel vm2, $0x7F, v11;
	[tilespmem:v12+s30+$0x0] =	vst.idx.msk $0x1, v13;
	v13 =	vmov s8;
	s9 =	sxor.u32 $0x80000000, s9  }
0x3b7: {  	[tilespmem:v12+s31+$0x0] =	vst.idx.msk $0x1, v13;
	v13 =	vadd.s32 v8, v14;
	s9 =	simm.s32 @!p1 $0x0  }
0x3b8: {  	s10 =	simm.s32 $0x1;
	s18 =	sadd.s32 s14, s9  }
0x3b9: {  	s10 =	simm.s32 @!p1 $0x0;
	v15 =	vmov s18  }
0x3ba: {  	s7 =	simm.s32 $0x1;
	vm2 =	vlt.s32 v11, $0x64;
	s8 =	simm.s32 $0x2;
	v14 =	vmov s10;
	[tilespmem:v12+s1+$0x0] =	vst.idx.msk $0x1, v15  }
.LBB2_25:
0x3bb: {  	p1 =	sne.s32 s8, $0x63;
	[tilespmem:v12+s3+$0x0] =	vst.idx.msk $0x1, v14;
	s9 =	smov.u32 s8;
	s8 =	sadd.s32 $0x1, s8  }
0x3bc: {  	v12 =	vld.idx.msk [tilespmem:v13+s28+$0x0], $0xffff;
	_ =	sdelay $0x4  }
0x3bd: {  	vm2 =	vmand vm2, vm0  }
0x3be: {  	v12 =	vnsel vm2, $0xFF800000, v12  }
0x3bf: {  	(xrf0) =	vmax.scan.msk.f32 $0xffff, v12;
	_ =	sdelay $0x5  }
0x3c0: {  	v13, _, _ =	vpop (xrf0)  }
0x3c1: {  	v14 =	vbroadcast v13, $0xF;
	(v2sf) =	vpush v13, $0xF;
	_ =	sdelay $0x1  }
0x3c2: {  	vm2 =	veq.f32 v12, v14  }
0x3c3: {  	v12 =	vmctz.xlane vm2;
	_ =	sdelay $0x1  }
0x3c4: {  	v13 =	vxor.u32 $0x80000000, v11;
	vm2 =	veq.s32 v12, v3  }
0x3c5: {  	v13 =	vnsel vm2, $0xC0000000, v13;
	v14 =	vnsel vm2, $0xC0000000, v9  }
0x3c6: {  	(xrf0) =	vmin.scan.msk.u32 $0xffff, v13  }
0x3c7: {  	(xrf0) =	vmin.scan.msk.u32 $0xffff, v14;
	_ =	sdelay $0x4  }
0x3c8: {  	v13, _, _ =	vpop (xrf0)  }
0x3c9: {  	(v2sf) =	vpush v13, $0xF;
	v13, _, _ =	vpop (xrf0)  }
0x3ca: {  	s10 =	spop (v2sf);
	(v2sf) =	vpush v13, $0xF;
	_ =	sdelay $0xd  }
0x3cb: {  	s11 =	spop (v2sf)  }
0x3cc: {  	p2 =	sgt.f32 s10, $-Inf;
	s11 =	sxor.u32 $0x80000000, s11;
	s18 =	spop (v2sf)  }
0x3cd: {  	vm3 =	vmmov vm1;
	v13 =	vmov s11;
	s11 =	sxor.u32 $0x80000000, s18  }
0x3ce: {  	v12 =	vshll.u32 v12, $0x7;
	s10 =	simm.s32 @!p2 $0xBF800000;
	vm3 =	vmneg @p2 vm3;
	s18 =	simm.s32 $0x1;
	v14 =	vand.u32 $0xFFFFFFF8, v13;
	s11 =	simm.s32 @!p2 $0xFFFFFFFF  }
0x3cf: {  	vm2 =	vmand vm2, vm3;
	v13 =	vand.u32 $0x7, v13;
	s18 =	simm.s32 @!p2 $0x0;
	v12 =	vadd.s32 v12, v14  }
0x3d0: {  	v12 =	vor.u32 v13, v12;
	v13 =	vsel vm2, $0x1, v10  }
0x3d1: {  	v11 =	vadd.s32 v13, v11  }
0x3d2: {  	vm2 =	vlt.s32 v11, $0x64;
	_ =	sdelay $0x2  }
0x3d3: {  	v12 =	vld.idx.msk [tilespmem:v12+s29+$0x0], $0xffff;
	_ =	sdelay $0x5  }
0x3d4: {  	v12 =	vxor.u32 $0x80000000, v12  }
0x3d5: {  	(xrf0) =	vmax.scan.msk.u32 $0xffff, v12;
	_ =	sdelay $0x5  }
0x3d6: {  	v12, _, _ =	vpop (xrf0)  }
0x3d7: {  	(v2sf) =	vpush v12, $0xF;
	_ =	sdelay $0xc  }
0x3d8: {  	v12 =	vmov s7;
	s7 =	smov.u32 s9;
	_ =	sdelay $0x1  }
0x3d9: {  	vm3 =	vlt.s32 v11, $0x7F;
	s9 =	spop (v2sf)  }
.Ltmp18:
0x3da: {  	v13 =	vnsel vm3, $0x7F, v11;
	s9 =	sxor.u32 $0x80000000, s9;
	(pc) =	sbr.rel @p1 .LBB2_25-.Ltmp18, $4  }
0x3db: {  	v14 =	vmov s10;
	v13 =	vadd.s32 v8, v13;
	s9 =	simm.s32 @!p2 $0x0  }
0x3dc: {  	[tilespmem:v12+s30+$0x0] =	vst.idx.msk $0x1, v14;
	v14 =	vmov s11;
	s9 =	sadd.s32 s14, s9  }
0x3dd: {  	[tilespmem:v12+s31+$0x0] =	vst.idx.msk $0x1, v14;
	v14 =	vmov s9  }
0x3de: {  	[tilespmem:v12+s1+$0x0] =	vst.idx.msk $0x1, v14;
	v14 =	vmov s18  }
0x3df: {  	_ =	sdelay $0x3  }
0x3e0: {  	[tilespmem:v12+s3+$0x0] =	vst.idx.msk $0x1, v14  }
0x3e1: {  	v12 =	vld.idx.msk [tilespmem:v13+s28+$0x0], $0xffff;
	_ =	sdelay $0x3  }
0x3e2: {  	vm2 =	vmand vm2, vm0  }
0x3e3: {  	v12 =	vnsel vm2, $0xFF800000, v12  }
0x3e4: {  	(xrf0) =	vmax.scan.msk.f32 $0xffff, v12;
	_ =	sdelay $0x5  }
0x3e5: {  	v13, _, _ =	vpop (xrf0)  }
0x3e6: {  	v14 =	vbroadcast v13, $0xF;
	_ =	sdelay $0x1  }
0x3e7: {  	vm2 =	veq.f32 v12, v14  }
0x3e8: {  	v12 =	vmctz.xlane vm2;
	_ =	sdelay $0x1  }
0x3e9: {  	v11 =	vxor.u32 $0x80000000, v11;
	vm2 =	veq.s32 v12, v3  }
0x3ea: {  	v11 =	vnsel vm2, $0xC0000000, v11  }
0x3eb: {  	(xrf0) =	vmin.scan.msk.u32 $0xffff, v11;
	_ =	sdelay $0x5  }
0x3ec: {  	(v2sf) =	vpush v13, $0xF;
	v11, _, _ =	vpop (xrf0)  }
0x3ed: {  	(v2sf) =	vpush v11, $0xF;
	_ =	sdelay $0xd  }
0x3ee: {  	s8 =	spop (v2sf)  }
0x3ef: {  	s9 =	spop (v2sf)  }
0x3f0: {  	s9 =	sxor.u32 $0x80000000, s9  }
0x3f1: {  	v11 =	vmov s9  }
0x3f2: {  	v12 =	vshll.u32 v12, $0x7;
	v13 =	vand.u32 $0xFFFFFFF8, v11  }
0x3f3: {  	v11 =	vand.u32 $0x7, v11;
	v12 =	vadd.s32 v12, v13  }
0x3f4: {  	v11 =	vor.u32 v11, v12;
	_ =	sdelay $0x4  }
0x3f5: {  	v11 =	vld.idx.msk [tilespmem:v11+s29+$0x0], $0xffff;
	_ =	sdelay $0x3  }
0x3f6: {  	v12 =	vnsel vm2, $0xC0000000, v9  }
0x3f7: {  	(xrf0) =	vmin.scan.msk.u32 $0xffff, v12;
	v11 =	vxor.u32 $0x80000000, v11  }
0x3f8: {  	(xrf0) =	vmax.scan.msk.u32 $0xffff, v11;
	_ =	sdelay $0x4  }
0x3f9: {  	v11, _, _ =	vpop (xrf0)  }
0x3fa: {  	(v2sf) =	vpush v11, $0xF;
	v11, _, _ =	vpop (xrf0)  }
0x3fb: {  	(v2sf) =	vpush v11, $0xF;
	_ =	sdelay $0xc  }
0x3fc: {  	v11 =	vmov s7  }
0x3fd: {  	p1 =	sgt.f32 s8, $-Inf;
	s9 =	spop (v2sf)  }
0x3fe: {  	s11 =	simm.s32 $0x0;
	s10 =	spop (v2sf)  }
0x3ff: {  	s8 =	simm.s32 @!p1 $0xBF800000;
	s7 =	sxor.u32 $0x80000000, s9;
	s9 =	sxor.u32 $0x80000000, s10  }
0x400: {  	v13 =	vmov s11;
	v12 =	vmov s8;
	s7 =	simm.s32 @!p1 $0xFFFFFFFF;
	s9 =	simm.s32 @!p1 $0x0  }
0x401: {  	v13 =	vshra.s32 v13, $0x4;
	[tilespmem:v11+s30+$0x0] =	vst.idx.msk $0x1, v12;
	v12 =	vmov s7;
	s10 =	simm.s32 $0x1;
	s18 =	sadd.s32 s14, s9  }
0x402: {  	v13 =	vbroadcast v13, $0x0;
	[tilespmem:v11+s31+$0x0] =	vst.idx.msk $0x1, v12;
	s10 =	simm.s32 @!p1 $0x0;
	v12 =	vmov s18  }
0x403: {  	[tilespmem:v11+s1+$0x0] =	vst.idx.msk $0x1, v12;
	v12 =	vmov s10  }
0x404: {  	s11 =	simm.s32 $0x1;
	s9 =	rddreg [dreg:$0x6];
	s10 =	simm.s32 $0x80;
	[tilespmem:v11+s3+$0x0] =	vst.idx.msk $0x1, v12;
	v11 =	vshll.u32 v13, $0x4  }
0x405: {  	[tilespmem:s12], [sflag:$0x1] =	stream.indirect.gather [hbm4b:s9+s10], $0x10, s1, s10, $0xb8;
	v12 =	vor.u32 v3, v11;
	[tilespmem:$0x1F490] =	vst v63  }
0x406: {  	_ =	swait.ge [sflag:s11], $0x800  }
0x407: {  	[sflag:s11] =	ssyncset.done $0x0  }
0x408: {  	s18 =	simm.s32 $0x10;
	[sflag:s11] =	ssyncadd.s32 $0xFFFFF800  }
0x409: {  	s7 =	simm.s32 $0x20;
	v14 =	vmov s18;
	v11 =	vmov v12;
	v13 =	vld.idx.msk [tilespmem:v13+s3+$0x0], $0xffff  }
.LBB2_27:
0x40a: {  	p1 =	sne.s32 s7, $0x7F0;
	v14 =	vshra.s32 v14, $0x4;
	v15 =	vld.idx.msk [tilespmem:v12+s12+$0x0], $0xffff  }
0x40b: {  	v16 =	vbroadcast v14, $0x0;
	_ =	sdelay $0x1  }
0x40c: {  	v12 =	vshll.u32 v16, $0x4  }
.Ltmp19:
0x40d: {  	v12 =	vor.u32 v3, v12;
	(pc) =	sbr.rel @p1 .LBB2_27-.Ltmp19, $4  }
0x40e: {  	vm2 =	vgt.s32 v13, $0x0  }
0x40f: {  	v13 =	vnsel vm2, $0xBF800000, v15  }
0x410: {  	[tilespmem:v11+s12+$0x0] =	vst.idx.msk $0xffff, v13;
	v11 =	vmov v12  }
0x411: {  	v14 =	vmov s7;
	s7 =	sadd.s32 $0x10, s7;
	v13 =	vld.idx.msk [tilespmem:v16+s3+$0x0], $0xffff  }
.Ltmp20:
0x412: {  	_ = 	snop;
	(pc) =	sbr.rel .LBB2_28-.Ltmp20, $1  }
0x413: {  	_ =	sdelay $0x3  }
.LBB2_30:
0x414: {  	_ =	sfence.sel $0x180000  }
0x415: {  	[bflag:$0x0] =	sbarrier.arrive $0xFFFF  }
0x416: {  	_ =	strace $0x90000047  }
0x417: {  	s0 =	stileid.u32;
	[bflag:$0x2] =	sbarrier.arrive $0xFFFF  }
0x418: {  	p0 =	sne.s32 s0, $0x0;
	s0 =	rddreg [dreg:$0x5]  }
0x419: {  	s0 =	sadd.s32 @!p0 $0x100000, s0  }
0x41a: {  	[sflag:s0] =	ssyncadd.tile.s32 @!p0 $0x1;
	_ =	shalt  }
.Lfunc_end2:
_tile_overlayer_lowered:
.L_overlay_start_2:
0x41b: {  	(tag) =	ssettag $0x2  }
0x41c: {  	s0 =	rddreg [dreg:$0x0];
	s2 =	stileid.u32  }
0x41d: {  	s1 =	rddreg [dreg:$0x1];
	p0 =	sne.s32 s2, $0x0  }
0x41e: {  	s3 =	rddreg [dreg:$0x2];
	[bflag:$0x3] =	sbarrier.arrive $0xFFFF;
	s2 =	simm.s32 @!p0 $0x1C02  }
0x41f: {  	[timem:s3], [sflag:s2] =	dma.local @!p0 [hbm:s0], s1  }
0x420: {  	s0 =	simm.s32 @!p0 $0x2  }
0x421: {  	_ =	swait.ge @!p0 [sflag:s0], s1  }
0x422: {  	s1 =	ssub.s32 @!p0 $0x0, s1;
	[sflag:s0] =	ssyncset.done @!p0 $0x0  }
0x423: {  	[sflag:s0] =	ssyncadd.s32 @!p0 s1  }
0x424: {  	[bflag:$0x3] =	sbarrier.arrive $0xFFFF  }
0x425: {  	_ =	shalt  }

</sc_bundles>
